<compile_context>
chip_gen: v7x
topology: tpu7x:2x2x1
jax: 0.10.2.dev20260603
libtpu: 0.0.44.dev20260713+nightly
codegen_flags: <defaults>
</compile_context>

<pallas_src>
import functools

import jax
import jax.numpy as jnp
from jax import lax
from jax.experimental import pallas as pl
from jax.experimental.pallas import tpu as pltpu
from jax.experimental.pallas import tpu_sc as plsc

N = 100000
NP = 100352
NPR = NP // 128
RW = NP // 32
RPT = RW // 16
E = 6400000
G = 1000
GP = 1024
NC, NS = 2, 16
NW = NC * NS
EPT = E // NW
TSL = NP // NW
CH_A = 10000
CH_C = 2000
LANES = 16

_mesh = plsc.VectorSubcoreMesh(core_axis_name="c", subcore_axis_name="s")
_sc_params = pltpu.CompilerParams(
    needs_layout_passes=False, use_tc_tiling_on_sc=False)


def _zero_ref1d(ref, n):
    z = jnp.zeros((LANES,), jnp.float32)

    def body(i, _):
        ref[pl.ds(i * LANES, LANES)] = z
        return 0

    lax.fori_loop(0, n // LANES, body, 0)


def _reduce_into_spmem(local2d, sh_acc, idx_tbl, sid):
    plsc.subcore_barrier()
    for rr in range(NS):
        r = sid + rr
        r = jnp.where(r >= NS, r - NS, r)
        pltpu.sync_copy(
            local2d.at[pl.ds(r * RPT, RPT)],
            sh_acc.at[idx_tbl.at[r]],
            add=True,
        )
    plsc.subcore_barrier()


@functools.partial(
    pl.kernel,
    out_type=jax.ShapeDtypeStruct((NC, RW, 32), jnp.float32),
    mesh=_mesh,
    compiler_params=_sc_params,
    scratch_types=[
        pltpu.VMEM((RW, 32), jnp.float32),
        pltpu.VMEM((CH_A,), jnp.int32),
        pltpu.VMEM((CH_A,), jnp.int32),
        pltpu.VMEM((NS, RPT), jnp.int32),
        pltpu.VMEM_SHARED((RW, 32), jnp.float32),
        pltpu.SemaphoreType.DMA,
        pltpu.SemaphoreType.DMA,
    ],
)
def _deg_kernel(dst_hbm, zeros_hbm, iota_hbm, out_hbm,
                hist, db0, db1, idx_tbl, sh_acc, s0, s1):
    cid = lax.axis_index("c")
    sid = lax.axis_index("s")
    base = (cid * NS + sid) * EPT
    ones = jnp.full((LANES,), 1.0, jnp.float32)
    five = jnp.full((LANES,), 5, jnp.int32)
    m31 = jnp.full((LANES,), 31, jnp.int32)
    nch = EPT // CH_A

    pltpu.sync_copy(zeros_hbm, hist)
    pltpu.sync_copy(iota_hbm, idx_tbl)
    pltpu.sync_copy(zeros_hbm.at[pl.ds(sid * RPT, RPT)],
                    sh_acc.at[pl.ds(sid * RPT, RPT)])

    bufs = (db0, db1)
    sems = (s0, s1)
    for b in range(2):
        pltpu.make_async_copy(
            dst_hbm.at[pl.ds(base + b * CH_A, CH_A)], bufs[b], sems[b]
        ).start()

    def outer(k2, _):
        for b in range(2):
            k = k2 * 2 + b
            pltpu.make_async_copy(
                dst_hbm.at[pl.ds(base + k * CH_A, CH_A)], bufs[b], sems[b]
            ).wait()

            def inner(i, _):
                idx = bufs[b][pl.ds(i * LANES, LANES)]
                plsc.addupdate_scatter(
                    hist,
                    [lax.shift_right_logical(idx, five), idx & m31],
                    ones,
                )
                return 0

            lax.fori_loop(0, CH_A // LANES, inner, 0, unroll=10)

            @pl.when(k + 2 < nch)
            def _():
                pltpu.make_async_copy(
                    dst_hbm.at[pl.ds(base + (k + 2) * CH_A, CH_A)],
                    bufs[b],
                    sems[b],
                ).start()

        return 0

    lax.fori_loop(0, nch // 2, outer, 0)
    _reduce_into_spmem(hist, sh_acc, idx_tbl, sid)
    pltpu.sync_copy(sh_acc.at[pl.ds(sid * RPT, RPT)],
                    out_hbm.at[cid, pl.ds(sid * RPT, RPT)])


@functools.partial(
    pl.kernel,
    out_type=jax.ShapeDtypeStruct((NW, 64, 32), jnp.float32),
    mesh=_mesh,
    compiler_params=_sc_params,
    scratch_types=[
        pltpu.VMEM((RW, 32), jnp.float32),
        pltpu.VMEM((CH_C,), jnp.int32),
        pltpu.VMEM((CH_C,), jnp.int32),
        pltpu.VMEM((CH_C,), jnp.int32),
        pltpu.VMEM((CH_C,), jnp.int32),
        pltpu.VMEM((CH_C,), jnp.float32),
        pltpu.VMEM((CH_C,), jnp.float32),
        pltpu.VMEM((NS, RPT), jnp.int32),
        pltpu.VMEM_SHARED((NP,), jnp.float32),
        pltpu.VMEM_SHARED((RW, 32), jnp.float32),
        pltpu.SemaphoreType.DMA,
        pltpu.SemaphoreType.DMA,
        pltpu.SemaphoreType.DMA,
        pltpu.SemaphoreType.DMA,
        pltpu.SemaphoreType.DMA,
        pltpu.SemaphoreType.DMA,
    ],
)
def _msg_kernel(src_hbm, dst_hbm, m_hbm, dinv_hbm, q_hbm, batchf_hbm,
                zeros_hbm, iota_hbm, out_hbm,
                accA, sb0, sb1, db0, db1, vb0, vb1, idx_tbl,
                sh_m, sh_acc, ss0, ss1, sd0, sd1, sv0, sv1):
    cid = lax.axis_index("c")
    sid = lax.axis_index("s")
    base = (cid * NS + sid) * EPT
    five = jnp.full((LANES,), 5, jnp.int32)
    m31 = jnp.full((LANES,), 31, jnp.int32)
    nch = EPT // CH_C

    pltpu.sync_copy(m_hbm.at[pl.ds(sid * (NP // NS), NP // NS)],
                    sh_m.at[pl.ds(sid * (NP // NS), NP // NS)])
    pltpu.sync_copy(zeros_hbm, accA)
    pltpu.sync_copy(iota_hbm, idx_tbl)
    pltpu.sync_copy(zeros_hbm.at[pl.ds(sid * RPT, RPT)],
                    sh_acc.at[pl.ds(sid * RPT, RPT)])
    plsc.subcore_barrier()

    sbufs = (sb0, sb1)
    dbufs = (db0, db1)
    vbufs = (vb0, vb1)
    ssems = (ss0, ss1)
    dsems = (sd0, sd1)
    vsems = (sv0, sv1)

    def src_cp(k, b):
        return pltpu.make_async_copy(
            src_hbm.at[pl.ds(base + k * CH_C, CH_C)], sbufs[b], ssems[b])

    def dst_cp(k, b):
        return pltpu.make_async_copy(
            dst_hbm.at[pl.ds(base + k * CH_C, CH_C)], dbufs[b], dsems[b])

    def gather_cp(b):
        return pltpu.make_async_copy(sh_m.at[sbufs[b]], vbufs[b], vsems[b])

    src_cp(0, 0).start()
    dst_cp(0, 0).start()
    dst_cp(1, 1).start()
    src_cp(0, 0).wait()
    gather_cp(0).start()
    src_cp(1, 1).start()

    def outer(k2, _):
        for b in range(2):
            k = k2 * 2 + b
            ob = 1 - b
            gather_cp(b).wait()

            @pl.when(k + 1 < nch)
            def _():
                src_cp(k + 1, ob).wait()
                gather_cp(ob).start()

            @pl.when(k + 2 < nch)
            def _():
                src_cp(k + 2, b).start()

            dst_cp(k, b).wait()

            def inner(i, _):
                sl = pl.ds(i * LANES, LANES)
                d = dbufs[b][sl]
                v = vbufs[b][sl]
                plsc.addupdate_scatter(
                    accA,
                    [lax.shift_right_logical(d, five), d & m31],
                    v,
                )
                return 0

            lax.fori_loop(0, CH_C // LANES, inner, 0, unroll=10)

            @pl.when(k + 2 < nch)
            def _():
                dst_cp(k + 2, b).start()

        return 0

    lax.fori_loop(0, nch // 2, outer, 0)
    _reduce_into_spmem(accA, sh_acc, idx_tbl, sid)

    z16 = jnp.zeros((LANES,), jnp.float32)
    for r in range(64):
        accA[r, pl.ds(0, LANES)] = z16
        accA[r, pl.ds(LANES, LANES)] = z16
    off = sid * RPT
    pltpu.sync_copy(sh_acc.at[pl.ds(off, RPT)], accA.at[pl.ds(64, RPT)])
    pltpu.sync_copy(dinv_hbm.at[pl.ds(off, RPT)], accA.at[pl.ds(260, RPT)])
    pltpu.sync_copy(q_hbm.at[pl.ds(off, RPT)], accA.at[pl.ds(456, RPT)])
    pltpu.sync_copy(batchf_hbm.at[pl.ds(off, RPT)], accA.at[pl.ds(652, RPT)])
    half = jnp.full((LANES,), 0.5, jnp.float32)
    gofs = jnp.full((LANES,), GP, jnp.int32)

    def bin_body(r, _):
        for h in (0, LANES):
            sl = pl.ds(h, LANES)
            a = accA[64 + r, sl]
            dv = accA[260 + r, sl]
            q = accA[456 + r, sl]
            bi = plsc.bitcast(accA[652 + r, sl], jnp.int32)
            val = dv * a + q
            plsc.addupdate_scatter(
                accA, [lax.shift_right_logical(bi, five), bi & m31], val)
            bc = bi + gofs
            plsc.addupdate_scatter(
                accA, [lax.shift_right_logical(bc, five), bc & m31], half)
        return 0

    lax.fori_loop(0, RPT, bin_body, 0)
    wid = cid * NS + sid
    pltpu.sync_copy(accA.at[pl.ds(0, 64)], out_hbm.at[wid])


def _node_body(xc_ref, dg_ref, wlf_ref, blf_ref, wg_ref, bg_ref,
               m_ref, dinv_ref, q_ref):
    c = [wg_ref[1 + i, 0] for i in range(4)]
    bg = bg_ref[0]
    wg0 = wg_ref[0, 0]
    xs = [xc_ref[d] for d in range(5)]
    h = bg + wg0 * xs[0]
    for j in range(4):
        gj = sum(c[i] * blf_ref[4 * i + j] for i in range(4))
        acc = c[j] + gj
        t = acc * xs[1 + j]
        for d in range(5):
            adj = sum(c[i] * wlf_ref[d, 4 * i + j] for i in range(4))
            t = t + (adj * xs[d]) * xs[1 + j]
        h = h + t
    deg = dg_ref[0] + dg_ref[1] + 1.0
    dinv = lax.rsqrt(deg)
    m = h * dinv
    m_ref[...] = m
    dinv_ref[...] = dinv
    q_ref[...] = 0.5 * m * dinv


def _combine_body(num_ref, cnt_ref, out_ref):
    num = jnp.sum(num_ref[...], axis=0, keepdims=True)
    cnt = jnp.sum(cnt_ref[...], axis=0, keepdims=True)
    out_ref[...] = num / cnt


def kernel(x, edge_index, batch, W_lf, b_lf, W_gcn, b_gcn):
    src = edge_index[0]
    dst = edge_index[1]
    xp = jnp.pad(x, ((0, NP - N), (0, 0)))
    xcols = xp.T.reshape(5, NPR, 128)
    batchp = jnp.pad(batch, (0, NP - N), constant_values=G)
    batchf = lax.bitcast_convert_type(batchp, jnp.float32).reshape(RW, 32)
    zeros2d = jnp.zeros((RW, 32), jnp.float32)
    iota_tbl = jnp.arange(RW, dtype=jnp.int32).reshape(NS, RPT)

    deg2 = _deg_kernel(dst, zeros2d, iota_tbl)

    m2d, dinv2d, q2d = pl.pallas_call(
        _node_body,
        grid=(NPR // 8,),
        in_specs=[
            pl.BlockSpec((5, 8, 128), lambda i: (0, i, 0)),
            pl.BlockSpec((2, 8, 128), lambda i: (0, i, 0)),
            pl.BlockSpec(memory_space=pltpu.SMEM),
            pl.BlockSpec(memory_space=pltpu.SMEM),
            pl.BlockSpec(memory_space=pltpu.SMEM),
            pl.BlockSpec(memory_space=pltpu.SMEM),
        ],
        out_specs=[
            pl.BlockSpec((8, 128), lambda i: (i, 0)),
            pl.BlockSpec((8, 128), lambda i: (i, 0)),
            pl.BlockSpec((8, 128), lambda i: (i, 0)),
        ],
        out_shape=[
            jax.ShapeDtypeStruct((NPR, 128), jnp.float32),
            jax.ShapeDtypeStruct((NPR, 128), jnp.float32),
            jax.ShapeDtypeStruct((NPR, 128), jnp.float32),
        ],
    )(xcols, deg2.reshape(NC, NPR, 128), W_lf, b_lf, W_gcn, b_gcn)

    part3d = _msg_kernel(src, dst, m2d.reshape(NP), dinv2d.reshape(RW, 32),
                         q2d.reshape(RW, 32), batchf, zeros2d, iota_tbl)
    part = part3d.reshape(NW, 2 * GP)

    out = pl.pallas_call(
        _combine_body,
        out_shape=jax.ShapeDtypeStruct((1, GP), jnp.float32),
    )(part[:, :GP], part[:, GP:])
    return out[0, :G]

# --- scband reference (transcript-rebuilt; emitter-appended) ---
"""Pipeline reference for scband-gcnconv-wrapper-62045097558460 (READ-ONLY COPY).

The authoritative reference and input builder live on the scoring server;
editing this copy changes nothing except your own understanding.
"""

import jax, jax.numpy as jnp
import numpy as np

N_NODES = 100000
N_EDGES = 6400000
N_GRAPHS = 1000
D_IN = 5  # TensorReps('1x0n+1x1n'): 1 scalar + 4-vector
D_OUT = 1  # TensorReps('1x0n')


def setup_inputs(seed: int = 0) -> dict:
    key = jax.random.key(seed)
    k1, k2, k3, k4, k5 = jax.random.split(key, 5)
    x = jax.random.normal(k1, (N_NODES, D_IN), dtype=jnp.float32)
    edge_index = jax.random.randint(k2, (2, N_EDGES), 0, N_NODES, dtype=jnp.int32)
    batch = jnp.sort(jax.random.randint(k3, (N_NODES,), 0, N_GRAPHS, dtype=jnp.int32))
    # lframesnet params: predicts a per-node 4x4 local Lorentz frame from node features
    W_lf = jax.random.normal(k4, (D_IN, 16), dtype=jnp.float32) * 0.1
    b_lf = jnp.zeros((16,), dtype=jnp.float32)
    # GCNConv linear weight (in_reps dim 5 -> out_reps dim 1)
    W_gcn = jax.random.normal(k5, (D_IN, D_OUT), dtype=jnp.float32) * 0.4
    b_gcn = jnp.zeros((D_OUT,), dtype=jnp.float32)
    return {"x": x, "edge_index": edge_index, "batch": batch,
            "W_lf": W_lf, "b_lf": b_lf, "W_gcn": W_gcn, "b_gcn": b_gcn}


def _lframesnet(x, W_lf, b_lf):
    # per-node local frame: identity + learned correction
    f = x @ W_lf + b_lf
    return f.reshape(-1, 4, 4) + jnp.eye(4, dtype=x.dtype)


def _gcn_conv(x, edge_index, lframes, W, b):
    n = x.shape[0]
    scalar = x[:, :1]
    vec = x[:, 1:]
    # rotate 4-vector part into local frames (equivariant feature localization)
    vec_local = jnp.einsum('nij,nj->ni', lframes, vec)
    h = jnp.concatenate([scalar, vec_local], axis=-1) @ W + b  # [N, 1]
    # GCN propagate with self-loops and symmetric deg^-1/2 normalization
    loop = jnp.arange(n, dtype=edge_index.dtype)
    src = jnp.concatenate([edge_index[0], loop])
    dst = jnp.concatenate([edge_index[1], loop])
    deg = jnp.zeros((n,), dtype=x.dtype).at[dst].add(jnp.ones((src.shape[0],), dtype=x.dtype))
    dinv = jax.lax.rsqrt(jnp.clip(deg, 1.0))
    norm = dinv[src] * dinv[dst]
    msgs = jnp.take(h, src, axis=0) * norm[:, None]
    out = jnp.zeros((n, h.shape[1]), dtype=x.dtype).at[dst].add(msgs)
    return out


def _mean_pointcloud(out, batch, num_graphs):
    logits = jnp.zeros((num_graphs,), dtype=out.dtype).at[batch].add(out[:, 0])
    counts = jnp.bincount(batch, length=num_graphs).astype(out.dtype)
    return logits / counts


def reference(x, edge_index, batch, W_lf, b_lf, W_gcn, b_gcn):
    num_graphs = N_GRAPHS
    lframes = _lframesnet(x, W_lf, b_lf)
    outputs = _gcn_conv(x, edge_index, lframes, W_gcn, b_gcn)
    score = _mean_pointcloud(outputs, batch, num_graphs)  # mean_aggregation=True
    return score

if __name__ == "__main__":
    import jax
    _d = setup_inputs()
    print(jax.jit(kernel)(*tuple(_d.values())))

</pallas_src>

<mosaic_0001>
#map = affine_map<(d0, d1) -> (0)>
#map1 = affine_map<(d0, d1) -> (0, 0)>
#map2 = affine_map<(d0, d1) -> (0, 0, 0)>
module attributes {stable_mosaic.version = 14 : i64} {
  func.func @_msg_kernel(%arg0: i32, %arg1: i32, %arg2: memref<6400000xi32, #tpu.memory_space<hbm>>, %arg3: memref<6400000xi32, #tpu.memory_space<hbm>>, %arg4: memref<100352xf32, #tpu.memory_space<hbm>>, %arg5: memref<3136x32xf32, #tpu.memory_space<hbm>>, %arg6: memref<3136x32xf32, #tpu.memory_space<hbm>>, %arg7: memref<3136x32xf32, #tpu.memory_space<hbm>>, %arg8: memref<3136x32xf32, #tpu.memory_space<hbm>>, %arg9: memref<16x196xi32, #tpu.memory_space<hbm>>, %arg10: memref<32x64x32xf32, #tpu.memory_space<hbm>>, %arg11: memref<3136x32xf32, #tpu.memory_space<vmem>>, %arg12: memref<2000xi32, #tpu.memory_space<vmem>>, %arg13: memref<2000xi32, #tpu.memory_space<vmem>>, %arg14: memref<2000xi32, #tpu.memory_space<vmem>>, %arg15: memref<2000xi32, #tpu.memory_space<vmem>>, %arg16: memref<2000xf32, #tpu.memory_space<vmem>>, %arg17: memref<2000xf32, #tpu.memory_space<vmem>>, %arg18: memref<16x196xi32, #tpu.memory_space<vmem>>, %arg19: memref<100352xf32, #tpu.memory_space<vmem_shared>>, %arg20: memref<3136x32xf32, #tpu.memory_space<vmem_shared>>, %arg21: memref<!tpu.dma_semaphore, #tpu.memory_space<semaphore_mem>>, %arg22: memref<!tpu.dma_semaphore, #tpu.memory_space<semaphore_mem>>, %arg23: memref<!tpu.dma_semaphore, #tpu.memory_space<semaphore_mem>>, %arg24: memref<!tpu.dma_semaphore, #tpu.memory_space<semaphore_mem>>, %arg25: memref<!tpu.dma_semaphore, #tpu.memory_space<semaphore_mem>>, %arg26: memref<!tpu.dma_semaphore, #tpu.memory_space<semaphore_mem>>) attributes {dimension_semantics = [#tpu.dimension_semantics<core_parallel>, #tpu.dimension_semantics<subcore_parallel>], iteration_bounds = array<i64: 2, 16>, scalar_prefetch = 0 : i64, scratch_operands = 16 : i64, tpu.core_type = #tpu.core_type<sc_vector_subcore>, window_params = [{transform_indices = #map}, {transform_indices = #map}, {transform_indices = #map}, {transform_indices = #map1}, {transform_indices = #map1}, {transform_indices = #map1}, {transform_indices = #map1}, {transform_indices = #map1}, {transform_indices = #map2}]} {
    %mul3A = arith.constant 16 : i32
    %mul3A_0 = arith.muli %arg0, %mul3A : i32
    %add3A = arith.addi %mul3A_0, %arg1 : i32
    %mul3A_1 = arith.constant 200000 : i32
    %mul3A_2 = arith.muli %add3A, %mul3A_1 : i32
    %broadcast_in_dim3A = arith.constant 5 : i32
    %broadcast_in_dim3A_3 = vector.broadcast %broadcast_in_dim3A : i32 to vector<16xi32>
    %broadcast_in_dim3A_4 = arith.constant 31 : i32
    %broadcast_in_dim3A_5 = vector.broadcast %broadcast_in_dim3A_4 : i32 to vector<16xi32>
    %mul3A_6 = arith.constant 6272 : i32
    %mul3A_7 = arith.muli %arg1, %mul3A_6 : i32
    %mul3A_8 = arith.constant 6272 : i32
    %mul3A_9 = arith.muli %arg1, %mul3A_8 : i32
    "tpu.region"() ({
      %run_scoped3A = tpu.sem_alloc : memref<!tpu.dma_semaphore, #tpu.memory_space<semaphore_mem>>
      %dma_start3A_712 = tpu.memref_slice %arg19[%mul3A_9] : memref<100352xf32, #tpu.memory_space<vmem_shared>> -> memref<6272xf32, #tpu.memory_space<vmem_shared>>
      %dma_start3A_713 = tpu.memref_slice %arg4[%mul3A_7] : memref<100352xf32, #tpu.memory_space<hbm>> -> memref<6272xf32, #tpu.memory_space<hbm>>
      tpu.enqueue_dma source(%dma_start3A_713 : memref<6272xf32, #tpu.memory_space<hbm>>) target(%dma_start3A_712 : memref<6272xf32, #tpu.memory_space<vmem_shared>>) target_semaphore(%run_scoped3A : memref<!tpu.dma_semaphore, #tpu.memory_space<semaphore_mem>>)
      %dma_wait3A_714 = tpu.memref_slice %arg19[%mul3A_9] : memref<100352xf32, #tpu.memory_space<vmem_shared>> -> memref<6272xf32, #tpu.memory_space<vmem_shared>>
      %dma_wait3A_715 = tpu.memref_slice %arg4[%mul3A_7] : memref<100352xf32, #tpu.memory_space<hbm>> -> memref<6272xf32, #tpu.memory_space<hbm>>
      tpu.wait_dma2 semaphore(%run_scoped3A : memref<!tpu.dma_semaphore, #tpu.memory_space<semaphore_mem>>) src(%dma_wait3A_715 : memref<6272xf32, #tpu.memory_space<hbm>>) dst(%dma_wait3A_714 : memref<6272xf32, #tpu.memory_space<vmem_shared>>)
      tpu.yield
    }) : () -> ()
    "tpu.region"() ({
      %run_scoped3A = tpu.sem_alloc : memref<!tpu.dma_semaphore, #tpu.memory_space<semaphore_mem>>
      tpu.enqueue_dma source(%arg8 : memref<3136x32xf32, #tpu.memory_space<hbm>>) target(%arg11 : memref<3136x32xf32, #tpu.memory_space<vmem>>) target_semaphore(%run_scoped3A : memref<!tpu.dma_semaphore, #tpu.memory_space<semaphore_mem>>)
      tpu.wait_dma2 semaphore(%run_scoped3A : memref<!tpu.dma_semaphore, #tpu.memory_space<semaphore_mem>>) src(%arg8 : memref<3136x32xf32, #tpu.memory_space<hbm>>) dst(%arg11 : memref<3136x32xf32, #tpu.memory_space<vmem>>)
      tpu.yield
    }) : () -> ()
    "tpu.region"() ({
      %run_scoped3A = tpu.sem_alloc : memref<!tpu.dma_semaphore, #tpu.memory_space<semaphore_mem>>
      tpu.enqueue_dma source(%arg9 : memref<16x196xi32, #tpu.memory_space<hbm>>) target(%arg18 : memref<16x196xi32, #tpu.memory_space<vmem>>) target_semaphore(%run_scoped3A : memref<!tpu.dma_semaphore, #tpu.memory_space<semaphore_mem>>)
      tpu.wait_dma2 semaphore(%run_scoped3A : memref<!tpu.dma_semaphore, #tpu.memory_space<semaphore_mem>>) src(%arg9 : memref<16x196xi32, #tpu.memory_space<hbm>>) dst(%arg18 : memref<16x196xi32, #tpu.memory_space<vmem>>)
      tpu.yield
    }) : () -> ()
    %mul3A_10 = arith.constant 196 : i32
    %mul3A_11 = arith.muli %arg1, %mul3A_10 : i32
    %mul3A_12 = arith.constant 196 : i32
    %mul3A_13 = arith.muli %arg1, %mul3A_12 : i32
    "tpu.region"() ({
      %run_scoped3A = tpu.sem_alloc : memref<!tpu.dma_semaphore, #tpu.memory_space<semaphore_mem>>
      %dma_start3A_712 = arith.constant 0 : i32
      %dma_start3A_713 = tpu.memref_slice %arg20[%mul3A_13, %dma_start3A_712] : memref<3136x32xf32, #tpu.memory_space<vmem_shared>> -> memref<196x32xf32, #tpu.memory_space<vmem_shared>>
      %dma_start3A_714 = arith.constant 0 : i32
      %dma_start3A_715 = tpu.memref_slice %arg8[%mul3A_11, %dma_start3A_714] : memref<3136x32xf32, #tpu.memory_space<hbm>> -> memref<196x32xf32, #tpu.memory_space<hbm>>
      tpu.enqueue_dma source(%dma_start3A_715 : memref<196x32xf32, #tpu.memory_space<hbm>>) target(%dma_start3A_713 : memref<196x32xf32, #tpu.memory_space<vmem_shared>>) target_semaphore(%run_scoped3A : memref<!tpu.dma_semaphore, #tpu.memory_space<semaphore_mem>>)
      %dma_wait3A_716 = arith.constant 0 : i32
      %dma_wait3A_717 = tpu.memref_slice %arg20[%mul3A_13, %dma_wait3A_716] : memref<3136x32xf32, #tpu.memory_space<vmem_shared>> -> memref<196x32xf32, #tpu.memory_space<vmem_shared>>
      %dma_wait3A_718 = arith.constant 0 : i32
      %dma_wait3A_719 = tpu.memref_slice %arg8[%mul3A_11, %dma_wait3A_718] : memref<3136x32xf32, #tpu.memory_space<hbm>> -> memref<196x32xf32, #tpu.memory_space<hbm>>
      tpu.wait_dma2 semaphore(%run_scoped3A : memref<!tpu.dma_semaphore, #tpu.memory_space<semaphore_mem>>) src(%dma_wait3A_719 : memref<196x32xf32, #tpu.memory_space<hbm>>) dst(%dma_wait3A_717 : memref<196x32xf32, #tpu.memory_space<vmem_shared>>)
      tpu.yield
    }) : () -> ()
    %barrier3A = arith.constant 0 : index
    tpu.barrier barrier_id(%barrier3A)
    %add3A_14 = arith.constant 0 : i32
    %add3A_15 = arith.addi %mul3A_2, %add3A_14 : i32
    %dma_start3A = tpu.memref_slice %arg2[%add3A_15] : memref<6400000xi32, #tpu.memory_space<hbm>> -> memref<2000xi32, #tpu.memory_space<hbm>>
    %dma_start3A_16 = tpu.memref_slice %arg2[%add3A_15] : memref<6400000xi32, #tpu.memory_space<hbm>> -> memref<2000xi32, #tpu.memory_space<hbm>>
    tpu.enqueue_dma source(%dma_start3A_16 : memref<2000xi32, #tpu.memory_space<hbm>>) target(%arg12 : memref<2000xi32, #tpu.memory_space<vmem>>) target_semaphore(%arg21 : memref<!tpu.dma_semaphore, #tpu.memory_space<semaphore_mem>>)
    %add3A_17 = arith.constant 0 : i32
    %add3A_18 = arith.addi %mul3A_2, %add3A_17 : i32
    %dma_start3A_19 = tpu.memref_slice %arg3[%add3A_18] : memref<6400000xi32, #tpu.memory_space<hbm>> -> memref<2000xi32, #tpu.memory_space<hbm>>
    %dma_start3A_20 = tpu.memref_slice %arg3[%add3A_18] : memref<6400000xi32, #tpu.memory_space<hbm>> -> memref<2000xi32, #tpu.memory_space<hbm>>
    tpu.enqueue_dma source(%dma_start3A_20 : memref<2000xi32, #tpu.memory_space<hbm>>) target(%arg14 : memref<2000xi32, #tpu.memory_space<vmem>>) target_semaphore(%arg23 : memref<!tpu.dma_semaphore, #tpu.memory_space<semaphore_mem>>)
    %add3A_21 = arith.constant 2000 : i32
    %add3A_22 = arith.addi %mul3A_2, %add3A_21 : i32
    %dma_start3A_23 = tpu.memref_slice %arg3[%add3A_22] : memref<6400000xi32, #tpu.memory_space<hbm>> -> memref<2000xi32, #tpu.memory_space<hbm>>
    %dma_start3A_24 = tpu.memref_slice %arg3[%add3A_22] : memref<6400000xi32, #tpu.memory_space<hbm>> -> memref<2000xi32, #tpu.memory_space<hbm>>
    tpu.enqueue_dma source(%dma_start3A_24 : memref<2000xi32, #tpu.memory_space<hbm>>) target(%arg15 : memref<2000xi32, #tpu.memory_space<vmem>>) target_semaphore(%arg24 : memref<!tpu.dma_semaphore, #tpu.memory_space<semaphore_mem>>)
    %add3A_25 = arith.constant 0 : i32
    %add3A_26 = arith.addi %mul3A_2, %add3A_25 : i32
    %dma_wait3A = tpu.memref_slice %arg2[%add3A_26] : memref<6400000xi32, #tpu.memory_space<hbm>> -> memref<2000xi32, #tpu.memory_space<hbm>>
    %dma_wait3A_27 = tpu.memref_slice %arg2[%add3A_26] : memref<6400000xi32, #tpu.memory_space<hbm>> -> memref<2000xi32, #tpu.memory_space<hbm>>
    tpu.wait_dma2 semaphore(%arg21 : memref<!tpu.dma_semaphore, #tpu.memory_space<semaphore_mem>>) src(%dma_wait3A_27 : memref<2000xi32, #tpu.memory_space<hbm>>) dst(%arg12 : memref<2000xi32, #tpu.memory_space<vmem>>)
    %dma_start3A_28 = arith.constant 0 : i32
    %dma_start3A_29 = tpu.memref_slice %arg19[%dma_start3A_28] : memref<100352xf32, #tpu.memory_space<vmem_shared>> -> memref<100352xf32, #tpu.memory_space<vmem_shared>>
    tpu.enqueue_indirect_dma source(%dma_start3A_29 : memref<100352xf32, #tpu.memory_space<vmem_shared>>) target(%arg16 : memref<2000xf32, #tpu.memory_space<vmem>>) offsets(%arg12 : memref<2000xi32, #tpu.memory_space<vmem>>) semaphore(%arg25 : memref<!tpu.dma_semaphore, #tpu.memory_space<semaphore_mem>>)
    %add3A_30 = arith.constant 2000 : i32
    %add3A_31 = arith.addi %mul3A_2, %add3A_30 : i32
    %dma_start3A_32 = tpu.memref_slice %arg2[%add3A_31] : memref<6400000xi32, #tpu.memory_space<hbm>> -> memref<2000xi32, #tpu.memory_space<hbm>>
    %dma_start3A_33 = tpu.memref_slice %arg2[%add3A_31] : memref<6400000xi32, #tpu.memory_space<hbm>> -> memref<2000xi32, #tpu.memory_space<hbm>>
    tpu.enqueue_dma source(%dma_start3A_33 : memref<2000xi32, #tpu.memory_space<hbm>>) target(%arg13 : memref<2000xi32, #tpu.memory_space<vmem>>) target_semaphore(%arg22 : memref<!tpu.dma_semaphore, #tpu.memory_space<semaphore_mem>>)
    %scan3A = arith.constant 0 : i32
    %scan3A_34 = arith.constant 0 : i32
    %scan3A_35 = arith.constant 50 : i32
    %scan3A_36 = arith.addi %scan3A_34, %scan3A_35 : i32
    %scan3A_37 = arith.constant 1 : i32
    %scan3A_38 = scf.for %scan3A_712 = %scan3A_34 to %scan3A_36 step %scan3A_37 iter_args(%scan3A_713 = %scan3A) -> (i32)  : i32 {
      %mul3A_714 = arith.constant 2 : i32
      %mul3A_715 = arith.muli %scan3A_712, %mul3A_714 : i32
      %add3A_716 = arith.constant 0 : i32
      %add3A_717 = arith.addi %mul3A_715, %add3A_716 : i32
      %dma_wait3A_718 = arith.constant 0 : i32
      %dma_wait3A_719 = tpu.memref_slice %arg19[%dma_wait3A_718] : memref<100352xf32, #tpu.memory_space<vmem_shared>> -> memref<100352xf32, #tpu.memory_space<vmem_shared>>
      tpu.wait_indirect_dma semaphore(%arg25 : memref<!tpu.dma_semaphore, #tpu.memory_space<semaphore_mem>>) src(%dma_wait3A_719 : memref<100352xf32, #tpu.memory_space<vmem_shared>>) dst(%arg16 : memref<2000xf32, #tpu.memory_space<vmem>>)
      %add3A_720 = arith.constant 1 : i32
      %add3A_721 = arith.addi %add3A_717, %add3A_720 : i32
      %lt3A = arith.constant 100 : i32
      %lt3A_722 = arith.cmpi slt, %add3A_721, %lt3A : i32
      %convert_element_type3A = arith.extui %lt3A_722 : i1 to i32
      %cond3A = arith.constant 0 : i32
      %cond3A_723 = arith.cmpi ne, %convert_element_type3A, %cond3A : i32
      scf.if %cond3A_723 {
        %add3A_897 = arith.constant 1 : i32
        %add3A_898 = arith.addi %add3A_717, %add3A_897 : i32
        %mul3A_899 = arith.constant 2000 : i32
        %mul3A_900 = arith.muli %add3A_898, %mul3A_899 : i32
        %add3A_901 = arith.addi %mul3A_2, %mul3A_900 : i32
        %dma_wait3A_902 = tpu.memref_slice %arg2[%add3A_901] : memref<6400000xi32, #tpu.memory_space<hbm>> -> memref<2000xi32, #tpu.memory_space<hbm>>
        %dma_wait3A_903 = tpu.memref_slice %arg2[%add3A_901] : memref<6400000xi32, #tpu.memory_space<hbm>> -> memref<2000xi32, #tpu.memory_space<hbm>>
        tpu.wait_dma2 semaphore(%arg22 : memref<!tpu.dma_semaphore, #tpu.memory_space<semaphore_mem>>) src(%dma_wait3A_903 : memref<2000xi32, #tpu.memory_space<hbm>>) dst(%arg13 : memref<2000xi32, #tpu.memory_space<vmem>>)
        %dma_start3A_904 = arith.constant 0 : i32
        %dma_start3A_905 = tpu.memref_slice %arg19[%dma_start3A_904] : memref<100352xf32, #tpu.memory_space<vmem_shared>> -> memref<100352xf32, #tpu.memory_space<vmem_shared>>
        tpu.enqueue_indirect_dma source(%dma_start3A_905 : memref<100352xf32, #tpu.memory_space<vmem_shared>>) target(%arg17 : memref<2000xf32, #tpu.memory_space<vmem>>) offsets(%arg13 : memref<2000xi32, #tpu.memory_space<vmem>>) semaphore(%arg26 : memref<!tpu.dma_semaphore, #tpu.memory_space<semaphore_mem>>)
      } else {
      }
      %add3A_724 = arith.constant 2 : i32
      %add3A_725 = arith.addi %add3A_717, %add3A_724 : i32
      %lt3A_726 = arith.constant 100 : i32
      %lt3A_727 = arith.cmpi slt, %add3A_725, %lt3A_726 : i32
      %convert_element_type3A_728 = arith.extui %lt3A_727 : i1 to i32
      %cond3A_729 = arith.constant 0 : i32
      %cond3A_730 = arith.cmpi ne, %convert_element_type3A_728, %cond3A_729 : i32
      scf.if %cond3A_730 {
        %add3A_897 = arith.constant 2 : i32
        %add3A_898 = arith.addi %add3A_717, %add3A_897 : i32
        %mul3A_899 = arith.constant 2000 : i32
        %mul3A_900 = arith.muli %add3A_898, %mul3A_899 : i32
        %add3A_901 = arith.addi %mul3A_2, %mul3A_900 : i32
        %dma_start3A_902 = tpu.memref_slice %arg2[%add3A_901] : memref<6400000xi32, #tpu.memory_space<hbm>> -> memref<2000xi32, #tpu.memory_space<hbm>>
        %dma_start3A_903 = tpu.memref_slice %arg2[%add3A_901] : memref<6400000xi32, #tpu.memory_space<hbm>> -> memref<2000xi32, #tpu.memory_space<hbm>>
        tpu.enqueue_dma source(%dma_start3A_903 : memref<2000xi32, #tpu.memory_space<hbm>>) target(%arg12 : memref<2000xi32, #tpu.memory_space<vmem>>) target_semaphore(%arg21 : memref<!tpu.dma_semaphore, #tpu.memory_space<semaphore_mem>>)
      } else {
      }
      %mul3A_731 = arith.constant 2000 : i32
      %mul3A_732 = arith.muli %add3A_717, %mul3A_731 : i32
      %add3A_733 = arith.addi %mul3A_2, %mul3A_732 : i32
      %dma_wait3A_734 = tpu.memref_slice %arg3[%add3A_733] : memref<6400000xi32, #tpu.memory_space<hbm>> -> memref<2000xi32, #tpu.memory_space<hbm>>
      %dma_wait3A_735 = tpu.memref_slice %arg3[%add3A_733] : memref<6400000xi32, #tpu.memory_space<hbm>> -> memref<2000xi32, #tpu.memory_space<hbm>>
      tpu.wait_dma2 semaphore(%arg23 : memref<!tpu.dma_semaphore, #tpu.memory_space<semaphore_mem>>) src(%dma_wait3A_735 : memref<2000xi32, #tpu.memory_space<hbm>>) dst(%arg14 : memref<2000xi32, #tpu.memory_space<vmem>>)
      %scan3A_736 = arith.constant 0 : i32
      %scan3A_737 = arith.constant 0 : i32
      %scan3A_738 = arith.constant 120 : i32
      %scan3A_739 = arith.addi %scan3A_737, %scan3A_738 : i32
      %scan3A_740 = arith.constant 10 : i32
      %scan3A_741 = scf.for %scan3A_897 = %scan3A_737 to %scan3A_739 step %scan3A_740 iter_args(%scan3A_898 = %scan3A_736) -> (i32)  : i32 {
        %mul3A_899 = arith.constant 16 : i32
        %mul3A_900 = arith.muli %scan3A_897, %mul3A_899 : i32
        %get3A_901 = arith.index_cast %mul3A_900 : i32 to index
        %get3A_902 = tpu.vector_load %arg14[%get3A_901] {strides = array<i32>} : memref<2000xi32, #tpu.memory_space<vmem>>, vector<16xi32>,
        %get3A_903 = arith.index_cast %mul3A_900 : i32 to index
        %get3A_904 = tpu.vector_load %arg16[%get3A_903] {strides = array<i32>} : memref<2000xf32, #tpu.memory_space<vmem>>, vector<16xf32>,
        %shift_right_logical3A_905 = arith.shrui %get3A_902, %broadcast_in_dim3A_3 : vector<16xi32>
        %and3A_906 = arith.andi %get3A_902, %broadcast_in_dim3A_5 : vector<16xi32>
        tpu.vector_store_idx %arg11[%shift_right_logical3A_905, %and3A_906], %get3A_904 {add = true} : memref<3136x32xf32, #tpu.memory_space<vmem>>[vector<16xi32>, vector<16xi32>], vector<16xf32>,
        %scan3A_907 = arith.constant 0 : i32
        %scan3A_908 = arith.constant 1 : i32
        %scan3A_909 = arith.addi %scan3A_897, %scan3A_908 : i32
        %mul3A_910 = arith.constant 16 : i32
        %mul3A_911 = arith.muli %scan3A_909, %mul3A_910 : i32
        %get3A_912 = arith.index_cast %mul3A_911 : i32 to index
        %get3A_913 = tpu.vector_load %arg14[%get3A_912] {strides = array<i32>} : memref<2000xi32, #tpu.memory_space<vmem>>, vector<16xi32>,
        %get3A_914 = arith.index_cast %mul3A_911 : i32 to index
        %get3A_915 = tpu.vector_load %arg16[%get3A_914] {strides = array<i32>} : memref<2000xf32, #tpu.memory_space<vmem>>, vector<16xf32>,
        %shift_right_logical3A_916 = arith.shrui %get3A_913, %broadcast_in_dim3A_3 : vector<16xi32>
        %and3A_917 = arith.andi %get3A_913, %broadcast_in_dim3A_5 : vector<16xi32>
        tpu.vector_store_idx %arg11[%shift_right_logical3A_916, %and3A_917], %get3A_915 {add = true} : memref<3136x32xf32, #tpu.memory_space<vmem>>[vector<16xi32>, vector<16xi32>], vector<16xf32>,
        %scan3A_918 = arith.constant 0 : i32
        %scan3A_919 = arith.constant 2 : i32
        %scan3A_920 = arith.addi %scan3A_897, %scan3A_919 : i32
        %mul3A_921 = arith.constant 16 : i32
        %mul3A_922 = arith.muli %scan3A_920, %mul3A_921 : i32
        %get3A_923 = arith.index_cast %mul3A_922 : i32 to index
        %get3A_924 = tpu.vector_load %arg14[%get3A_923] {strides = array<i32>} : memref<2000xi32, #tpu.memory_space<vmem>>, vector<16xi32>,
        %get3A_925 = arith.index_cast %mul3A_922 : i32 to index
        %get3A_926 = tpu.vector_load %arg16[%get3A_925] {strides = array<i32>} : memref<2000xf32, #tpu.memory_space<vmem>>, vector<16xf32>,
        %shift_right_logical3A_927 = arith.shrui %get3A_924, %broadcast_in_dim3A_3 : vector<16xi32>
        %and3A_928 = arith.andi %get3A_924, %broadcast_in_dim3A_5 : vector<16xi32>
        tpu.vector_store_idx %arg11[%shift_right_logical3A_927, %and3A_928], %get3A_926 {add = true} : memref<3136x32xf32, #tpu.memory_space<vmem>>[vector<16xi32>, vector<16xi32>], vector<16xf32>,
        %scan3A_929 = arith.constant 0 : i32
        %scan3A_930 = arith.constant 3 : i32
        %scan3A_931 = arith.addi %scan3A_897, %scan3A_930 : i32
        %mul3A_932 = arith.constant 16 : i32
        %mul3A_933 = arith.muli %scan3A_931, %mul3A_932 : i32
        %get3A_934 = arith.index_cast %mul3A_933 : i32 to index
        %get3A_935 = tpu.vector_load %arg14[%get3A_934] {strides = array<i32>} : memref<2000xi32, #tpu.memory_space<vmem>>, vector<16xi32>,
        %get3A_936 = arith.index_cast %mul3A_933 : i32 to index
        %get3A_937 = tpu.vector_load %arg16[%get3A_936] {strides = array<i32>} : memref<2000xf32, #tpu.memory_space<vmem>>, vector<16xf32>,
        %shift_right_logical3A_938 = arith.shrui %get3A_935, %broadcast_in_dim3A_3 : vector<16xi32>
        %and3A_939 = arith.andi %get3A_935, %broadcast_in_dim3A_5 : vector<16xi32>
        tpu.vector_store_idx %arg11[%shift_right_logical3A_938, %and3A_939], %get3A_937 {add = true} : memref<3136x32xf32, #tpu.memory_space<vmem>>[vector<16xi32>, vector<16xi32>], vector<16xf32>,
        %scan3A_940 = arith.constant 0 : i32
        %scan3A_941 = arith.constant 4 : i32
        %scan3A_942 = arith.addi %scan3A_897, %scan3A_941 : i32
        %mul3A_943 = arith.constant 16 : i32
        %mul3A_944 = arith.muli %scan3A_942, %mul3A_943 : i32
        %get3A_945 = arith.index_cast %mul3A_944 : i32 to index
        %get3A_946 = tpu.vector_load %arg14[%get3A_945] {strides = array<i32>} : memref<2000xi32, #tpu.memory_space<vmem>>, vector<16xi32>,
        %get3A_947 = arith.index_cast %mul3A_944 : i32 to index
        %get3A_948 = tpu.vector_load %arg16[%get3A_947] {strides = array<i32>} : memref<2000xf32, #tpu.memory_space<vmem>>, vector<16xf32>,
        %shift_right_logical3A_949 = arith.shrui %get3A_946, %broadcast_in_dim3A_3 : vector<16xi32>
        %and3A_950 = arith.andi %get3A_946, %broadcast_in_dim3A_5 : vector<16xi32>
        tpu.vector_store_idx %arg11[%shift_right_logical3A_949, %and3A_950], %get3A_948 {add = true} : memref<3136x32xf32, #tpu.memory_space<vmem>>[vector<16xi32>, vector<16xi32>], vector<16xf32>,
        %scan3A_951 = arith.constant 0 : i32
        %scan3A_952 = arith.constant 5 : i32
        %scan3A_953 = arith.addi %scan3A_897, %scan3A_952 : i32
        %mul3A_954 = arith.constant 16 : i32
        %mul3A_955 = arith.muli %scan3A_953, %mul3A_954 : i32
        %get3A_956 = arith.index_cast %mul3A_955 : i32 to index
        %get3A_957 = tpu.vector_load %arg14[%get3A_956] {strides = array<i32>} : memref<2000xi32, #tpu.memory_space<vmem>>, vector<16xi32>,
        %get3A_958 = arith.index_cast %mul3A_955 : i32 to index
        %get3A_959 = tpu.vector_load %arg16[%get3A_958] {strides = array<i32>} : memref<2000xf32, #tpu.memory_space<vmem>>, vector<16xf32>,
        %shift_right_logical3A_960 = arith.shrui %get3A_957, %broadcast_in_dim3A_3 : vector<16xi32>
        %and3A_961 = arith.andi %get3A_957, %broadcast_in_dim3A_5 : vector<16xi32>
        tpu.vector_store_idx %arg11[%shift_right_logical3A_960, %and3A_961], %get3A_959 {add = true} : memref<3136x32xf32, #tpu.memory_space<vmem>>[vector<16xi32>, vector<16xi32>], vector<16xf32>,
        %scan3A_962 = arith.constant 0 : i32
        %scan3A_963 = arith.constant 6 : i32
        %scan3A_964 = arith.addi %scan3A_897, %scan3A_963 : i32
        %mul3A_965 = arith.constant 16 : i32
        %mul3A_966 = arith.muli %scan3A_964, %mul3A_965 : i32
        %get3A_967 = arith.index_cast %mul3A_966 : i32 to index
        %get3A_968 = tpu.vector_load %arg14[%get3A_967] {strides = array<i32>} : memref<2000xi32, #tpu.memory_space<vmem>>, vector<16xi32>,
        %get3A_969 = arith.index_cast %mul3A_966 : i32 to index
        %get3A_970 = tpu.vector_load %arg16[%get3A_969] {strides = array<i32>} : memref<2000xf32, #tpu.memory_space<vmem>>, vector<16xf32>,
        %shift_right_logical3A_971 = arith.shrui %get3A_968, %broadcast_in_dim3A_3 : vector<16xi32>
        %and3A_972 = arith.andi %get3A_968, %broadcast_in_dim3A_5 : vector<16xi32>
        tpu.vector_store_idx %arg11[%shift_right_logical3A_971, %and3A_972], %get3A_970 {add = true} : memref<3136x32xf32, #tpu.memory_space<vmem>>[vector<16xi32>, vector<16xi32>], vector<16xf32>,
        %scan3A_973 = arith.constant 0 : i32
        %scan3A_974 = arith.constant 7 : i32
        %scan3A_975 = arith.addi %scan3A_897, %scan3A_974 : i32
        %mul3A_976 = arith.constant 16 : i32
        %mul3A_977 = arith.muli %scan3A_975, %mul3A_976 : i32
        %get3A_978 = arith.index_cast %mul3A_977 : i32 to index
        %get3A_979 = tpu.vector_load %arg14[%get3A_978] {strides = array<i32>} : memref<2000xi32, #tpu.memory_space<vmem>>, vector<16xi32>,
        %get3A_980 = arith.index_cast %mul3A_977 : i32 to index
        %get3A_981 = tpu.vector_load %arg16[%get3A_980] {strides = array<i32>} : memref<2000xf32, #tpu.memory_space<vmem>>, vector<16xf32>,
        %shift_right_logical3A_982 = arith.shrui %get3A_979, %broadcast_in_dim3A_3 : vector<16xi32>
        %and3A_983 = arith.andi %get3A_979, %broadcast_in_dim3A_5 : vector<16xi32>
        tpu.vector_store_idx %arg11[%shift_right_logical3A_982, %and3A_983], %get3A_981 {add = true} : memref<3136x32xf32, #tpu.memory_space<vmem>>[vector<16xi32>, vector<16xi32>], vector<16xf32>,
        %scan3A_984 = arith.constant 0 : i32
        %scan3A_985 = arith.constant 8 : i32
        %scan3A_986 = arith.addi %scan3A_897, %scan3A_985 : i32
        %mul3A_987 = arith.constant 16 : i32
        %mul3A_988 = arith.muli %scan3A_986, %mul3A_987 : i32
        %get3A_989 = arith.index_cast %mul3A_988 : i32 to index
        %get3A_990 = tpu.vector_load %arg14[%get3A_989] {strides = array<i32>} : memref<2000xi32, #tpu.memory_space<vmem>>, vector<16xi32>,
        %get3A_991 = arith.index_cast %mul3A_988 : i32 to index
        %get3A_992 = tpu.vector_load %arg16[%get3A_991] {strides = array<i32>} : memref<2000xf32, #tpu.memory_space<vmem>>, vector<16xf32>,
        %shift_right_logical3A_993 = arith.shrui %get3A_990, %broadcast_in_dim3A_3 : vector<16xi32>
        %and3A_994 = arith.andi %get3A_990, %broadcast_in_dim3A_5 : vector<16xi32>
        tpu.vector_store_idx %arg11[%shift_right_logical3A_993, %and3A_994], %get3A_992 {add = true} : memref<3136x32xf32, #tpu.memory_space<vmem>>[vector<16xi32>, vector<16xi32>], vector<16xf32>,
        %scan3A_995 = arith.constant 0 : i32
        %scan3A_996 = arith.constant 9 : i32
        %scan3A_997 = arith.addi %scan3A_897, %scan3A_996 : i32
        %mul3A_998 = arith.constant 16 : i32
        %mul3A_999 = arith.muli %scan3A_997, %mul3A_998 : i32
        %get3A_1000 = arith.index_cast %mul3A_999 : i32 to index
        %get3A_1001 = tpu.vector_load %arg14[%get3A_1000] {strides = array<i32>} : memref<2000xi32, #tpu.memory_space<vmem>>, vector<16xi32>,
        %get3A_1002 = arith.index_cast %mul3A_999 : i32 to index
        %get3A_1003 = tpu.vector_load %arg16[%get3A_1002] {strides = array<i32>} : memref<2000xf32, #tpu.memory_space<vmem>>, vector<16xf32>,
        %shift_right_logical3A_1004 = arith.shrui %get3A_1001, %broadcast_in_dim3A_3 : vector<16xi32>
        %and3A_1005 = arith.andi %get3A_1001, %broadcast_in_dim3A_5 : vector<16xi32>
        tpu.vector_store_idx %arg11[%shift_right_logical3A_1004, %and3A_1005], %get3A_1003 {add = true} : memref<3136x32xf32, #tpu.memory_space<vmem>>[vector<16xi32>, vector<16xi32>], vector<16xf32>,
        %scan3A_1006 = arith.constant 0 : i32
        scf.yield %scan3A_1006 : i32
      }
      %scan3A_742 = arith.constant 120 : i32
      %scan3A_743 = arith.addi %scan3A_737, %scan3A_742 : i32
      %mul3A_744 = arith.constant 16 : i32
      %mul3A_745 = arith.muli %scan3A_743, %mul3A_744 : i32
      %get3A = arith.index_cast %mul3A_745 : i32 to index
      %get3A_746 = tpu.vector_load %arg14[%get3A] {strides = array<i32>} : memref<2000xi32, #tpu.memory_space<vmem>>, vector<16xi32>,
      %get3A_747 = arith.index_cast %mul3A_745 : i32 to index
      %get3A_748 = tpu.vector_load %arg16[%get3A_747] {strides = array<i32>} : memref<2000xf32, #tpu.memory_space<vmem>>, vector<16xf32>,
      %shift_right_logical3A = arith.shrui %get3A_746, %broadcast_in_dim3A_3 : vector<16xi32>
      %and3A = arith.andi %get3A_746, %broadcast_in_dim3A_5 : vector<16xi32>
      tpu.vector_store_idx %arg11[%shift_right_logical3A, %and3A], %get3A_748 {add = true} : memref<3136x32xf32, #tpu.memory_space<vmem>>[vector<16xi32>, vector<16xi32>], vector<16xf32>,
      %scan3A_749 = arith.constant 0 : i32
      %scan3A_750 = arith.constant 121 : i32
      %scan3A_751 = arith.addi %scan3A_737, %scan3A_750 : i32
      %mul3A_752 = arith.constant 16 : i32
      %mul3A_753 = arith.muli %scan3A_751, %mul3A_752 : i32
      %get3A_754 = arith.index_cast %mul3A_753 : i32 to index
      %get3A_755 = tpu.vector_load %arg14[%get3A_754] {strides = array<i32>} : memref<2000xi32, #tpu.memory_space<vmem>>, vector<16xi32>,
      %get3A_756 = arith.index_cast %mul3A_753 : i32 to index
      %get3A_757 = tpu.vector_load %arg16[%get3A_756] {strides = array<i32>} : memref<2000xf32, #tpu.memory_space<vmem>>, vector<16xf32>,
      %shift_right_logical3A_758 = arith.shrui %get3A_755, %broadcast_in_dim3A_3 : vector<16xi32>
      %and3A_759 = arith.andi %get3A_755, %broadcast_in_dim3A_5 : vector<16xi32>
      tpu.vector_store_idx %arg11[%shift_right_logical3A_758, %and3A_759], %get3A_757 {add = true} : memref<3136x32xf32, #tpu.memory_space<vmem>>[vector<16xi32>, vector<16xi32>], vector<16xf32>,
      %scan3A_760 = arith.constant 0 : i32
      %scan3A_761 = arith.constant 122 : i32
      %scan3A_762 = arith.addi %scan3A_737, %scan3A_761 : i32
      %mul3A_763 = arith.constant 16 : i32
      %mul3A_764 = arith.muli %scan3A_762, %mul3A_763 : i32
      %get3A_765 = arith.index_cast %mul3A_764 : i32 to index
      %get3A_766 = tpu.vector_load %arg14[%get3A_765] {strides = array<i32>} : memref<2000xi32, #tpu.memory_space<vmem>>, vector<16xi32>,
      %get3A_767 = arith.index_cast %mul3A_764 : i32 to index
      %get3A_768 = tpu.vector_load %arg16[%get3A_767] {strides = array<i32>} : memref<2000xf32, #tpu.memory_space<vmem>>, vector<16xf32>,
      %shift_right_logical3A_769 = arith.shrui %get3A_766, %broadcast_in_dim3A_3 : vector<16xi32>
      %and3A_770 = arith.andi %get3A_766, %broadcast_in_dim3A_5 : vector<16xi32>
      tpu.vector_store_idx %arg11[%shift_right_logical3A_769, %and3A_770], %get3A_768 {add = true} : memref<3136x32xf32, #tpu.memory_space<vmem>>[vector<16xi32>, vector<16xi32>], vector<16xf32>,
      %scan3A_771 = arith.constant 0 : i32
      %scan3A_772 = arith.constant 123 : i32
      %scan3A_773 = arith.addi %scan3A_737, %scan3A_772 : i32
      %mul3A_774 = arith.constant 16 : i32
      %mul3A_775 = arith.muli %scan3A_773, %mul3A_774 : i32
      %get3A_776 = arith.index_cast %mul3A_775 : i32 to index
      %get3A_777 = tpu.vector_load %arg14[%get3A_776] {strides = array<i32>} : memref<2000xi32, #tpu.memory_space<vmem>>, vector<16xi32>,
      %get3A_778 = arith.index_cast %mul3A_775 : i32 to index
      %get3A_779 = tpu.vector_load %arg16[%get3A_778] {strides = array<i32>} : memref<2000xf32, #tpu.memory_space<vmem>>, vector<16xf32>,
      %shift_right_logical3A_780 = arith.shrui %get3A_777, %broadcast_in_dim3A_3 : vector<16xi32>
      %and3A_781 = arith.andi %get3A_777, %broadcast_in_dim3A_5 : vector<16xi32>
      tpu.vector_store_idx %arg11[%shift_right_logical3A_780, %and3A_781], %get3A_779 {add = true} : memref<3136x32xf32, #tpu.memory_space<vmem>>[vector<16xi32>, vector<16xi32>], vector<16xf32>,
      %scan3A_782 = arith.constant 0 : i32
      %scan3A_783 = arith.constant 124 : i32
      %scan3A_784 = arith.addi %scan3A_737, %scan3A_783 : i32
      %mul3A_785 = arith.constant 16 : i32
      %mul3A_786 = arith.muli %scan3A_784, %mul3A_785 : i32
      %get3A_787 = arith.index_cast %mul3A_786 : i32 to index
      %get3A_788 = tpu.vector_load %arg14[%get3A_787] {strides = array<i32>} : memref<2000xi32, #tpu.memory_space<vmem>>, vector<16xi32>,
      %get3A_789 = arith.index_cast %mul3A_786 : i32 to index
      %get3A_790 = tpu.vector_load %arg16[%get3A_789] {strides = array<i32>} : memref<2000xf32, #tpu.memory_space<vmem>>, vector<16xf32>,
      %shift_right_logical3A_791 = arith.shrui %get3A_788, %broadcast_in_dim3A_3 : vector<16xi32>
      %and3A_792 = arith.andi %get3A_788, %broadcast_in_dim3A_5 : vector<16xi32>
      tpu.vector_store_idx %arg11[%shift_right_logical3A_791, %and3A_792], %get3A_790 {add = true} : memref<3136x32xf32, #tpu.memory_space<vmem>>[vector<16xi32>, vector<16xi32>], vector<16xf32>,
      %scan3A_793 = arith.constant 0 : i32
      %scan3A_794 = arith.constant 125 : i32
      %add3A_795 = arith.constant 2 : i32
      %add3A_796 = arith.addi %add3A_717, %add3A_795 : i32
      %lt3A_797 = arith.constant 100 : i32
      %lt3A_798 = arith.cmpi slt, %add3A_796, %lt3A_797 : i32
      %convert_element_type3A_799 = arith.extui %lt3A_798 : i1 to i32
      %cond3A_800 = arith.constant 0 : i32
      %cond3A_801 = arith.cmpi ne, %convert_element_type3A_799, %cond3A_800 : i32
      scf.if %cond3A_801 {
        %add3A_897 = arith.constant 2 : i32
        %add3A_898 = arith.addi %add3A_717, %add3A_897 : i32
        %mul3A_899 = arith.constant 2000 : i32
        %mul3A_900 = arith.muli %add3A_898, %mul3A_899 : i32
        %add3A_901 = arith.addi %mul3A_2, %mul3A_900 : i32
        %dma_start3A_902 = tpu.memref_slice %arg3[%add3A_901] : memref<6400000xi32, #tpu.memory_space<hbm>> -> memref<2000xi32, #tpu.memory_space<hbm>>
        %dma_start3A_903 = tpu.memref_slice %arg3[%add3A_901] : memref<6400000xi32, #tpu.memory_space<hbm>> -> memref<2000xi32, #tpu.memory_space<hbm>>
        tpu.enqueue_dma source(%dma_start3A_903 : memref<2000xi32, #tpu.memory_space<hbm>>) target(%arg14 : memref<2000xi32, #tpu.memory_space<vmem>>) target_semaphore(%arg23 : memref<!tpu.dma_semaphore, #tpu.memory_space<semaphore_mem>>)
      } else {
      }
      %mul3A_802 = arith.constant 2 : i32
      %mul3A_803 = arith.muli %scan3A_712, %mul3A_802 : i32
      %add3A_804 = arith.constant 1 : i32
      %add3A_805 = arith.addi %mul3A_803, %add3A_804 : i32
      %dma_wait3A_806 = arith.constant 0 : i32
      %dma_wait3A_807 = tpu.memref_slice %arg19[%dma_wait3A_806] : memref<100352xf32, #tpu.memory_space<vmem_shared>> -> memref<100352xf32, #tpu.memory_space<vmem_shared>>
      tpu.wait_indirect_dma semaphore(%arg26 : memref<!tpu.dma_semaphore, #tpu.memory_space<semaphore_mem>>) src(%dma_wait3A_807 : memref<100352xf32, #tpu.memory_space<vmem_shared>>) dst(%arg17 : memref<2000xf32, #tpu.memory_space<vmem>>)
      %add3A_808 = arith.constant 1 : i32
      %add3A_809 = arith.addi %add3A_805, %add3A_808 : i32
      %lt3A_810 = arith.constant 100 : i32
      %lt3A_811 = arith.cmpi slt, %add3A_809, %lt3A_810 : i32
      %convert_element_type3A_812 = arith.extui %lt3A_811 : i1 to i32
      %cond3A_813 = arith.constant 0 : i32
      %cond3A_814 = arith.cmpi ne, %convert_element_type3A_812, %cond3A_813 : i32
      scf.if %cond3A_814 {
        %add3A_897 = arith.constant 1 : i32
        %add3A_898 = arith.addi %add3A_805, %add3A_897 : i32
        %mul3A_899 = arith.constant 2000 : i32
        %mul3A_900 = arith.muli %add3A_898, %mul3A_899 : i32
        %add3A_901 = arith.addi %mul3A_2, %mul3A_900 : i32
        %dma_wait3A_902 = tpu.memref_slice %arg2[%add3A_901] : memref<6400000xi32, #tpu.memory_space<hbm>> -> memref<2000xi32, #tpu.memory_space<hbm>>
        %dma_wait3A_903 = tpu.memref_slice %arg2[%add3A_901] : memref<6400000xi32, #tpu.memory_space<hbm>> -> memref<2000xi32, #tpu.memory_space<hbm>>
        tpu.wait_dma2 semaphore(%arg21 : memref<!tpu.dma_semaphore, #tpu.memory_space<semaphore_mem>>) src(%dma_wait3A_903 : memref<2000xi32, #tpu.memory_space<hbm>>) dst(%arg12 : memref<2000xi32, #tpu.memory_space<vmem>>)
        %dma_start3A_904 = arith.constant 0 : i32
        %dma_start3A_905 = tpu.memref_slice %arg19[%dma_start3A_904] : memref<100352xf32, #tpu.memory_space<vmem_shared>> -> memref<100352xf32, #tpu.memory_space<vmem_shared>>
        tpu.enqueue_indirect_dma source(%dma_start3A_905 : memref<100352xf32, #tpu.memory_space<vmem_shared>>) target(%arg16 : memref<2000xf32, #tpu.memory_space<vmem>>) offsets(%arg12 : memref<2000xi32, #tpu.memory_space<vmem>>) semaphore(%arg25 : memref<!tpu.dma_semaphore, #tpu.memory_space<semaphore_mem>>)
      } else {
      }
      %add3A_815 = arith.constant 2 : i32
      %add3A_816 = arith.addi %add3A_805, %add3A_815 : i32
      %lt3A_817 = arith.constant 100 : i32
      %lt3A_818 = arith.cmpi slt, %add3A_816, %lt3A_817 : i32
      %convert_element_type3A_819 = arith.extui %lt3A_818 : i1 to i32
      %cond3A_820 = arith.constant 0 : i32
      %cond3A_821 = arith.cmpi ne, %convert_element_type3A_819, %cond3A_820 : i32
      scf.if %cond3A_821 {
        %add3A_897 = arith.constant 2 : i32
        %add3A_898 = arith.addi %add3A_805, %add3A_897 : i32
        %mul3A_899 = arith.constant 2000 : i32
        %mul3A_900 = arith.muli %add3A_898, %mul3A_899 : i32
        %add3A_901 = arith.addi %mul3A_2, %mul3A_900 : i32
        %dma_start3A_902 = tpu.memref_slice %arg2[%add3A_901] : memref<6400000xi32, #tpu.memory_space<hbm>> -> memref<2000xi32, #tpu.memory_space<hbm>>
        %dma_start3A_903 = tpu.memref_slice %arg2[%add3A_901] : memref<6400000xi32, #tpu.memory_space<hbm>> -> memref<2000xi32, #tpu.memory_space<hbm>>
        tpu.enqueue_dma source(%dma_start3A_903 : memref<2000xi32, #tpu.memory_space<hbm>>) target(%arg13 : memref<2000xi32, #tpu.memory_space<vmem>>) target_semaphore(%arg22 : memref<!tpu.dma_semaphore, #tpu.memory_space<semaphore_mem>>)
      } else {
      }
      %mul3A_822 = arith.constant 2000 : i32
      %mul3A_823 = arith.muli %add3A_805, %mul3A_822 : i32
      %add3A_824 = arith.addi %mul3A_2, %mul3A_823 : i32
      %dma_wait3A_825 = tpu.memref_slice %arg3[%add3A_824] : memref<6400000xi32, #tpu.memory_space<hbm>> -> memref<2000xi32, #tpu.memory_space<hbm>>
      %dma_wait3A_826 = tpu.memref_slice %arg3[%add3A_824] : memref<6400000xi32, #tpu.memory_space<hbm>> -> memref<2000xi32, #tpu.memory_space<hbm>>
      tpu.wait_dma2 semaphore(%arg24 : memref<!tpu.dma_semaphore, #tpu.memory_space<semaphore_mem>>) src(%dma_wait3A_826 : memref<2000xi32, #tpu.memory_space<hbm>>) dst(%arg15 : memref<2000xi32, #tpu.memory_space<vmem>>)
      %scan3A_827 = arith.constant 0 : i32
      %scan3A_828 = arith.constant 0 : i32
      %scan3A_829 = arith.constant 120 : i32
      %scan3A_830 = arith.addi %scan3A_828, %scan3A_829 : i32
      %scan3A_831 = arith.constant 10 : i32
      %scan3A_832 = scf.for %scan3A_897 = %scan3A_828 to %scan3A_830 step %scan3A_831 iter_args(%scan3A_898 = %scan3A_827) -> (i32)  : i32 {
        %mul3A_899 = arith.constant 16 : i32
        %mul3A_900 = arith.muli %scan3A_897, %mul3A_899 : i32
        %get3A_901 = arith.index_cast %mul3A_900 : i32 to index
        %get3A_902 = tpu.vector_load %arg15[%get3A_901] {strides = array<i32>} : memref<2000xi32, #tpu.memory_space<vmem>>, vector<16xi32>,
        %get3A_903 = arith.index_cast %mul3A_900 : i32 to index
        %get3A_904 = tpu.vector_load %arg17[%get3A_903] {strides = array<i32>} : memref<2000xf32, #tpu.memory_space<vmem>>, vector<16xf32>,
        %shift_right_logical3A_905 = arith.shrui %get3A_902, %broadcast_in_dim3A_3 : vector<16xi32>
        %and3A_906 = arith.andi %get3A_902, %broadcast_in_dim3A_5 : vector<16xi32>
        tpu.vector_store_idx %arg11[%shift_right_logical3A_905, %and3A_906], %get3A_904 {add = true} : memref<3136x32xf32, #tpu.memory_space<vmem>>[vector<16xi32>, vector<16xi32>], vector<16xf32>,
        %scan3A_907 = arith.constant 0 : i32
        %scan3A_908 = arith.constant 1 : i32
        %scan3A_909 = arith.addi %scan3A_897, %scan3A_908 : i32
        %mul3A_910 = arith.constant 16 : i32
        %mul3A_911 = arith.muli %scan3A_909, %mul3A_910 : i32
        %get3A_912 = arith.index_cast %mul3A_911 : i32 to index
        %get3A_913 = tpu.vector_load %arg15[%get3A_912] {strides = array<i32>} : memref<2000xi32, #tpu.memory_space<vmem>>, vector<16xi32>,
        %get3A_914 = arith.index_cast %mul3A_911 : i32 to index
        %get3A_915 = tpu.vector_load %arg17[%get3A_914] {strides = array<i32>} : memref<2000xf32, #tpu.memory_space<vmem>>, vector<16xf32>,
        %shift_right_logical3A_916 = arith.shrui %get3A_913, %broadcast_in_dim3A_3 : vector<16xi32>
        %and3A_917 = arith.andi %get3A_913, %broadcast_in_dim3A_5 : vector<16xi32>
        tpu.vector_store_idx %arg11[%shift_right_logical3A_916, %and3A_917], %get3A_915 {add = true} : memref<3136x32xf32, #tpu.memory_space<vmem>>[vector<16xi32>, vector<16xi32>], vector<16xf32>,
        %scan3A_918 = arith.constant 0 : i32
        %scan3A_919 = arith.constant 2 : i32
        %scan3A_920 = arith.addi %scan3A_897, %scan3A_919 : i32
        %mul3A_921 = arith.constant 16 : i32
        %mul3A_922 = arith.muli %scan3A_920, %mul3A_921 : i32
        %get3A_923 = arith.index_cast %mul3A_922 : i32 to index
        %get3A_924 = tpu.vector_load %arg15[%get3A_923] {strides = array<i32>} : memref<2000xi32, #tpu.memory_space<vmem>>, vector<16xi32>,
        %get3A_925 = arith.index_cast %mul3A_922 : i32 to index
        %get3A_926 = tpu.vector_load %arg17[%get3A_925] {strides = array<i32>} : memref<2000xf32, #tpu.memory_space<vmem>>, vector<16xf32>,
        %shift_right_logical3A_927 = arith.shrui %get3A_924, %broadcast_in_dim3A_3 : vector<16xi32>
        %and3A_928 = arith.andi %get3A_924, %broadcast_in_dim3A_5 : vector<16xi32>
        tpu.vector_store_idx %arg11[%shift_right_logical3A_927, %and3A_928], %get3A_926 {add = true} : memref<3136x32xf32, #tpu.memory_space<vmem>>[vector<16xi32>, vector<16xi32>], vector<16xf32>,
        %scan3A_929 = arith.constant 0 : i32
        %scan3A_930 = arith.constant 3 : i32
        %scan3A_931 = arith.addi %scan3A_897, %scan3A_930 : i32
        %mul3A_932 = arith.constant 16 : i32
        %mul3A_933 = arith.muli %scan3A_931, %mul3A_932 : i32
        %get3A_934 = arith.index_cast %mul3A_933 : i32 to index
        %get3A_935 = tpu.vector_load %arg15[%get3A_934] {strides = array<i32>} : memref<2000xi32, #tpu.memory_space<vmem>>, vector<16xi32>,
        %get3A_936 = arith.index_cast %mul3A_933 : i32 to index
        %get3A_937 = tpu.vector_load %arg17[%get3A_936] {strides = array<i32>} : memref<2000xf32, #tpu.memory_space<vmem>>, vector<16xf32>,
        %shift_right_logical3A_938 = arith.shrui %get3A_935, %broadcast_in_dim3A_3 : vector<16xi32>
        %and3A_939 = arith.andi %get3A_935, %broadcast_in_dim3A_5 : vector<16xi32>
        tpu.vector_store_idx %arg11[%shift_right_logical3A_938, %and3A_939], %get3A_937 {add = true} : memref<3136x32xf32, #tpu.memory_space<vmem>>[vector<16xi32>, vector<16xi32>], vector<16xf32>,
        %scan3A_940 = arith.constant 0 : i32
        %scan3A_941 = arith.constant 4 : i32
        %scan3A_942 = arith.addi %scan3A_897, %scan3A_941 : i32
        %mul3A_943 = arith.constant 16 : i32
        %mul3A_944 = arith.muli %scan3A_942, %mul3A_943 : i32
        %get3A_945 = arith.index_cast %mul3A_944 : i32 to index
        %get3A_946 = tpu.vector_load %arg15[%get3A_945] {strides = array<i32>} : memref<2000xi32, #tpu.memory_space<vmem>>, vector<16xi32>,
        %get3A_947 = arith.index_cast %mul3A_944 : i32 to index
        %get3A_948 = tpu.vector_load %arg17[%get3A_947] {strides = array<i32>} : memref<2000xf32, #tpu.memory_space<vmem>>, vector<16xf32>,
        %shift_right_logical3A_949 = arith.shrui %get3A_946, %broadcast_in_dim3A_3 : vector<16xi32>
        %and3A_950 = arith.andi %get3A_946, %broadcast_in_dim3A_5 : vector<16xi32>
        tpu.vector_store_idx %arg11[%shift_right_logical3A_949, %and3A_950], %get3A_948 {add = true} : memref<3136x32xf32, #tpu.memory_space<vmem>>[vector<16xi32>, vector<16xi32>], vector<16xf32>,
        %scan3A_951 = arith.constant 0 : i32
        %scan3A_952 = arith.constant 5 : i32
        %scan3A_953 = arith.addi %scan3A_897, %scan3A_952 : i32
        %mul3A_954 = arith.constant 16 : i32
        %mul3A_955 = arith.muli %scan3A_953, %mul3A_954 : i32
        %get3A_956 = arith.index_cast %mul3A_955 : i32 to index
        %get3A_957 = tpu.vector_load %arg15[%get3A_956] {strides = array<i32>} : memref<2000xi32, #tpu.memory_space<vmem>>, vector<16xi32>,
        %get3A_958 = arith.index_cast %mul3A_955 : i32 to index
        %get3A_959 = tpu.vector_load %arg17[%get3A_958] {strides = array<i32>} : memref<2000xf32, #tpu.memory_space<vmem>>, vector<16xf32>,
        %shift_right_logical3A_960 = arith.shrui %get3A_957, %broadcast_in_dim3A_3 : vector<16xi32>
        %and3A_961 = arith.andi %get3A_957, %broadcast_in_dim3A_5 : vector<16xi32>
        tpu.vector_store_idx %arg11[%shift_right_logical3A_960, %and3A_961], %get3A_959 {add = true} : memref<3136x32xf32, #tpu.memory_space<vmem>>[vector<16xi32>, vector<16xi32>], vector<16xf32>,
        %scan3A_962 = arith.constant 0 : i32
        %scan3A_963 = arith.constant 6 : i32
        %scan3A_964 = arith.addi %scan3A_897, %scan3A_963 : i32
        %mul3A_965 = arith.constant 16 : i32
        %mul3A_966 = arith.muli %scan3A_964, %mul3A_965 : i32
        %get3A_967 = arith.index_cast %mul3A_966 : i32 to index
        %get3A_968 = tpu.vector_load %arg15[%get3A_967] {strides = array<i32>} : memref<2000xi32, #tpu.memory_space<vmem>>, vector<16xi32>,
        %get3A_969 = arith.index_cast %mul3A_966 : i32 to index
        %get3A_970 = tpu.vector_load %arg17[%get3A_969] {strides = array<i32>} : memref<2000xf32, #tpu.memory_space<vmem>>, vector<16xf32>,
        %shift_right_logical3A_971 = arith.shrui %get3A_968, %broadcast_in_dim3A_3 : vector<16xi32>
        %and3A_972 = arith.andi %get3A_968, %broadcast_in_dim3A_5 : vector<16xi32>
        tpu.vector_store_idx %arg11[%shift_right_logical3A_971, %and3A_972], %get3A_970 {add = true} : memref<3136x32xf32, #tpu.memory_space<vmem>>[vector<16xi32>, vector<16xi32>], vector<16xf32>,
        %scan3A_973 = arith.constant 0 : i32
        %scan3A_974 = arith.constant 7 : i32
        %scan3A_975 = arith.addi %scan3A_897, %scan3A_974 : i32
        %mul3A_976 = arith.constant 16 : i32
        %mul3A_977 = arith.muli %scan3A_975, %mul3A_976 : i32
        %get3A_978 = arith.index_cast %mul3A_977 : i32 to index
        %get3A_979 = tpu.vector_load %arg15[%get3A_978] {strides = array<i32>} : memref<2000xi32, #tpu.memory_space<vmem>>, vector<16xi32>,
        %get3A_980 = arith.index_cast %mul3A_977 : i32 to index
        %get3A_981 = tpu.vector_load %arg17[%get3A_980] {strides = array<i32>} : memref<2000xf32, #tpu.memory_space<vmem>>, vector<16xf32>,
        %shift_right_logical3A_982 = arith.shrui %get3A_979, %broadcast_in_dim3A_3 : vector<16xi32>
        %and3A_983 = arith.andi %get3A_979, %broadcast_in_dim3A_5 : vector<16xi32>
        tpu.vector_store_idx %arg11[%shift_right_logical3A_982, %and3A_983], %get3A_981 {add = true} : memref<3136x32xf32, #tpu.memory_space<vmem>>[vector<16xi32>, vector<16xi32>], vector<16xf32>,
        %scan3A_984 = arith.constant 0 : i32
        %scan3A_985 = arith.constant 8 : i32
        %scan3A_986 = arith.addi %scan3A_897, %scan3A_985 : i32
        %mul3A_987 = arith.constant 16 : i32
        %mul3A_988 = arith.muli %scan3A_986, %mul3A_987 : i32
        %get3A_989 = arith.index_cast %mul3A_988 : i32 to index
        %get3A_990 = tpu.vector_load %arg15[%get3A_989] {strides = array<i32>} : memref<2000xi32, #tpu.memory_space<vmem>>, vector<16xi32>,
        %get3A_991 = arith.index_cast %mul3A_988 : i32 to index
        %get3A_992 = tpu.vector_load %arg17[%get3A_991] {strides = array<i32>} : memref<2000xf32, #tpu.memory_space<vmem>>, vector<16xf32>,
        %shift_right_logical3A_993 = arith.shrui %get3A_990, %broadcast_in_dim3A_3 : vector<16xi32>
        %and3A_994 = arith.andi %get3A_990, %broadcast_in_dim3A_5 : vector<16xi32>
        tpu.vector_store_idx %arg11[%shift_right_logical3A_993, %and3A_994], %get3A_992 {add = true} : memref<3136x32xf32, #tpu.memory_space<vmem>>[vector<16xi32>, vector<16xi32>], vector<16xf32>,
        %scan3A_995 = arith.constant 0 : i32
        %scan3A_996 = arith.constant 9 : i32
        %scan3A_997 = arith.addi %scan3A_897, %scan3A_996 : i32
        %mul3A_998 = arith.constant 16 : i32
        %mul3A_999 = arith.muli %scan3A_997, %mul3A_998 : i32
        %get3A_1000 = arith.index_cast %mul3A_999 : i32 to index
        %get3A_1001 = tpu.vector_load %arg15[%get3A_1000] {strides = array<i32>} : memref<2000xi32, #tpu.memory_space<vmem>>, vector<16xi32>,
        %get3A_1002 = arith.index_cast %mul3A_999 : i32 to index
        %get3A_1003 = tpu.vector_load %arg17[%get3A_1002] {strides = array<i32>} : memref<2000xf32, #tpu.memory_space<vmem>>, vector<16xf32>,
        %shift_right_logical3A_1004 = arith.shrui %get3A_1001, %broadcast_in_dim3A_3 : vector<16xi32>
        %and3A_1005 = arith.andi %get3A_1001, %broadcast_in_dim3A_5 : vector<16xi32>
        tpu.vector_store_idx %arg11[%shift_right_logical3A_1004, %and3A_1005], %get3A_1003 {add = true} : memref<3136x32xf32, #tpu.memory_space<vmem>>[vector<16xi32>, vector<16xi32>], vector<16xf32>,
        %scan3A_1006 = arith.constant 0 : i32
        scf.yield %scan3A_1006 : i32
      }
      %scan3A_833 = arith.constant 120 : i32
      %scan3A_834 = arith.addi %scan3A_828, %scan3A_833 : i32
      %mul3A_835 = arith.constant 16 : i32
      %mul3A_836 = arith.muli %scan3A_834, %mul3A_835 : i32
      %get3A_837 = arith.index_cast %mul3A_836 : i32 to index
      %get3A_838 = tpu.vector_load %arg15[%get3A_837] {strides = array<i32>} : memref<2000xi32, #tpu.memory_space<vmem>>, vector<16xi32>,
      %get3A_839 = arith.index_cast %mul3A_836 : i32 to index
      %get3A_840 = tpu.vector_load %arg17[%get3A_839] {strides = array<i32>} : memref<2000xf32, #tpu.memory_space<vmem>>, vector<16xf32>,
      %shift_right_logical3A_841 = arith.shrui %get3A_838, %broadcast_in_dim3A_3 : vector<16xi32>
      %and3A_842 = arith.andi %get3A_838, %broadcast_in_dim3A_5 : vector<16xi32>
      tpu.vector_store_idx %arg11[%shift_right_logical3A_841, %and3A_842], %get3A_840 {add = true} : memref<3136x32xf32, #tpu.memory_space<vmem>>[vector<16xi32>, vector<16xi32>], vector<16xf32>,
      %scan3A_843 = arith.constant 0 : i32
      %scan3A_844 = arith.constant 121 : i32
      %scan3A_845 = arith.addi %scan3A_828, %scan3A_844 : i32
      %mul3A_846 = arith.constant 16 : i32
      %mul3A_847 = arith.muli %scan3A_845, %mul3A_846 : i32
      %get3A_848 = arith.index_cast %mul3A_847 : i32 to index
      %get3A_849 = tpu.vector_load %arg15[%get3A_848] {strides = array<i32>} : memref<2000xi32, #tpu.memory_space<vmem>>, vector<16xi32>,
      %get3A_850 = arith.index_cast %mul3A_847 : i32 to index
      %get3A_851 = tpu.vector_load %arg17[%get3A_850] {strides = array<i32>} : memref<2000xf32, #tpu.memory_space<vmem>>, vector<16xf32>,
      %shift_right_logical3A_852 = arith.shrui %get3A_849, %broadcast_in_dim3A_3 : vector<16xi32>
      %and3A_853 = arith.andi %get3A_849, %broadcast_in_dim3A_5 : vector<16xi32>
      tpu.vector_store_idx %arg11[%shift_right_logical3A_852, %and3A_853], %get3A_851 {add = true} : memref<3136x32xf32, #tpu.memory_space<vmem>>[vector<16xi32>, vector<16xi32>], vector<16xf32>,
      %scan3A_854 = arith.constant 0 : i32
      %scan3A_855 = arith.constant 122 : i32
      %scan3A_856 = arith.addi %scan3A_828, %scan3A_855 : i32
      %mul3A_857 = arith.constant 16 : i32
      %mul3A_858 = arith.muli %scan3A_856, %mul3A_857 : i32
      %get3A_859 = arith.index_cast %mul3A_858 : i32 to index
      %get3A_860 = tpu.vector_load %arg15[%get3A_859] {strides = array<i32>} : memref<2000xi32, #tpu.memory_space<vmem>>, vector<16xi32>,
      %get3A_861 = arith.index_cast %mul3A_858 : i32 to index
      %get3A_862 = tpu.vector_load %arg17[%get3A_861] {strides = array<i32>} : memref<2000xf32, #tpu.memory_space<vmem>>, vector<16xf32>,
      %shift_right_logical3A_863 = arith.shrui %get3A_860, %broadcast_in_dim3A_3 : vector<16xi32>
      %and3A_864 = arith.andi %get3A_860, %broadcast_in_dim3A_5 : vector<16xi32>
      tpu.vector_store_idx %arg11[%shift_right_logical3A_863, %and3A_864], %get3A_862 {add = true} : memref<3136x32xf32, #tpu.memory_space<vmem>>[vector<16xi32>, vector<16xi32>], vector<16xf32>,
      %scan3A_865 = arith.constant 0 : i32
      %scan3A_866 = arith.constant 123 : i32
      %scan3A_867 = arith.addi %scan3A_828, %scan3A_866 : i32
      %mul3A_868 = arith.constant 16 : i32
      %mul3A_869 = arith.muli %scan3A_867, %mul3A_868 : i32
      %get3A_870 = arith.index_cast %mul3A_869 : i32 to index
      %get3A_871 = tpu.vector_load %arg15[%get3A_870] {strides = array<i32>} : memref<2000xi32, #tpu.memory_space<vmem>>, vector<16xi32>,
      %get3A_872 = arith.index_cast %mul3A_869 : i32 to index
      %get3A_873 = tpu.vector_load %arg17[%get3A_872] {strides = array<i32>} : memref<2000xf32, #tpu.memory_space<vmem>>, vector<16xf32>,
      %shift_right_logical3A_874 = arith.shrui %get3A_871, %broadcast_in_dim3A_3 : vector<16xi32>
      %and3A_875 = arith.andi %get3A_871, %broadcast_in_dim3A_5 : vector<16xi32>
      tpu.vector_store_idx %arg11[%shift_right_logical3A_874, %and3A_875], %get3A_873 {add = true} : memref<3136x32xf32, #tpu.memory_space<vmem>>[vector<16xi32>, vector<16xi32>], vector<16xf32>,
      %scan3A_876 = arith.constant 0 : i32
      %scan3A_877 = arith.constant 124 : i32
      %scan3A_878 = arith.addi %scan3A_828, %scan3A_877 : i32
      %mul3A_879 = arith.constant 16 : i32
      %mul3A_880 = arith.muli %scan3A_878, %mul3A_879 : i32
      %get3A_881 = arith.index_cast %mul3A_880 : i32 to index
      %get3A_882 = tpu.vector_load %arg15[%get3A_881] {strides = array<i32>} : memref<2000xi32, #tpu.memory_space<vmem>>, vector<16xi32>,
      %get3A_883 = arith.index_cast %mul3A_880 : i32 to index
      %get3A_884 = tpu.vector_load %arg17[%get3A_883] {strides = array<i32>} : memref<2000xf32, #tpu.memory_space<vmem>>, vector<16xf32>,
      %shift_right_logical3A_885 = arith.shrui %get3A_882, %broadcast_in_dim3A_3 : vector<16xi32>
      %and3A_886 = arith.andi %get3A_882, %broadcast_in_dim3A_5 : vector<16xi32>
      tpu.vector_store_idx %arg11[%shift_right_logical3A_885, %and3A_886], %get3A_884 {add = true} : memref<3136x32xf32, #tpu.memory_space<vmem>>[vector<16xi32>, vector<16xi32>], vector<16xf32>,
      %scan3A_887 = arith.constant 0 : i32
      %scan3A_888 = arith.constant 125 : i32
      %add3A_889 = arith.constant 2 : i32
      %add3A_890 = arith.addi %add3A_805, %add3A_889 : i32
      %lt3A_891 = arith.constant 100 : i32
      %lt3A_892 = arith.cmpi slt, %add3A_890, %lt3A_891 : i32
      %convert_element_type3A_893 = arith.extui %lt3A_892 : i1 to i32
      %cond3A_894 = arith.constant 0 : i32
      %cond3A_895 = arith.cmpi ne, %convert_element_type3A_893, %cond3A_894 : i32
      scf.if %cond3A_895 {
        %add3A_897 = arith.constant 2 : i32
        %add3A_898 = arith.addi %add3A_805, %add3A_897 : i32
        %mul3A_899 = arith.constant 2000 : i32
        %mul3A_900 = arith.muli %add3A_898, %mul3A_899 : i32
        %add3A_901 = arith.addi %mul3A_2, %mul3A_900 : i32
        %dma_start3A_902 = tpu.memref_slice %arg3[%add3A_901] : memref<6400000xi32, #tpu.memory_space<hbm>> -> memref<2000xi32, #tpu.memory_space<hbm>>
        %dma_start3A_903 = tpu.memref_slice %arg3[%add3A_901] : memref<6400000xi32, #tpu.memory_space<hbm>> -> memref<2000xi32, #tpu.memory_space<hbm>>
        tpu.enqueue_dma source(%dma_start3A_903 : memref<2000xi32, #tpu.memory_space<hbm>>) target(%arg15 : memref<2000xi32, #tpu.memory_space<vmem>>) target_semaphore(%arg24 : memref<!tpu.dma_semaphore, #tpu.memory_space<semaphore_mem>>)
      } else {
      }
      %scan3A_896 = arith.constant 0 : i32
      scf.yield %scan3A_896 : i32
    }
    %scan3A_39 = arith.constant 50 : i32
    %barrier3A_40 = arith.constant 0 : index
    tpu.barrier barrier_id(%barrier3A_40)
    %add3A_41 = arith.constant 0 : i32
    %add3A_42 = arith.addi %arg1, %add3A_41 : i32
    %ge3A = arith.constant 16 : i32
    %ge3A_43 = arith.cmpi sge, %add3A_42, %ge3A : i32
    %sub3A = arith.constant 16 : i32
    %sub3A_44 = arith.subi %add3A_42, %sub3A : i32
    %select_n3A = arith.select %ge3A_43, %sub3A_44, %add3A_42 : i32
    %mul3A_45 = arith.constant 196 : i32
    %mul3A_46 = arith.muli %select_n3A, %mul3A_45 : i32
    "tpu.region"() ({
      %run_scoped3A = tpu.sem_alloc : memref<!tpu.dma_semaphore, #tpu.memory_space<semaphore_mem>>
      %dma_start3A_712 = arith.constant 0 : i32
      %dma_start3A_713 = tpu.memref_slice %arg11[%mul3A_46, %dma_start3A_712] : memref<3136x32xf32, #tpu.memory_space<vmem>> -> memref<196x32xf32, #tpu.memory_space<vmem>>
      %dma_start3A_714 = arith.constant 0 : i32
      %dma_start3A_715 = tpu.memref_slice %arg18[%select_n3A, %dma_start3A_714] : memref<16x196xi32, #tpu.memory_space<vmem>> -> memref<1x196xi32, #tpu.memory_space<vmem>>
      %dma_start3A_716 = tpu.memref_squeeze %dma_start3A_715 : memref<1x196xi32, #tpu.memory_space<vmem>> -> memref<196xi32, #tpu.memory_space<vmem>>
      %dma_start3A_717 = arith.constant 0 : i32
      %dma_start3A_718 = arith.constant 0 : i32
      %dma_start3A_719 = tpu.memref_slice %arg20[%dma_start3A_717, %dma_start3A_718] : memref<3136x32xf32, #tpu.memory_space<vmem_shared>> -> memref<3136x32xf32, #tpu.memory_space<vmem_shared>>
      tpu.enqueue_indirect_dma source(%dma_start3A_713 : memref<196x32xf32, #tpu.memory_space<vmem>>) target(%dma_start3A_719 : memref<3136x32xf32, #tpu.memory_space<vmem_shared>>) offsets(%dma_start3A_716 : memref<196xi32, #tpu.memory_space<vmem>>) semaphore(%run_scoped3A : memref<!tpu.dma_semaphore, #tpu.memory_space<semaphore_mem>>) {add = true}
      %dma_wait3A_720 = arith.constant 0 : i32
      %dma_wait3A_721 = tpu.memref_slice %arg11[%mul3A_46, %dma_wait3A_720] : memref<3136x32xf32, #tpu.memory_space<vmem>> -> memref<196x32xf32, #tpu.memory_space<vmem>>
      %dma_wait3A_722 = arith.constant 0 : i32
      %dma_wait3A_723 = tpu.memref_slice %arg18[%select_n3A, %dma_wait3A_722] : memref<16x196xi32, #tpu.memory_space<vmem>> -> memref<1x196xi32, #tpu.memory_space<vmem>>
      %dma_wait3A_724 = tpu.memref_squeeze %dma_wait3A_723 : memref<1x196xi32, #tpu.memory_space<vmem>> -> memref<196xi32, #tpu.memory_space<vmem>>
      %dma_wait3A_725 = arith.constant 0 : i32
      %dma_wait3A_726 = arith.constant 0 : i32
      %dma_wait3A_727 = tpu.memref_slice %arg20[%dma_wait3A_725, %dma_wait3A_726] : memref<3136x32xf32, #tpu.memory_space<vmem_shared>> -> memref<3136x32xf32, #tpu.memory_space<vmem_shared>>
      tpu.wait_indirect_dma semaphore(%run_scoped3A : memref<!tpu.dma_semaphore, #tpu.memory_space<semaphore_mem>>) src(%dma_wait3A_721 : memref<196x32xf32, #tpu.memory_space<vmem>>) dst(%dma_wait3A_727 : memref<3136x32xf32, #tpu.memory_space<vmem_shared>>)
      tpu.yield
    }) : () -> ()
    %add3A_47 = arith.constant 1 : i32
    %add3A_48 = arith.addi %arg1, %add3A_47 : i32
    %ge3A_49 = arith.constant 16 : i32
    %ge3A_50 = arith.cmpi sge, %add3A_48, %ge3A_49 : i32
    %sub3A_51 = arith.constant 16 : i32
    %sub3A_52 = arith.subi %add3A_48, %sub3A_51 : i32
    %select_n3A_53 = arith.select %ge3A_50, %sub3A_52, %add3A_48 : i32
    %mul3A_54 = arith.constant 196 : i32
    %mul3A_55 = arith.muli %select_n3A_53, %mul3A_54 : i32
    "tpu.region"() ({
      %run_scoped3A = tpu.sem_alloc : memref<!tpu.dma_semaphore, #tpu.memory_space<semaphore_mem>>
      %dma_start3A_712 = arith.constant 0 : i32
      %dma_start3A_713 = tpu.memref_slice %arg11[%mul3A_55, %dma_start3A_712] : memref<3136x32xf32, #tpu.memory_space<vmem>> -> memref<196x32xf32, #tpu.memory_space<vmem>>
      %dma_start3A_714 = arith.constant 0 : i32
      %dma_start3A_715 = tpu.memref_slice %arg18[%select_n3A_53, %dma_start3A_714] : memref<16x196xi32, #tpu.memory_space<vmem>> -> memref<1x196xi32, #tpu.memory_space<vmem>>
      %dma_start3A_716 = tpu.memref_squeeze %dma_start3A_715 : memref<1x196xi32, #tpu.memory_space<vmem>> -> memref<196xi32, #tpu.memory_space<vmem>>
      %dma_start3A_717 = arith.constant 0 : i32
      %dma_start3A_718 = arith.constant 0 : i32
      %dma_start3A_719 = tpu.memref_slice %arg20[%dma_start3A_717, %dma_start3A_718] : memref<3136x32xf32, #tpu.memory_space<vmem_shared>> -> memref<3136x32xf32, #tpu.memory_space<vmem_shared>>
      tpu.enqueue_indirect_dma source(%dma_start3A_713 : memref<196x32xf32, #tpu.memory_space<vmem>>) target(%dma_start3A_719 : memref<3136x32xf32, #tpu.memory_space<vmem_shared>>) offsets(%dma_start3A_716 : memref<196xi32, #tpu.memory_space<vmem>>) semaphore(%run_scoped3A : memref<!tpu.dma_semaphore, #tpu.memory_space<semaphore_mem>>) {add = true}
      %dma_wait3A_720 = arith.constant 0 : i32
      %dma_wait3A_721 = tpu.memref_slice %arg11[%mul3A_55, %dma_wait3A_720] : memref<3136x32xf32, #tpu.memory_space<vmem>> -> memref<196x32xf32, #tpu.memory_space<vmem>>
      %dma_wait3A_722 = arith.constant 0 : i32
      %dma_wait3A_723 = tpu.memref_slice %arg18[%select_n3A_53, %dma_wait3A_722] : memref<16x196xi32, #tpu.memory_space<vmem>> -> memref<1x196xi32, #tpu.memory_space<vmem>>
      %dma_wait3A_724 = tpu.memref_squeeze %dma_wait3A_723 : memref<1x196xi32, #tpu.memory_space<vmem>> -> memref<196xi32, #tpu.memory_space<vmem>>
      %dma_wait3A_725 = arith.constant 0 : i32
      %dma_wait3A_726 = arith.constant 0 : i32
      %dma_wait3A_727 = tpu.memref_slice %arg20[%dma_wait3A_725, %dma_wait3A_726] : memref<3136x32xf32, #tpu.memory_space<vmem_shared>> -> memref<3136x32xf32, #tpu.memory_space<vmem_shared>>
      tpu.wait_indirect_dma semaphore(%run_scoped3A : memref<!tpu.dma_semaphore, #tpu.memory_space<semaphore_mem>>) src(%dma_wait3A_721 : memref<196x32xf32, #tpu.memory_space<vmem>>) dst(%dma_wait3A_727 : memref<3136x32xf32, #tpu.memory_space<vmem_shared>>)
      tpu.yield
    }) : () -> ()
    %add3A_56 = arith.constant 2 : i32
    %add3A_57 = arith.addi %arg1, %add3A_56 : i32
    %ge3A_58 = arith.constant 16 : i32
    %ge3A_59 = arith.cmpi sge, %add3A_57, %ge3A_58 : i32
    %sub3A_60 = arith.constant 16 : i32
    %sub3A_61 = arith.subi %add3A_57, %sub3A_60 : i32
    %select_n3A_62 = arith.select %ge3A_59, %sub3A_61, %add3A_57 : i32
    %mul3A_63 = arith.constant 196 : i32
    %mul3A_64 = arith.muli %select_n3A_62, %mul3A_63 : i32
    "tpu.region"() ({
      %run_scoped3A = tpu.sem_alloc : memref<!tpu.dma_semaphore, #tpu.memory_space<semaphore_mem>>
      %dma_start3A_712 = arith.constant 0 : i32
      %dma_start3A_713 = tpu.memref_slice %arg11[%mul3A_64, %dma_start3A_712] : memref<3136x32xf32, #tpu.memory_space<vmem>> -> memref<196x32xf32, #tpu.memory_space<vmem>>
      %dma_start3A_714 = arith.constant 0 : i32
      %dma_start3A_715 = tpu.memref_slice %arg18[%select_n3A_62, %dma_start3A_714] : memref<16x196xi32, #tpu.memory_space<vmem>> -> memref<1x196xi32, #tpu.memory_space<vmem>>
      %dma_start3A_716 = tpu.memref_squeeze %dma_start3A_715 : memref<1x196xi32, #tpu.memory_space<vmem>> -> memref<196xi32, #tpu.memory_space<vmem>>
      %dma_start3A_717 = arith.constant 0 : i32
      %dma_start3A_718 = arith.constant 0 : i32
      %dma_start3A_719 = tpu.memref_slice %arg20[%dma_start3A_717, %dma_start3A_718] : memref<3136x32xf32, #tpu.memory_space<vmem_shared>> -> memref<3136x32xf32, #tpu.memory_space<vmem_shared>>
      tpu.enqueue_indirect_dma source(%dma_start3A_713 : memref<196x32xf32, #tpu.memory_space<vmem>>) target(%dma_start3A_719 : memref<3136x32xf32, #tpu.memory_space<vmem_shared>>) offsets(%dma_start3A_716 : memref<196xi32, #tpu.memory_space<vmem>>) semaphore(%run_scoped3A : memref<!tpu.dma_semaphore, #tpu.memory_space<semaphore_mem>>) {add = true}
      %dma_wait3A_720 = arith.constant 0 : i32
      %dma_wait3A_721 = tpu.memref_slice %arg11[%mul3A_64, %dma_wait3A_720] : memref<3136x32xf32, #tpu.memory_space<vmem>> -> memref<196x32xf32, #tpu.memory_space<vmem>>
      %dma_wait3A_722 = arith.constant 0 : i32
      %dma_wait3A_723 = tpu.memref_slice %arg18[%select_n3A_62, %dma_wait3A_722] : memref<16x196xi32, #tpu.memory_space<vmem>> -> memref<1x196xi32, #tpu.memory_space<vmem>>
      %dma_wait3A_724 = tpu.memref_squeeze %dma_wait3A_723 : memref<1x196xi32, #tpu.memory_space<vmem>> -> memref<196xi32, #tpu.memory_space<vmem>>
      %dma_wait3A_725 = arith.constant 0 : i32
      %dma_wait3A_726 = arith.constant 0 : i32
      %dma_wait3A_727 = tpu.memref_slice %arg20[%dma_wait3A_725, %dma_wait3A_726] : memref<3136x32xf32, #tpu.memory_space<vmem_shared>> -> memref<3136x32xf32, #tpu.memory_space<vmem_shared>>
      tpu.wait_indirect_dma semaphore(%run_scoped3A : memref<!tpu.dma_semaphore, #tpu.memory_space<semaphore_mem>>) src(%dma_wait3A_721 : memref<196x32xf32, #tpu.memory_space<vmem>>) dst(%dma_wait3A_727 : memref<3136x32xf32, #tpu.memory_space<vmem_shared>>)
      tpu.yield
    }) : () -> ()
    %add3A_65 = arith.constant 3 : i32
    %add3A_66 = arith.addi %arg1, %add3A_65 : i32
    %ge3A_67 = arith.constant 16 : i32
    %ge3A_68 = arith.cmpi sge, %add3A_66, %ge3A_67 : i32
    %sub3A_69 = arith.constant 16 : i32
    %sub3A_70 = arith.subi %add3A_66, %sub3A_69 : i32
    %select_n3A_71 = arith.select %ge3A_68, %sub3A_70, %add3A_66 : i32
    %mul3A_72 = arith.constant 196 : i32
    %mul3A_73 = arith.muli %select_n3A_71, %mul3A_72 : i32
    "tpu.region"() ({
      %run_scoped3A = tpu.sem_alloc : memref<!tpu.dma_semaphore, #tpu.memory_space<semaphore_mem>>
      %dma_start3A_712 = arith.constant 0 : i32
      %dma_start3A_713 = tpu.memref_slice %arg11[%mul3A_73, %dma_start3A_712] : memref<3136x32xf32, #tpu.memory_space<vmem>> -> memref<196x32xf32, #tpu.memory_space<vmem>>
      %dma_start3A_714 = arith.constant 0 : i32
      %dma_start3A_715 = tpu.memref_slice %arg18[%select_n3A_71, %dma_start3A_714] : memref<16x196xi32, #tpu.memory_space<vmem>> -> memref<1x196xi32, #tpu.memory_space<vmem>>
      %dma_start3A_716 = tpu.memref_squeeze %dma_start3A_715 : memref<1x196xi32, #tpu.memory_space<vmem>> -> memref<196xi32, #tpu.memory_space<vmem>>
      %dma_start3A_717 = arith.constant 0 : i32
      %dma_start3A_718 = arith.constant 0 : i32
      %dma_start3A_719 = tpu.memref_slice %arg20[%dma_start3A_717, %dma_start3A_718] : memref<3136x32xf32, #tpu.memory_space<vmem_shared>> -> memref<3136x32xf32, #tpu.memory_space<vmem_shared>>
      tpu.enqueue_indirect_dma source(%dma_start3A_713 : memref<196x32xf32, #tpu.memory_space<vmem>>) target(%dma_start3A_719 : memref<3136x32xf32, #tpu.memory_space<vmem_shared>>) offsets(%dma_start3A_716 : memref<196xi32, #tpu.memory_space<vmem>>) semaphore(%run_scoped3A : memref<!tpu.dma_semaphore, #tpu.memory_space<semaphore_mem>>) {add = true}
      %dma_wait3A_720 = arith.constant 0 : i32
      %dma_wait3A_721 = tpu.memref_slice %arg11[%mul3A_73, %dma_wait3A_720] : memref<3136x32xf32, #tpu.memory_space<vmem>> -> memref<196x32xf32, #tpu.memory_space<vmem>>
      %dma_wait3A_722 = arith.constant 0 : i32
      %dma_wait3A_723 = tpu.memref_slice %arg18[%select_n3A_71, %dma_wait3A_722] : memref<16x196xi32, #tpu.memory_space<vmem>> -> memref<1x196xi32, #tpu.memory_space<vmem>>
      %dma_wait3A_724 = tpu.memref_squeeze %dma_wait3A_723 : memref<1x196xi32, #tpu.memory_space<vmem>> -> memref<196xi32, #tpu.memory_space<vmem>>
      %dma_wait3A_725 = arith.constant 0 : i32
      %dma_wait3A_726 = arith.constant 0 : i32
      %dma_wait3A_727 = tpu.memref_slice %arg20[%dma_wait3A_725, %dma_wait3A_726] : memref<3136x32xf32, #tpu.memory_space<vmem_shared>> -> memref<3136x32xf32, #tpu.memory_space<vmem_shared>>
      tpu.wait_indirect_dma semaphore(%run_scoped3A : memref<!tpu.dma_semaphore, #tpu.memory_space<semaphore_mem>>) src(%dma_wait3A_721 : memref<196x32xf32, #tpu.memory_space<vmem>>) dst(%dma_wait3A_727 : memref<3136x32xf32, #tpu.memory_space<vmem_shared>>)
      tpu.yield
    }) : () -> ()
    %add3A_74 = arith.constant 4 : i32
    %add3A_75 = arith.addi %arg1, %add3A_74 : i32
    %ge3A_76 = arith.constant 16 : i32
    %ge3A_77 = arith.cmpi sge, %add3A_75, %ge3A_76 : i32
    %sub3A_78 = arith.constant 16 : i32
    %sub3A_79 = arith.subi %add3A_75, %sub3A_78 : i32
    %select_n3A_80 = arith.select %ge3A_77, %sub3A_79, %add3A_75 : i32
    %mul3A_81 = arith.constant 196 : i32
    %mul3A_82 = arith.muli %select_n3A_80, %mul3A_81 : i32
    "tpu.region"() ({
      %run_scoped3A = tpu.sem_alloc : memref<!tpu.dma_semaphore, #tpu.memory_space<semaphore_mem>>
      %dma_start3A_712 = arith.constant 0 : i32
      %dma_start3A_713 = tpu.memref_slice %arg11[%mul3A_82, %dma_start3A_712] : memref<3136x32xf32, #tpu.memory_space<vmem>> -> memref<196x32xf32, #tpu.memory_space<vmem>>
      %dma_start3A_714 = arith.constant 0 : i32
      %dma_start3A_715 = tpu.memref_slice %arg18[%select_n3A_80, %dma_start3A_714] : memref<16x196xi32, #tpu.memory_space<vmem>> -> memref<1x196xi32, #tpu.memory_space<vmem>>
      %dma_start3A_716 = tpu.memref_squeeze %dma_start3A_715 : memref<1x196xi32, #tpu.memory_space<vmem>> -> memref<196xi32, #tpu.memory_space<vmem>>
      %dma_start3A_717 = arith.constant 0 : i32
      %dma_start3A_718 = arith.constant 0 : i32
      %dma_start3A_719 = tpu.memref_slice %arg20[%dma_start3A_717, %dma_start3A_718] : memref<3136x32xf32, #tpu.memory_space<vmem_shared>> -> memref<3136x32xf32, #tpu.memory_space<vmem_shared>>
      tpu.enqueue_indirect_dma source(%dma_start3A_713 : memref<196x32xf32, #tpu.memory_space<vmem>>) target(%dma_start3A_719 : memref<3136x32xf32, #tpu.memory_space<vmem_shared>>) offsets(%dma_start3A_716 : memref<196xi32, #tpu.memory_space<vmem>>) semaphore(%run_scoped3A : memref<!tpu.dma_semaphore, #tpu.memory_space<semaphore_mem>>) {add = true}
      %dma_wait3A_720 = arith.constant 0 : i32
      %dma_wait3A_721 = tpu.memref_slice %arg11[%mul3A_82, %dma_wait3A_720] : memref<3136x32xf32, #tpu.memory_space<vmem>> -> memref<196x32xf32, #tpu.memory_space<vmem>>
      %dma_wait3A_722 = arith.constant 0 : i32
      %dma_wait3A_723 = tpu.memref_slice %arg18[%select_n3A_80, %dma_wait3A_722] : memref<16x196xi32, #tpu.memory_space<vmem>> -> memref<1x196xi32, #tpu.memory_space<vmem>>
      %dma_wait3A_724 = tpu.memref_squeeze %dma_wait3A_723 : memref<1x196xi32, #tpu.memory_space<vmem>> -> memref<196xi32, #tpu.memory_space<vmem>>
      %dma_wait3A_725 = arith.constant 0 : i32
      %dma_wait3A_726 = arith.constant 0 : i32
      %dma_wait3A_727 = tpu.memref_slice %arg20[%dma_wait3A_725, %dma_wait3A_726] : memref<3136x32xf32, #tpu.memory_space<vmem_shared>> -> memref<3136x32xf32, #tpu.memory_space<vmem_shared>>
      tpu.wait_indirect_dma semaphore(%run_scoped3A : memref<!tpu.dma_semaphore, #tpu.memory_space<semaphore_mem>>) src(%dma_wait3A_721 : memref<196x32xf32, #tpu.memory_space<vmem>>) dst(%dma_wait3A_727 : memref<3136x32xf32, #tpu.memory_space<vmem_shared>>)
      tpu.yield
    }) : () -> ()
    %add3A_83 = arith.constant 5 : i32
    %add3A_84 = arith.addi %arg1, %add3A_83 : i32
    %ge3A_85 = arith.constant 16 : i32
    %ge3A_86 = arith.cmpi sge, %add3A_84, %ge3A_85 : i32
    %sub3A_87 = arith.constant 16 : i32
    %sub3A_88 = arith.subi %add3A_84, %sub3A_87 : i32
    %select_n3A_89 = arith.select %ge3A_86, %sub3A_88, %add3A_84 : i32
    %mul3A_90 = arith.constant 196 : i32
    %mul3A_91 = arith.muli %select_n3A_89, %mul3A_90 : i32
    "tpu.region"() ({
      %run_scoped3A = tpu.sem_alloc : memref<!tpu.dma_semaphore, #tpu.memory_space<semaphore_mem>>
      %dma_start3A_712 = arith.constant 0 : i32
      %dma_start3A_713 = tpu.memref_slice %arg11[%mul3A_91, %dma_start3A_712] : memref<3136x32xf32, #tpu.memory_space<vmem>> -> memref<196x32xf32, #tpu.memory_space<vmem>>
      %dma_start3A_714 = arith.constant 0 : i32
      %dma_start3A_715 = tpu.memref_slice %arg18[%select_n3A_89, %dma_start3A_714] : memref<16x196xi32, #tpu.memory_space<vmem>> -> memref<1x196xi32, #tpu.memory_space<vmem>>
      %dma_start3A_716 = tpu.memref_squeeze %dma_start3A_715 : memref<1x196xi32, #tpu.memory_space<vmem>> -> memref<196xi32, #tpu.memory_space<vmem>>
      %dma_start3A_717 = arith.constant 0 : i32
      %dma_start3A_718 = arith.constant 0 : i32
      %dma_start3A_719 = tpu.memref_slice %arg20[%dma_start3A_717, %dma_start3A_718] : memref<3136x32xf32, #tpu.memory_space<vmem_shared>> -> memref<3136x32xf32, #tpu.memory_space<vmem_shared>>
      tpu.enqueue_indirect_dma source(%dma_start3A_713 : memref<196x32xf32, #tpu.memory_space<vmem>>) target(%dma_start3A_719 : memref<3136x32xf32, #tpu.memory_space<vmem_shared>>) offsets(%dma_start3A_716 : memref<196xi32, #tpu.memory_space<vmem>>) semaphore(%run_scoped3A : memref<!tpu.dma_semaphore, #tpu.memory_space<semaphore_mem>>) {add = true}
      %dma_wait3A_720 = arith.constant 0 : i32
      %dma_wait3A_721 = tpu.memref_slice %arg11[%mul3A_91, %dma_wait3A_720] : memref<3136x32xf32, #tpu.memory_space<vmem>> -> memref<196x32xf32, #tpu.memory_space<vmem>>
      %dma_wait3A_722 = arith.constant 0 : i32
      %dma_wait3A_723 = tpu.memref_slice %arg18[%select_n3A_89, %dma_wait3A_722] : memref<16x196xi32, #tpu.memory_space<vmem>> -> memref<1x196xi32, #tpu.memory_space<vmem>>
      %dma_wait3A_724 = tpu.memref_squeeze %dma_wait3A_723 : memref<1x196xi32, #tpu.memory_space<vmem>> -> memref<196xi32, #tpu.memory_space<vmem>>
      %dma_wait3A_725 = arith.constant 0 : i32
      %dma_wait3A_726 = arith.constant 0 : i32
      %dma_wait3A_727 = tpu.memref_slice %arg20[%dma_wait3A_725, %dma_wait3A_726] : memref<3136x32xf32, #tpu.memory_space<vmem_shared>> -> memref<3136x32xf32, #tpu.memory_space<vmem_shared>>
      tpu.wait_indirect_dma semaphore(%run_scoped3A : memref<!tpu.dma_semaphore, #tpu.memory_space<semaphore_mem>>) src(%dma_wait3A_721 : memref<196x32xf32, #tpu.memory_space<vmem>>) dst(%dma_wait3A_727 : memref<3136x32xf32, #tpu.memory_space<vmem_shared>>)
      tpu.yield
    }) : () -> ()
    %add3A_92 = arith.constant 6 : i32
    %add3A_93 = arith.addi %arg1, %add3A_92 : i32
    %ge3A_94 = arith.constant 16 : i32
    %ge3A_95 = arith.cmpi sge, %add3A_93, %ge3A_94 : i32
    %sub3A_96 = arith.constant 16 : i32
    %sub3A_97 = arith.subi %add3A_93, %sub3A_96 : i32
    %select_n3A_98 = arith.select %ge3A_95, %sub3A_97, %add3A_93 : i32
    %mul3A_99 = arith.constant 196 : i32
    %mul3A_100 = arith.muli %select_n3A_98, %mul3A_99 : i32
    "tpu.region"() ({
      %run_scoped3A = tpu.sem_alloc : memref<!tpu.dma_semaphore, #tpu.memory_space<semaphore_mem>>
      %dma_start3A_712 = arith.constant 0 : i32
      %dma_start3A_713 = tpu.memref_slice %arg11[%mul3A_100, %dma_start3A_712] : memref<3136x32xf32, #tpu.memory_space<vmem>> -> memref<196x32xf32, #tpu.memory_space<vmem>>
      %dma_start3A_714 = arith.constant 0 : i32
      %dma_start3A_715 = tpu.memref_slice %arg18[%select_n3A_98, %dma_start3A_714] : memref<16x196xi32, #tpu.memory_space<vmem>> -> memref<1x196xi32, #tpu.memory_space<vmem>>
      %dma_start3A_716 = tpu.memref_squeeze %dma_start3A_715 : memref<1x196xi32, #tpu.memory_space<vmem>> -> memref<196xi32, #tpu.memory_space<vmem>>
      %dma_start3A_717 = arith.constant 0 : i32
      %dma_start3A_718 = arith.constant 0 : i32
      %dma_start3A_719 = tpu.memref_slice %arg20[%dma_start3A_717, %dma_start3A_718] : memref<3136x32xf32, #tpu.memory_space<vmem_shared>> -> memref<3136x32xf32, #tpu.memory_space<vmem_shared>>
      tpu.enqueue_indirect_dma source(%dma_start3A_713 : memref<196x32xf32, #tpu.memory_space<vmem>>) target(%dma_start3A_719 : memref<3136x32xf32, #tpu.memory_space<vmem_shared>>) offsets(%dma_start3A_716 : memref<196xi32, #tpu.memory_space<vmem>>) semaphore(%run_scoped3A : memref<!tpu.dma_semaphore, #tpu.memory_space<semaphore_mem>>) {add = true}
      %dma_wait3A_720 = arith.constant 0 : i32
      %dma_wait3A_721 = tpu.memref_slice %arg11[%mul3A_100, %dma_wait3A_720] : memref<3136x32xf32, #tpu.memory_space<vmem>> -> memref<196x32xf32, #tpu.memory_space<vmem>>
      %dma_wait3A_722 = arith.constant 0 : i32
      %dma_wait3A_723 = tpu.memref_slice %arg18[%select_n3A_98, %dma_wait3A_722] : memref<16x196xi32, #tpu.memory_space<vmem>> -> memref<1x196xi32, #tpu.memory_space<vmem>>
      %dma_wait3A_724 = tpu.memref_squeeze %dma_wait3A_723 : memref<1x196xi32, #tpu.memory_space<vmem>> -> memref<196xi32, #tpu.memory_space<vmem>>
      %dma_wait3A_725 = arith.constant 0 : i32
      %dma_wait3A_726 = arith.constant 0 : i32
      %dma_wait3A_727 = tpu.memref_slice %arg20[%dma_wait3A_725, %dma_wait3A_726] : memref<3136x32xf32, #tpu.memory_space<vmem_shared>> -> memref<3136x32xf32, #tpu.memory_space<vmem_shared>>
      tpu.wait_indirect_dma semaphore(%run_scoped3A : memref<!tpu.dma_semaphore, #tpu.memory_space<semaphore_mem>>) src(%dma_wait3A_721 : memref<196x32xf32, #tpu.memory_space<vmem>>) dst(%dma_wait3A_727 : memref<3136x32xf32, #tpu.memory_space<vmem_shared>>)
      tpu.yield
    }) : () -> ()
    %add3A_101 = arith.constant 7 : i32
    %add3A_102 = arith.addi %arg1, %add3A_101 : i32
    %ge3A_103 = arith.constant 16 : i32
    %ge3A_104 = arith.cmpi sge, %add3A_102, %ge3A_103 : i32
    %sub3A_105 = arith.constant 16 : i32
    %sub3A_106 = arith.subi %add3A_102, %sub3A_105 : i32
    %select_n3A_107 = arith.select %ge3A_104, %sub3A_106, %add3A_102 : i32
    %mul3A_108 = arith.constant 196 : i32
    %mul3A_109 = arith.muli %select_n3A_107, %mul3A_108 : i32
    "tpu.region"() ({
      %run_scoped3A = tpu.sem_alloc : memref<!tpu.dma_semaphore, #tpu.memory_space<semaphore_mem>>
      %dma_start3A_712 = arith.constant 0 : i32
      %dma_start3A_713 = tpu.memref_slice %arg11[%mul3A_109, %dma_start3A_712] : memref<3136x32xf32, #tpu.memory_space<vmem>> -> memref<196x32xf32, #tpu.memory_space<vmem>>
      %dma_start3A_714 = arith.constant 0 : i32
      %dma_start3A_715 = tpu.memref_slice %arg18[%select_n3A_107, %dma_start3A_714] : memref<16x196xi32, #tpu.memory_space<vmem>> -> memref<1x196xi32, #tpu.memory_space<vmem>>
      %dma_start3A_716 = tpu.memref_squeeze %dma_start3A_715 : memref<1x196xi32, #tpu.memory_space<vmem>> -> memref<196xi32, #tpu.memory_space<vmem>>
      %dma_start3A_717 = arith.constant 0 : i32
      %dma_start3A_718 = arith.constant 0 : i32
      %dma_start3A_719 = tpu.memref_slice %arg20[%dma_start3A_717, %dma_start3A_718] : memref<3136x32xf32, #tpu.memory_space<vmem_shared>> -> memref<3136x32xf32, #tpu.memory_space<vmem_shared>>
      tpu.enqueue_indirect_dma source(%dma_start3A_713 : memref<196x32xf32, #tpu.memory_space<vmem>>) target(%dma_start3A_719 : memref<3136x32xf32, #tpu.memory_space<vmem_shared>>) offsets(%dma_start3A_716 : memref<196xi32, #tpu.memory_space<vmem>>) semaphore(%run_scoped3A : memref<!tpu.dma_semaphore, #tpu.memory_space<semaphore_mem>>) {add = true}
      %dma_wait3A_720 = arith.constant 0 : i32
      %dma_wait3A_721 = tpu.memref_slice %arg11[%mul3A_109, %dma_wait3A_720] : memref<3136x32xf32, #tpu.memory_space<vmem>> -> memref<196x32xf32, #tpu.memory_space<vmem>>
      %dma_wait3A_722 = arith.constant 0 : i32
      %dma_wait3A_723 = tpu.memref_slice %arg18[%select_n3A_107, %dma_wait3A_722] : memref<16x196xi32, #tpu.memory_space<vmem>> -> memref<1x196xi32, #tpu.memory_space<vmem>>
      %dma_wait3A_724 = tpu.memref_squeeze %dma_wait3A_723 : memref<1x196xi32, #tpu.memory_space<vmem>> -> memref<196xi32, #tpu.memory_space<vmem>>
      %dma_wait3A_725 = arith.constant 0 : i32
      %dma_wait3A_726 = arith.constant 0 : i32
      %dma_wait3A_727 = tpu.memref_slice %arg20[%dma_wait3A_725, %dma_wait3A_726] : memref<3136x32xf32, #tpu.memory_space<vmem_shared>> -> memref<3136x32xf32, #tpu.memory_space<vmem_shared>>
      tpu.wait_indirect_dma semaphore(%run_scoped3A : memref<!tpu.dma_semaphore, #tpu.memory_space<semaphore_mem>>) src(%dma_wait3A_721 : memref<196x32xf32, #tpu.memory_space<vmem>>) dst(%dma_wait3A_727 : memref<3136x32xf32, #tpu.memory_space<vmem_shared>>)
      tpu.yield
    }) : () -> ()
    %add3A_110 = arith.constant 8 : i32
    %add3A_111 = arith.addi %arg1, %add3A_110 : i32
    %ge3A_112 = arith.constant 16 : i32
    %ge3A_113 = arith.cmpi sge, %add3A_111, %ge3A_112 : i32
    %sub3A_114 = arith.constant 16 : i32
    %sub3A_115 = arith.subi %add3A_111, %sub3A_114 : i32
    %select_n3A_116 = arith.select %ge3A_113, %sub3A_115, %add3A_111 : i32
    %mul3A_117 = arith.constant 196 : i32
    %mul3A_118 = arith.muli %select_n3A_116, %mul3A_117 : i32
    "tpu.region"() ({
      %run_scoped3A = tpu.sem_alloc : memref<!tpu.dma_semaphore, #tpu.memory_space<semaphore_mem>>
      %dma_start3A_712 = arith.constant 0 : i32
      %dma_start3A_713 = tpu.memref_slice %arg11[%mul3A_118, %dma_start3A_712] : memref<3136x32xf32, #tpu.memory_space<vmem>> -> memref<196x32xf32, #tpu.memory_space<vmem>>
      %dma_start3A_714 = arith.constant 0 : i32
      %dma_start3A_715 = tpu.memref_slice %arg18[%select_n3A_116, %dma_start3A_714] : memref<16x196xi32, #tpu.memory_space<vmem>> -> memref<1x196xi32, #tpu.memory_space<vmem>>
      %dma_start3A_716 = tpu.memref_squeeze %dma_start3A_715 : memref<1x196xi32, #tpu.memory_space<vmem>> -> memref<196xi32, #tpu.memory_space<vmem>>
      %dma_start3A_717 = arith.constant 0 : i32
      %dma_start3A_718 = arith.constant 0 : i32
      %dma_start3A_719 = tpu.memref_slice %arg20[%dma_start3A_717, %dma_start3A_718] : memref<3136x32xf32, #tpu.memory_space<vmem_shared>> -> memref<3136x32xf32, #tpu.memory_space<vmem_shared>>
      tpu.enqueue_indirect_dma source(%dma_start3A_713 : memref<196x32xf32, #tpu.memory_space<vmem>>) target(%dma_start3A_719 : memref<3136x32xf32, #tpu.memory_space<vmem_shared>>) offsets(%dma_start3A_716 : memref<196xi32, #tpu.memory_space<vmem>>) semaphore(%run_scoped3A : memref<!tpu.dma_semaphore, #tpu.memory_space<semaphore_mem>>) {add = true}
      %dma_wait3A_720 = arith.constant 0 : i32
      %dma_wait3A_721 = tpu.memref_slice %arg11[%mul3A_118, %dma_wait3A_720] : memref<3136x32xf32, #tpu.memory_space<vmem>> -> memref<196x32xf32, #tpu.memory_space<vmem>>
      %dma_wait3A_722 = arith.constant 0 : i32
      %dma_wait3A_723 = tpu.memref_slice %arg18[%select_n3A_116, %dma_wait3A_722] : memref<16x196xi32, #tpu.memory_space<vmem>> -> memref<1x196xi32, #tpu.memory_space<vmem>>
      %dma_wait3A_724 = tpu.memref_squeeze %dma_wait3A_723 : memref<1x196xi32, #tpu.memory_space<vmem>> -> memref<196xi32, #tpu.memory_space<vmem>>
      %dma_wait3A_725 = arith.constant 0 : i32
      %dma_wait3A_726 = arith.constant 0 : i32
      %dma_wait3A_727 = tpu.memref_slice %arg20[%dma_wait3A_725, %dma_wait3A_726] : memref<3136x32xf32, #tpu.memory_space<vmem_shared>> -> memref<3136x32xf32, #tpu.memory_space<vmem_shared>>
      tpu.wait_indirect_dma semaphore(%run_scoped3A : memref<!tpu.dma_semaphore, #tpu.memory_space<semaphore_mem>>) src(%dma_wait3A_721 : memref<196x32xf32, #tpu.memory_space<vmem>>) dst(%dma_wait3A_727 : memref<3136x32xf32, #tpu.memory_space<vmem_shared>>)
      tpu.yield
    }) : () -> ()
    %add3A_119 = arith.constant 9 : i32
    %add3A_120 = arith.addi %arg1, %add3A_119 : i32
    %ge3A_121 = arith.constant 16 : i32
    %ge3A_122 = arith.cmpi sge, %add3A_120, %ge3A_121 : i32
    %sub3A_123 = arith.constant 16 : i32
    %sub3A_124 = arith.subi %add3A_120, %sub3A_123 : i32
    %select_n3A_125 = arith.select %ge3A_122, %sub3A_124, %add3A_120 : i32
    %mul3A_126 = arith.constant 196 : i32
    %mul3A_127 = arith.muli %select_n3A_125, %mul3A_126 : i32
    "tpu.region"() ({
      %run_scoped3A = tpu.sem_alloc : memref<!tpu.dma_semaphore, #tpu.memory_space<semaphore_mem>>
      %dma_start3A_712 = arith.constant 0 : i32
      %dma_start3A_713 = tpu.memref_slice %arg11[%mul3A_127, %dma_start3A_712] : memref<3136x32xf32, #tpu.memory_space<vmem>> -> memref<196x32xf32, #tpu.memory_space<vmem>>
      %dma_start3A_714 = arith.constant 0 : i32
      %dma_start3A_715 = tpu.memref_slice %arg18[%select_n3A_125, %dma_start3A_714] : memref<16x196xi32, #tpu.memory_space<vmem>> -> memref<1x196xi32, #tpu.memory_space<vmem>>
      %dma_start3A_716 = tpu.memref_squeeze %dma_start3A_715 : memref<1x196xi32, #tpu.memory_space<vmem>> -> memref<196xi32, #tpu.memory_space<vmem>>
      %dma_start3A_717 = arith.constant 0 : i32
      %dma_start3A_718 = arith.constant 0 : i32
      %dma_start3A_719 = tpu.memref_slice %arg20[%dma_start3A_717, %dma_start3A_718] : memref<3136x32xf32, #tpu.memory_space<vmem_shared>> -> memref<3136x32xf32, #tpu.memory_space<vmem_shared>>
      tpu.enqueue_indirect_dma source(%dma_start3A_713 : memref<196x32xf32, #tpu.memory_space<vmem>>) target(%dma_start3A_719 : memref<3136x32xf32, #tpu.memory_space<vmem_shared>>) offsets(%dma_start3A_716 : memref<196xi32, #tpu.memory_space<vmem>>) semaphore(%run_scoped3A : memref<!tpu.dma_semaphore, #tpu.memory_space<semaphore_mem>>) {add = true}
      %dma_wait3A_720 = arith.constant 0 : i32
      %dma_wait3A_721 = tpu.memref_slice %arg11[%mul3A_127, %dma_wait3A_720] : memref<3136x32xf32, #tpu.memory_space<vmem>> -> memref<196x32xf32, #tpu.memory_space<vmem>>
      %dma_wait3A_722 = arith.constant 0 : i32
      %dma_wait3A_723 = tpu.memref_slice %arg18[%select_n3A_125, %dma_wait3A_722] : memref<16x196xi32, #tpu.memory_space<vmem>> -> memref<1x196xi32, #tpu.memory_space<vmem>>
      %dma_wait3A_724 = tpu.memref_squeeze %dma_wait3A_723 : memref<1x196xi32, #tpu.memory_space<vmem>> -> memref<196xi32, #tpu.memory_space<vmem>>
      %dma_wait3A_725 = arith.constant 0 : i32
      %dma_wait3A_726 = arith.constant 0 : i32
      %dma_wait3A_727 = tpu.memref_slice %arg20[%dma_wait3A_725, %dma_wait3A_726] : memref<3136x32xf32, #tpu.memory_space<vmem_shared>> -> memref<3136x32xf32, #tpu.memory_space<vmem_shared>>
      tpu.wait_indirect_dma semaphore(%run_scoped3A : memref<!tpu.dma_semaphore, #tpu.memory_space<semaphore_mem>>) src(%dma_wait3A_721 : memref<196x32xf32, #tpu.memory_space<vmem>>) dst(%dma_wait3A_727 : memref<3136x32xf32, #tpu.memory_space<vmem_shared>>)
      tpu.yield
    }) : () -> ()
    %add3A_128 = arith.constant 10 : i32
    %add3A_129 = arith.addi %arg1, %add3A_128 : i32
    %ge3A_130 = arith.constant 16 : i32
    %ge3A_131 = arith.cmpi sge, %add3A_129, %ge3A_130 : i32
    %sub3A_132 = arith.constant 16 : i32
    %sub3A_133 = arith.subi %add3A_129, %sub3A_132 : i32
    %select_n3A_134 = arith.select %ge3A_131, %sub3A_133, %add3A_129 : i32
    %mul3A_135 = arith.constant 196 : i32
    %mul3A_136 = arith.muli %select_n3A_134, %mul3A_135 : i32
    "tpu.region"() ({
      %run_scoped3A = tpu.sem_alloc : memref<!tpu.dma_semaphore, #tpu.memory_space<semaphore_mem>>
      %dma_start3A_712 = arith.constant 0 : i32
      %dma_start3A_713 = tpu.memref_slice %arg11[%mul3A_136, %dma_start3A_712] : memref<3136x32xf32, #tpu.memory_space<vmem>> -> memref<196x32xf32, #tpu.memory_space<vmem>>
      %dma_start3A_714 = arith.constant 0 : i32
      %dma_start3A_715 = tpu.memref_slice %arg18[%select_n3A_134, %dma_start3A_714] : memref<16x196xi32, #tpu.memory_space<vmem>> -> memref<1x196xi32, #tpu.memory_space<vmem>>
      %dma_start3A_716 = tpu.memref_squeeze %dma_start3A_715 : memref<1x196xi32, #tpu.memory_space<vmem>> -> memref<196xi32, #tpu.memory_space<vmem>>
      %dma_start3A_717 = arith.constant 0 : i32
      %dma_start3A_718 = arith.constant 0 : i32
      %dma_start3A_719 = tpu.memref_slice %arg20[%dma_start3A_717, %dma_start3A_718] : memref<3136x32xf32, #tpu.memory_space<vmem_shared>> -> memref<3136x32xf32, #tpu.memory_space<vmem_shared>>
      tpu.enqueue_indirect_dma source(%dma_start3A_713 : memref<196x32xf32, #tpu.memory_space<vmem>>) target(%dma_start3A_719 : memref<3136x32xf32, #tpu.memory_space<vmem_shared>>) offsets(%dma_start3A_716 : memref<196xi32, #tpu.memory_space<vmem>>) semaphore(%run_scoped3A : memref<!tpu.dma_semaphore, #tpu.memory_space<semaphore_mem>>) {add = true}
      %dma_wait3A_720 = arith.constant 0 : i32
      %dma_wait3A_721 = tpu.memref_slice %arg11[%mul3A_136, %dma_wait3A_720] : memref<3136x32xf32, #tpu.memory_space<vmem>> -> memref<196x32xf32, #tpu.memory_space<vmem>>
      %dma_wait3A_722 = arith.constant 0 : i32
      %dma_wait3A_723 = tpu.memref_slice %arg18[%select_n3A_134, %dma_wait3A_722] : memref<16x196xi32, #tpu.memory_space<vmem>> -> memref<1x196xi32, #tpu.memory_space<vmem>>
      %dma_wait3A_724 = tpu.memref_squeeze %dma_wait3A_723 : memref<1x196xi32, #tpu.memory_space<vmem>> -> memref<196xi32, #tpu.memory_space<vmem>>
      %dma_wait3A_725 = arith.constant 0 : i32
      %dma_wait3A_726 = arith.constant 0 : i32
      %dma_wait3A_727 = tpu.memref_slice %arg20[%dma_wait3A_725, %dma_wait3A_726] : memref<3136x32xf32, #tpu.memory_space<vmem_shared>> -> memref<3136x32xf32, #tpu.memory_space<vmem_shared>>
      tpu.wait_indirect_dma semaphore(%run_scoped3A : memref<!tpu.dma_semaphore, #tpu.memory_space<semaphore_mem>>) src(%dma_wait3A_721 : memref<196x32xf32, #tpu.memory_space<vmem>>) dst(%dma_wait3A_727 : memref<3136x32xf32, #tpu.memory_space<vmem_shared>>)
      tpu.yield
    }) : () -> ()
    %add3A_137 = arith.constant 11 : i32
    %add3A_138 = arith.addi %arg1, %add3A_137 : i32
    %ge3A_139 = arith.constant 16 : i32
    %ge3A_140 = arith.cmpi sge, %add3A_138, %ge3A_139 : i32
    %sub3A_141 = arith.constant 16 : i32
    %sub3A_142 = arith.subi %add3A_138, %sub3A_141 : i32
    %select_n3A_143 = arith.select %ge3A_140, %sub3A_142, %add3A_138 : i32
    %mul3A_144 = arith.constant 196 : i32
    %mul3A_145 = arith.muli %select_n3A_143, %mul3A_144 : i32
    "tpu.region"() ({
      %run_scoped3A = tpu.sem_alloc : memref<!tpu.dma_semaphore, #tpu.memory_space<semaphore_mem>>
      %dma_start3A_712 = arith.constant 0 : i32
      %dma_start3A_713 = tpu.memref_slice %arg11[%mul3A_145, %dma_start3A_712] : memref<3136x32xf32, #tpu.memory_space<vmem>> -> memref<196x32xf32, #tpu.memory_space<vmem>>
      %dma_start3A_714 = arith.constant 0 : i32
      %dma_start3A_715 = tpu.memref_slice %arg18[%select_n3A_143, %dma_start3A_714] : memref<16x196xi32, #tpu.memory_space<vmem>> -> memref<1x196xi32, #tpu.memory_space<vmem>>
      %dma_start3A_716 = tpu.memref_squeeze %dma_start3A_715 : memref<1x196xi32, #tpu.memory_space<vmem>> -> memref<196xi32, #tpu.memory_space<vmem>>
      %dma_start3A_717 = arith.constant 0 : i32
      %dma_start3A_718 = arith.constant 0 : i32
      %dma_start3A_719 = tpu.memref_slice %arg20[%dma_start3A_717, %dma_start3A_718] : memref<3136x32xf32, #tpu.memory_space<vmem_shared>> -> memref<3136x32xf32, #tpu.memory_space<vmem_shared>>
      tpu.enqueue_indirect_dma source(%dma_start3A_713 : memref<196x32xf32, #tpu.memory_space<vmem>>) target(%dma_start3A_719 : memref<3136x32xf32, #tpu.memory_space<vmem_shared>>) offsets(%dma_start3A_716 : memref<196xi32, #tpu.memory_space<vmem>>) semaphore(%run_scoped3A : memref<!tpu.dma_semaphore, #tpu.memory_space<semaphore_mem>>) {add = true}
      %dma_wait3A_720 = arith.constant 0 : i32
      %dma_wait3A_721 = tpu.memref_slice %arg11[%mul3A_145, %dma_wait3A_720] : memref<3136x32xf32, #tpu.memory_space<vmem>> -> memref<196x32xf32, #tpu.memory_space<vmem>>
      %dma_wait3A_722 = arith.constant 0 : i32
      %dma_wait3A_723 = tpu.memref_slice %arg18[%select_n3A_143, %dma_wait3A_722] : memref<16x196xi32, #tpu.memory_space<vmem>> -> memref<1x196xi32, #tpu.memory_space<vmem>>
      %dma_wait3A_724 = tpu.memref_squeeze %dma_wait3A_723 : memref<1x196xi32, #tpu.memory_space<vmem>> -> memref<196xi32, #tpu.memory_space<vmem>>
      %dma_wait3A_725 = arith.constant 0 : i32
      %dma_wait3A_726 = arith.constant 0 : i32
      %dma_wait3A_727 = tpu.memref_slice %arg20[%dma_wait3A_725, %dma_wait3A_726] : memref<3136x32xf32, #tpu.memory_space<vmem_shared>> -> memref<3136x32xf32, #tpu.memory_space<vmem_shared>>
      tpu.wait_indirect_dma semaphore(%run_scoped3A : memref<!tpu.dma_semaphore, #tpu.memory_space<semaphore_mem>>) src(%dma_wait3A_721 : memref<196x32xf32, #tpu.memory_space<vmem>>) dst(%dma_wait3A_727 : memref<3136x32xf32, #tpu.memory_space<vmem_shared>>)
      tpu.yield
    }) : () -> ()
    %add3A_146 = arith.constant 12 : i32
    %add3A_147 = arith.addi %arg1, %add3A_146 : i32
    %ge3A_148 = arith.constant 16 : i32
    %ge3A_149 = arith.cmpi sge, %add3A_147, %ge3A_148 : i32
    %sub3A_150 = arith.constant 16 : i32
    %sub3A_151 = arith.subi %add3A_147, %sub3A_150 : i32
    %select_n3A_152 = arith.select %ge3A_149, %sub3A_151, %add3A_147 : i32
    %mul3A_153 = arith.constant 196 : i32
    %mul3A_154 = arith.muli %select_n3A_152, %mul3A_153 : i32
    "tpu.region"() ({
      %run_scoped3A = tpu.sem_alloc : memref<!tpu.dma_semaphore, #tpu.memory_space<semaphore_mem>>
      %dma_start3A_712 = arith.constant 0 : i32
      %dma_start3A_713 = tpu.memref_slice %arg11[%mul3A_154, %dma_start3A_712] : memref<3136x32xf32, #tpu.memory_space<vmem>> -> memref<196x32xf32, #tpu.memory_space<vmem>>
      %dma_start3A_714 = arith.constant 0 : i32
      %dma_start3A_715 = tpu.memref_slice %arg18[%select_n3A_152, %dma_start3A_714] : memref<16x196xi32, #tpu.memory_space<vmem>> -> memref<1x196xi32, #tpu.memory_space<vmem>>
      %dma_start3A_716 = tpu.memref_squeeze %dma_start3A_715 : memref<1x196xi32, #tpu.memory_space<vmem>> -> memref<196xi32, #tpu.memory_space<vmem>>
      %dma_start3A_717 = arith.constant 0 : i32
      %dma_start3A_718 = arith.constant 0 : i32
      %dma_start3A_719 = tpu.memref_slice %arg20[%dma_start3A_717, %dma_start3A_718] : memref<3136x32xf32, #tpu.memory_space<vmem_shared>> -> memref<3136x32xf32, #tpu.memory_space<vmem_shared>>
      tpu.enqueue_indirect_dma source(%dma_start3A_713 : memref<196x32xf32, #tpu.memory_space<vmem>>) target(%dma_start3A_719 : memref<3136x32xf32, #tpu.memory_space<vmem_shared>>) offsets(%dma_start3A_716 : memref<196xi32, #tpu.memory_space<vmem>>) semaphore(%run_scoped3A : memref<!tpu.dma_semaphore, #tpu.memory_space<semaphore_mem>>) {add = true}
      %dma_wait3A_720 = arith.constant 0 : i32
      %dma_wait3A_721 = tpu.memref_slice %arg11[%mul3A_154, %dma_wait3A_720] : memref<3136x32xf32, #tpu.memory_space<vmem>> -> memref<196x32xf32, #tpu.memory_space<vmem>>
      %dma_wait3A_722 = arith.constant 0 : i32
      %dma_wait3A_723 = tpu.memref_slice %arg18[%select_n3A_152, %dma_wait3A_722] : memref<16x196xi32, #tpu.memory_space<vmem>> -> memref<1x196xi32, #tpu.memory_space<vmem>>
      %dma_wait3A_724 = tpu.memref_squeeze %dma_wait3A_723 : memref<1x196xi32, #tpu.memory_space<vmem>> -> memref<196xi32, #tpu.memory_space<vmem>>
      %dma_wait3A_725 = arith.constant 0 : i32
      %dma_wait3A_726 = arith.constant 0 : i32
      %dma_wait3A_727 = tpu.memref_slice %arg20[%dma_wait3A_725, %dma_wait3A_726] : memref<3136x32xf32, #tpu.memory_space<vmem_shared>> -> memref<3136x32xf32, #tpu.memory_space<vmem_shared>>
      tpu.wait_indirect_dma semaphore(%run_scoped3A : memref<!tpu.dma_semaphore, #tpu.memory_space<semaphore_mem>>) src(%dma_wait3A_721 : memref<196x32xf32, #tpu.memory_space<vmem>>) dst(%dma_wait3A_727 : memref<3136x32xf32, #tpu.memory_space<vmem_shared>>)
      tpu.yield
    }) : () -> ()
    %add3A_155 = arith.constant 13 : i32
    %add3A_156 = arith.addi %arg1, %add3A_155 : i32
    %ge3A_157 = arith.constant 16 : i32
    %ge3A_158 = arith.cmpi sge, %add3A_156, %ge3A_157 : i32
    %sub3A_159 = arith.constant 16 : i32
    %sub3A_160 = arith.subi %add3A_156, %sub3A_159 : i32
    %select_n3A_161 = arith.select %ge3A_158, %sub3A_160, %add3A_156 : i32
    %mul3A_162 = arith.constant 196 : i32
    %mul3A_163 = arith.muli %select_n3A_161, %mul3A_162 : i32
    "tpu.region"() ({
      %run_scoped3A = tpu.sem_alloc : memref<!tpu.dma_semaphore, #tpu.memory_space<semaphore_mem>>
      %dma_start3A_712 = arith.constant 0 : i32
      %dma_start3A_713 = tpu.memref_slice %arg11[%mul3A_163, %dma_start3A_712] : memref<3136x32xf32, #tpu.memory_space<vmem>> -> memref<196x32xf32, #tpu.memory_space<vmem>>
      %dma_start3A_714 = arith.constant 0 : i32
      %dma_start3A_715 = tpu.memref_slice %arg18[%select_n3A_161, %dma_start3A_714] : memref<16x196xi32, #tpu.memory_space<vmem>> -> memref<1x196xi32, #tpu.memory_space<vmem>>
      %dma_start3A_716 = tpu.memref_squeeze %dma_start3A_715 : memref<1x196xi32, #tpu.memory_space<vmem>> -> memref<196xi32, #tpu.memory_space<vmem>>
      %dma_start3A_717 = arith.constant 0 : i32
      %dma_start3A_718 = arith.constant 0 : i32
      %dma_start3A_719 = tpu.memref_slice %arg20[%dma_start3A_717, %dma_start3A_718] : memref<3136x32xf32, #tpu.memory_space<vmem_shared>> -> memref<3136x32xf32, #tpu.memory_space<vmem_shared>>
      tpu.enqueue_indirect_dma source(%dma_start3A_713 : memref<196x32xf32, #tpu.memory_space<vmem>>) target(%dma_start3A_719 : memref<3136x32xf32, #tpu.memory_space<vmem_shared>>) offsets(%dma_start3A_716 : memref<196xi32, #tpu.memory_space<vmem>>) semaphore(%run_scoped3A : memref<!tpu.dma_semaphore, #tpu.memory_space<semaphore_mem>>) {add = true}
      %dma_wait3A_720 = arith.constant 0 : i32
      %dma_wait3A_721 = tpu.memref_slice %arg11[%mul3A_163, %dma_wait3A_720] : memref<3136x32xf32, #tpu.memory_space<vmem>> -> memref<196x32xf32, #tpu.memory_space<vmem>>
      %dma_wait3A_722 = arith.constant 0 : i32
      %dma_wait3A_723 = tpu.memref_slice %arg18[%select_n3A_161, %dma_wait3A_722] : memref<16x196xi32, #tpu.memory_space<vmem>> -> memref<1x196xi32, #tpu.memory_space<vmem>>
      %dma_wait3A_724 = tpu.memref_squeeze %dma_wait3A_723 : memref<1x196xi32, #tpu.memory_space<vmem>> -> memref<196xi32, #tpu.memory_space<vmem>>
      %dma_wait3A_725 = arith.constant 0 : i32
      %dma_wait3A_726 = arith.constant 0 : i32
      %dma_wait3A_727 = tpu.memref_slice %arg20[%dma_wait3A_725, %dma_wait3A_726] : memref<3136x32xf32, #tpu.memory_space<vmem_shared>> -> memref<3136x32xf32, #tpu.memory_space<vmem_shared>>
      tpu.wait_indirect_dma semaphore(%run_scoped3A : memref<!tpu.dma_semaphore, #tpu.memory_space<semaphore_mem>>) src(%dma_wait3A_721 : memref<196x32xf32, #tpu.memory_space<vmem>>) dst(%dma_wait3A_727 : memref<3136x32xf32, #tpu.memory_space<vmem_shared>>)
      tpu.yield
    }) : () -> ()
    %add3A_164 = arith.constant 14 : i32
    %add3A_165 = arith.addi %arg1, %add3A_164 : i32
    %ge3A_166 = arith.constant 16 : i32
    %ge3A_167 = arith.cmpi sge, %add3A_165, %ge3A_166 : i32
    %sub3A_168 = arith.constant 16 : i32
    %sub3A_169 = arith.subi %add3A_165, %sub3A_168 : i32
    %select_n3A_170 = arith.select %ge3A_167, %sub3A_169, %add3A_165 : i32
    %mul3A_171 = arith.constant 196 : i32
    %mul3A_172 = arith.muli %select_n3A_170, %mul3A_171 : i32
    "tpu.region"() ({
      %run_scoped3A = tpu.sem_alloc : memref<!tpu.dma_semaphore, #tpu.memory_space<semaphore_mem>>
      %dma_start3A_712 = arith.constant 0 : i32
      %dma_start3A_713 = tpu.memref_slice %arg11[%mul3A_172, %dma_start3A_712] : memref<3136x32xf32, #tpu.memory_space<vmem>> -> memref<196x32xf32, #tpu.memory_space<vmem>>
      %dma_start3A_714 = arith.constant 0 : i32
      %dma_start3A_715 = tpu.memref_slice %arg18[%select_n3A_170, %dma_start3A_714] : memref<16x196xi32, #tpu.memory_space<vmem>> -> memref<1x196xi32, #tpu.memory_space<vmem>>
      %dma_start3A_716 = tpu.memref_squeeze %dma_start3A_715 : memref<1x196xi32, #tpu.memory_space<vmem>> -> memref<196xi32, #tpu.memory_space<vmem>>
      %dma_start3A_717 = arith.constant 0 : i32
      %dma_start3A_718 = arith.constant 0 : i32
      %dma_start3A_719 = tpu.memref_slice %arg20[%dma_start3A_717, %dma_start3A_718] : memref<3136x32xf32, #tpu.memory_space<vmem_shared>> -> memref<3136x32xf32, #tpu.memory_space<vmem_shared>>
      tpu.enqueue_indirect_dma source(%dma_start3A_713 : memref<196x32xf32, #tpu.memory_space<vmem>>) target(%dma_start3A_719 : memref<3136x32xf32, #tpu.memory_space<vmem_shared>>) offsets(%dma_start3A_716 : memref<196xi32, #tpu.memory_space<vmem>>) semaphore(%run_scoped3A : memref<!tpu.dma_semaphore, #tpu.memory_space<semaphore_mem>>) {add = true}
      %dma_wait3A_720 = arith.constant 0 : i32
      %dma_wait3A_721 = tpu.memref_slice %arg11[%mul3A_172, %dma_wait3A_720] : memref<3136x32xf32, #tpu.memory_space<vmem>> -> memref<196x32xf32, #tpu.memory_space<vmem>>
      %dma_wait3A_722 = arith.constant 0 : i32
      %dma_wait3A_723 = tpu.memref_slice %arg18[%select_n3A_170, %dma_wait3A_722] : memref<16x196xi32, #tpu.memory_space<vmem>> -> memref<1x196xi32, #tpu.memory_space<vmem>>
      %dma_wait3A_724 = tpu.memref_squeeze %dma_wait3A_723 : memref<1x196xi32, #tpu.memory_space<vmem>> -> memref<196xi32, #tpu.memory_space<vmem>>
      %dma_wait3A_725 = arith.constant 0 : i32
      %dma_wait3A_726 = arith.constant 0 : i32
      %dma_wait3A_727 = tpu.memref_slice %arg20[%dma_wait3A_725, %dma_wait3A_726] : memref<3136x32xf32, #tpu.memory_space<vmem_shared>> -> memref<3136x32xf32, #tpu.memory_space<vmem_shared>>
      tpu.wait_indirect_dma semaphore(%run_scoped3A : memref<!tpu.dma_semaphore, #tpu.memory_space<semaphore_mem>>) src(%dma_wait3A_721 : memref<196x32xf32, #tpu.memory_space<vmem>>) dst(%dma_wait3A_727 : memref<3136x32xf32, #tpu.memory_space<vmem_shared>>)
      tpu.yield
    }) : () -> ()
    %add3A_173 = arith.constant 15 : i32
    %add3A_174 = arith.addi %arg1, %add3A_173 : i32
    %ge3A_175 = arith.constant 16 : i32
    %ge3A_176 = arith.cmpi sge, %add3A_174, %ge3A_175 : i32
    %sub3A_177 = arith.constant 16 : i32
    %sub3A_178 = arith.subi %add3A_174, %sub3A_177 : i32
    %select_n3A_179 = arith.select %ge3A_176, %sub3A_178, %add3A_174 : i32
    %mul3A_180 = arith.constant 196 : i32
    %mul3A_181 = arith.muli %select_n3A_179, %mul3A_180 : i32
    "tpu.region"() ({
      %run_scoped3A = tpu.sem_alloc : memref<!tpu.dma_semaphore, #tpu.memory_space<semaphore_mem>>
      %dma_start3A_712 = arith.constant 0 : i32
      %dma_start3A_713 = tpu.memref_slice %arg11[%mul3A_181, %dma_start3A_712] : memref<3136x32xf32, #tpu.memory_space<vmem>> -> memref<196x32xf32, #tpu.memory_space<vmem>>
      %dma_start3A_714 = arith.constant 0 : i32
      %dma_start3A_715 = tpu.memref_slice %arg18[%select_n3A_179, %dma_start3A_714] : memref<16x196xi32, #tpu.memory_space<vmem>> -> memref<1x196xi32, #tpu.memory_space<vmem>>
      %dma_start3A_716 = tpu.memref_squeeze %dma_start3A_715 : memref<1x196xi32, #tpu.memory_space<vmem>> -> memref<196xi32, #tpu.memory_space<vmem>>
      %dma_start3A_717 = arith.constant 0 : i32
      %dma_start3A_718 = arith.constant 0 : i32
      %dma_start3A_719 = tpu.memref_slice %arg20[%dma_start3A_717, %dma_start3A_718] : memref<3136x32xf32, #tpu.memory_space<vmem_shared>> -> memref<3136x32xf32, #tpu.memory_space<vmem_shared>>
      tpu.enqueue_indirect_dma source(%dma_start3A_713 : memref<196x32xf32, #tpu.memory_space<vmem>>) target(%dma_start3A_719 : memref<3136x32xf32, #tpu.memory_space<vmem_shared>>) offsets(%dma_start3A_716 : memref<196xi32, #tpu.memory_space<vmem>>) semaphore(%run_scoped3A : memref<!tpu.dma_semaphore, #tpu.memory_space<semaphore_mem>>) {add = true}
      %dma_wait3A_720 = arith.constant 0 : i32
      %dma_wait3A_721 = tpu.memref_slice %arg11[%mul3A_181, %dma_wait3A_720] : memref<3136x32xf32, #tpu.memory_space<vmem>> -> memref<196x32xf32, #tpu.memory_space<vmem>>
      %dma_wait3A_722 = arith.constant 0 : i32
      %dma_wait3A_723 = tpu.memref_slice %arg18[%select_n3A_179, %dma_wait3A_722] : memref<16x196xi32, #tpu.memory_space<vmem>> -> memref<1x196xi32, #tpu.memory_space<vmem>>
      %dma_wait3A_724 = tpu.memref_squeeze %dma_wait3A_723 : memref<1x196xi32, #tpu.memory_space<vmem>> -> memref<196xi32, #tpu.memory_space<vmem>>
      %dma_wait3A_725 = arith.constant 0 : i32
      %dma_wait3A_726 = arith.constant 0 : i32
      %dma_wait3A_727 = tpu.memref_slice %arg20[%dma_wait3A_725, %dma_wait3A_726] : memref<3136x32xf32, #tpu.memory_space<vmem_shared>> -> memref<3136x32xf32, #tpu.memory_space<vmem_shared>>
      tpu.wait_indirect_dma semaphore(%run_scoped3A : memref<!tpu.dma_semaphore, #tpu.memory_space<semaphore_mem>>) src(%dma_wait3A_721 : memref<196x32xf32, #tpu.memory_space<vmem>>) dst(%dma_wait3A_727 : memref<3136x32xf32, #tpu.memory_space<vmem_shared>>)
      tpu.yield
    }) : () -> ()
    %barrier3A_182 = arith.constant 0 : index
    tpu.barrier barrier_id(%barrier3A_182)
    %broadcast_in_dim3A_183 = arith.constant 0.000000e+00 : f32
    %broadcast_in_dim3A_184 = vector.broadcast %broadcast_in_dim3A_183 : f32 to vector<16xf32>
    %swap3A = arith.constant 0 : i32
    %swap3A_185 = arith.index_cast %swap3A : i32 to index
    %swap3A_186 = arith.constant 0 : index
    %swap3A_187 = tpu.vector_load %arg11[%swap3A_185, %swap3A_186] {strides = array<i32>} : memref<3136x32xf32, #tpu.memory_space<vmem>>, vector<16xf32>,
    tpu.vector_store %arg11[%swap3A_185, %swap3A_186], %broadcast_in_dim3A_184 {strides = array<i32>} : memref<3136x32xf32, #tpu.memory_space<vmem>>, vector<16xf32>,
    %swap3A_188 = arith.constant 0 : i32
    %swap3A_189 = arith.index_cast %swap3A_188 : i32 to index
    %swap3A_190 = arith.constant 16 : index
    %swap3A_191 = tpu.vector_load %arg11[%swap3A_189, %swap3A_190] {strides = array<i32>} : memref<3136x32xf32, #tpu.memory_space<vmem>>, vector<16xf32>,
    tpu.vector_store %arg11[%swap3A_189, %swap3A_190], %broadcast_in_dim3A_184 {strides = array<i32>} : memref<3136x32xf32, #tpu.memory_space<vmem>>, vector<16xf32>,
    %swap3A_192 = arith.constant 1 : i32
    %swap3A_193 = arith.index_cast %swap3A_192 : i32 to index
    %swap3A_194 = arith.constant 0 : index
    %swap3A_195 = tpu.vector_load %arg11[%swap3A_193, %swap3A_194] {strides = array<i32>} : memref<3136x32xf32, #tpu.memory_space<vmem>>, vector<16xf32>,
    tpu.vector_store %arg11[%swap3A_193, %swap3A_194], %broadcast_in_dim3A_184 {strides = array<i32>} : memref<3136x32xf32, #tpu.memory_space<vmem>>, vector<16xf32>,
    %swap3A_196 = arith.constant 1 : i32
    %swap3A_197 = arith.index_cast %swap3A_196 : i32 to index
    %swap3A_198 = arith.constant 16 : index
    %swap3A_199 = tpu.vector_load %arg11[%swap3A_197, %swap3A_198] {strides = array<i32>} : memref<3136x32xf32, #tpu.memory_space<vmem>>, vector<16xf32>,
    tpu.vector_store %arg11[%swap3A_197, %swap3A_198], %broadcast_in_dim3A_184 {strides = array<i32>} : memref<3136x32xf32, #tpu.memory_space<vmem>>, vector<16xf32>,
    %swap3A_200 = arith.constant 2 : i32
    %swap3A_201 = arith.index_cast %swap3A_200 : i32 to index
    %swap3A_202 = arith.constant 0 : index
    %swap3A_203 = tpu.vector_load %arg11[%swap3A_201, %swap3A_202] {strides = array<i32>} : memref<3136x32xf32, #tpu.memory_space<vmem>>, vector<16xf32>,
    tpu.vector_store %arg11[%swap3A_201, %swap3A_202], %broadcast_in_dim3A_184 {strides = array<i32>} : memref<3136x32xf32, #tpu.memory_space<vmem>>, vector<16xf32>,
    %swap3A_204 = arith.constant 2 : i32
    %swap3A_205 = arith.index_cast %swap3A_204 : i32 to index
    %swap3A_206 = arith.constant 16 : index
    %swap3A_207 = tpu.vector_load %arg11[%swap3A_205, %swap3A_206] {strides = array<i32>} : memref<3136x32xf32, #tpu.memory_space<vmem>>, vector<16xf32>,
    tpu.vector_store %arg11[%swap3A_205, %swap3A_206], %broadcast_in_dim3A_184 {strides = array<i32>} : memref<3136x32xf32, #tpu.memory_space<vmem>>, vector<16xf32>,
    %swap3A_208 = arith.constant 3 : i32
    %swap3A_209 = arith.index_cast %swap3A_208 : i32 to index
    %swap3A_210 = arith.constant 0 : index
    %swap3A_211 = tpu.vector_load %arg11[%swap3A_209, %swap3A_210] {strides = array<i32>} : memref<3136x32xf32, #tpu.memory_space<vmem>>, vector<16xf32>,
    tpu.vector_store %arg11[%swap3A_209, %swap3A_210], %broadcast_in_dim3A_184 {strides = array<i32>} : memref<3136x32xf32, #tpu.memory_space<vmem>>, vector<16xf32>,
    %swap3A_212 = arith.constant 3 : i32
    %swap3A_213 = arith.index_cast %swap3A_212 : i32 to index
    %swap3A_214 = arith.constant 16 : index
    %swap3A_215 = tpu.vector_load %arg11[%swap3A_213, %swap3A_214] {strides = array<i32>} : memref<3136x32xf32, #tpu.memory_space<vmem>>, vector<16xf32>,
    tpu.vector_store %arg11[%swap3A_213, %swap3A_214], %broadcast_in_dim3A_184 {strides = array<i32>} : memref<3136x32xf32, #tpu.memory_space<vmem>>, vector<16xf32>,
    %swap3A_216 = arith.constant 4 : i32
    %swap3A_217 = arith.index_cast %swap3A_216 : i32 to index
    %swap3A_218 = arith.constant 0 : index
    %swap3A_219 = tpu.vector_load %arg11[%swap3A_217, %swap3A_218] {strides = array<i32>} : memref<3136x32xf32, #tpu.memory_space<vmem>>, vector<16xf32>,
    tpu.vector_store %arg11[%swap3A_217, %swap3A_218], %broadcast_in_dim3A_184 {strides = array<i32>} : memref<3136x32xf32, #tpu.memory_space<vmem>>, vector<16xf32>,
    %swap3A_220 = arith.constant 4 : i32
    %swap3A_221 = arith.index_cast %swap3A_220 : i32 to index
    %swap3A_222 = arith.constant 16 : index
    %swap3A_223 = tpu.vector_load %arg11[%swap3A_221, %swap3A_222] {strides = array<i32>} : memref<3136x32xf32, #tpu.memory_space<vmem>>, vector<16xf32>,
    tpu.vector_store %arg11[%swap3A_221, %swap3A_222], %broadcast_in_dim3A_184 {strides = array<i32>} : memref<3136x32xf32, #tpu.memory_space<vmem>>, vector<16xf32>,
    %swap3A_224 = arith.constant 5 : i32
    %swap3A_225 = arith.index_cast %swap3A_224 : i32 to index
    %swap3A_226 = arith.constant 0 : index
    %swap3A_227 = tpu.vector_load %arg11[%swap3A_225, %swap3A_226] {strides = array<i32>} : memref<3136x32xf32, #tpu.memory_space<vmem>>, vector<16xf32>,
    tpu.vector_store %arg11[%swap3A_225, %swap3A_226], %broadcast_in_dim3A_184 {strides = array<i32>} : memref<3136x32xf32, #tpu.memory_space<vmem>>, vector<16xf32>,
    %swap3A_228 = arith.constant 5 : i32
    %swap3A_229 = arith.index_cast %swap3A_228 : i32 to index
    %swap3A_230 = arith.constant 16 : index
    %swap3A_231 = tpu.vector_load %arg11[%swap3A_229, %swap3A_230] {strides = array<i32>} : memref<3136x32xf32, #tpu.memory_space<vmem>>, vector<16xf32>,
    tpu.vector_store %arg11[%swap3A_229, %swap3A_230], %broadcast_in_dim3A_184 {strides = array<i32>} : memref<3136x32xf32, #tpu.memory_space<vmem>>, vector<16xf32>,
    %swap3A_232 = arith.constant 6 : i32
    %swap3A_233 = arith.index_cast %swap3A_232 : i32 to index
    %swap3A_234 = arith.constant 0 : index
    %swap3A_235 = tpu.vector_load %arg11[%swap3A_233, %swap3A_234] {strides = array<i32>} : memref<3136x32xf32, #tpu.memory_space<vmem>>, vector<16xf32>,
    tpu.vector_store %arg11[%swap3A_233, %swap3A_234], %broadcast_in_dim3A_184 {strides = array<i32>} : memref<3136x32xf32, #tpu.memory_space<vmem>>, vector<16xf32>,
    %swap3A_236 = arith.constant 6 : i32
    %swap3A_237 = arith.index_cast %swap3A_236 : i32 to index
    %swap3A_238 = arith.constant 16 : index
    %swap3A_239 = tpu.vector_load %arg11[%swap3A_237, %swap3A_238] {strides = array<i32>} : memref<3136x32xf32, #tpu.memory_space<vmem>>, vector<16xf32>,
    tpu.vector_store %arg11[%swap3A_237, %swap3A_238], %broadcast_in_dim3A_184 {strides = array<i32>} : memref<3136x32xf32, #tpu.memory_space<vmem>>, vector<16xf32>,
    %swap3A_240 = arith.constant 7 : i32
    %swap3A_241 = arith.index_cast %swap3A_240 : i32 to index
    %swap3A_242 = arith.constant 0 : index
    %swap3A_243 = tpu.vector_load %arg11[%swap3A_241, %swap3A_242] {strides = array<i32>} : memref<3136x32xf32, #tpu.memory_space<vmem>>, vector<16xf32>,
    tpu.vector_store %arg11[%swap3A_241, %swap3A_242], %broadcast_in_dim3A_184 {strides = array<i32>} : memref<3136x32xf32, #tpu.memory_space<vmem>>, vector<16xf32>,
    %swap3A_244 = arith.constant 7 : i32
    %swap3A_245 = arith.index_cast %swap3A_244 : i32 to index
    %swap3A_246 = arith.constant 16 : index
    %swap3A_247 = tpu.vector_load %arg11[%swap3A_245, %swap3A_246] {strides = array<i32>} : memref<3136x32xf32, #tpu.memory_space<vmem>>, vector<16xf32>,
    tpu.vector_store %arg11[%swap3A_245, %swap3A_246], %broadcast_in_dim3A_184 {strides = array<i32>} : memref<3136x32xf32, #tpu.memory_space<vmem>>, vector<16xf32>,
    %swap3A_248 = arith.constant 8 : i32
    %swap3A_249 = arith.index_cast %swap3A_248 : i32 to index
    %swap3A_250 = arith.constant 0 : index
    %swap3A_251 = tpu.vector_load %arg11[%swap3A_249, %swap3A_250] {strides = array<i32>} : memref<3136x32xf32, #tpu.memory_space<vmem>>, vector<16xf32>,
    tpu.vector_store %arg11[%swap3A_249, %swap3A_250], %broadcast_in_dim3A_184 {strides = array<i32>} : memref<3136x32xf32, #tpu.memory_space<vmem>>, vector<16xf32>,
    %swap3A_252 = arith.constant 8 : i32
    %swap3A_253 = arith.index_cast %swap3A_252 : i32 to index
    %swap3A_254 = arith.constant 16 : index
    %swap3A_255 = tpu.vector_load %arg11[%swap3A_253, %swap3A_254] {strides = array<i32>} : memref<3136x32xf32, #tpu.memory_space<vmem>>, vector<16xf32>,
    tpu.vector_store %arg11[%swap3A_253, %swap3A_254], %broadcast_in_dim3A_184 {strides = array<i32>} : memref<3136x32xf32, #tpu.memory_space<vmem>>, vector<16xf32>,
    %swap3A_256 = arith.constant 9 : i32
    %swap3A_257 = arith.index_cast %swap3A_256 : i32 to index
    %swap3A_258 = arith.constant 0 : index
    %swap3A_259 = tpu.vector_load %arg11[%swap3A_257, %swap3A_258] {strides = array<i32>} : memref<3136x32xf32, #tpu.memory_space<vmem>>, vector<16xf32>,
    tpu.vector_store %arg11[%swap3A_257, %swap3A_258], %broadcast_in_dim3A_184 {strides = array<i32>} : memref<3136x32xf32, #tpu.memory_space<vmem>>, vector<16xf32>,
    %swap3A_260 = arith.constant 9 : i32
    %swap3A_261 = arith.index_cast %swap3A_260 : i32 to index
    %swap3A_262 = arith.constant 16 : index
    %swap3A_263 = tpu.vector_load %arg11[%swap3A_261, %swap3A_262] {strides = array<i32>} : memref<3136x32xf32, #tpu.memory_space<vmem>>, vector<16xf32>,
    tpu.vector_store %arg11[%swap3A_261, %swap3A_262], %broadcast_in_dim3A_184 {strides = array<i32>} : memref<3136x32xf32, #tpu.memory_space<vmem>>, vector<16xf32>,
    %swap3A_264 = arith.constant 10 : i32
    %swap3A_265 = arith.index_cast %swap3A_264 : i32 to index
    %swap3A_266 = arith.constant 0 : index
    %swap3A_267 = tpu.vector_load %arg11[%swap3A_265, %swap3A_266] {strides = array<i32>} : memref<3136x32xf32, #tpu.memory_space<vmem>>, vector<16xf32>,
    tpu.vector_store %arg11[%swap3A_265, %swap3A_266], %broadcast_in_dim3A_184 {strides = array<i32>} : memref<3136x32xf32, #tpu.memory_space<vmem>>, vector<16xf32>,
    %swap3A_268 = arith.constant 10 : i32
    %swap3A_269 = arith.index_cast %swap3A_268 : i32 to index
    %swap3A_270 = arith.constant 16 : index
    %swap3A_271 = tpu.vector_load %arg11[%swap3A_269, %swap3A_270] {strides = array<i32>} : memref<3136x32xf32, #tpu.memory_space<vmem>>, vector<16xf32>,
    tpu.vector_store %arg11[%swap3A_269, %swap3A_270], %broadcast_in_dim3A_184 {strides = array<i32>} : memref<3136x32xf32, #tpu.memory_space<vmem>>, vector<16xf32>,
    %swap3A_272 = arith.constant 11 : i32
    %swap3A_273 = arith.index_cast %swap3A_272 : i32 to index
    %swap3A_274 = arith.constant 0 : index
    %swap3A_275 = tpu.vector_load %arg11[%swap3A_273, %swap3A_274] {strides = array<i32>} : memref<3136x32xf32, #tpu.memory_space<vmem>>, vector<16xf32>,
    tpu.vector_store %arg11[%swap3A_273, %swap3A_274], %broadcast_in_dim3A_184 {strides = array<i32>} : memref<3136x32xf32, #tpu.memory_space<vmem>>, vector<16xf32>,
    %swap3A_276 = arith.constant 11 : i32
    %swap3A_277 = arith.index_cast %swap3A_276 : i32 to index
    %swap3A_278 = arith.constant 16 : index
    %swap3A_279 = tpu.vector_load %arg11[%swap3A_277, %swap3A_278] {strides = array<i32>} : memref<3136x32xf32, #tpu.memory_space<vmem>>, vector<16xf32>,
    tpu.vector_store %arg11[%swap3A_277, %swap3A_278], %broadcast_in_dim3A_184 {strides = array<i32>} : memref<3136x32xf32, #tpu.memory_space<vmem>>, vector<16xf32>,
    %swap3A_280 = arith.constant 12 : i32
    %swap3A_281 = arith.index_cast %swap3A_280 : i32 to index
    %swap3A_282 = arith.constant 0 : index
    %swap3A_283 = tpu.vector_load %arg11[%swap3A_281, %swap3A_282] {strides = array<i32>} : memref<3136x32xf32, #tpu.memory_space<vmem>>, vector<16xf32>,
    tpu.vector_store %arg11[%swap3A_281, %swap3A_282], %broadcast_in_dim3A_184 {strides = array<i32>} : memref<3136x32xf32, #tpu.memory_space<vmem>>, vector<16xf32>,
    %swap3A_284 = arith.constant 12 : i32
    %swap3A_285 = arith.index_cast %swap3A_284 : i32 to index
    %swap3A_286 = arith.constant 16 : index
    %swap3A_287 = tpu.vector_load %arg11[%swap3A_285, %swap3A_286] {strides = array<i32>} : memref<3136x32xf32, #tpu.memory_space<vmem>>, vector<16xf32>,
    tpu.vector_store %arg11[%swap3A_285, %swap3A_286], %broadcast_in_dim3A_184 {strides = array<i32>} : memref<3136x32xf32, #tpu.memory_space<vmem>>, vector<16xf32>,
    %swap3A_288 = arith.constant 13 : i32
    %swap3A_289 = arith.index_cast %swap3A_288 : i32 to index
    %swap3A_290 = arith.constant 0 : index
    %swap3A_291 = tpu.vector_load %arg11[%swap3A_289, %swap3A_290] {strides = array<i32>} : memref<3136x32xf32, #tpu.memory_space<vmem>>, vector<16xf32>,
    tpu.vector_store %arg11[%swap3A_289, %swap3A_290], %broadcast_in_dim3A_184 {strides = array<i32>} : memref<3136x32xf32, #tpu.memory_space<vmem>>, vector<16xf32>,
    %swap3A_292 = arith.constant 13 : i32
    %swap3A_293 = arith.index_cast %swap3A_292 : i32 to index
    %swap3A_294 = arith.constant 16 : index
    %swap3A_295 = tpu.vector_load %arg11[%swap3A_293, %swap3A_294] {strides = array<i32>} : memref<3136x32xf32, #tpu.memory_space<vmem>>, vector<16xf32>,
    tpu.vector_store %arg11[%swap3A_293, %swap3A_294], %broadcast_in_dim3A_184 {strides = array<i32>} : memref<3136x32xf32, #tpu.memory_space<vmem>>, vector<16xf32>,
    %swap3A_296 = arith.constant 14 : i32
    %swap3A_297 = arith.index_cast %swap3A_296 : i32 to index
    %swap3A_298 = arith.constant 0 : index
    %swap3A_299 = tpu.vector_load %arg11[%swap3A_297, %swap3A_298] {strides = array<i32>} : memref<3136x32xf32, #tpu.memory_space<vmem>>, vector<16xf32>,
    tpu.vector_store %arg11[%swap3A_297, %swap3A_298], %broadcast_in_dim3A_184 {strides = array<i32>} : memref<3136x32xf32, #tpu.memory_space<vmem>>, vector<16xf32>,
    %swap3A_300 = arith.constant 14 : i32
    %swap3A_301 = arith.index_cast %swap3A_300 : i32 to index
    %swap3A_302 = arith.constant 16 : index
    %swap3A_303 = tpu.vector_load %arg11[%swap3A_301, %swap3A_302] {strides = array<i32>} : memref<3136x32xf32, #tpu.memory_space<vmem>>, vector<16xf32>,
    tpu.vector_store %arg11[%swap3A_301, %swap3A_302], %broadcast_in_dim3A_184 {strides = array<i32>} : memref<3136x32xf32, #tpu.memory_space<vmem>>, vector<16xf32>,
    %swap3A_304 = arith.constant 15 : i32
    %swap3A_305 = arith.index_cast %swap3A_304 : i32 to index
    %swap3A_306 = arith.constant 0 : index
    %swap3A_307 = tpu.vector_load %arg11[%swap3A_305, %swap3A_306] {strides = array<i32>} : memref<3136x32xf32, #tpu.memory_space<vmem>>, vector<16xf32>,
    tpu.vector_store %arg11[%swap3A_305, %swap3A_306], %broadcast_in_dim3A_184 {strides = array<i32>} : memref<3136x32xf32, #tpu.memory_space<vmem>>, vector<16xf32>,
    %swap3A_308 = arith.constant 15 : i32
    %swap3A_309 = arith.index_cast %swap3A_308 : i32 to index
    %swap3A_310 = arith.constant 16 : index
    %swap3A_311 = tpu.vector_load %arg11[%swap3A_309, %swap3A_310] {strides = array<i32>} : memref<3136x32xf32, #tpu.memory_space<vmem>>, vector<16xf32>,
    tpu.vector_store %arg11[%swap3A_309, %swap3A_310], %broadcast_in_dim3A_184 {strides = array<i32>} : memref<3136x32xf32, #tpu.memory_space<vmem>>, vector<16xf32>,
    %swap3A_312 = arith.constant 16 : i32
    %swap3A_313 = arith.index_cast %swap3A_312 : i32 to index
    %swap3A_314 = arith.constant 0 : index
    %swap3A_315 = tpu.vector_load %arg11[%swap3A_313, %swap3A_314] {strides = array<i32>} : memref<3136x32xf32, #tpu.memory_space<vmem>>, vector<16xf32>,
    tpu.vector_store %arg11[%swap3A_313, %swap3A_314], %broadcast_in_dim3A_184 {strides = array<i32>} : memref<3136x32xf32, #tpu.memory_space<vmem>>, vector<16xf32>,
    %swap3A_316 = arith.constant 16 : i32
    %swap3A_317 = arith.index_cast %swap3A_316 : i32 to index
    %swap3A_318 = arith.constant 16 : index
    %swap3A_319 = tpu.vector_load %arg11[%swap3A_317, %swap3A_318] {strides = array<i32>} : memref<3136x32xf32, #tpu.memory_space<vmem>>, vector<16xf32>,
    tpu.vector_store %arg11[%swap3A_317, %swap3A_318], %broadcast_in_dim3A_184 {strides = array<i32>} : memref<3136x32xf32, #tpu.memory_space<vmem>>, vector<16xf32>,
    %swap3A_320 = arith.constant 17 : i32
    %swap3A_321 = arith.index_cast %swap3A_320 : i32 to index
    %swap3A_322 = arith.constant 0 : index
    %swap3A_323 = tpu.vector_load %arg11[%swap3A_321, %swap3A_322] {strides = array<i32>} : memref<3136x32xf32, #tpu.memory_space<vmem>>, vector<16xf32>,
    tpu.vector_store %arg11[%swap3A_321, %swap3A_322], %broadcast_in_dim3A_184 {strides = array<i32>} : memref<3136x32xf32, #tpu.memory_space<vmem>>, vector<16xf32>,
    %swap3A_324 = arith.constant 17 : i32
    %swap3A_325 = arith.index_cast %swap3A_324 : i32 to index
    %swap3A_326 = arith.constant 16 : index
    %swap3A_327 = tpu.vector_load %arg11[%swap3A_325, %swap3A_326] {strides = array<i32>} : memref<3136x32xf32, #tpu.memory_space<vmem>>, vector<16xf32>,
    tpu.vector_store %arg11[%swap3A_325, %swap3A_326], %broadcast_in_dim3A_184 {strides = array<i32>} : memref<3136x32xf32, #tpu.memory_space<vmem>>, vector<16xf32>,
    %swap3A_328 = arith.constant 18 : i32
    %swap3A_329 = arith.index_cast %swap3A_328 : i32 to index
    %swap3A_330 = arith.constant 0 : index
    %swap3A_331 = tpu.vector_load %arg11[%swap3A_329, %swap3A_330] {strides = array<i32>} : memref<3136x32xf32, #tpu.memory_space<vmem>>, vector<16xf32>,
    tpu.vector_store %arg11[%swap3A_329, %swap3A_330], %broadcast_in_dim3A_184 {strides = array<i32>} : memref<3136x32xf32, #tpu.memory_space<vmem>>, vector<16xf32>,
    %swap3A_332 = arith.constant 18 : i32
    %swap3A_333 = arith.index_cast %swap3A_332 : i32 to index
    %swap3A_334 = arith.constant 16 : index
    %swap3A_335 = tpu.vector_load %arg11[%swap3A_333, %swap3A_334] {strides = array<i32>} : memref<3136x32xf32, #tpu.memory_space<vmem>>, vector<16xf32>,
    tpu.vector_store %arg11[%swap3A_333, %swap3A_334], %broadcast_in_dim3A_184 {strides = array<i32>} : memref<3136x32xf32, #tpu.memory_space<vmem>>, vector<16xf32>,
    %swap3A_336 = arith.constant 19 : i32
    %swap3A_337 = arith.index_cast %swap3A_336 : i32 to index
    %swap3A_338 = arith.constant 0 : index
    %swap3A_339 = tpu.vector_load %arg11[%swap3A_337, %swap3A_338] {strides = array<i32>} : memref<3136x32xf32, #tpu.memory_space<vmem>>, vector<16xf32>,
    tpu.vector_store %arg11[%swap3A_337, %swap3A_338], %broadcast_in_dim3A_184 {strides = array<i32>} : memref<3136x32xf32, #tpu.memory_space<vmem>>, vector<16xf32>,
    %swap3A_340 = arith.constant 19 : i32
    %swap3A_341 = arith.index_cast %swap3A_340 : i32 to index
    %swap3A_342 = arith.constant 16 : index
    %swap3A_343 = tpu.vector_load %arg11[%swap3A_341, %swap3A_342] {strides = array<i32>} : memref<3136x32xf32, #tpu.memory_space<vmem>>, vector<16xf32>,
    tpu.vector_store %arg11[%swap3A_341, %swap3A_342], %broadcast_in_dim3A_184 {strides = array<i32>} : memref<3136x32xf32, #tpu.memory_space<vmem>>, vector<16xf32>,
    %swap3A_344 = arith.constant 20 : i32
    %swap3A_345 = arith.index_cast %swap3A_344 : i32 to index
    %swap3A_346 = arith.constant 0 : index
    %swap3A_347 = tpu.vector_load %arg11[%swap3A_345, %swap3A_346] {strides = array<i32>} : memref<3136x32xf32, #tpu.memory_space<vmem>>, vector<16xf32>,
    tpu.vector_store %arg11[%swap3A_345, %swap3A_346], %broadcast_in_dim3A_184 {strides = array<i32>} : memref<3136x32xf32, #tpu.memory_space<vmem>>, vector<16xf32>,
    %swap3A_348 = arith.constant 20 : i32
    %swap3A_349 = arith.index_cast %swap3A_348 : i32 to index
    %swap3A_350 = arith.constant 16 : index
    %swap3A_351 = tpu.vector_load %arg11[%swap3A_349, %swap3A_350] {strides = array<i32>} : memref<3136x32xf32, #tpu.memory_space<vmem>>, vector<16xf32>,
    tpu.vector_store %arg11[%swap3A_349, %swap3A_350], %broadcast_in_dim3A_184 {strides = array<i32>} : memref<3136x32xf32, #tpu.memory_space<vmem>>, vector<16xf32>,
    %swap3A_352 = arith.constant 21 : i32
    %swap3A_353 = arith.index_cast %swap3A_352 : i32 to index
    %swap3A_354 = arith.constant 0 : index
    %swap3A_355 = tpu.vector_load %arg11[%swap3A_353, %swap3A_354] {strides = array<i32>} : memref<3136x32xf32, #tpu.memory_space<vmem>>, vector<16xf32>,
    tpu.vector_store %arg11[%swap3A_353, %swap3A_354], %broadcast_in_dim3A_184 {strides = array<i32>} : memref<3136x32xf32, #tpu.memory_space<vmem>>, vector<16xf32>,
    %swap3A_356 = arith.constant 21 : i32
    %swap3A_357 = arith.index_cast %swap3A_356 : i32 to index
    %swap3A_358 = arith.constant 16 : index
    %swap3A_359 = tpu.vector_load %arg11[%swap3A_357, %swap3A_358] {strides = array<i32>} : memref<3136x32xf32, #tpu.memory_space<vmem>>, vector<16xf32>,
    tpu.vector_store %arg11[%swap3A_357, %swap3A_358], %broadcast_in_dim3A_184 {strides = array<i32>} : memref<3136x32xf32, #tpu.memory_space<vmem>>, vector<16xf32>,
    %swap3A_360 = arith.constant 22 : i32
    %swap3A_361 = arith.index_cast %swap3A_360 : i32 to index
    %swap3A_362 = arith.constant 0 : index
    %swap3A_363 = tpu.vector_load %arg11[%swap3A_361, %swap3A_362] {strides = array<i32>} : memref<3136x32xf32, #tpu.memory_space<vmem>>, vector<16xf32>,
    tpu.vector_store %arg11[%swap3A_361, %swap3A_362], %broadcast_in_dim3A_184 {strides = array<i32>} : memref<3136x32xf32, #tpu.memory_space<vmem>>, vector<16xf32>,
    %swap3A_364 = arith.constant 22 : i32
    %swap3A_365 = arith.index_cast %swap3A_364 : i32 to index
    %swap3A_366 = arith.constant 16 : index
    %swap3A_367 = tpu.vector_load %arg11[%swap3A_365, %swap3A_366] {strides = array<i32>} : memref<3136x32xf32, #tpu.memory_space<vmem>>, vector<16xf32>,
    tpu.vector_store %arg11[%swap3A_365, %swap3A_366], %broadcast_in_dim3A_184 {strides = array<i32>} : memref<3136x32xf32, #tpu.memory_space<vmem>>, vector<16xf32>,
    %swap3A_368 = arith.constant 23 : i32
    %swap3A_369 = arith.index_cast %swap3A_368 : i32 to index
    %swap3A_370 = arith.constant 0 : index
    %swap3A_371 = tpu.vector_load %arg11[%swap3A_369, %swap3A_370] {strides = array<i32>} : memref<3136x32xf32, #tpu.memory_space<vmem>>, vector<16xf32>,
    tpu.vector_store %arg11[%swap3A_369, %swap3A_370], %broadcast_in_dim3A_184 {strides = array<i32>} : memref<3136x32xf32, #tpu.memory_space<vmem>>, vector<16xf32>,
    %swap3A_372 = arith.constant 23 : i32
    %swap3A_373 = arith.index_cast %swap3A_372 : i32 to index
    %swap3A_374 = arith.constant 16 : index
    %swap3A_375 = tpu.vector_load %arg11[%swap3A_373, %swap3A_374] {strides = array<i32>} : memref<3136x32xf32, #tpu.memory_space<vmem>>, vector<16xf32>,
    tpu.vector_store %arg11[%swap3A_373, %swap3A_374], %broadcast_in_dim3A_184 {strides = array<i32>} : memref<3136x32xf32, #tpu.memory_space<vmem>>, vector<16xf32>,
    %swap3A_376 = arith.constant 24 : i32
    %swap3A_377 = arith.index_cast %swap3A_376 : i32 to index
    %swap3A_378 = arith.constant 0 : index
    %swap3A_379 = tpu.vector_load %arg11[%swap3A_377, %swap3A_378] {strides = array<i32>} : memref<3136x32xf32, #tpu.memory_space<vmem>>, vector<16xf32>,
    tpu.vector_store %arg11[%swap3A_377, %swap3A_378], %broadcast_in_dim3A_184 {strides = array<i32>} : memref<3136x32xf32, #tpu.memory_space<vmem>>, vector<16xf32>,
    %swap3A_380 = arith.constant 24 : i32
    %swap3A_381 = arith.index_cast %swap3A_380 : i32 to index
    %swap3A_382 = arith.constant 16 : index
    %swap3A_383 = tpu.vector_load %arg11[%swap3A_381, %swap3A_382] {strides = array<i32>} : memref<3136x32xf32, #tpu.memory_space<vmem>>, vector<16xf32>,
    tpu.vector_store %arg11[%swap3A_381, %swap3A_382], %broadcast_in_dim3A_184 {strides = array<i32>} : memref<3136x32xf32, #tpu.memory_space<vmem>>, vector<16xf32>,
    %swap3A_384 = arith.constant 25 : i32
    %swap3A_385 = arith.index_cast %swap3A_384 : i32 to index
    %swap3A_386 = arith.constant 0 : index
    %swap3A_387 = tpu.vector_load %arg11[%swap3A_385, %swap3A_386] {strides = array<i32>} : memref<3136x32xf32, #tpu.memory_space<vmem>>, vector<16xf32>,
    tpu.vector_store %arg11[%swap3A_385, %swap3A_386], %broadcast_in_dim3A_184 {strides = array<i32>} : memref<3136x32xf32, #tpu.memory_space<vmem>>, vector<16xf32>,
    %swap3A_388 = arith.constant 25 : i32
    %swap3A_389 = arith.index_cast %swap3A_388 : i32 to index
    %swap3A_390 = arith.constant 16 : index
    %swap3A_391 = tpu.vector_load %arg11[%swap3A_389, %swap3A_390] {strides = array<i32>} : memref<3136x32xf32, #tpu.memory_space<vmem>>, vector<16xf32>,
    tpu.vector_store %arg11[%swap3A_389, %swap3A_390], %broadcast_in_dim3A_184 {strides = array<i32>} : memref<3136x32xf32, #tpu.memory_space<vmem>>, vector<16xf32>,
    %swap3A_392 = arith.constant 26 : i32
    %swap3A_393 = arith.index_cast %swap3A_392 : i32 to index
    %swap3A_394 = arith.constant 0 : index
    %swap3A_395 = tpu.vector_load %arg11[%swap3A_393, %swap3A_394] {strides = array<i32>} : memref<3136x32xf32, #tpu.memory_space<vmem>>, vector<16xf32>,
    tpu.vector_store %arg11[%swap3A_393, %swap3A_394], %broadcast_in_dim3A_184 {strides = array<i32>} : memref<3136x32xf32, #tpu.memory_space<vmem>>, vector<16xf32>,
    %swap3A_396 = arith.constant 26 : i32
    %swap3A_397 = arith.index_cast %swap3A_396 : i32 to index
    %swap3A_398 = arith.constant 16 : index
    %swap3A_399 = tpu.vector_load %arg11[%swap3A_397, %swap3A_398] {strides = array<i32>} : memref<3136x32xf32, #tpu.memory_space<vmem>>, vector<16xf32>,
    tpu.vector_store %arg11[%swap3A_397, %swap3A_398], %broadcast_in_dim3A_184 {strides = array<i32>} : memref<3136x32xf32, #tpu.memory_space<vmem>>, vector<16xf32>,
    %swap3A_400 = arith.constant 27 : i32
    %swap3A_401 = arith.index_cast %swap3A_400 : i32 to index
    %swap3A_402 = arith.constant 0 : index
    %swap3A_403 = tpu.vector_load %arg11[%swap3A_401, %swap3A_402] {strides = array<i32>} : memref<3136x32xf32, #tpu.memory_space<vmem>>, vector<16xf32>,
    tpu.vector_store %arg11[%swap3A_401, %swap3A_402], %broadcast_in_dim3A_184 {strides = array<i32>} : memref<3136x32xf32, #tpu.memory_space<vmem>>, vector<16xf32>,
    %swap3A_404 = arith.constant 27 : i32
    %swap3A_405 = arith.index_cast %swap3A_404 : i32 to index
    %swap3A_406 = arith.constant 16 : index
    %swap3A_407 = tpu.vector_load %arg11[%swap3A_405, %swap3A_406] {strides = array<i32>} : memref<3136x32xf32, #tpu.memory_space<vmem>>, vector<16xf32>,
    tpu.vector_store %arg11[%swap3A_405, %swap3A_406], %broadcast_in_dim3A_184 {strides = array<i32>} : memref<3136x32xf32, #tpu.memory_space<vmem>>, vector<16xf32>,
    %swap3A_408 = arith.constant 28 : i32
    %swap3A_409 = arith.index_cast %swap3A_408 : i32 to index
    %swap3A_410 = arith.constant 0 : index
    %swap3A_411 = tpu.vector_load %arg11[%swap3A_409, %swap3A_410] {strides = array<i32>} : memref<3136x32xf32, #tpu.memory_space<vmem>>, vector<16xf32>,
    tpu.vector_store %arg11[%swap3A_409, %swap3A_410], %broadcast_in_dim3A_184 {strides = array<i32>} : memref<3136x32xf32, #tpu.memory_space<vmem>>, vector<16xf32>,
    %swap3A_412 = arith.constant 28 : i32
    %swap3A_413 = arith.index_cast %swap3A_412 : i32 to index
    %swap3A_414 = arith.constant 16 : index
    %swap3A_415 = tpu.vector_load %arg11[%swap3A_413, %swap3A_414] {strides = array<i32>} : memref<3136x32xf32, #tpu.memory_space<vmem>>, vector<16xf32>,
    tpu.vector_store %arg11[%swap3A_413, %swap3A_414], %broadcast_in_dim3A_184 {strides = array<i32>} : memref<3136x32xf32, #tpu.memory_space<vmem>>, vector<16xf32>,
    %swap3A_416 = arith.constant 29 : i32
    %swap3A_417 = arith.index_cast %swap3A_416 : i32 to index
    %swap3A_418 = arith.constant 0 : index
    %swap3A_419 = tpu.vector_load %arg11[%swap3A_417, %swap3A_418] {strides = array<i32>} : memref<3136x32xf32, #tpu.memory_space<vmem>>, vector<16xf32>,
    tpu.vector_store %arg11[%swap3A_417, %swap3A_418], %broadcast_in_dim3A_184 {strides = array<i32>} : memref<3136x32xf32, #tpu.memory_space<vmem>>, vector<16xf32>,
    %swap3A_420 = arith.constant 29 : i32
    %swap3A_421 = arith.index_cast %swap3A_420 : i32 to index
    %swap3A_422 = arith.constant 16 : index
    %swap3A_423 = tpu.vector_load %arg11[%swap3A_421, %swap3A_422] {strides = array<i32>} : memref<3136x32xf32, #tpu.memory_space<vmem>>, vector<16xf32>,
    tpu.vector_store %arg11[%swap3A_421, %swap3A_422], %broadcast_in_dim3A_184 {strides = array<i32>} : memref<3136x32xf32, #tpu.memory_space<vmem>>, vector<16xf32>,
    %swap3A_424 = arith.constant 30 : i32
    %swap3A_425 = arith.index_cast %swap3A_424 : i32 to index
    %swap3A_426 = arith.constant 0 : index
    %swap3A_427 = tpu.vector_load %arg11[%swap3A_425, %swap3A_426] {strides = array<i32>} : memref<3136x32xf32, #tpu.memory_space<vmem>>, vector<16xf32>,
    tpu.vector_store %arg11[%swap3A_425, %swap3A_426], %broadcast_in_dim3A_184 {strides = array<i32>} : memref<3136x32xf32, #tpu.memory_space<vmem>>, vector<16xf32>,
    %swap3A_428 = arith.constant 30 : i32
    %swap3A_429 = arith.index_cast %swap3A_428 : i32 to index
    %swap3A_430 = arith.constant 16 : index
    %swap3A_431 = tpu.vector_load %arg11[%swap3A_429, %swap3A_430] {strides = array<i32>} : memref<3136x32xf32, #tpu.memory_space<vmem>>, vector<16xf32>,
    tpu.vector_store %arg11[%swap3A_429, %swap3A_430], %broadcast_in_dim3A_184 {strides = array<i32>} : memref<3136x32xf32, #tpu.memory_space<vmem>>, vector<16xf32>,
    %swap3A_432 = arith.constant 31 : i32
    %swap3A_433 = arith.index_cast %swap3A_432 : i32 to index
    %swap3A_434 = arith.constant 0 : index
    %swap3A_435 = tpu.vector_load %arg11[%swap3A_433, %swap3A_434] {strides = array<i32>} : memref<3136x32xf32, #tpu.memory_space<vmem>>, vector<16xf32>,
    tpu.vector_store %arg11[%swap3A_433, %swap3A_434], %broadcast_in_dim3A_184 {strides = array<i32>} : memref<3136x32xf32, #tpu.memory_space<vmem>>, vector<16xf32>,
    %swap3A_436 = arith.constant 31 : i32
    %swap3A_437 = arith.index_cast %swap3A_436 : i32 to index
    %swap3A_438 = arith.constant 16 : index
    %swap3A_439 = tpu.vector_load %arg11[%swap3A_437, %swap3A_438] {strides = array<i32>} : memref<3136x32xf32, #tpu.memory_space<vmem>>, vector<16xf32>,
    tpu.vector_store %arg11[%swap3A_437, %swap3A_438], %broadcast_in_dim3A_184 {strides = array<i32>} : memref<3136x32xf32, #tpu.memory_space<vmem>>, vector<16xf32>,
    %swap3A_440 = arith.constant 32 : i32
    %swap3A_441 = arith.index_cast %swap3A_440 : i32 to index
    %swap3A_442 = arith.constant 0 : index
    %swap3A_443 = tpu.vector_load %arg11[%swap3A_441, %swap3A_442] {strides = array<i32>} : memref<3136x32xf32, #tpu.memory_space<vmem>>, vector<16xf32>,
    tpu.vector_store %arg11[%swap3A_441, %swap3A_442], %broadcast_in_dim3A_184 {strides = array<i32>} : memref<3136x32xf32, #tpu.memory_space<vmem>>, vector<16xf32>,
    %swap3A_444 = arith.constant 32 : i32
    %swap3A_445 = arith.index_cast %swap3A_444 : i32 to index
    %swap3A_446 = arith.constant 16 : index
    %swap3A_447 = tpu.vector_load %arg11[%swap3A_445, %swap3A_446] {strides = array<i32>} : memref<3136x32xf32, #tpu.memory_space<vmem>>, vector<16xf32>,
    tpu.vector_store %arg11[%swap3A_445, %swap3A_446], %broadcast_in_dim3A_184 {strides = array<i32>} : memref<3136x32xf32, #tpu.memory_space<vmem>>, vector<16xf32>,
    %swap3A_448 = arith.constant 33 : i32
    %swap3A_449 = arith.index_cast %swap3A_448 : i32 to index
    %swap3A_450 = arith.constant 0 : index
    %swap3A_451 = tpu.vector_load %arg11[%swap3A_449, %swap3A_450] {strides = array<i32>} : memref<3136x32xf32, #tpu.memory_space<vmem>>, vector<16xf32>,
    tpu.vector_store %arg11[%swap3A_449, %swap3A_450], %broadcast_in_dim3A_184 {strides = array<i32>} : memref<3136x32xf32, #tpu.memory_space<vmem>>, vector<16xf32>,
    %swap3A_452 = arith.constant 33 : i32
    %swap3A_453 = arith.index_cast %swap3A_452 : i32 to index
    %swap3A_454 = arith.constant 16 : index
    %swap3A_455 = tpu.vector_load %arg11[%swap3A_453, %swap3A_454] {strides = array<i32>} : memref<3136x32xf32, #tpu.memory_space<vmem>>, vector<16xf32>,
    tpu.vector_store %arg11[%swap3A_453, %swap3A_454], %broadcast_in_dim3A_184 {strides = array<i32>} : memref<3136x32xf32, #tpu.memory_space<vmem>>, vector<16xf32>,
    %swap3A_456 = arith.constant 34 : i32
    %swap3A_457 = arith.index_cast %swap3A_456 : i32 to index
    %swap3A_458 = arith.constant 0 : index
    %swap3A_459 = tpu.vector_load %arg11[%swap3A_457, %swap3A_458] {strides = array<i32>} : memref<3136x32xf32, #tpu.memory_space<vmem>>, vector<16xf32>,
    tpu.vector_store %arg11[%swap3A_457, %swap3A_458], %broadcast_in_dim3A_184 {strides = array<i32>} : memref<3136x32xf32, #tpu.memory_space<vmem>>, vector<16xf32>,
    %swap3A_460 = arith.constant 34 : i32
    %swap3A_461 = arith.index_cast %swap3A_460 : i32 to index
    %swap3A_462 = arith.constant 16 : index
    %swap3A_463 = tpu.vector_load %arg11[%swap3A_461, %swap3A_462] {strides = array<i32>} : memref<3136x32xf32, #tpu.memory_space<vmem>>, vector<16xf32>,
    tpu.vector_store %arg11[%swap3A_461, %swap3A_462], %broadcast_in_dim3A_184 {strides = array<i32>} : memref<3136x32xf32, #tpu.memory_space<vmem>>, vector<16xf32>,
    %swap3A_464 = arith.constant 35 : i32
    %swap3A_465 = arith.index_cast %swap3A_464 : i32 to index
    %swap3A_466 = arith.constant 0 : index
    %swap3A_467 = tpu.vector_load %arg11[%swap3A_465, %swap3A_466] {strides = array<i32>} : memref<3136x32xf32, #tpu.memory_space<vmem>>, vector<16xf32>,
    tpu.vector_store %arg11[%swap3A_465, %swap3A_466], %broadcast_in_dim3A_184 {strides = array<i32>} : memref<3136x32xf32, #tpu.memory_space<vmem>>, vector<16xf32>,
    %swap3A_468 = arith.constant 35 : i32
    %swap3A_469 = arith.index_cast %swap3A_468 : i32 to index
    %swap3A_470 = arith.constant 16 : index
    %swap3A_471 = tpu.vector_load %arg11[%swap3A_469, %swap3A_470] {strides = array<i32>} : memref<3136x32xf32, #tpu.memory_space<vmem>>, vector<16xf32>,
    tpu.vector_store %arg11[%swap3A_469, %swap3A_470], %broadcast_in_dim3A_184 {strides = array<i32>} : memref<3136x32xf32, #tpu.memory_space<vmem>>, vector<16xf32>,
    %swap3A_472 = arith.constant 36 : i32
    %swap3A_473 = arith.index_cast %swap3A_472 : i32 to index
    %swap3A_474 = arith.constant 0 : index
    %swap3A_475 = tpu.vector_load %arg11[%swap3A_473, %swap3A_474] {strides = array<i32>} : memref<3136x32xf32, #tpu.memory_space<vmem>>, vector<16xf32>,
    tpu.vector_store %arg11[%swap3A_473, %swap3A_474], %broadcast_in_dim3A_184 {strides = array<i32>} : memref<3136x32xf32, #tpu.memory_space<vmem>>, vector<16xf32>,
    %swap3A_476 = arith.constant 36 : i32
    %swap3A_477 = arith.index_cast %swap3A_476 : i32 to index
    %swap3A_478 = arith.constant 16 : index
    %swap3A_479 = tpu.vector_load %arg11[%swap3A_477, %swap3A_478] {strides = array<i32>} : memref<3136x32xf32, #tpu.memory_space<vmem>>, vector<16xf32>,
    tpu.vector_store %arg11[%swap3A_477, %swap3A_478], %broadcast_in_dim3A_184 {strides = array<i32>} : memref<3136x32xf32, #tpu.memory_space<vmem>>, vector<16xf32>,
    %swap3A_480 = arith.constant 37 : i32
    %swap3A_481 = arith.index_cast %swap3A_480 : i32 to index
    %swap3A_482 = arith.constant 0 : index
    %swap3A_483 = tpu.vector_load %arg11[%swap3A_481, %swap3A_482] {strides = array<i32>} : memref<3136x32xf32, #tpu.memory_space<vmem>>, vector<16xf32>,
    tpu.vector_store %arg11[%swap3A_481, %swap3A_482], %broadcast_in_dim3A_184 {strides = array<i32>} : memref<3136x32xf32, #tpu.memory_space<vmem>>, vector<16xf32>,
    %swap3A_484 = arith.constant 37 : i32
    %swap3A_485 = arith.index_cast %swap3A_484 : i32 to index
    %swap3A_486 = arith.constant 16 : index
    %swap3A_487 = tpu.vector_load %arg11[%swap3A_485, %swap3A_486] {strides = array<i32>} : memref<3136x32xf32, #tpu.memory_space<vmem>>, vector<16xf32>,
    tpu.vector_store %arg11[%swap3A_485, %swap3A_486], %broadcast_in_dim3A_184 {strides = array<i32>} : memref<3136x32xf32, #tpu.memory_space<vmem>>, vector<16xf32>,
    %swap3A_488 = arith.constant 38 : i32
    %swap3A_489 = arith.index_cast %swap3A_488 : i32 to index
    %swap3A_490 = arith.constant 0 : index
    %swap3A_491 = tpu.vector_load %arg11[%swap3A_489, %swap3A_490] {strides = array<i32>} : memref<3136x32xf32, #tpu.memory_space<vmem>>, vector<16xf32>,
    tpu.vector_store %arg11[%swap3A_489, %swap3A_490], %broadcast_in_dim3A_184 {strides = array<i32>} : memref<3136x32xf32, #tpu.memory_space<vmem>>, vector<16xf32>,
    %swap3A_492 = arith.constant 38 : i32
    %swap3A_493 = arith.index_cast %swap3A_492 : i32 to index
    %swap3A_494 = arith.constant 16 : index
    %swap3A_495 = tpu.vector_load %arg11[%swap3A_493, %swap3A_494] {strides = array<i32>} : memref<3136x32xf32, #tpu.memory_space<vmem>>, vector<16xf32>,
    tpu.vector_store %arg11[%swap3A_493, %swap3A_494], %broadcast_in_dim3A_184 {strides = array<i32>} : memref<3136x32xf32, #tpu.memory_space<vmem>>, vector<16xf32>,
    %swap3A_496 = arith.constant 39 : i32
    %swap3A_497 = arith.index_cast %swap3A_496 : i32 to index
    %swap3A_498 = arith.constant 0 : index
    %swap3A_499 = tpu.vector_load %arg11[%swap3A_497, %swap3A_498] {strides = array<i32>} : memref<3136x32xf32, #tpu.memory_space<vmem>>, vector<16xf32>,
    tpu.vector_store %arg11[%swap3A_497, %swap3A_498], %broadcast_in_dim3A_184 {strides = array<i32>} : memref<3136x32xf32, #tpu.memory_space<vmem>>, vector<16xf32>,
    %swap3A_500 = arith.constant 39 : i32
    %swap3A_501 = arith.index_cast %swap3A_500 : i32 to index
    %swap3A_502 = arith.constant 16 : index
    %swap3A_503 = tpu.vector_load %arg11[%swap3A_501, %swap3A_502] {strides = array<i32>} : memref<3136x32xf32, #tpu.memory_space<vmem>>, vector<16xf32>,
    tpu.vector_store %arg11[%swap3A_501, %swap3A_502], %broadcast_in_dim3A_184 {strides = array<i32>} : memref<3136x32xf32, #tpu.memory_space<vmem>>, vector<16xf32>,
    %swap3A_504 = arith.constant 40 : i32
    %swap3A_505 = arith.index_cast %swap3A_504 : i32 to index
    %swap3A_506 = arith.constant 0 : index
    %swap3A_507 = tpu.vector_load %arg11[%swap3A_505, %swap3A_506] {strides = array<i32>} : memref<3136x32xf32, #tpu.memory_space<vmem>>, vector<16xf32>,
    tpu.vector_store %arg11[%swap3A_505, %swap3A_506], %broadcast_in_dim3A_184 {strides = array<i32>} : memref<3136x32xf32, #tpu.memory_space<vmem>>, vector<16xf32>,
    %swap3A_508 = arith.constant 40 : i32
    %swap3A_509 = arith.index_cast %swap3A_508 : i32 to index
    %swap3A_510 = arith.constant 16 : index
    %swap3A_511 = tpu.vector_load %arg11[%swap3A_509, %swap3A_510] {strides = array<i32>} : memref<3136x32xf32, #tpu.memory_space<vmem>>, vector<16xf32>,
    tpu.vector_store %arg11[%swap3A_509, %swap3A_510], %broadcast_in_dim3A_184 {strides = array<i32>} : memref<3136x32xf32, #tpu.memory_space<vmem>>, vector<16xf32>,
    %swap3A_512 = arith.constant 41 : i32
    %swap3A_513 = arith.index_cast %swap3A_512 : i32 to index
    %swap3A_514 = arith.constant 0 : index
    %swap3A_515 = tpu.vector_load %arg11[%swap3A_513, %swap3A_514] {strides = array<i32>} : memref<3136x32xf32, #tpu.memory_space<vmem>>, vector<16xf32>,
    tpu.vector_store %arg11[%swap3A_513, %swap3A_514], %broadcast_in_dim3A_184 {strides = array<i32>} : memref<3136x32xf32, #tpu.memory_space<vmem>>, vector<16xf32>,
    %swap3A_516 = arith.constant 41 : i32
    %swap3A_517 = arith.index_cast %swap3A_516 : i32 to index
    %swap3A_518 = arith.constant 16 : index
    %swap3A_519 = tpu.vector_load %arg11[%swap3A_517, %swap3A_518] {strides = array<i32>} : memref<3136x32xf32, #tpu.memory_space<vmem>>, vector<16xf32>,
    tpu.vector_store %arg11[%swap3A_517, %swap3A_518], %broadcast_in_dim3A_184 {strides = array<i32>} : memref<3136x32xf32, #tpu.memory_space<vmem>>, vector<16xf32>,
    %swap3A_520 = arith.constant 42 : i32
    %swap3A_521 = arith.index_cast %swap3A_520 : i32 to index
    %swap3A_522 = arith.constant 0 : index
    %swap3A_523 = tpu.vector_load %arg11[%swap3A_521, %swap3A_522] {strides = array<i32>} : memref<3136x32xf32, #tpu.memory_space<vmem>>, vector<16xf32>,
    tpu.vector_store %arg11[%swap3A_521, %swap3A_522], %broadcast_in_dim3A_184 {strides = array<i32>} : memref<3136x32xf32, #tpu.memory_space<vmem>>, vector<16xf32>,
    %swap3A_524 = arith.constant 42 : i32
    %swap3A_525 = arith.index_cast %swap3A_524 : i32 to index
    %swap3A_526 = arith.constant 16 : index
    %swap3A_527 = tpu.vector_load %arg11[%swap3A_525, %swap3A_526] {strides = array<i32>} : memref<3136x32xf32, #tpu.memory_space<vmem>>, vector<16xf32>,
    tpu.vector_store %arg11[%swap3A_525, %swap3A_526], %broadcast_in_dim3A_184 {strides = array<i32>} : memref<3136x32xf32, #tpu.memory_space<vmem>>, vector<16xf32>,
    %swap3A_528 = arith.constant 43 : i32
    %swap3A_529 = arith.index_cast %swap3A_528 : i32 to index
    %swap3A_530 = arith.constant 0 : index
    %swap3A_531 = tpu.vector_load %arg11[%swap3A_529, %swap3A_530] {strides = array<i32>} : memref<3136x32xf32, #tpu.memory_space<vmem>>, vector<16xf32>,
    tpu.vector_store %arg11[%swap3A_529, %swap3A_530], %broadcast_in_dim3A_184 {strides = array<i32>} : memref<3136x32xf32, #tpu.memory_space<vmem>>, vector<16xf32>,
    %swap3A_532 = arith.constant 43 : i32
    %swap3A_533 = arith.index_cast %swap3A_532 : i32 to index
    %swap3A_534 = arith.constant 16 : index
    %swap3A_535 = tpu.vector_load %arg11[%swap3A_533, %swap3A_534] {strides = array<i32>} : memref<3136x32xf32, #tpu.memory_space<vmem>>, vector<16xf32>,
    tpu.vector_store %arg11[%swap3A_533, %swap3A_534], %broadcast_in_dim3A_184 {strides = array<i32>} : memref<3136x32xf32, #tpu.memory_space<vmem>>, vector<16xf32>,
    %swap3A_536 = arith.constant 44 : i32
    %swap3A_537 = arith.index_cast %swap3A_536 : i32 to index
    %swap3A_538 = arith.constant 0 : index
    %swap3A_539 = tpu.vector_load %arg11[%swap3A_537, %swap3A_538] {strides = array<i32>} : memref<3136x32xf32, #tpu.memory_space<vmem>>, vector<16xf32>,
    tpu.vector_store %arg11[%swap3A_537, %swap3A_538], %broadcast_in_dim3A_184 {strides = array<i32>} : memref<3136x32xf32, #tpu.memory_space<vmem>>, vector<16xf32>,
    %swap3A_540 = arith.constant 44 : i32
    %swap3A_541 = arith.index_cast %swap3A_540 : i32 to index
    %swap3A_542 = arith.constant 16 : index
    %swap3A_543 = tpu.vector_load %arg11[%swap3A_541, %swap3A_542] {strides = array<i32>} : memref<3136x32xf32, #tpu.memory_space<vmem>>, vector<16xf32>,
    tpu.vector_store %arg11[%swap3A_541, %swap3A_542], %broadcast_in_dim3A_184 {strides = array<i32>} : memref<3136x32xf32, #tpu.memory_space<vmem>>, vector<16xf32>,
    %swap3A_544 = arith.constant 45 : i32
    %swap3A_545 = arith.index_cast %swap3A_544 : i32 to index
    %swap3A_546 = arith.constant 0 : index
    %swap3A_547 = tpu.vector_load %arg11[%swap3A_545, %swap3A_546] {strides = array<i32>} : memref<3136x32xf32, #tpu.memory_space<vmem>>, vector<16xf32>,
    tpu.vector_store %arg11[%swap3A_545, %swap3A_546], %broadcast_in_dim3A_184 {strides = array<i32>} : memref<3136x32xf32, #tpu.memory_space<vmem>>, vector<16xf32>,
    %swap3A_548 = arith.constant 45 : i32
    %swap3A_549 = arith.index_cast %swap3A_548 : i32 to index
    %swap3A_550 = arith.constant 16 : index
    %swap3A_551 = tpu.vector_load %arg11[%swap3A_549, %swap3A_550] {strides = array<i32>} : memref<3136x32xf32, #tpu.memory_space<vmem>>, vector<16xf32>,
    tpu.vector_store %arg11[%swap3A_549, %swap3A_550], %broadcast_in_dim3A_184 {strides = array<i32>} : memref<3136x32xf32, #tpu.memory_space<vmem>>, vector<16xf32>,
    %swap3A_552 = arith.constant 46 : i32
    %swap3A_553 = arith.index_cast %swap3A_552 : i32 to index
    %swap3A_554 = arith.constant 0 : index
    %swap3A_555 = tpu.vector_load %arg11[%swap3A_553, %swap3A_554] {strides = array<i32>} : memref<3136x32xf32, #tpu.memory_space<vmem>>, vector<16xf32>,
    tpu.vector_store %arg11[%swap3A_553, %swap3A_554], %broadcast_in_dim3A_184 {strides = array<i32>} : memref<3136x32xf32, #tpu.memory_space<vmem>>, vector<16xf32>,
    %swap3A_556 = arith.constant 46 : i32
    %swap3A_557 = arith.index_cast %swap3A_556 : i32 to index
    %swap3A_558 = arith.constant 16 : index
    %swap3A_559 = tpu.vector_load %arg11[%swap3A_557, %swap3A_558] {strides = array<i32>} : memref<3136x32xf32, #tpu.memory_space<vmem>>, vector<16xf32>,
    tpu.vector_store %arg11[%swap3A_557, %swap3A_558], %broadcast_in_dim3A_184 {strides = array<i32>} : memref<3136x32xf32, #tpu.memory_space<vmem>>, vector<16xf32>,
    %swap3A_560 = arith.constant 47 : i32
    %swap3A_561 = arith.index_cast %swap3A_560 : i32 to index
    %swap3A_562 = arith.constant 0 : index
    %swap3A_563 = tpu.vector_load %arg11[%swap3A_561, %swap3A_562] {strides = array<i32>} : memref<3136x32xf32, #tpu.memory_space<vmem>>, vector<16xf32>,
    tpu.vector_store %arg11[%swap3A_561, %swap3A_562], %broadcast_in_dim3A_184 {strides = array<i32>} : memref<3136x32xf32, #tpu.memory_space<vmem>>, vector<16xf32>,
    %swap3A_564 = arith.constant 47 : i32
    %swap3A_565 = arith.index_cast %swap3A_564 : i32 to index
    %swap3A_566 = arith.constant 16 : index
    %swap3A_567 = tpu.vector_load %arg11[%swap3A_565, %swap3A_566] {strides = array<i32>} : memref<3136x32xf32, #tpu.memory_space<vmem>>, vector<16xf32>,
    tpu.vector_store %arg11[%swap3A_565, %swap3A_566], %broadcast_in_dim3A_184 {strides = array<i32>} : memref<3136x32xf32, #tpu.memory_space<vmem>>, vector<16xf32>,
    %swap3A_568 = arith.constant 48 : i32
    %swap3A_569 = arith.index_cast %swap3A_568 : i32 to index
    %swap3A_570 = arith.constant 0 : index
    %swap3A_571 = tpu.vector_load %arg11[%swap3A_569, %swap3A_570] {strides = array<i32>} : memref<3136x32xf32, #tpu.memory_space<vmem>>, vector<16xf32>,
    tpu.vector_store %arg11[%swap3A_569, %swap3A_570], %broadcast_in_dim3A_184 {strides = array<i32>} : memref<3136x32xf32, #tpu.memory_space<vmem>>, vector<16xf32>,
    %swap3A_572 = arith.constant 48 : i32
    %swap3A_573 = arith.index_cast %swap3A_572 : i32 to index
    %swap3A_574 = arith.constant 16 : index
    %swap3A_575 = tpu.vector_load %arg11[%swap3A_573, %swap3A_574] {strides = array<i32>} : memref<3136x32xf32, #tpu.memory_space<vmem>>, vector<16xf32>,
    tpu.vector_store %arg11[%swap3A_573, %swap3A_574], %broadcast_in_dim3A_184 {strides = array<i32>} : memref<3136x32xf32, #tpu.memory_space<vmem>>, vector<16xf32>,
    %swap3A_576 = arith.constant 49 : i32
    %swap3A_577 = arith.index_cast %swap3A_576 : i32 to index
    %swap3A_578 = arith.constant 0 : index
    %swap3A_579 = tpu.vector_load %arg11[%swap3A_577, %swap3A_578] {strides = array<i32>} : memref<3136x32xf32, #tpu.memory_space<vmem>>, vector<16xf32>,
    tpu.vector_store %arg11[%swap3A_577, %swap3A_578], %broadcast_in_dim3A_184 {strides = array<i32>} : memref<3136x32xf32, #tpu.memory_space<vmem>>, vector<16xf32>,
    %swap3A_580 = arith.constant 49 : i32
    %swap3A_581 = arith.index_cast %swap3A_580 : i32 to index
    %swap3A_582 = arith.constant 16 : index
    %swap3A_583 = tpu.vector_load %arg11[%swap3A_581, %swap3A_582] {strides = array<i32>} : memref<3136x32xf32, #tpu.memory_space<vmem>>, vector<16xf32>,
    tpu.vector_store %arg11[%swap3A_581, %swap3A_582], %broadcast_in_dim3A_184 {strides = array<i32>} : memref<3136x32xf32, #tpu.memory_space<vmem>>, vector<16xf32>,
    %swap3A_584 = arith.constant 50 : i32
    %swap3A_585 = arith.index_cast %swap3A_584 : i32 to index
    %swap3A_586 = arith.constant 0 : index
    %swap3A_587 = tpu.vector_load %arg11[%swap3A_585, %swap3A_586] {strides = array<i32>} : memref<3136x32xf32, #tpu.memory_space<vmem>>, vector<16xf32>,
    tpu.vector_store %arg11[%swap3A_585, %swap3A_586], %broadcast_in_dim3A_184 {strides = array<i32>} : memref<3136x32xf32, #tpu.memory_space<vmem>>, vector<16xf32>,
    %swap3A_588 = arith.constant 50 : i32
    %swap3A_589 = arith.index_cast %swap3A_588 : i32 to index
    %swap3A_590 = arith.constant 16 : index
    %swap3A_591 = tpu.vector_load %arg11[%swap3A_589, %swap3A_590] {strides = array<i32>} : memref<3136x32xf32, #tpu.memory_space<vmem>>, vector<16xf32>,
    tpu.vector_store %arg11[%swap3A_589, %swap3A_590], %broadcast_in_dim3A_184 {strides = array<i32>} : memref<3136x32xf32, #tpu.memory_space<vmem>>, vector<16xf32>,
    %swap3A_592 = arith.constant 51 : i32
    %swap3A_593 = arith.index_cast %swap3A_592 : i32 to index
    %swap3A_594 = arith.constant 0 : index
    %swap3A_595 = tpu.vector_load %arg11[%swap3A_593, %swap3A_594] {strides = array<i32>} : memref<3136x32xf32, #tpu.memory_space<vmem>>, vector<16xf32>,
    tpu.vector_store %arg11[%swap3A_593, %swap3A_594], %broadcast_in_dim3A_184 {strides = array<i32>} : memref<3136x32xf32, #tpu.memory_space<vmem>>, vector<16xf32>,
    %swap3A_596 = arith.constant 51 : i32
    %swap3A_597 = arith.index_cast %swap3A_596 : i32 to index
    %swap3A_598 = arith.constant 16 : index
    %swap3A_599 = tpu.vector_load %arg11[%swap3A_597, %swap3A_598] {strides = array<i32>} : memref<3136x32xf32, #tpu.memory_space<vmem>>, vector<16xf32>,
    tpu.vector_store %arg11[%swap3A_597, %swap3A_598], %broadcast_in_dim3A_184 {strides = array<i32>} : memref<3136x32xf32, #tpu.memory_space<vmem>>, vector<16xf32>,
    %swap3A_600 = arith.constant 52 : i32
    %swap3A_601 = arith.index_cast %swap3A_600 : i32 to index
    %swap3A_602 = arith.constant 0 : index
    %swap3A_603 = tpu.vector_load %arg11[%swap3A_601, %swap3A_602] {strides = array<i32>} : memref<3136x32xf32, #tpu.memory_space<vmem>>, vector<16xf32>,
    tpu.vector_store %arg11[%swap3A_601, %swap3A_602], %broadcast_in_dim3A_184 {strides = array<i32>} : memref<3136x32xf32, #tpu.memory_space<vmem>>, vector<16xf32>,
    %swap3A_604 = arith.constant 52 : i32
    %swap3A_605 = arith.index_cast %swap3A_604 : i32 to index
    %swap3A_606 = arith.constant 16 : index
    %swap3A_607 = tpu.vector_load %arg11[%swap3A_605, %swap3A_606] {strides = array<i32>} : memref<3136x32xf32, #tpu.memory_space<vmem>>, vector<16xf32>,
    tpu.vector_store %arg11[%swap3A_605, %swap3A_606], %broadcast_in_dim3A_184 {strides = array<i32>} : memref<3136x32xf32, #tpu.memory_space<vmem>>, vector<16xf32>,
    %swap3A_608 = arith.constant 53 : i32
    %swap3A_609 = arith.index_cast %swap3A_608 : i32 to index
    %swap3A_610 = arith.constant 0 : index
    %swap3A_611 = tpu.vector_load %arg11[%swap3A_609, %swap3A_610] {strides = array<i32>} : memref<3136x32xf32, #tpu.memory_space<vmem>>, vector<16xf32>,
    tpu.vector_store %arg11[%swap3A_609, %swap3A_610], %broadcast_in_dim3A_184 {strides = array<i32>} : memref<3136x32xf32, #tpu.memory_space<vmem>>, vector<16xf32>,
    %swap3A_612 = arith.constant 53 : i32
    %swap3A_613 = arith.index_cast %swap3A_612 : i32 to index
    %swap3A_614 = arith.constant 16 : index
    %swap3A_615 = tpu.vector_load %arg11[%swap3A_613, %swap3A_614] {strides = array<i32>} : memref<3136x32xf32, #tpu.memory_space<vmem>>, vector<16xf32>,
    tpu.vector_store %arg11[%swap3A_613, %swap3A_614], %broadcast_in_dim3A_184 {strides = array<i32>} : memref<3136x32xf32, #tpu.memory_space<vmem>>, vector<16xf32>,
    %swap3A_616 = arith.constant 54 : i32
    %swap3A_617 = arith.index_cast %swap3A_616 : i32 to index
    %swap3A_618 = arith.constant 0 : index
    %swap3A_619 = tpu.vector_load %arg11[%swap3A_617, %swap3A_618] {strides = array<i32>} : memref<3136x32xf32, #tpu.memory_space<vmem>>, vector<16xf32>,
    tpu.vector_store %arg11[%swap3A_617, %swap3A_618], %broadcast_in_dim3A_184 {strides = array<i32>} : memref<3136x32xf32, #tpu.memory_space<vmem>>, vector<16xf32>,
    %swap3A_620 = arith.constant 54 : i32
    %swap3A_621 = arith.index_cast %swap3A_620 : i32 to index
    %swap3A_622 = arith.constant 16 : index
    %swap3A_623 = tpu.vector_load %arg11[%swap3A_621, %swap3A_622] {strides = array<i32>} : memref<3136x32xf32, #tpu.memory_space<vmem>>, vector<16xf32>,
    tpu.vector_store %arg11[%swap3A_621, %swap3A_622], %broadcast_in_dim3A_184 {strides = array<i32>} : memref<3136x32xf32, #tpu.memory_space<vmem>>, vector<16xf32>,
    %swap3A_624 = arith.constant 55 : i32
    %swap3A_625 = arith.index_cast %swap3A_624 : i32 to index
    %swap3A_626 = arith.constant 0 : index
    %swap3A_627 = tpu.vector_load %arg11[%swap3A_625, %swap3A_626] {strides = array<i32>} : memref<3136x32xf32, #tpu.memory_space<vmem>>, vector<16xf32>,
    tpu.vector_store %arg11[%swap3A_625, %swap3A_626], %broadcast_in_dim3A_184 {strides = array<i32>} : memref<3136x32xf32, #tpu.memory_space<vmem>>, vector<16xf32>,
    %swap3A_628 = arith.constant 55 : i32
    %swap3A_629 = arith.index_cast %swap3A_628 : i32 to index
    %swap3A_630 = arith.constant 16 : index
    %swap3A_631 = tpu.vector_load %arg11[%swap3A_629, %swap3A_630] {strides = array<i32>} : memref<3136x32xf32, #tpu.memory_space<vmem>>, vector<16xf32>,
    tpu.vector_store %arg11[%swap3A_629, %swap3A_630], %broadcast_in_dim3A_184 {strides = array<i32>} : memref<3136x32xf32, #tpu.memory_space<vmem>>, vector<16xf32>,
    %swap3A_632 = arith.constant 56 : i32
    %swap3A_633 = arith.index_cast %swap3A_632 : i32 to index
    %swap3A_634 = arith.constant 0 : index
    %swap3A_635 = tpu.vector_load %arg11[%swap3A_633, %swap3A_634] {strides = array<i32>} : memref<3136x32xf32, #tpu.memory_space<vmem>>, vector<16xf32>,
    tpu.vector_store %arg11[%swap3A_633, %swap3A_634], %broadcast_in_dim3A_184 {strides = array<i32>} : memref<3136x32xf32, #tpu.memory_space<vmem>>, vector<16xf32>,
    %swap3A_636 = arith.constant 56 : i32
    %swap3A_637 = arith.index_cast %swap3A_636 : i32 to index
    %swap3A_638 = arith.constant 16 : index
    %swap3A_639 = tpu.vector_load %arg11[%swap3A_637, %swap3A_638] {strides = array<i32>} : memref<3136x32xf32, #tpu.memory_space<vmem>>, vector<16xf32>,
    tpu.vector_store %arg11[%swap3A_637, %swap3A_638], %broadcast_in_dim3A_184 {strides = array<i32>} : memref<3136x32xf32, #tpu.memory_space<vmem>>, vector<16xf32>,
    %swap3A_640 = arith.constant 57 : i32
    %swap3A_641 = arith.index_cast %swap3A_640 : i32 to index
    %swap3A_642 = arith.constant 0 : index
    %swap3A_643 = tpu.vector_load %arg11[%swap3A_641, %swap3A_642] {strides = array<i32>} : memref<3136x32xf32, #tpu.memory_space<vmem>>, vector<16xf32>,
    tpu.vector_store %arg11[%swap3A_641, %swap3A_642], %broadcast_in_dim3A_184 {strides = array<i32>} : memref<3136x32xf32, #tpu.memory_space<vmem>>, vector<16xf32>,
    %swap3A_644 = arith.constant 57 : i32
    %swap3A_645 = arith.index_cast %swap3A_644 : i32 to index
    %swap3A_646 = arith.constant 16 : index
    %swap3A_647 = tpu.vector_load %arg11[%swap3A_645, %swap3A_646] {strides = array<i32>} : memref<3136x32xf32, #tpu.memory_space<vmem>>, vector<16xf32>,
    tpu.vector_store %arg11[%swap3A_645, %swap3A_646], %broadcast_in_dim3A_184 {strides = array<i32>} : memref<3136x32xf32, #tpu.memory_space<vmem>>, vector<16xf32>,
    %swap3A_648 = arith.constant 58 : i32
    %swap3A_649 = arith.index_cast %swap3A_648 : i32 to index
    %swap3A_650 = arith.constant 0 : index
    %swap3A_651 = tpu.vector_load %arg11[%swap3A_649, %swap3A_650] {strides = array<i32>} : memref<3136x32xf32, #tpu.memory_space<vmem>>, vector<16xf32>,
    tpu.vector_store %arg11[%swap3A_649, %swap3A_650], %broadcast_in_dim3A_184 {strides = array<i32>} : memref<3136x32xf32, #tpu.memory_space<vmem>>, vector<16xf32>,
    %swap3A_652 = arith.constant 58 : i32
    %swap3A_653 = arith.index_cast %swap3A_652 : i32 to index
    %swap3A_654 = arith.constant 16 : index
    %swap3A_655 = tpu.vector_load %arg11[%swap3A_653, %swap3A_654] {strides = array<i32>} : memref<3136x32xf32, #tpu.memory_space<vmem>>, vector<16xf32>,
    tpu.vector_store %arg11[%swap3A_653, %swap3A_654], %broadcast_in_dim3A_184 {strides = array<i32>} : memref<3136x32xf32, #tpu.memory_space<vmem>>, vector<16xf32>,
    %swap3A_656 = arith.constant 59 : i32
    %swap3A_657 = arith.index_cast %swap3A_656 : i32 to index
    %swap3A_658 = arith.constant 0 : index
    %swap3A_659 = tpu.vector_load %arg11[%swap3A_657, %swap3A_658] {strides = array<i32>} : memref<3136x32xf32, #tpu.memory_space<vmem>>, vector<16xf32>,
    tpu.vector_store %arg11[%swap3A_657, %swap3A_658], %broadcast_in_dim3A_184 {strides = array<i32>} : memref<3136x32xf32, #tpu.memory_space<vmem>>, vector<16xf32>,
    %swap3A_660 = arith.constant 59 : i32
    %swap3A_661 = arith.index_cast %swap3A_660 : i32 to index
    %swap3A_662 = arith.constant 16 : index
    %swap3A_663 = tpu.vector_load %arg11[%swap3A_661, %swap3A_662] {strides = array<i32>} : memref<3136x32xf32, #tpu.memory_space<vmem>>, vector<16xf32>,
    tpu.vector_store %arg11[%swap3A_661, %swap3A_662], %broadcast_in_dim3A_184 {strides = array<i32>} : memref<3136x32xf32, #tpu.memory_space<vmem>>, vector<16xf32>,
    %swap3A_664 = arith.constant 60 : i32
    %swap3A_665 = arith.index_cast %swap3A_664 : i32 to index
    %swap3A_666 = arith.constant 0 : index
    %swap3A_667 = tpu.vector_load %arg11[%swap3A_665, %swap3A_666] {strides = array<i32>} : memref<3136x32xf32, #tpu.memory_space<vmem>>, vector<16xf32>,
    tpu.vector_store %arg11[%swap3A_665, %swap3A_666], %broadcast_in_dim3A_184 {strides = array<i32>} : memref<3136x32xf32, #tpu.memory_space<vmem>>, vector<16xf32>,
    %swap3A_668 = arith.constant 60 : i32
    %swap3A_669 = arith.index_cast %swap3A_668 : i32 to index
    %swap3A_670 = arith.constant 16 : index
    %swap3A_671 = tpu.vector_load %arg11[%swap3A_669, %swap3A_670] {strides = array<i32>} : memref<3136x32xf32, #tpu.memory_space<vmem>>, vector<16xf32>,
    tpu.vector_store %arg11[%swap3A_669, %swap3A_670], %broadcast_in_dim3A_184 {strides = array<i32>} : memref<3136x32xf32, #tpu.memory_space<vmem>>, vector<16xf32>,
    %swap3A_672 = arith.constant 61 : i32
    %swap3A_673 = arith.index_cast %swap3A_672 : i32 to index
    %swap3A_674 = arith.constant 0 : index
    %swap3A_675 = tpu.vector_load %arg11[%swap3A_673, %swap3A_674] {strides = array<i32>} : memref<3136x32xf32, #tpu.memory_space<vmem>>, vector<16xf32>,
    tpu.vector_store %arg11[%swap3A_673, %swap3A_674], %broadcast_in_dim3A_184 {strides = array<i32>} : memref<3136x32xf32, #tpu.memory_space<vmem>>, vector<16xf32>,
    %swap3A_676 = arith.constant 61 : i32
    %swap3A_677 = arith.index_cast %swap3A_676 : i32 to index
    %swap3A_678 = arith.constant 16 : index
    %swap3A_679 = tpu.vector_load %arg11[%swap3A_677, %swap3A_678] {strides = array<i32>} : memref<3136x32xf32, #tpu.memory_space<vmem>>, vector<16xf32>,
    tpu.vector_store %arg11[%swap3A_677, %swap3A_678], %broadcast_in_dim3A_184 {strides = array<i32>} : memref<3136x32xf32, #tpu.memory_space<vmem>>, vector<16xf32>,
    %swap3A_680 = arith.constant 62 : i32
    %swap3A_681 = arith.index_cast %swap3A_680 : i32 to index
    %swap3A_682 = arith.constant 0 : index
    %swap3A_683 = tpu.vector_load %arg11[%swap3A_681, %swap3A_682] {strides = array<i32>} : memref<3136x32xf32, #tpu.memory_space<vmem>>, vector<16xf32>,
    tpu.vector_store %arg11[%swap3A_681, %swap3A_682], %broadcast_in_dim3A_184 {strides = array<i32>} : memref<3136x32xf32, #tpu.memory_space<vmem>>, vector<16xf32>,
    %swap3A_684 = arith.constant 62 : i32
    %swap3A_685 = arith.index_cast %swap3A_684 : i32 to index
    %swap3A_686 = arith.constant 16 : index
    %swap3A_687 = tpu.vector_load %arg11[%swap3A_685, %swap3A_686] {strides = array<i32>} : memref<3136x32xf32, #tpu.memory_space<vmem>>, vector<16xf32>,
    tpu.vector_store %arg11[%swap3A_685, %swap3A_686], %broadcast_in_dim3A_184 {strides = array<i32>} : memref<3136x32xf32, #tpu.memory_space<vmem>>, vector<16xf32>,
    %swap3A_688 = arith.constant 63 : i32
    %swap3A_689 = arith.index_cast %swap3A_688 : i32 to index
    %swap3A_690 = arith.constant 0 : index
    %swap3A_691 = tpu.vector_load %arg11[%swap3A_689, %swap3A_690] {strides = array<i32>} : memref<3136x32xf32, #tpu.memory_space<vmem>>, vector<16xf32>,
    tpu.vector_store %arg11[%swap3A_689, %swap3A_690], %broadcast_in_dim3A_184 {strides = array<i32>} : memref<3136x32xf32, #tpu.memory_space<vmem>>, vector<16xf32>,
    %swap3A_692 = arith.constant 63 : i32
    %swap3A_693 = arith.index_cast %swap3A_692 : i32 to index
    %swap3A_694 = arith.constant 16 : index
    %swap3A_695 = tpu.vector_load %arg11[%swap3A_693, %swap3A_694] {strides = array<i32>} : memref<3136x32xf32, #tpu.memory_space<vmem>>, vector<16xf32>,
    tpu.vector_store %arg11[%swap3A_693, %swap3A_694], %broadcast_in_dim3A_184 {strides = array<i32>} : memref<3136x32xf32, #tpu.memory_space<vmem>>, vector<16xf32>,
    %mul3A_696 = arith.constant 196 : i32
    %mul3A_697 = arith.muli %arg1, %mul3A_696 : i32
    "tpu.region"() ({
      %run_scoped3A = tpu.sem_alloc : memref<!tpu.dma_semaphore, #tpu.memory_space<semaphore_mem>>
      %dma_start3A_712 = arith.constant 64 : i32
      %dma_start3A_713 = arith.constant 0 : i32
      %dma_start3A_714 = tpu.memref_slice %arg11[%dma_start3A_712, %dma_start3A_713] : memref<3136x32xf32, #tpu.memory_space<vmem>> -> memref<196x32xf32, #tpu.memory_space<vmem>>
      %dma_start3A_715 = arith.constant 0 : i32
      %dma_start3A_716 = tpu.memref_slice %arg20[%mul3A_697, %dma_start3A_715] : memref<3136x32xf32, #tpu.memory_space<vmem_shared>> -> memref<196x32xf32, #tpu.memory_space<vmem_shared>>
      %dma_start3A_717 = arith.constant 64 : i32
      %dma_start3A_718 = arith.constant 0 : i32
      %dma_start3A_719 = tpu.memref_slice %arg11[%dma_start3A_717, %dma_start3A_718] : memref<3136x32xf32, #tpu.memory_space<vmem>> -> memref<196x32xf32, #tpu.memory_space<vmem>>
      %dma_start3A_720 = arith.constant 0 : i32
      %dma_start3A_721 = tpu.memref_slice %arg20[%mul3A_697, %dma_start3A_720] : memref<3136x32xf32, #tpu.memory_space<vmem_shared>> -> memref<196x32xf32, #tpu.memory_space<vmem_shared>>
      tpu.enqueue_dma source(%dma_start3A_721 : memref<196x32xf32, #tpu.memory_space<vmem_shared>>) target(%dma_start3A_719 : memref<196x32xf32, #tpu.memory_space<vmem>>) target_semaphore(%run_scoped3A : memref<!tpu.dma_semaphore, #tpu.memory_space<semaphore_mem>>)
      %dma_wait3A_722 = arith.constant 64 : i32
      %dma_wait3A_723 = arith.constant 0 : i32
      %dma_wait3A_724 = tpu.memref_slice %arg11[%dma_wait3A_722, %dma_wait3A_723] : memref<3136x32xf32, #tpu.memory_space<vmem>> -> memref<196x32xf32, #tpu.memory_space<vmem>>
      %dma_wait3A_725 = arith.constant 0 : i32
      %dma_wait3A_726 = tpu.memref_slice %arg20[%mul3A_697, %dma_wait3A_725] : memref<3136x32xf32, #tpu.memory_space<vmem_shared>> -> memref<196x32xf32, #tpu.memory_space<vmem_shared>>
      %dma_wait3A_727 = arith.constant 64 : i32
      %dma_wait3A_728 = arith.constant 0 : i32
      %dma_wait3A_729 = tpu.memref_slice %arg11[%dma_wait3A_727, %dma_wait3A_728] : memref<3136x32xf32, #tpu.memory_space<vmem>> -> memref<196x32xf32, #tpu.memory_space<vmem>>
      %dma_wait3A_730 = arith.constant 0 : i32
      %dma_wait3A_731 = tpu.memref_slice %arg20[%mul3A_697, %dma_wait3A_730] : memref<3136x32xf32, #tpu.memory_space<vmem_shared>> -> memref<196x32xf32, #tpu.memory_space<vmem_shared>>
      tpu.wait_dma2 semaphore(%run_scoped3A : memref<!tpu.dma_semaphore, #tpu.memory_space<semaphore_mem>>) src(%dma_wait3A_731 : memref<196x32xf32, #tpu.memory_space<vmem_shared>>) dst(%dma_wait3A_729 : memref<196x32xf32, #tpu.memory_space<vmem>>)
      tpu.yield
    }) : () -> ()
    "tpu.region"() ({
      %run_scoped3A = tpu.sem_alloc : memref<!tpu.dma_semaphore, #tpu.memory_space<semaphore_mem>>
      %dma_start3A_712 = arith.constant 260 : i32
      %dma_start3A_713 = arith.constant 0 : i32
      %dma_start3A_714 = tpu.memref_slice %arg11[%dma_start3A_712, %dma_start3A_713] : memref<3136x32xf32, #tpu.memory_space<vmem>> -> memref<196x32xf32, #tpu.memory_space<vmem>>
      %dma_start3A_715 = arith.constant 0 : i32
      %dma_start3A_716 = tpu.memref_slice %arg5[%mul3A_697, %dma_start3A_715] : memref<3136x32xf32, #tpu.memory_space<hbm>> -> memref<196x32xf32, #tpu.memory_space<hbm>>
      %dma_start3A_717 = arith.constant 260 : i32
      %dma_start3A_718 = arith.constant 0 : i32
      %dma_start3A_719 = tpu.memref_slice %arg11[%dma_start3A_717, %dma_start3A_718] : memref<3136x32xf32, #tpu.memory_space<vmem>> -> memref<196x32xf32, #tpu.memory_space<vmem>>
      %dma_start3A_720 = arith.constant 0 : i32
      %dma_start3A_721 = tpu.memref_slice %arg5[%mul3A_697, %dma_start3A_720] : memref<3136x32xf32, #tpu.memory_space<hbm>> -> memref<196x32xf32, #tpu.memory_space<hbm>>
      tpu.enqueue_dma source(%dma_start3A_721 : memref<196x32xf32, #tpu.memory_space<hbm>>) target(%dma_start3A_719 : memref<196x32xf32, #tpu.memory_space<vmem>>) target_semaphore(%run_scoped3A : memref<!tpu.dma_semaphore, #tpu.memory_space<semaphore_mem>>)
      %dma_wait3A_722 = arith.constant 260 : i32
      %dma_wait3A_723 = arith.constant 0 : i32
      %dma_wait3A_724 = tpu.memref_slice %arg11[%dma_wait3A_722, %dma_wait3A_723] : memref<3136x32xf32, #tpu.memory_space<vmem>> -> memref<196x32xf32, #tpu.memory_space<vmem>>
      %dma_wait3A_725 = arith.constant 0 : i32
      %dma_wait3A_726 = tpu.memref_slice %arg5[%mul3A_697, %dma_wait3A_725] : memref<3136x32xf32, #tpu.memory_space<hbm>> -> memref<196x32xf32, #tpu.memory_space<hbm>>
      %dma_wait3A_727 = arith.constant 260 : i32
      %dma_wait3A_728 = arith.constant 0 : i32
      %dma_wait3A_729 = tpu.memref_slice %arg11[%dma_wait3A_727, %dma_wait3A_728] : memref<3136x32xf32, #tpu.memory_space<vmem>> -> memref<196x32xf32, #tpu.memory_space<vmem>>
      %dma_wait3A_730 = arith.constant 0 : i32
      %dma_wait3A_731 = tpu.memref_slice %arg5[%mul3A_697, %dma_wait3A_730] : memref<3136x32xf32, #tpu.memory_space<hbm>> -> memref<196x32xf32, #tpu.memory_space<hbm>>
      tpu.wait_dma2 semaphore(%run_scoped3A : memref<!tpu.dma_semaphore, #tpu.memory_space<semaphore_mem>>) src(%dma_wait3A_731 : memref<196x32xf32, #tpu.memory_space<hbm>>) dst(%dma_wait3A_729 : memref<196x32xf32, #tpu.memory_space<vmem>>)
      tpu.yield
    }) : () -> ()
    "tpu.region"() ({
      %run_scoped3A = tpu.sem_alloc : memref<!tpu.dma_semaphore, #tpu.memory_space<semaphore_mem>>
      %dma_start3A_712 = arith.constant 456 : i32
      %dma_start3A_713 = arith.constant 0 : i32
      %dma_start3A_714 = tpu.memref_slice %arg11[%dma_start3A_712, %dma_start3A_713] : memref<3136x32xf32, #tpu.memory_space<vmem>> -> memref<196x32xf32, #tpu.memory_space<vmem>>
      %dma_start3A_715 = arith.constant 0 : i32
      %dma_start3A_716 = tpu.memref_slice %arg6[%mul3A_697, %dma_start3A_715] : memref<3136x32xf32, #tpu.memory_space<hbm>> -> memref<196x32xf32, #tpu.memory_space<hbm>>
      %dma_start3A_717 = arith.constant 456 : i32
      %dma_start3A_718 = arith.constant 0 : i32
      %dma_start3A_719 = tpu.memref_slice %arg11[%dma_start3A_717, %dma_start3A_718] : memref<3136x32xf32, #tpu.memory_space<vmem>> -> memref<196x32xf32, #tpu.memory_space<vmem>>
      %dma_start3A_720 = arith.constant 0 : i32
      %dma_start3A_721 = tpu.memref_slice %arg6[%mul3A_697, %dma_start3A_720] : memref<3136x32xf32, #tpu.memory_space<hbm>> -> memref<196x32xf32, #tpu.memory_space<hbm>>
      tpu.enqueue_dma source(%dma_start3A_721 : memref<196x32xf32, #tpu.memory_space<hbm>>) target(%dma_start3A_719 : memref<196x32xf32, #tpu.memory_space<vmem>>) target_semaphore(%run_scoped3A : memref<!tpu.dma_semaphore, #tpu.memory_space<semaphore_mem>>)
      %dma_wait3A_722 = arith.constant 456 : i32
      %dma_wait3A_723 = arith.constant 0 : i32
      %dma_wait3A_724 = tpu.memref_slice %arg11[%dma_wait3A_722, %dma_wait3A_723] : memref<3136x32xf32, #tpu.memory_space<vmem>> -> memref<196x32xf32, #tpu.memory_space<vmem>>
      %dma_wait3A_725 = arith.constant 0 : i32
      %dma_wait3A_726 = tpu.memref_slice %arg6[%mul3A_697, %dma_wait3A_725] : memref<3136x32xf32, #tpu.memory_space<hbm>> -> memref<196x32xf32, #tpu.memory_space<hbm>>
      %dma_wait3A_727 = arith.constant 456 : i32
      %dma_wait3A_728 = arith.constant 0 : i32
      %dma_wait3A_729 = tpu.memref_slice %arg11[%dma_wait3A_727, %dma_wait3A_728] : memref<3136x32xf32, #tpu.memory_space<vmem>> -> memref<196x32xf32, #tpu.memory_space<vmem>>
      %dma_wait3A_730 = arith.constant 0 : i32
      %dma_wait3A_731 = tpu.memref_slice %arg6[%mul3A_697, %dma_wait3A_730] : memref<3136x32xf32, #tpu.memory_space<hbm>> -> memref<196x32xf32, #tpu.memory_space<hbm>>
      tpu.wait_dma2 semaphore(%run_scoped3A : memref<!tpu.dma_semaphore, #tpu.memory_space<semaphore_mem>>) src(%dma_wait3A_731 : memref<196x32xf32, #tpu.memory_space<hbm>>) dst(%dma_wait3A_729 : memref<196x32xf32, #tpu.memory_space<vmem>>)
      tpu.yield
    }) : () -> ()
    "tpu.region"() ({
      %run_scoped3A = tpu.sem_alloc : memref<!tpu.dma_semaphore, #tpu.memory_space<semaphore_mem>>
      %dma_start3A_712 = arith.constant 652 : i32
      %dma_start3A_713 = arith.constant 0 : i32
      %dma_start3A_714 = tpu.memref_slice %arg11[%dma_start3A_712, %dma_start3A_713] : memref<3136x32xf32, #tpu.memory_space<vmem>> -> memref<196x32xf32, #tpu.memory_space<vmem>>
      %dma_start3A_715 = arith.constant 0 : i32
      %dma_start3A_716 = tpu.memref_slice %arg7[%mul3A_697, %dma_start3A_715] : memref<3136x32xf32, #tpu.memory_space<hbm>> -> memref<196x32xf32, #tpu.memory_space<hbm>>
      %dma_start3A_717 = arith.constant 652 : i32
      %dma_start3A_718 = arith.constant 0 : i32
      %dma_start3A_719 = tpu.memref_slice %arg11[%dma_start3A_717, %dma_start3A_718] : memref<3136x32xf32, #tpu.memory_space<vmem>> -> memref<196x32xf32, #tpu.memory_space<vmem>>
      %dma_start3A_720 = arith.constant 0 : i32
      %dma_start3A_721 = tpu.memref_slice %arg7[%mul3A_697, %dma_start3A_720] : memref<3136x32xf32, #tpu.memory_space<hbm>> -> memref<196x32xf32, #tpu.memory_space<hbm>>
      tpu.enqueue_dma source(%dma_start3A_721 : memref<196x32xf32, #tpu.memory_space<hbm>>) target(%dma_start3A_719 : memref<196x32xf32, #tpu.memory_space<vmem>>) target_semaphore(%run_scoped3A : memref<!tpu.dma_semaphore, #tpu.memory_space<semaphore_mem>>)
      %dma_wait3A_722 = arith.constant 652 : i32
      %dma_wait3A_723 = arith.constant 0 : i32
      %dma_wait3A_724 = tpu.memref_slice %arg11[%dma_wait3A_722, %dma_wait3A_723] : memref<3136x32xf32, #tpu.memory_space<vmem>> -> memref<196x32xf32, #tpu.memory_space<vmem>>
      %dma_wait3A_725 = arith.constant 0 : i32
      %dma_wait3A_726 = tpu.memref_slice %arg7[%mul3A_697, %dma_wait3A_725] : memref<3136x32xf32, #tpu.memory_space<hbm>> -> memref<196x32xf32, #tpu.memory_space<hbm>>
      %dma_wait3A_727 = arith.constant 652 : i32
      %dma_wait3A_728 = arith.constant 0 : i32
      %dma_wait3A_729 = tpu.memref_slice %arg11[%dma_wait3A_727, %dma_wait3A_728] : memref<3136x32xf32, #tpu.memory_space<vmem>> -> memref<196x32xf32, #tpu.memory_space<vmem>>
      %dma_wait3A_730 = arith.constant 0 : i32
      %dma_wait3A_731 = tpu.memref_slice %arg7[%mul3A_697, %dma_wait3A_730] : memref<3136x32xf32, #tpu.memory_space<hbm>> -> memref<196x32xf32, #tpu.memory_space<hbm>>
      tpu.wait_dma2 semaphore(%run_scoped3A : memref<!tpu.dma_semaphore, #tpu.memory_space<semaphore_mem>>) src(%dma_wait3A_731 : memref<196x32xf32, #tpu.memory_space<hbm>>) dst(%dma_wait3A_729 : memref<196x32xf32, #tpu.memory_space<vmem>>)
      tpu.yield
    }) : () -> ()
    %broadcast_in_dim3A_698 = arith.constant 5.000000e-01 : f32
    %broadcast_in_dim3A_699 = vector.broadcast %broadcast_in_dim3A_698 : f32 to vector<16xf32>
    %broadcast_in_dim3A_700 = arith.constant 1024 : i32
    %broadcast_in_dim3A_701 = vector.broadcast %broadcast_in_dim3A_700 : i32 to vector<16xi32>
    %scan3A_702 = arith.constant 0 : i32
    %scan3A_703 = arith.constant 0 : i32
    %scan3A_704 = arith.constant 196 : i32
    %scan3A_705 = arith.addi %scan3A_703, %scan3A_704 : i32
    %scan3A_706 = arith.constant 1 : i32
    %scan3A_707 = scf.for %scan3A_712 = %scan3A_703 to %scan3A_705 step %scan3A_706 iter_args(%scan3A_713 = %scan3A_702) -> (i32)  : i32 {
      %add3A_714 = arith.constant 64 : i32
      %add3A_715 = arith.addi %add3A_714, %scan3A_712 : i32
      %get3A = arith.index_cast %add3A_715 : i32 to index
      %get3A_716 = arith.constant 0 : index
      %get3A_717 = tpu.vector_load %arg11[%get3A, %get3A_716] {strides = array<i32>} : memref<3136x32xf32, #tpu.memory_space<vmem>>, vector<16xf32>,
      %add3A_718 = arith.constant 260 : i32
      %add3A_719 = arith.addi %add3A_718, %scan3A_712 : i32
      %get3A_720 = arith.index_cast %add3A_719 : i32 to index
      %get3A_721 = arith.constant 0 : index
      %get3A_722 = tpu.vector_load %arg11[%get3A_720, %get3A_721] {strides = array<i32>} : memref<3136x32xf32, #tpu.memory_space<vmem>>, vector<16xf32>,
      %add3A_723 = arith.constant 456 : i32
      %add3A_724 = arith.addi %add3A_723, %scan3A_712 : i32
      %get3A_725 = arith.index_cast %add3A_724 : i32 to index
      %get3A_726 = arith.constant 0 : index
      %get3A_727 = tpu.vector_load %arg11[%get3A_725, %get3A_726] {strides = array<i32>} : memref<3136x32xf32, #tpu.memory_space<vmem>>, vector<16xf32>,
      %add3A_728 = arith.constant 652 : i32
      %add3A_729 = arith.addi %add3A_728, %scan3A_712 : i32
      %get3A_730 = arith.index_cast %add3A_729 : i32 to index
      %get3A_731 = arith.constant 0 : index
      %get3A_732 = tpu.vector_load %arg11[%get3A_730, %get3A_731] {strides = array<i32>} : memref<3136x32xf32, #tpu.memory_space<vmem>>, vector<16xf32>,
      %bitcast3A = vector.bitcast %get3A_732 : vector<16xf32> to vector<16xi32>
      %mul3A_733 = arith.mulf %get3A_722, %get3A_717 : vector<16xf32>
      %add3A_734 = arith.addf %mul3A_733, %get3A_727 : vector<16xf32>
      %shift_right_logical3A = arith.shrui %bitcast3A, %broadcast_in_dim3A_3 : vector<16xi32>
      %and3A = arith.andi %bitcast3A, %broadcast_in_dim3A_5 : vector<16xi32>
      tpu.vector_store_idx %arg11[%shift_right_logical3A, %and3A], %add3A_734 {add = true} : memref<3136x32xf32, #tpu.memory_space<vmem>>[vector<16xi32>, vector<16xi32>], vector<16xf32>,
      %add3A_735 = arith.addi %bitcast3A, %broadcast_in_dim3A_701 : vector<16xi32>
      %shift_right_logical3A_736 = arith.shrui %add3A_735, %broadcast_in_dim3A_3 : vector<16xi32>
      %and3A_737 = arith.andi %add3A_735, %broadcast_in_dim3A_5 : vector<16xi32>
      tpu.vector_store_idx %arg11[%shift_right_logical3A_736, %and3A_737], %broadcast_in_dim3A_699 {add = true} : memref<3136x32xf32, #tpu.memory_space<vmem>>[vector<16xi32>, vector<16xi32>], vector<16xf32>,
      %add3A_738 = arith.constant 64 : i32
      %add3A_739 = arith.addi %add3A_738, %scan3A_712 : i32
      %get3A_740 = arith.index_cast %add3A_739 : i32 to index
      %get3A_741 = arith.constant 16 : index
      %get3A_742 = tpu.vector_load %arg11[%get3A_740, %get3A_741] {strides = array<i32>} : memref<3136x32xf32, #tpu.memory_space<vmem>>, vector<16xf32>,
      %add3A_743 = arith.constant 260 : i32
      %add3A_744 = arith.addi %add3A_743, %scan3A_712 : i32
      %get3A_745 = arith.index_cast %add3A_744 : i32 to index
      %get3A_746 = arith.constant 16 : index
      %get3A_747 = tpu.vector_load %arg11[%get3A_745, %get3A_746] {strides = array<i32>} : memref<3136x32xf32, #tpu.memory_space<vmem>>, vector<16xf32>,
      %add3A_748 = arith.constant 456 : i32
      %add3A_749 = arith.addi %add3A_748, %scan3A_712 : i32
      %get3A_750 = arith.index_cast %add3A_749 : i32 to index
      %get3A_751 = arith.constant 16 : index
      %get3A_752 = tpu.vector_load %arg11[%get3A_750, %get3A_751] {strides = array<i32>} : memref<3136x32xf32, #tpu.memory_space<vmem>>, vector<16xf32>,
      %add3A_753 = arith.constant 652 : i32
      %add3A_754 = arith.addi %add3A_753, %scan3A_712 : i32
      %get3A_755 = arith.index_cast %add3A_754 : i32 to index
      %get3A_756 = arith.constant 16 : index
      %get3A_757 = tpu.vector_load %arg11[%get3A_755, %get3A_756] {strides = array<i32>} : memref<3136x32xf32, #tpu.memory_space<vmem>>, vector<16xf32>,
      %bitcast3A_758 = vector.bitcast %get3A_757 : vector<16xf32> to vector<16xi32>
      %mul3A_759 = arith.mulf %get3A_747, %get3A_742 : vector<16xf32>
      %add3A_760 = arith.addf %mul3A_759, %get3A_752 : vector<16xf32>
      %shift_right_logical3A_761 = arith.shrui %bitcast3A_758, %broadcast_in_dim3A_3 : vector<16xi32>
      %and3A_762 = arith.andi %bitcast3A_758, %broadcast_in_dim3A_5 : vector<16xi32>
      tpu.vector_store_idx %arg11[%shift_right_logical3A_761, %and3A_762], %add3A_760 {add = true} : memref<3136x32xf32, #tpu.memory_space<vmem>>[vector<16xi32>, vector<16xi32>], vector<16xf32>,
      %add3A_763 = arith.addi %bitcast3A_758, %broadcast_in_dim3A_701 : vector<16xi32>
      %shift_right_logical3A_764 = arith.shrui %add3A_763, %broadcast_in_dim3A_3 : vector<16xi32>
      %and3A_765 = arith.andi %add3A_763, %broadcast_in_dim3A_5 : vector<16xi32>
      tpu.vector_store_idx %arg11[%shift_right_logical3A_764, %and3A_765], %broadcast_in_dim3A_699 {add = true} : memref<3136x32xf32, #tpu.memory_space<vmem>>[vector<16xi32>, vector<16xi32>], vector<16xf32>,
      %scan3A_766 = arith.constant 0 : i32
      scf.yield %scan3A_766 : i32
    }
    %scan3A_708 = arith.constant 196 : i32
    %mul3A_709 = arith.constant 16 : i32
    %mul3A_710 = arith.muli %arg0, %mul3A_709 : i32
    %add3A_711 = arith.addi %mul3A_710, %arg1 : i32
    "tpu.region"() ({
      %run_scoped3A = tpu.sem_alloc : memref<!tpu.dma_semaphore, #tpu.memory_space<semaphore_mem>>
      %dma_start3A_712 = arith.constant 0 : i32
      %dma_start3A_713 = arith.constant 0 : i32
      %dma_start3A_714 = tpu.memref_slice %arg11[%dma_start3A_712, %dma_start3A_713] : memref<3136x32xf32, #tpu.memory_space<vmem>> -> memref<64x32xf32, #tpu.memory_space<vmem>>
      %dma_start3A_715 = arith.constant 0 : i32
      %dma_start3A_716 = arith.constant 0 : i32
      %dma_start3A_717 = tpu.memref_slice %arg10[%add3A_711, %dma_start3A_715, %dma_start3A_716] : memref<32x64x32xf32, #tpu.memory_space<hbm>> -> memref<1x64x32xf32, #tpu.memory_space<hbm>>
      %dma_start3A_718 = tpu.memref_squeeze %dma_start3A_717 : memref<1x64x32xf32, #tpu.memory_space<hbm>> -> memref<64x32xf32, #tpu.memory_space<hbm>>
      %dma_start3A_719 = arith.constant 0 : i32
      %dma_start3A_720 = arith.constant 0 : i32
      %dma_start3A_721 = tpu.memref_slice %arg10[%add3A_711, %dma_start3A_719, %dma_start3A_720] : memref<32x64x32xf32, #tpu.memory_space<hbm>> -> memref<1x64x32xf32, #tpu.memory_space<hbm>>
      %dma_start3A_722 = tpu.memref_squeeze %dma_start3A_721 : memref<1x64x32xf32, #tpu.memory_space<hbm>> -> memref<64x32xf32, #tpu.memory_space<hbm>>
      %dma_start3A_723 = arith.constant 0 : i32
      %dma_start3A_724 = arith.constant 0 : i32
      %dma_start3A_725 = tpu.memref_slice %arg11[%dma_start3A_723, %dma_start3A_724] : memref<3136x32xf32, #tpu.memory_space<vmem>> -> memref<64x32xf32, #tpu.memory_space<vmem>>
      tpu.enqueue_dma source(%dma_start3A_725 : memref<64x32xf32, #tpu.memory_space<vmem>>) target(%dma_start3A_722 : memref<64x32xf32, #tpu.memory_space<hbm>>) target_semaphore(%run_scoped3A : memref<!tpu.dma_semaphore, #tpu.memory_space<semaphore_mem>>)
      %dma_wait3A_726 = arith.constant 0 : i32
      %dma_wait3A_727 = arith.constant 0 : i32
      %dma_wait3A_728 = tpu.memref_slice %arg11[%dma_wait3A_726, %dma_wait3A_727] : memref<3136x32xf32, #tpu.memory_space<vmem>> -> memref<64x32xf32, #tpu.memory_space<vmem>>
      %dma_wait3A_729 = arith.constant 0 : i32
      %dma_wait3A_730 = arith.constant 0 : i32
      %dma_wait3A_731 = tpu.memref_slice %arg10[%add3A_711, %dma_wait3A_729, %dma_wait3A_730] : memref<32x64x32xf32, #tpu.memory_space<hbm>> -> memref<1x64x32xf32, #tpu.memory_space<hbm>>
      %dma_wait3A_732 = tpu.memref_squeeze %dma_wait3A_731 : memref<1x64x32xf32, #tpu.memory_space<hbm>> -> memref<64x32xf32, #tpu.memory_space<hbm>>
      %dma_wait3A_733 = arith.constant 0 : i32
      %dma_wait3A_734 = arith.constant 0 : i32
      %dma_wait3A_735 = tpu.memref_slice %arg10[%add3A_711, %dma_wait3A_733, %dma_wait3A_734] : memref<32x64x32xf32, #tpu.memory_space<hbm>> -> memref<1x64x32xf32, #tpu.memory_space<hbm>>
      %dma_wait3A_736 = tpu.memref_squeeze %dma_wait3A_735 : memref<1x64x32xf32, #tpu.memory_space<hbm>> -> memref<64x32xf32, #tpu.memory_space<hbm>>
      %dma_wait3A_737 = arith.constant 0 : i32
      %dma_wait3A_738 = arith.constant 0 : i32
      %dma_wait3A_739 = tpu.memref_slice %arg11[%dma_wait3A_737, %dma_wait3A_738] : memref<3136x32xf32, #tpu.memory_space<vmem>> -> memref<64x32xf32, #tpu.memory_space<vmem>>
      tpu.wait_dma2 semaphore(%run_scoped3A : memref<!tpu.dma_semaphore, #tpu.memory_space<semaphore_mem>>) src(%dma_wait3A_739 : memref<64x32xf32, #tpu.memory_space<vmem>>) dst(%dma_wait3A_736 : memref<64x32xf32, #tpu.memory_space<hbm>>)
      tpu.yield
    }) : () -> ()
    return
  }
}

#map = affine_map<(d0, d1) -> (0)>
#map1 = affine_map<(d0, d1) -> (0, 0)>
#map2 = affine_map<(d0, d1) -> (0, 0, 0)>
module attributes {stable_mosaic.version = 14 : i64} {
  func.func @_deg_kernel(%arg0: i32, %arg1: i32, %arg2: memref<6400000xi32, #tpu.memory_space<hbm>>, %arg3: memref<3136x32xf32, #tpu.memory_space<hbm>>, %arg4: memref<16x196xi32, #tpu.memory_space<hbm>>, %arg5: memref<2x3136x32xf32, #tpu.memory_space<hbm>>, %arg6: memref<3136x32xf32, #tpu.memory_space<vmem>>, %arg7: memref<10000xi32, #tpu.memory_space<vmem>>, %arg8: memref<10000xi32, #tpu.memory_space<vmem>>, %arg9: memref<16x196xi32, #tpu.memory_space<vmem>>, %arg10: memref<3136x32xf32, #tpu.memory_space<vmem_shared>>, %arg11: memref<!tpu.dma_semaphore, #tpu.memory_space<semaphore_mem>>, %arg12: memref<!tpu.dma_semaphore, #tpu.memory_space<semaphore_mem>>) attributes {dimension_semantics = [#tpu.dimension_semantics<core_parallel>, #tpu.dimension_semantics<subcore_parallel>], iteration_bounds = array<i64: 2, 16>, scalar_prefetch = 0 : i64, scratch_operands = 7 : i64, tpu.core_type = #tpu.core_type<sc_vector_subcore>, window_params = [{transform_indices = #map}, {transform_indices = #map1}, {transform_indices = #map1}, {transform_indices = #map2}]} {
    %mul3A = arith.constant 16 : i32
    %mul3A_0 = arith.muli %arg0, %mul3A : i32
    %add3A = arith.addi %mul3A_0, %arg1 : i32
    %mul3A_1 = arith.constant 200000 : i32
    %mul3A_2 = arith.muli %add3A, %mul3A_1 : i32
    %broadcast_in_dim3A = arith.constant 1.000000e+00 : f32
    %broadcast_in_dim3A_3 = vector.broadcast %broadcast_in_dim3A : f32 to vector<16xf32>
    %broadcast_in_dim3A_4 = arith.constant 5 : i32
    %broadcast_in_dim3A_5 = vector.broadcast %broadcast_in_dim3A_4 : i32 to vector<16xi32>
    %broadcast_in_dim3A_6 = arith.constant 31 : i32
    %broadcast_in_dim3A_7 = vector.broadcast %broadcast_in_dim3A_6 : i32 to vector<16xi32>
    "tpu.region"() ({
      %run_scoped3A = tpu.sem_alloc : memref<!tpu.dma_semaphore, #tpu.memory_space<semaphore_mem>>
      tpu.enqueue_dma source(%arg3 : memref<3136x32xf32, #tpu.memory_space<hbm>>) target(%arg6 : memref<3136x32xf32, #tpu.memory_space<vmem>>) target_semaphore(%run_scoped3A : memref<!tpu.dma_semaphore, #tpu.memory_space<semaphore_mem>>)
      tpu.wait_dma2 semaphore(%run_scoped3A : memref<!tpu.dma_semaphore, #tpu.memory_space<semaphore_mem>>) src(%arg3 : memref<3136x32xf32, #tpu.memory_space<hbm>>) dst(%arg6 : memref<3136x32xf32, #tpu.memory_space<vmem>>)
      tpu.yield
    }) : () -> ()
    "tpu.region"() ({
      %run_scoped3A = tpu.sem_alloc : memref<!tpu.dma_semaphore, #tpu.memory_space<semaphore_mem>>
      tpu.enqueue_dma source(%arg4 : memref<16x196xi32, #tpu.memory_space<hbm>>) target(%arg9 : memref<16x196xi32, #tpu.memory_space<vmem>>) target_semaphore(%run_scoped3A : memref<!tpu.dma_semaphore, #tpu.memory_space<semaphore_mem>>)
      tpu.wait_dma2 semaphore(%run_scoped3A : memref<!tpu.dma_semaphore, #tpu.memory_space<semaphore_mem>>) src(%arg4 : memref<16x196xi32, #tpu.memory_space<hbm>>) dst(%arg9 : memref<16x196xi32, #tpu.memory_space<vmem>>)
      tpu.yield
    }) : () -> ()
    %mul3A_8 = arith.constant 196 : i32
    %mul3A_9 = arith.muli %arg1, %mul3A_8 : i32
    %mul3A_10 = arith.constant 196 : i32
    %mul3A_11 = arith.muli %arg1, %mul3A_10 : i32
    "tpu.region"() ({
      %run_scoped3A = tpu.sem_alloc : memref<!tpu.dma_semaphore, #tpu.memory_space<semaphore_mem>>
      %dma_start3A_171 = arith.constant 0 : i32
      %dma_start3A_172 = tpu.memref_slice %arg10[%mul3A_11, %dma_start3A_171] : memref<3136x32xf32, #tpu.memory_space<vmem_shared>> -> memref<196x32xf32, #tpu.memory_space<vmem_shared>>
      %dma_start3A_173 = arith.constant 0 : i32
      %dma_start3A_174 = tpu.memref_slice %arg3[%mul3A_9, %dma_start3A_173] : memref<3136x32xf32, #tpu.memory_space<hbm>> -> memref<196x32xf32, #tpu.memory_space<hbm>>
      tpu.enqueue_dma source(%dma_start3A_174 : memref<196x32xf32, #tpu.memory_space<hbm>>) target(%dma_start3A_172 : memref<196x32xf32, #tpu.memory_space<vmem_shared>>) target_semaphore(%run_scoped3A : memref<!tpu.dma_semaphore, #tpu.memory_space<semaphore_mem>>)
      %dma_wait3A = arith.constant 0 : i32
      %dma_wait3A_175 = tpu.memref_slice %arg10[%mul3A_11, %dma_wait3A] : memref<3136x32xf32, #tpu.memory_space<vmem_shared>> -> memref<196x32xf32, #tpu.memory_space<vmem_shared>>
      %dma_wait3A_176 = arith.constant 0 : i32
      %dma_wait3A_177 = tpu.memref_slice %arg3[%mul3A_9, %dma_wait3A_176] : memref<3136x32xf32, #tpu.memory_space<hbm>> -> memref<196x32xf32, #tpu.memory_space<hbm>>
      tpu.wait_dma2 semaphore(%run_scoped3A : memref<!tpu.dma_semaphore, #tpu.memory_space<semaphore_mem>>) src(%dma_wait3A_177 : memref<196x32xf32, #tpu.memory_space<hbm>>) dst(%dma_wait3A_175 : memref<196x32xf32, #tpu.memory_space<vmem_shared>>)
      tpu.yield
    }) : () -> ()
    %add3A_12 = arith.constant 0 : i32
    %add3A_13 = arith.addi %mul3A_2, %add3A_12 : i32
    %dma_start3A = tpu.memref_slice %arg2[%add3A_13] : memref<6400000xi32, #tpu.memory_space<hbm>> -> memref<10000xi32, #tpu.memory_space<hbm>>
    %dma_start3A_14 = tpu.memref_slice %arg2[%add3A_13] : memref<6400000xi32, #tpu.memory_space<hbm>> -> memref<10000xi32, #tpu.memory_space<hbm>>
    tpu.enqueue_dma source(%dma_start3A_14 : memref<10000xi32, #tpu.memory_space<hbm>>) target(%arg7 : memref<10000xi32, #tpu.memory_space<vmem>>) target_semaphore(%arg11 : memref<!tpu.dma_semaphore, #tpu.memory_space<semaphore_mem>>)
    %add3A_15 = arith.constant 10000 : i32
    %add3A_16 = arith.addi %mul3A_2, %add3A_15 : i32
    %dma_start3A_17 = tpu.memref_slice %arg2[%add3A_16] : memref<6400000xi32, #tpu.memory_space<hbm>> -> memref<10000xi32, #tpu.memory_space<hbm>>
    %dma_start3A_18 = tpu.memref_slice %arg2[%add3A_16] : memref<6400000xi32, #tpu.memory_space<hbm>> -> memref<10000xi32, #tpu.memory_space<hbm>>
    tpu.enqueue_dma source(%dma_start3A_18 : memref<10000xi32, #tpu.memory_space<hbm>>) target(%arg8 : memref<10000xi32, #tpu.memory_space<vmem>>) target_semaphore(%arg12 : memref<!tpu.dma_semaphore, #tpu.memory_space<semaphore_mem>>)
    %scan3A = arith.constant 0 : i32
    %scan3A_19 = arith.constant 0 : i32
    %scan3A_20 = arith.constant 10 : i32
    %scan3A_21 = arith.addi %scan3A_19, %scan3A_20 : i32
    %scan3A_22 = arith.constant 1 : i32
    %scan3A_23 = scf.for %scan3A_171 = %scan3A_19 to %scan3A_21 step %scan3A_22 iter_args(%scan3A_172 = %scan3A) -> (i32)  : i32 {
      %mul3A_173 = arith.constant 2 : i32
      %mul3A_174 = arith.muli %scan3A_171, %mul3A_173 : i32
      %add3A_175 = arith.constant 0 : i32
      %add3A_176 = arith.addi %mul3A_174, %add3A_175 : i32
      %mul3A_177 = arith.constant 10000 : i32
      %mul3A_178 = arith.muli %add3A_176, %mul3A_177 : i32
      %add3A_179 = arith.addi %mul3A_2, %mul3A_178 : i32
      %dma_wait3A = tpu.memref_slice %arg2[%add3A_179] : memref<6400000xi32, #tpu.memory_space<hbm>> -> memref<10000xi32, #tpu.memory_space<hbm>>
      %dma_wait3A_180 = tpu.memref_slice %arg2[%add3A_179] : memref<6400000xi32, #tpu.memory_space<hbm>> -> memref<10000xi32, #tpu.memory_space<hbm>>
      tpu.wait_dma2 semaphore(%arg11 : memref<!tpu.dma_semaphore, #tpu.memory_space<semaphore_mem>>) src(%dma_wait3A_180 : memref<10000xi32, #tpu.memory_space<hbm>>) dst(%arg7 : memref<10000xi32, #tpu.memory_space<vmem>>)
      %scan3A_181 = arith.constant 0 : i32
      %scan3A_182 = arith.constant 0 : i32
      %scan3A_183 = arith.constant 620 : i32
      %scan3A_184 = arith.addi %scan3A_182, %scan3A_183 : i32
      %scan3A_185 = arith.constant 10 : i32
      %scan3A_186 = scf.for %scan3A_303 = %scan3A_182 to %scan3A_184 step %scan3A_185 iter_args(%scan3A_304 = %scan3A_181) -> (i32)  : i32 {
        %mul3A_305 = arith.constant 16 : i32
        %mul3A_306 = arith.muli %scan3A_303, %mul3A_305 : i32
        %get3A_307 = arith.index_cast %mul3A_306 : i32 to index
        %get3A_308 = tpu.vector_load %arg7[%get3A_307] {strides = array<i32>} : memref<10000xi32, #tpu.memory_space<vmem>>, vector<16xi32>,
        %shift_right_logical3A_309 = arith.shrui %get3A_308, %broadcast_in_dim3A_5 : vector<16xi32>
        %and3A_310 = arith.andi %get3A_308, %broadcast_in_dim3A_7 : vector<16xi32>
        tpu.vector_store_idx %arg6[%shift_right_logical3A_309, %and3A_310], %broadcast_in_dim3A_3 {add = true} : memref<3136x32xf32, #tpu.memory_space<vmem>>[vector<16xi32>, vector<16xi32>], vector<16xf32>,
        %scan3A_311 = arith.constant 0 : i32
        %scan3A_312 = arith.constant 1 : i32
        %scan3A_313 = arith.addi %scan3A_303, %scan3A_312 : i32
        %mul3A_314 = arith.constant 16 : i32
        %mul3A_315 = arith.muli %scan3A_313, %mul3A_314 : i32
        %get3A_316 = arith.index_cast %mul3A_315 : i32 to index
        %get3A_317 = tpu.vector_load %arg7[%get3A_316] {strides = array<i32>} : memref<10000xi32, #tpu.memory_space<vmem>>, vector<16xi32>,
        %shift_right_logical3A_318 = arith.shrui %get3A_317, %broadcast_in_dim3A_5 : vector<16xi32>
        %and3A_319 = arith.andi %get3A_317, %broadcast_in_dim3A_7 : vector<16xi32>
        tpu.vector_store_idx %arg6[%shift_right_logical3A_318, %and3A_319], %broadcast_in_dim3A_3 {add = true} : memref<3136x32xf32, #tpu.memory_space<vmem>>[vector<16xi32>, vector<16xi32>], vector<16xf32>,
        %scan3A_320 = arith.constant 0 : i32
        %scan3A_321 = arith.constant 2 : i32
        %scan3A_322 = arith.addi %scan3A_303, %scan3A_321 : i32
        %mul3A_323 = arith.constant 16 : i32
        %mul3A_324 = arith.muli %scan3A_322, %mul3A_323 : i32
        %get3A_325 = arith.index_cast %mul3A_324 : i32 to index
        %get3A_326 = tpu.vector_load %arg7[%get3A_325] {strides = array<i32>} : memref<10000xi32, #tpu.memory_space<vmem>>, vector<16xi32>,
        %shift_right_logical3A_327 = arith.shrui %get3A_326, %broadcast_in_dim3A_5 : vector<16xi32>
        %and3A_328 = arith.andi %get3A_326, %broadcast_in_dim3A_7 : vector<16xi32>
        tpu.vector_store_idx %arg6[%shift_right_logical3A_327, %and3A_328], %broadcast_in_dim3A_3 {add = true} : memref<3136x32xf32, #tpu.memory_space<vmem>>[vector<16xi32>, vector<16xi32>], vector<16xf32>,
        %scan3A_329 = arith.constant 0 : i32
        %scan3A_330 = arith.constant 3 : i32
        %scan3A_331 = arith.addi %scan3A_303, %scan3A_330 : i32
        %mul3A_332 = arith.constant 16 : i32
        %mul3A_333 = arith.muli %scan3A_331, %mul3A_332 : i32
        %get3A_334 = arith.index_cast %mul3A_333 : i32 to index
        %get3A_335 = tpu.vector_load %arg7[%get3A_334] {strides = array<i32>} : memref<10000xi32, #tpu.memory_space<vmem>>, vector<16xi32>,
        %shift_right_logical3A_336 = arith.shrui %get3A_335, %broadcast_in_dim3A_5 : vector<16xi32>
        %and3A_337 = arith.andi %get3A_335, %broadcast_in_dim3A_7 : vector<16xi32>
        tpu.vector_store_idx %arg6[%shift_right_logical3A_336, %and3A_337], %broadcast_in_dim3A_3 {add = true} : memref<3136x32xf32, #tpu.memory_space<vmem>>[vector<16xi32>, vector<16xi32>], vector<16xf32>,
        %scan3A_338 = arith.constant 0 : i32
        %scan3A_339 = arith.constant 4 : i32
        %scan3A_340 = arith.addi %scan3A_303, %scan3A_339 : i32
        %mul3A_341 = arith.constant 16 : i32
        %mul3A_342 = arith.muli %scan3A_340, %mul3A_341 : i32
        %get3A_343 = arith.index_cast %mul3A_342 : i32 to index
        %get3A_344 = tpu.vector_load %arg7[%get3A_343] {strides = array<i32>} : memref<10000xi32, #tpu.memory_space<vmem>>, vector<16xi32>,
        %shift_right_logical3A_345 = arith.shrui %get3A_344, %broadcast_in_dim3A_5 : vector<16xi32>
        %and3A_346 = arith.andi %get3A_344, %broadcast_in_dim3A_7 : vector<16xi32>
        tpu.vector_store_idx %arg6[%shift_right_logical3A_345, %and3A_346], %broadcast_in_dim3A_3 {add = true} : memref<3136x32xf32, #tpu.memory_space<vmem>>[vector<16xi32>, vector<16xi32>], vector<16xf32>,
        %scan3A_347 = arith.constant 0 : i32
        %scan3A_348 = arith.constant 5 : i32
        %scan3A_349 = arith.addi %scan3A_303, %scan3A_348 : i32
        %mul3A_350 = arith.constant 16 : i32
        %mul3A_351 = arith.muli %scan3A_349, %mul3A_350 : i32
        %get3A_352 = arith.index_cast %mul3A_351 : i32 to index
        %get3A_353 = tpu.vector_load %arg7[%get3A_352] {strides = array<i32>} : memref<10000xi32, #tpu.memory_space<vmem>>, vector<16xi32>,
        %shift_right_logical3A_354 = arith.shrui %get3A_353, %broadcast_in_dim3A_5 : vector<16xi32>
        %and3A_355 = arith.andi %get3A_353, %broadcast_in_dim3A_7 : vector<16xi32>
        tpu.vector_store_idx %arg6[%shift_right_logical3A_354, %and3A_355], %broadcast_in_dim3A_3 {add = true} : memref<3136x32xf32, #tpu.memory_space<vmem>>[vector<16xi32>, vector<16xi32>], vector<16xf32>,
        %scan3A_356 = arith.constant 0 : i32
        %scan3A_357 = arith.constant 6 : i32
        %scan3A_358 = arith.addi %scan3A_303, %scan3A_357 : i32
        %mul3A_359 = arith.constant 16 : i32
        %mul3A_360 = arith.muli %scan3A_358, %mul3A_359 : i32
        %get3A_361 = arith.index_cast %mul3A_360 : i32 to index
        %get3A_362 = tpu.vector_load %arg7[%get3A_361] {strides = array<i32>} : memref<10000xi32, #tpu.memory_space<vmem>>, vector<16xi32>,
        %shift_right_logical3A_363 = arith.shrui %get3A_362, %broadcast_in_dim3A_5 : vector<16xi32>
        %and3A_364 = arith.andi %get3A_362, %broadcast_in_dim3A_7 : vector<16xi32>
        tpu.vector_store_idx %arg6[%shift_right_logical3A_363, %and3A_364], %broadcast_in_dim3A_3 {add = true} : memref<3136x32xf32, #tpu.memory_space<vmem>>[vector<16xi32>, vector<16xi32>], vector<16xf32>,
        %scan3A_365 = arith.constant 0 : i32
        %scan3A_366 = arith.constant 7 : i32
        %scan3A_367 = arith.addi %scan3A_303, %scan3A_366 : i32
        %mul3A_368 = arith.constant 16 : i32
        %mul3A_369 = arith.muli %scan3A_367, %mul3A_368 : i32
        %get3A_370 = arith.index_cast %mul3A_369 : i32 to index
        %get3A_371 = tpu.vector_load %arg7[%get3A_370] {strides = array<i32>} : memref<10000xi32, #tpu.memory_space<vmem>>, vector<16xi32>,
        %shift_right_logical3A_372 = arith.shrui %get3A_371, %broadcast_in_dim3A_5 : vector<16xi32>
        %and3A_373 = arith.andi %get3A_371, %broadcast_in_dim3A_7 : vector<16xi32>
        tpu.vector_store_idx %arg6[%shift_right_logical3A_372, %and3A_373], %broadcast_in_dim3A_3 {add = true} : memref<3136x32xf32, #tpu.memory_space<vmem>>[vector<16xi32>, vector<16xi32>], vector<16xf32>,
        %scan3A_374 = arith.constant 0 : i32
        %scan3A_375 = arith.constant 8 : i32
        %scan3A_376 = arith.addi %scan3A_303, %scan3A_375 : i32
        %mul3A_377 = arith.constant 16 : i32
        %mul3A_378 = arith.muli %scan3A_376, %mul3A_377 : i32
        %get3A_379 = arith.index_cast %mul3A_378 : i32 to index
        %get3A_380 = tpu.vector_load %arg7[%get3A_379] {strides = array<i32>} : memref<10000xi32, #tpu.memory_space<vmem>>, vector<16xi32>,
        %shift_right_logical3A_381 = arith.shrui %get3A_380, %broadcast_in_dim3A_5 : vector<16xi32>
        %and3A_382 = arith.andi %get3A_380, %broadcast_in_dim3A_7 : vector<16xi32>
        tpu.vector_store_idx %arg6[%shift_right_logical3A_381, %and3A_382], %broadcast_in_dim3A_3 {add = true} : memref<3136x32xf32, #tpu.memory_space<vmem>>[vector<16xi32>, vector<16xi32>], vector<16xf32>,
        %scan3A_383 = arith.constant 0 : i32
        %scan3A_384 = arith.constant 9 : i32
        %scan3A_385 = arith.addi %scan3A_303, %scan3A_384 : i32
        %mul3A_386 = arith.constant 16 : i32
        %mul3A_387 = arith.muli %scan3A_385, %mul3A_386 : i32
        %get3A_388 = arith.index_cast %mul3A_387 : i32 to index
        %get3A_389 = tpu.vector_load %arg7[%get3A_388] {strides = array<i32>} : memref<10000xi32, #tpu.memory_space<vmem>>, vector<16xi32>,
        %shift_right_logical3A_390 = arith.shrui %get3A_389, %broadcast_in_dim3A_5 : vector<16xi32>
        %and3A_391 = arith.andi %get3A_389, %broadcast_in_dim3A_7 : vector<16xi32>
        tpu.vector_store_idx %arg6[%shift_right_logical3A_390, %and3A_391], %broadcast_in_dim3A_3 {add = true} : memref<3136x32xf32, #tpu.memory_space<vmem>>[vector<16xi32>, vector<16xi32>], vector<16xf32>,
        %scan3A_392 = arith.constant 0 : i32
        scf.yield %scan3A_392 : i32
      }
      %scan3A_187 = arith.constant 620 : i32
      %scan3A_188 = arith.addi %scan3A_182, %scan3A_187 : i32
      %mul3A_189 = arith.constant 16 : i32
      %mul3A_190 = arith.muli %scan3A_188, %mul3A_189 : i32
      %get3A = arith.index_cast %mul3A_190 : i32 to index
      %get3A_191 = tpu.vector_load %arg7[%get3A] {strides = array<i32>} : memref<10000xi32, #tpu.memory_space<vmem>>, vector<16xi32>,
      %shift_right_logical3A = arith.shrui %get3A_191, %broadcast_in_dim3A_5 : vector<16xi32>
      %and3A = arith.andi %get3A_191, %broadcast_in_dim3A_7 : vector<16xi32>
      tpu.vector_store_idx %arg6[%shift_right_logical3A, %and3A], %broadcast_in_dim3A_3 {add = true} : memref<3136x32xf32, #tpu.memory_space<vmem>>[vector<16xi32>, vector<16xi32>], vector<16xf32>,
      %scan3A_192 = arith.constant 0 : i32
      %scan3A_193 = arith.constant 621 : i32
      %scan3A_194 = arith.addi %scan3A_182, %scan3A_193 : i32
      %mul3A_195 = arith.constant 16 : i32
      %mul3A_196 = arith.muli %scan3A_194, %mul3A_195 : i32
      %get3A_197 = arith.index_cast %mul3A_196 : i32 to index
      %get3A_198 = tpu.vector_load %arg7[%get3A_197] {strides = array<i32>} : memref<10000xi32, #tpu.memory_space<vmem>>, vector<16xi32>,
      %shift_right_logical3A_199 = arith.shrui %get3A_198, %broadcast_in_dim3A_5 : vector<16xi32>
      %and3A_200 = arith.andi %get3A_198, %broadcast_in_dim3A_7 : vector<16xi32>
      tpu.vector_store_idx %arg6[%shift_right_logical3A_199, %and3A_200], %broadcast_in_dim3A_3 {add = true} : memref<3136x32xf32, #tpu.memory_space<vmem>>[vector<16xi32>, vector<16xi32>], vector<16xf32>,
      %scan3A_201 = arith.constant 0 : i32
      %scan3A_202 = arith.constant 622 : i32
      %scan3A_203 = arith.addi %scan3A_182, %scan3A_202 : i32
      %mul3A_204 = arith.constant 16 : i32
      %mul3A_205 = arith.muli %scan3A_203, %mul3A_204 : i32
      %get3A_206 = arith.index_cast %mul3A_205 : i32 to index
      %get3A_207 = tpu.vector_load %arg7[%get3A_206] {strides = array<i32>} : memref<10000xi32, #tpu.memory_space<vmem>>, vector<16xi32>,
      %shift_right_logical3A_208 = arith.shrui %get3A_207, %broadcast_in_dim3A_5 : vector<16xi32>
      %and3A_209 = arith.andi %get3A_207, %broadcast_in_dim3A_7 : vector<16xi32>
      tpu.vector_store_idx %arg6[%shift_right_logical3A_208, %and3A_209], %broadcast_in_dim3A_3 {add = true} : memref<3136x32xf32, #tpu.memory_space<vmem>>[vector<16xi32>, vector<16xi32>], vector<16xf32>,
      %scan3A_210 = arith.constant 0 : i32
      %scan3A_211 = arith.constant 623 : i32
      %scan3A_212 = arith.addi %scan3A_182, %scan3A_211 : i32
      %mul3A_213 = arith.constant 16 : i32
      %mul3A_214 = arith.muli %scan3A_212, %mul3A_213 : i32
      %get3A_215 = arith.index_cast %mul3A_214 : i32 to index
      %get3A_216 = tpu.vector_load %arg7[%get3A_215] {strides = array<i32>} : memref<10000xi32, #tpu.memory_space<vmem>>, vector<16xi32>,
      %shift_right_logical3A_217 = arith.shrui %get3A_216, %broadcast_in_dim3A_5 : vector<16xi32>
      %and3A_218 = arith.andi %get3A_216, %broadcast_in_dim3A_7 : vector<16xi32>
      tpu.vector_store_idx %arg6[%shift_right_logical3A_217, %and3A_218], %broadcast_in_dim3A_3 {add = true} : memref<3136x32xf32, #tpu.memory_space<vmem>>[vector<16xi32>, vector<16xi32>], vector<16xf32>,
      %scan3A_219 = arith.constant 0 : i32
      %scan3A_220 = arith.constant 624 : i32
      %scan3A_221 = arith.addi %scan3A_182, %scan3A_220 : i32
      %mul3A_222 = arith.constant 16 : i32
      %mul3A_223 = arith.muli %scan3A_221, %mul3A_222 : i32
      %get3A_224 = arith.index_cast %mul3A_223 : i32 to index
      %get3A_225 = tpu.vector_load %arg7[%get3A_224] {strides = array<i32>} : memref<10000xi32, #tpu.memory_space<vmem>>, vector<16xi32>,
      %shift_right_logical3A_226 = arith.shrui %get3A_225, %broadcast_in_dim3A_5 : vector<16xi32>
      %and3A_227 = arith.andi %get3A_225, %broadcast_in_dim3A_7 : vector<16xi32>
      tpu.vector_store_idx %arg6[%shift_right_logical3A_226, %and3A_227], %broadcast_in_dim3A_3 {add = true} : memref<3136x32xf32, #tpu.memory_space<vmem>>[vector<16xi32>, vector<16xi32>], vector<16xf32>,
      %scan3A_228 = arith.constant 0 : i32
      %scan3A_229 = arith.constant 625 : i32
      %add3A_230 = arith.constant 2 : i32
      %add3A_231 = arith.addi %add3A_176, %add3A_230 : i32
      %lt3A = arith.constant 20 : i32
      %lt3A_232 = arith.cmpi slt, %add3A_231, %lt3A : i32
      %convert_element_type3A = arith.extui %lt3A_232 : i1 to i32
      %cond3A = arith.constant 0 : i32
      %cond3A_233 = arith.cmpi ne, %convert_element_type3A, %cond3A : i32
      scf.if %cond3A_233 {
        %add3A_303 = arith.constant 2 : i32
        %add3A_304 = arith.addi %add3A_176, %add3A_303 : i32
        %mul3A_305 = arith.constant 10000 : i32
        %mul3A_306 = arith.muli %add3A_304, %mul3A_305 : i32
        %add3A_307 = arith.addi %mul3A_2, %mul3A_306 : i32
        %dma_start3A_308 = tpu.memref_slice %arg2[%add3A_307] : memref<6400000xi32, #tpu.memory_space<hbm>> -> memref<10000xi32, #tpu.memory_space<hbm>>
        %dma_start3A_309 = tpu.memref_slice %arg2[%add3A_307] : memref<6400000xi32, #tpu.memory_space<hbm>> -> memref<10000xi32, #tpu.memory_space<hbm>>
        tpu.enqueue_dma source(%dma_start3A_309 : memref<10000xi32, #tpu.memory_space<hbm>>) target(%arg7 : memref<10000xi32, #tpu.memory_space<vmem>>) target_semaphore(%arg11 : memref<!tpu.dma_semaphore, #tpu.memory_space<semaphore_mem>>)
      } else {
      }
      %mul3A_234 = arith.constant 2 : i32
      %mul3A_235 = arith.muli %scan3A_171, %mul3A_234 : i32
      %add3A_236 = arith.constant 1 : i32
      %add3A_237 = arith.addi %mul3A_235, %add3A_236 : i32
      %mul3A_238 = arith.constant 10000 : i32
      %mul3A_239 = arith.muli %add3A_237, %mul3A_238 : i32
      %add3A_240 = arith.addi %mul3A_2, %mul3A_239 : i32
      %dma_wait3A_241 = tpu.memref_slice %arg2[%add3A_240] : memref<6400000xi32, #tpu.memory_space<hbm>> -> memref<10000xi32, #tpu.memory_space<hbm>>
      %dma_wait3A_242 = tpu.memref_slice %arg2[%add3A_240] : memref<6400000xi32, #tpu.memory_space<hbm>> -> memref<10000xi32, #tpu.memory_space<hbm>>
      tpu.wait_dma2 semaphore(%arg12 : memref<!tpu.dma_semaphore, #tpu.memory_space<semaphore_mem>>) src(%dma_wait3A_242 : memref<10000xi32, #tpu.memory_space<hbm>>) dst(%arg8 : memref<10000xi32, #tpu.memory_space<vmem>>)
      %scan3A_243 = arith.constant 0 : i32
      %scan3A_244 = arith.constant 0 : i32
      %scan3A_245 = arith.constant 620 : i32
      %scan3A_246 = arith.addi %scan3A_244, %scan3A_245 : i32
      %scan3A_247 = arith.constant 10 : i32
      %scan3A_248 = scf.for %scan3A_303 = %scan3A_244 to %scan3A_246 step %scan3A_247 iter_args(%scan3A_304 = %scan3A_243) -> (i32)  : i32 {
        %mul3A_305 = arith.constant 16 : i32
        %mul3A_306 = arith.muli %scan3A_303, %mul3A_305 : i32
        %get3A_307 = arith.index_cast %mul3A_306 : i32 to index
        %get3A_308 = tpu.vector_load %arg8[%get3A_307] {strides = array<i32>} : memref<10000xi32, #tpu.memory_space<vmem>>, vector<16xi32>,
        %shift_right_logical3A_309 = arith.shrui %get3A_308, %broadcast_in_dim3A_5 : vector<16xi32>
        %and3A_310 = arith.andi %get3A_308, %broadcast_in_dim3A_7 : vector<16xi32>
        tpu.vector_store_idx %arg6[%shift_right_logical3A_309, %and3A_310], %broadcast_in_dim3A_3 {add = true} : memref<3136x32xf32, #tpu.memory_space<vmem>>[vector<16xi32>, vector<16xi32>], vector<16xf32>,
        %scan3A_311 = arith.constant 0 : i32
        %scan3A_312 = arith.constant 1 : i32
        %scan3A_313 = arith.addi %scan3A_303, %scan3A_312 : i32
        %mul3A_314 = arith.constant 16 : i32
        %mul3A_315 = arith.muli %scan3A_313, %mul3A_314 : i32
        %get3A_316 = arith.index_cast %mul3A_315 : i32 to index
        %get3A_317 = tpu.vector_load %arg8[%get3A_316] {strides = array<i32>} : memref<10000xi32, #tpu.memory_space<vmem>>, vector<16xi32>,
        %shift_right_logical3A_318 = arith.shrui %get3A_317, %broadcast_in_dim3A_5 : vector<16xi32>
        %and3A_319 = arith.andi %get3A_317, %broadcast_in_dim3A_7 : vector<16xi32>
        tpu.vector_store_idx %arg6[%shift_right_logical3A_318, %and3A_319], %broadcast_in_dim3A_3 {add = true} : memref<3136x32xf32, #tpu.memory_space<vmem>>[vector<16xi32>, vector<16xi32>], vector<16xf32>,
        %scan3A_320 = arith.constant 0 : i32
        %scan3A_321 = arith.constant 2 : i32
        %scan3A_322 = arith.addi %scan3A_303, %scan3A_321 : i32
        %mul3A_323 = arith.constant 16 : i32
        %mul3A_324 = arith.muli %scan3A_322, %mul3A_323 : i32
        %get3A_325 = arith.index_cast %mul3A_324 : i32 to index
        %get3A_326 = tpu.vector_load %arg8[%get3A_325] {strides = array<i32>} : memref<10000xi32, #tpu.memory_space<vmem>>, vector<16xi32>,
        %shift_right_logical3A_327 = arith.shrui %get3A_326, %broadcast_in_dim3A_5 : vector<16xi32>
        %and3A_328 = arith.andi %get3A_326, %broadcast_in_dim3A_7 : vector<16xi32>
        tpu.vector_store_idx %arg6[%shift_right_logical3A_327, %and3A_328], %broadcast_in_dim3A_3 {add = true} : memref<3136x32xf32, #tpu.memory_space<vmem>>[vector<16xi32>, vector<16xi32>], vector<16xf32>,
        %scan3A_329 = arith.constant 0 : i32
        %scan3A_330 = arith.constant 3 : i32
        %scan3A_331 = arith.addi %scan3A_303, %scan3A_330 : i32
        %mul3A_332 = arith.constant 16 : i32
        %mul3A_333 = arith.muli %scan3A_331, %mul3A_332 : i32
        %get3A_334 = arith.index_cast %mul3A_333 : i32 to index
        %get3A_335 = tpu.vector_load %arg8[%get3A_334] {strides = array<i32>} : memref<10000xi32, #tpu.memory_space<vmem>>, vector<16xi32>,
        %shift_right_logical3A_336 = arith.shrui %get3A_335, %broadcast_in_dim3A_5 : vector<16xi32>
        %and3A_337 = arith.andi %get3A_335, %broadcast_in_dim3A_7 : vector<16xi32>
        tpu.vector_store_idx %arg6[%shift_right_logical3A_336, %and3A_337], %broadcast_in_dim3A_3 {add = true} : memref<3136x32xf32, #tpu.memory_space<vmem>>[vector<16xi32>, vector<16xi32>], vector<16xf32>,
        %scan3A_338 = arith.constant 0 : i32
        %scan3A_339 = arith.constant 4 : i32
        %scan3A_340 = arith.addi %scan3A_303, %scan3A_339 : i32
        %mul3A_341 = arith.constant 16 : i32
        %mul3A_342 = arith.muli %scan3A_340, %mul3A_341 : i32
        %get3A_343 = arith.index_cast %mul3A_342 : i32 to index
        %get3A_344 = tpu.vector_load %arg8[%get3A_343] {strides = array<i32>} : memref<10000xi32, #tpu.memory_space<vmem>>, vector<16xi32>,
        %shift_right_logical3A_345 = arith.shrui %get3A_344, %broadcast_in_dim3A_5 : vector<16xi32>
        %and3A_346 = arith.andi %get3A_344, %broadcast_in_dim3A_7 : vector<16xi32>
        tpu.vector_store_idx %arg6[%shift_right_logical3A_345, %and3A_346], %broadcast_in_dim3A_3 {add = true} : memref<3136x32xf32, #tpu.memory_space<vmem>>[vector<16xi32>, vector<16xi32>], vector<16xf32>,
        %scan3A_347 = arith.constant 0 : i32
        %scan3A_348 = arith.constant 5 : i32
        %scan3A_349 = arith.addi %scan3A_303, %scan3A_348 : i32
        %mul3A_350 = arith.constant 16 : i32
        %mul3A_351 = arith.muli %scan3A_349, %mul3A_350 : i32
        %get3A_352 = arith.index_cast %mul3A_351 : i32 to index
        %get3A_353 = tpu.vector_load %arg8[%get3A_352] {strides = array<i32>} : memref<10000xi32, #tpu.memory_space<vmem>>, vector<16xi32>,
        %shift_right_logical3A_354 = arith.shrui %get3A_353, %broadcast_in_dim3A_5 : vector<16xi32>
        %and3A_355 = arith.andi %get3A_353, %broadcast_in_dim3A_7 : vector<16xi32>
        tpu.vector_store_idx %arg6[%shift_right_logical3A_354, %and3A_355], %broadcast_in_dim3A_3 {add = true} : memref<3136x32xf32, #tpu.memory_space<vmem>>[vector<16xi32>, vector<16xi32>], vector<16xf32>,
        %scan3A_356 = arith.constant 0 : i32
        %scan3A_357 = arith.constant 6 : i32
        %scan3A_358 = arith.addi %scan3A_303, %scan3A_357 : i32
        %mul3A_359 = arith.constant 16 : i32
        %mul3A_360 = arith.muli %scan3A_358, %mul3A_359 : i32
        %get3A_361 = arith.index_cast %mul3A_360 : i32 to index
        %get3A_362 = tpu.vector_load %arg8[%get3A_361] {strides = array<i32>} : memref<10000xi32, #tpu.memory_space<vmem>>, vector<16xi32>,
        %shift_right_logical3A_363 = arith.shrui %get3A_362, %broadcast_in_dim3A_5 : vector<16xi32>
        %and3A_364 = arith.andi %get3A_362, %broadcast_in_dim3A_7 : vector<16xi32>
        tpu.vector_store_idx %arg6[%shift_right_logical3A_363, %and3A_364], %broadcast_in_dim3A_3 {add = true} : memref<3136x32xf32, #tpu.memory_space<vmem>>[vector<16xi32>, vector<16xi32>], vector<16xf32>,
        %scan3A_365 = arith.constant 0 : i32
        %scan3A_366 = arith.constant 7 : i32
        %scan3A_367 = arith.addi %scan3A_303, %scan3A_366 : i32
        %mul3A_368 = arith.constant 16 : i32
        %mul3A_369 = arith.muli %scan3A_367, %mul3A_368 : i32
        %get3A_370 = arith.index_cast %mul3A_369 : i32 to index
        %get3A_371 = tpu.vector_load %arg8[%get3A_370] {strides = array<i32>} : memref<10000xi32, #tpu.memory_space<vmem>>, vector<16xi32>,
        %shift_right_logical3A_372 = arith.shrui %get3A_371, %broadcast_in_dim3A_5 : vector<16xi32>
        %and3A_373 = arith.andi %get3A_371, %broadcast_in_dim3A_7 : vector<16xi32>
        tpu.vector_store_idx %arg6[%shift_right_logical3A_372, %and3A_373], %broadcast_in_dim3A_3 {add = true} : memref<3136x32xf32, #tpu.memory_space<vmem>>[vector<16xi32>, vector<16xi32>], vector<16xf32>,
        %scan3A_374 = arith.constant 0 : i32
        %scan3A_375 = arith.constant 8 : i32
        %scan3A_376 = arith.addi %scan3A_303, %scan3A_375 : i32
        %mul3A_377 = arith.constant 16 : i32
        %mul3A_378 = arith.muli %scan3A_376, %mul3A_377 : i32
        %get3A_379 = arith.index_cast %mul3A_378 : i32 to index
        %get3A_380 = tpu.vector_load %arg8[%get3A_379] {strides = array<i32>} : memref<10000xi32, #tpu.memory_space<vmem>>, vector<16xi32>,
        %shift_right_logical3A_381 = arith.shrui %get3A_380, %broadcast_in_dim3A_5 : vector<16xi32>
        %and3A_382 = arith.andi %get3A_380, %broadcast_in_dim3A_7 : vector<16xi32>
        tpu.vector_store_idx %arg6[%shift_right_logical3A_381, %and3A_382], %broadcast_in_dim3A_3 {add = true} : memref<3136x32xf32, #tpu.memory_space<vmem>>[vector<16xi32>, vector<16xi32>], vector<16xf32>,
        %scan3A_383 = arith.constant 0 : i32
        %scan3A_384 = arith.constant 9 : i32
        %scan3A_385 = arith.addi %scan3A_303, %scan3A_384 : i32
        %mul3A_386 = arith.constant 16 : i32
        %mul3A_387 = arith.muli %scan3A_385, %mul3A_386 : i32
        %get3A_388 = arith.index_cast %mul3A_387 : i32 to index
        %get3A_389 = tpu.vector_load %arg8[%get3A_388] {strides = array<i32>} : memref<10000xi32, #tpu.memory_space<vmem>>, vector<16xi32>,
        %shift_right_logical3A_390 = arith.shrui %get3A_389, %broadcast_in_dim3A_5 : vector<16xi32>
        %and3A_391 = arith.andi %get3A_389, %broadcast_in_dim3A_7 : vector<16xi32>
        tpu.vector_store_idx %arg6[%shift_right_logical3A_390, %and3A_391], %broadcast_in_dim3A_3 {add = true} : memref<3136x32xf32, #tpu.memory_space<vmem>>[vector<16xi32>, vector<16xi32>], vector<16xf32>,
        %scan3A_392 = arith.constant 0 : i32
        scf.yield %scan3A_392 : i32
      }
      %scan3A_249 = arith.constant 620 : i32
      %scan3A_250 = arith.addi %scan3A_244, %scan3A_249 : i32
      %mul3A_251 = arith.constant 16 : i32
      %mul3A_252 = arith.muli %scan3A_250, %mul3A_251 : i32
      %get3A_253 = arith.index_cast %mul3A_252 : i32 to index
      %get3A_254 = tpu.vector_load %arg8[%get3A_253] {strides = array<i32>} : memref<10000xi32, #tpu.memory_space<vmem>>, vector<16xi32>,
      %shift_right_logical3A_255 = arith.shrui %get3A_254, %broadcast_in_dim3A_5 : vector<16xi32>
      %and3A_256 = arith.andi %get3A_254, %broadcast_in_dim3A_7 : vector<16xi32>
      tpu.vector_store_idx %arg6[%shift_right_logical3A_255, %and3A_256], %broadcast_in_dim3A_3 {add = true} : memref<3136x32xf32, #tpu.memory_space<vmem>>[vector<16xi32>, vector<16xi32>], vector<16xf32>,
      %scan3A_257 = arith.constant 0 : i32
      %scan3A_258 = arith.constant 621 : i32
      %scan3A_259 = arith.addi %scan3A_244, %scan3A_258 : i32
      %mul3A_260 = arith.constant 16 : i32
      %mul3A_261 = arith.muli %scan3A_259, %mul3A_260 : i32
      %get3A_262 = arith.index_cast %mul3A_261 : i32 to index
      %get3A_263 = tpu.vector_load %arg8[%get3A_262] {strides = array<i32>} : memref<10000xi32, #tpu.memory_space<vmem>>, vector<16xi32>,
      %shift_right_logical3A_264 = arith.shrui %get3A_263, %broadcast_in_dim3A_5 : vector<16xi32>
      %and3A_265 = arith.andi %get3A_263, %broadcast_in_dim3A_7 : vector<16xi32>
      tpu.vector_store_idx %arg6[%shift_right_logical3A_264, %and3A_265], %broadcast_in_dim3A_3 {add = true} : memref<3136x32xf32, #tpu.memory_space<vmem>>[vector<16xi32>, vector<16xi32>], vector<16xf32>,
      %scan3A_266 = arith.constant 0 : i32
      %scan3A_267 = arith.constant 622 : i32
      %scan3A_268 = arith.addi %scan3A_244, %scan3A_267 : i32
      %mul3A_269 = arith.constant 16 : i32
      %mul3A_270 = arith.muli %scan3A_268, %mul3A_269 : i32
      %get3A_271 = arith.index_cast %mul3A_270 : i32 to index
      %get3A_272 = tpu.vector_load %arg8[%get3A_271] {strides = array<i32>} : memref<10000xi32, #tpu.memory_space<vmem>>, vector<16xi32>,
      %shift_right_logical3A_273 = arith.shrui %get3A_272, %broadcast_in_dim3A_5 : vector<16xi32>
      %and3A_274 = arith.andi %get3A_272, %broadcast_in_dim3A_7 : vector<16xi32>
      tpu.vector_store_idx %arg6[%shift_right_logical3A_273, %and3A_274], %broadcast_in_dim3A_3 {add = true} : memref<3136x32xf32, #tpu.memory_space<vmem>>[vector<16xi32>, vector<16xi32>], vector<16xf32>,
      %scan3A_275 = arith.constant 0 : i32
      %scan3A_276 = arith.constant 623 : i32
      %scan3A_277 = arith.addi %scan3A_244, %scan3A_276 : i32
      %mul3A_278 = arith.constant 16 : i32
      %mul3A_279 = arith.muli %scan3A_277, %mul3A_278 : i32
      %get3A_280 = arith.index_cast %mul3A_279 : i32 to index
      %get3A_281 = tpu.vector_load %arg8[%get3A_280] {strides = array<i32>} : memref<10000xi32, #tpu.memory_space<vmem>>, vector<16xi32>,
      %shift_right_logical3A_282 = arith.shrui %get3A_281, %broadcast_in_dim3A_5 : vector<16xi32>
      %and3A_283 = arith.andi %get3A_281, %broadcast_in_dim3A_7 : vector<16xi32>
      tpu.vector_store_idx %arg6[%shift_right_logical3A_282, %and3A_283], %broadcast_in_dim3A_3 {add = true} : memref<3136x32xf32, #tpu.memory_space<vmem>>[vector<16xi32>, vector<16xi32>], vector<16xf32>,
      %scan3A_284 = arith.constant 0 : i32
      %scan3A_285 = arith.constant 624 : i32
      %scan3A_286 = arith.addi %scan3A_244, %scan3A_285 : i32
      %mul3A_287 = arith.constant 16 : i32
      %mul3A_288 = arith.muli %scan3A_286, %mul3A_287 : i32
      %get3A_289 = arith.index_cast %mul3A_288 : i32 to index
      %get3A_290 = tpu.vector_load %arg8[%get3A_289] {strides = array<i32>} : memref<10000xi32, #tpu.memory_space<vmem>>, vector<16xi32>,
      %shift_right_logical3A_291 = arith.shrui %get3A_290, %broadcast_in_dim3A_5 : vector<16xi32>
      %and3A_292 = arith.andi %get3A_290, %broadcast_in_dim3A_7 : vector<16xi32>
      tpu.vector_store_idx %arg6[%shift_right_logical3A_291, %and3A_292], %broadcast_in_dim3A_3 {add = true} : memref<3136x32xf32, #tpu.memory_space<vmem>>[vector<16xi32>, vector<16xi32>], vector<16xf32>,
      %scan3A_293 = arith.constant 0 : i32
      %scan3A_294 = arith.constant 625 : i32
      %add3A_295 = arith.constant 2 : i32
      %add3A_296 = arith.addi %add3A_237, %add3A_295 : i32
      %lt3A_297 = arith.constant 20 : i32
      %lt3A_298 = arith.cmpi slt, %add3A_296, %lt3A_297 : i32
      %convert_element_type3A_299 = arith.extui %lt3A_298 : i1 to i32
      %cond3A_300 = arith.constant 0 : i32
      %cond3A_301 = arith.cmpi ne, %convert_element_type3A_299, %cond3A_300 : i32
      scf.if %cond3A_301 {
        %add3A_303 = arith.constant 2 : i32
        %add3A_304 = arith.addi %add3A_237, %add3A_303 : i32
        %mul3A_305 = arith.constant 10000 : i32
        %mul3A_306 = arith.muli %add3A_304, %mul3A_305 : i32
        %add3A_307 = arith.addi %mul3A_2, %mul3A_306 : i32
        %dma_start3A_308 = tpu.memref_slice %arg2[%add3A_307] : memref<6400000xi32, #tpu.memory_space<hbm>> -> memref<10000xi32, #tpu.memory_space<hbm>>
        %dma_start3A_309 = tpu.memref_slice %arg2[%add3A_307] : memref<6400000xi32, #tpu.memory_space<hbm>> -> memref<10000xi32, #tpu.memory_space<hbm>>
        tpu.enqueue_dma source(%dma_start3A_309 : memref<10000xi32, #tpu.memory_space<hbm>>) target(%arg8 : memref<10000xi32, #tpu.memory_space<vmem>>) target_semaphore(%arg12 : memref<!tpu.dma_semaphore, #tpu.memory_space<semaphore_mem>>)
      } else {
      }
      %scan3A_302 = arith.constant 0 : i32
      scf.yield %scan3A_302 : i32
    }
    %scan3A_24 = arith.constant 10 : i32
    %barrier3A = arith.constant 0 : index
    tpu.barrier barrier_id(%barrier3A)
    %add3A_25 = arith.constant 0 : i32
    %add3A_26 = arith.addi %arg1, %add3A_25 : i32
    %ge3A = arith.constant 16 : i32
    %ge3A_27 = arith.cmpi sge, %add3A_26, %ge3A : i32
    %sub3A = arith.constant 16 : i32
    %sub3A_28 = arith.subi %add3A_26, %sub3A : i32
    %select_n3A = arith.select %ge3A_27, %sub3A_28, %add3A_26 : i32
    %mul3A_29 = arith.constant 196 : i32
    %mul3A_30 = arith.muli %select_n3A, %mul3A_29 : i32
    "tpu.region"() ({
      %run_scoped3A = tpu.sem_alloc : memref<!tpu.dma_semaphore, #tpu.memory_space<semaphore_mem>>
      %dma_start3A_171 = arith.constant 0 : i32
      %dma_start3A_172 = tpu.memref_slice %arg6[%mul3A_30, %dma_start3A_171] : memref<3136x32xf32, #tpu.memory_space<vmem>> -> memref<196x32xf32, #tpu.memory_space<vmem>>
      %dma_start3A_173 = arith.constant 0 : i32
      %dma_start3A_174 = tpu.memref_slice %arg9[%select_n3A, %dma_start3A_173] : memref<16x196xi32, #tpu.memory_space<vmem>> -> memref<1x196xi32, #tpu.memory_space<vmem>>
      %dma_start3A_175 = tpu.memref_squeeze %dma_start3A_174 : memref<1x196xi32, #tpu.memory_space<vmem>> -> memref<196xi32, #tpu.memory_space<vmem>>
      %dma_start3A_176 = arith.constant 0 : i32
      %dma_start3A_177 = arith.constant 0 : i32
      %dma_start3A_178 = tpu.memref_slice %arg10[%dma_start3A_176, %dma_start3A_177] : memref<3136x32xf32, #tpu.memory_space<vmem_shared>> -> memref<3136x32xf32, #tpu.memory_space<vmem_shared>>
      tpu.enqueue_indirect_dma source(%dma_start3A_172 : memref<196x32xf32, #tpu.memory_space<vmem>>) target(%dma_start3A_178 : memref<3136x32xf32, #tpu.memory_space<vmem_shared>>) offsets(%dma_start3A_175 : memref<196xi32, #tpu.memory_space<vmem>>) semaphore(%run_scoped3A : memref<!tpu.dma_semaphore, #tpu.memory_space<semaphore_mem>>) {add = true}
      %dma_wait3A = arith.constant 0 : i32
      %dma_wait3A_179 = tpu.memref_slice %arg6[%mul3A_30, %dma_wait3A] : memref<3136x32xf32, #tpu.memory_space<vmem>> -> memref<196x32xf32, #tpu.memory_space<vmem>>
      %dma_wait3A_180 = arith.constant 0 : i32
      %dma_wait3A_181 = tpu.memref_slice %arg9[%select_n3A, %dma_wait3A_180] : memref<16x196xi32, #tpu.memory_space<vmem>> -> memref<1x196xi32, #tpu.memory_space<vmem>>
      %dma_wait3A_182 = tpu.memref_squeeze %dma_wait3A_181 : memref<1x196xi32, #tpu.memory_space<vmem>> -> memref<196xi32, #tpu.memory_space<vmem>>
      %dma_wait3A_183 = arith.constant 0 : i32
      %dma_wait3A_184 = arith.constant 0 : i32
      %dma_wait3A_185 = tpu.memref_slice %arg10[%dma_wait3A_183, %dma_wait3A_184] : memref<3136x32xf32, #tpu.memory_space<vmem_shared>> -> memref<3136x32xf32, #tpu.memory_space<vmem_shared>>
      tpu.wait_indirect_dma semaphore(%run_scoped3A : memref<!tpu.dma_semaphore, #tpu.memory_space<semaphore_mem>>) src(%dma_wait3A_179 : memref<196x32xf32, #tpu.memory_space<vmem>>) dst(%dma_wait3A_185 : memref<3136x32xf32, #tpu.memory_space<vmem_shared>>)
      tpu.yield
    }) : () -> ()
    %add3A_31 = arith.constant 1 : i32
    %add3A_32 = arith.addi %arg1, %add3A_31 : i32
    %ge3A_33 = arith.constant 16 : i32
    %ge3A_34 = arith.cmpi sge, %add3A_32, %ge3A_33 : i32
    %sub3A_35 = arith.constant 16 : i32
    %sub3A_36 = arith.subi %add3A_32, %sub3A_35 : i32
    %select_n3A_37 = arith.select %ge3A_34, %sub3A_36, %add3A_32 : i32
    %mul3A_38 = arith.constant 196 : i32
    %mul3A_39 = arith.muli %select_n3A_37, %mul3A_38 : i32
    "tpu.region"() ({
      %run_scoped3A = tpu.sem_alloc : memref<!tpu.dma_semaphore, #tpu.memory_space<semaphore_mem>>
      %dma_start3A_171 = arith.constant 0 : i32
      %dma_start3A_172 = tpu.memref_slice %arg6[%mul3A_39, %dma_start3A_171] : memref<3136x32xf32, #tpu.memory_space<vmem>> -> memref<196x32xf32, #tpu.memory_space<vmem>>
      %dma_start3A_173 = arith.constant 0 : i32
      %dma_start3A_174 = tpu.memref_slice %arg9[%select_n3A_37, %dma_start3A_173] : memref<16x196xi32, #tpu.memory_space<vmem>> -> memref<1x196xi32, #tpu.memory_space<vmem>>
      %dma_start3A_175 = tpu.memref_squeeze %dma_start3A_174 : memref<1x196xi32, #tpu.memory_space<vmem>> -> memref<196xi32, #tpu.memory_space<vmem>>
      %dma_start3A_176 = arith.constant 0 : i32
      %dma_start3A_177 = arith.constant 0 : i32
      %dma_start3A_178 = tpu.memref_slice %arg10[%dma_start3A_176, %dma_start3A_177] : memref<3136x32xf32, #tpu.memory_space<vmem_shared>> -> memref<3136x32xf32, #tpu.memory_space<vmem_shared>>
      tpu.enqueue_indirect_dma source(%dma_start3A_172 : memref<196x32xf32, #tpu.memory_space<vmem>>) target(%dma_start3A_178 : memref<3136x32xf32, #tpu.memory_space<vmem_shared>>) offsets(%dma_start3A_175 : memref<196xi32, #tpu.memory_space<vmem>>) semaphore(%run_scoped3A : memref<!tpu.dma_semaphore, #tpu.memory_space<semaphore_mem>>) {add = true}
      %dma_wait3A = arith.constant 0 : i32
      %dma_wait3A_179 = tpu.memref_slice %arg6[%mul3A_39, %dma_wait3A] : memref<3136x32xf32, #tpu.memory_space<vmem>> -> memref<196x32xf32, #tpu.memory_space<vmem>>
      %dma_wait3A_180 = arith.constant 0 : i32
      %dma_wait3A_181 = tpu.memref_slice %arg9[%select_n3A_37, %dma_wait3A_180] : memref<16x196xi32, #tpu.memory_space<vmem>> -> memref<1x196xi32, #tpu.memory_space<vmem>>
      %dma_wait3A_182 = tpu.memref_squeeze %dma_wait3A_181 : memref<1x196xi32, #tpu.memory_space<vmem>> -> memref<196xi32, #tpu.memory_space<vmem>>
      %dma_wait3A_183 = arith.constant 0 : i32
      %dma_wait3A_184 = arith.constant 0 : i32
      %dma_wait3A_185 = tpu.memref_slice %arg10[%dma_wait3A_183, %dma_wait3A_184] : memref<3136x32xf32, #tpu.memory_space<vmem_shared>> -> memref<3136x32xf32, #tpu.memory_space<vmem_shared>>
      tpu.wait_indirect_dma semaphore(%run_scoped3A : memref<!tpu.dma_semaphore, #tpu.memory_space<semaphore_mem>>) src(%dma_wait3A_179 : memref<196x32xf32, #tpu.memory_space<vmem>>) dst(%dma_wait3A_185 : memref<3136x32xf32, #tpu.memory_space<vmem_shared>>)
      tpu.yield
    }) : () -> ()
    %add3A_40 = arith.constant 2 : i32
    %add3A_41 = arith.addi %arg1, %add3A_40 : i32
    %ge3A_42 = arith.constant 16 : i32
    %ge3A_43 = arith.cmpi sge, %add3A_41, %ge3A_42 : i32
    %sub3A_44 = arith.constant 16 : i32
    %sub3A_45 = arith.subi %add3A_41, %sub3A_44 : i32
    %select_n3A_46 = arith.select %ge3A_43, %sub3A_45, %add3A_41 : i32
    %mul3A_47 = arith.constant 196 : i32
    %mul3A_48 = arith.muli %select_n3A_46, %mul3A_47 : i32
    "tpu.region"() ({
      %run_scoped3A = tpu.sem_alloc : memref<!tpu.dma_semaphore, #tpu.memory_space<semaphore_mem>>
      %dma_start3A_171 = arith.constant 0 : i32
      %dma_start3A_172 = tpu.memref_slice %arg6[%mul3A_48, %dma_start3A_171] : memref<3136x32xf32, #tpu.memory_space<vmem>> -> memref<196x32xf32, #tpu.memory_space<vmem>>
      %dma_start3A_173 = arith.constant 0 : i32
      %dma_start3A_174 = tpu.memref_slice %arg9[%select_n3A_46, %dma_start3A_173] : memref<16x196xi32, #tpu.memory_space<vmem>> -> memref<1x196xi32, #tpu.memory_space<vmem>>
      %dma_start3A_175 = tpu.memref_squeeze %dma_start3A_174 : memref<1x196xi32, #tpu.memory_space<vmem>> -> memref<196xi32, #tpu.memory_space<vmem>>
      %dma_start3A_176 = arith.constant 0 : i32
      %dma_start3A_177 = arith.constant 0 : i32
      %dma_start3A_178 = tpu.memref_slice %arg10[%dma_start3A_176, %dma_start3A_177] : memref<3136x32xf32, #tpu.memory_space<vmem_shared>> -> memref<3136x32xf32, #tpu.memory_space<vmem_shared>>
      tpu.enqueue_indirect_dma source(%dma_start3A_172 : memref<196x32xf32, #tpu.memory_space<vmem>>) target(%dma_start3A_178 : memref<3136x32xf32, #tpu.memory_space<vmem_shared>>) offsets(%dma_start3A_175 : memref<196xi32, #tpu.memory_space<vmem>>) semaphore(%run_scoped3A : memref<!tpu.dma_semaphore, #tpu.memory_space<semaphore_mem>>) {add = true}
      %dma_wait3A = arith.constant 0 : i32
      %dma_wait3A_179 = tpu.memref_slice %arg6[%mul3A_48, %dma_wait3A] : memref<3136x32xf32, #tpu.memory_space<vmem>> -> memref<196x32xf32, #tpu.memory_space<vmem>>
      %dma_wait3A_180 = arith.constant 0 : i32
      %dma_wait3A_181 = tpu.memref_slice %arg9[%select_n3A_46, %dma_wait3A_180] : memref<16x196xi32, #tpu.memory_space<vmem>> -> memref<1x196xi32, #tpu.memory_space<vmem>>
      %dma_wait3A_182 = tpu.memref_squeeze %dma_wait3A_181 : memref<1x196xi32, #tpu.memory_space<vmem>> -> memref<196xi32, #tpu.memory_space<vmem>>
      %dma_wait3A_183 = arith.constant 0 : i32
      %dma_wait3A_184 = arith.constant 0 : i32
      %dma_wait3A_185 = tpu.memref_slice %arg10[%dma_wait3A_183, %dma_wait3A_184] : memref<3136x32xf32, #tpu.memory_space<vmem_shared>> -> memref<3136x32xf32, #tpu.memory_space<vmem_shared>>
      tpu.wait_indirect_dma semaphore(%run_scoped3A : memref<!tpu.dma_semaphore, #tpu.memory_space<semaphore_mem>>) src(%dma_wait3A_179 : memref<196x32xf32, #tpu.memory_space<vmem>>) dst(%dma_wait3A_185 : memref<3136x32xf32, #tpu.memory_space<vmem_shared>>)
      tpu.yield
    }) : () -> ()
    %add3A_49 = arith.constant 3 : i32
    %add3A_50 = arith.addi %arg1, %add3A_49 : i32
    %ge3A_51 = arith.constant 16 : i32
    %ge3A_52 = arith.cmpi sge, %add3A_50, %ge3A_51 : i32
    %sub3A_53 = arith.constant 16 : i32
    %sub3A_54 = arith.subi %add3A_50, %sub3A_53 : i32
    %select_n3A_55 = arith.select %ge3A_52, %sub3A_54, %add3A_50 : i32
    %mul3A_56 = arith.constant 196 : i32
    %mul3A_57 = arith.muli %select_n3A_55, %mul3A_56 : i32
    "tpu.region"() ({
      %run_scoped3A = tpu.sem_alloc : memref<!tpu.dma_semaphore, #tpu.memory_space<semaphore_mem>>
      %dma_start3A_171 = arith.constant 0 : i32
      %dma_start3A_172 = tpu.memref_slice %arg6[%mul3A_57, %dma_start3A_171] : memref<3136x32xf32, #tpu.memory_space<vmem>> -> memref<196x32xf32, #tpu.memory_space<vmem>>
      %dma_start3A_173 = arith.constant 0 : i32
      %dma_start3A_174 = tpu.memref_slice %arg9[%select_n3A_55, %dma_start3A_173] : memref<16x196xi32, #tpu.memory_space<vmem>> -> memref<1x196xi32, #tpu.memory_space<vmem>>
      %dma_start3A_175 = tpu.memref_squeeze %dma_start3A_174 : memref<1x196xi32, #tpu.memory_space<vmem>> -> memref<196xi32, #tpu.memory_space<vmem>>
      %dma_start3A_176 = arith.constant 0 : i32
      %dma_start3A_177 = arith.constant 0 : i32
      %dma_start3A_178 = tpu.memref_slice %arg10[%dma_start3A_176, %dma_start3A_177] : memref<3136x32xf32, #tpu.memory_space<vmem_shared>> -> memref<3136x32xf32, #tpu.memory_space<vmem_shared>>
      tpu.enqueue_indirect_dma source(%dma_start3A_172 : memref<196x32xf32, #tpu.memory_space<vmem>>) target(%dma_start3A_178 : memref<3136x32xf32, #tpu.memory_space<vmem_shared>>) offsets(%dma_start3A_175 : memref<196xi32, #tpu.memory_space<vmem>>) semaphore(%run_scoped3A : memref<!tpu.dma_semaphore, #tpu.memory_space<semaphore_mem>>) {add = true}
      %dma_wait3A = arith.constant 0 : i32
      %dma_wait3A_179 = tpu.memref_slice %arg6[%mul3A_57, %dma_wait3A] : memref<3136x32xf32, #tpu.memory_space<vmem>> -> memref<196x32xf32, #tpu.memory_space<vmem>>
      %dma_wait3A_180 = arith.constant 0 : i32
      %dma_wait3A_181 = tpu.memref_slice %arg9[%select_n3A_55, %dma_wait3A_180] : memref<16x196xi32, #tpu.memory_space<vmem>> -> memref<1x196xi32, #tpu.memory_space<vmem>>
      %dma_wait3A_182 = tpu.memref_squeeze %dma_wait3A_181 : memref<1x196xi32, #tpu.memory_space<vmem>> -> memref<196xi32, #tpu.memory_space<vmem>>
      %dma_wait3A_183 = arith.constant 0 : i32
      %dma_wait3A_184 = arith.constant 0 : i32
      %dma_wait3A_185 = tpu.memref_slice %arg10[%dma_wait3A_183, %dma_wait3A_184] : memref<3136x32xf32, #tpu.memory_space<vmem_shared>> -> memref<3136x32xf32, #tpu.memory_space<vmem_shared>>
      tpu.wait_indirect_dma semaphore(%run_scoped3A : memref<!tpu.dma_semaphore, #tpu.memory_space<semaphore_mem>>) src(%dma_wait3A_179 : memref<196x32xf32, #tpu.memory_space<vmem>>) dst(%dma_wait3A_185 : memref<3136x32xf32, #tpu.memory_space<vmem_shared>>)
      tpu.yield
    }) : () -> ()
    %add3A_58 = arith.constant 4 : i32
    %add3A_59 = arith.addi %arg1, %add3A_58 : i32
    %ge3A_60 = arith.constant 16 : i32
    %ge3A_61 = arith.cmpi sge, %add3A_59, %ge3A_60 : i32
    %sub3A_62 = arith.constant 16 : i32
    %sub3A_63 = arith.subi %add3A_59, %sub3A_62 : i32
    %select_n3A_64 = arith.select %ge3A_61, %sub3A_63, %add3A_59 : i32
    %mul3A_65 = arith.constant 196 : i32
    %mul3A_66 = arith.muli %select_n3A_64, %mul3A_65 : i32
    "tpu.region"() ({
      %run_scoped3A = tpu.sem_alloc : memref<!tpu.dma_semaphore, #tpu.memory_space<semaphore_mem>>
      %dma_start3A_171 = arith.constant 0 : i32
      %dma_start3A_172 = tpu.memref_slice %arg6[%mul3A_66, %dma_start3A_171] : memref<3136x32xf32, #tpu.memory_space<vmem>> -> memref<196x32xf32, #tpu.memory_space<vmem>>
      %dma_start3A_173 = arith.constant 0 : i32
      %dma_start3A_174 = tpu.memref_slice %arg9[%select_n3A_64, %dma_start3A_173] : memref<16x196xi32, #tpu.memory_space<vmem>> -> memref<1x196xi32, #tpu.memory_space<vmem>>
      %dma_start3A_175 = tpu.memref_squeeze %dma_start3A_174 : memref<1x196xi32, #tpu.memory_space<vmem>> -> memref<196xi32, #tpu.memory_space<vmem>>
      %dma_start3A_176 = arith.constant 0 : i32
      %dma_start3A_177 = arith.constant 0 : i32
      %dma_start3A_178 = tpu.memref_slice %arg10[%dma_start3A_176, %dma_start3A_177] : memref<3136x32xf32, #tpu.memory_space<vmem_shared>> -> memref<3136x32xf32, #tpu.memory_space<vmem_shared>>
      tpu.enqueue_indirect_dma source(%dma_start3A_172 : memref<196x32xf32, #tpu.memory_space<vmem>>) target(%dma_start3A_178 : memref<3136x32xf32, #tpu.memory_space<vmem_shared>>) offsets(%dma_start3A_175 : memref<196xi32, #tpu.memory_space<vmem>>) semaphore(%run_scoped3A : memref<!tpu.dma_semaphore, #tpu.memory_space<semaphore_mem>>) {add = true}
      %dma_wait3A = arith.constant 0 : i32
      %dma_wait3A_179 = tpu.memref_slice %arg6[%mul3A_66, %dma_wait3A] : memref<3136x32xf32, #tpu.memory_space<vmem>> -> memref<196x32xf32, #tpu.memory_space<vmem>>
      %dma_wait3A_180 = arith.constant 0 : i32
      %dma_wait3A_181 = tpu.memref_slice %arg9[%select_n3A_64, %dma_wait3A_180] : memref<16x196xi32, #tpu.memory_space<vmem>> -> memref<1x196xi32, #tpu.memory_space<vmem>>
      %dma_wait3A_182 = tpu.memref_squeeze %dma_wait3A_181 : memref<1x196xi32, #tpu.memory_space<vmem>> -> memref<196xi32, #tpu.memory_space<vmem>>
      %dma_wait3A_183 = arith.constant 0 : i32
      %dma_wait3A_184 = arith.constant 0 : i32
      %dma_wait3A_185 = tpu.memref_slice %arg10[%dma_wait3A_183, %dma_wait3A_184] : memref<3136x32xf32, #tpu.memory_space<vmem_shared>> -> memref<3136x32xf32, #tpu.memory_space<vmem_shared>>
      tpu.wait_indirect_dma semaphore(%run_scoped3A : memref<!tpu.dma_semaphore, #tpu.memory_space<semaphore_mem>>) src(%dma_wait3A_179 : memref<196x32xf32, #tpu.memory_space<vmem>>) dst(%dma_wait3A_185 : memref<3136x32xf32, #tpu.memory_space<vmem_shared>>)
      tpu.yield
    }) : () -> ()
    %add3A_67 = arith.constant 5 : i32
    %add3A_68 = arith.addi %arg1, %add3A_67 : i32
    %ge3A_69 = arith.constant 16 : i32
    %ge3A_70 = arith.cmpi sge, %add3A_68, %ge3A_69 : i32
    %sub3A_71 = arith.constant 16 : i32
    %sub3A_72 = arith.subi %add3A_68, %sub3A_71 : i32
    %select_n3A_73 = arith.select %ge3A_70, %sub3A_72, %add3A_68 : i32
    %mul3A_74 = arith.constant 196 : i32
    %mul3A_75 = arith.muli %select_n3A_73, %mul3A_74 : i32
    "tpu.region"() ({
      %run_scoped3A = tpu.sem_alloc : memref<!tpu.dma_semaphore, #tpu.memory_space<semaphore_mem>>
      %dma_start3A_171 = arith.constant 0 : i32
      %dma_start3A_172 = tpu.memref_slice %arg6[%mul3A_75, %dma_start3A_171] : memref<3136x32xf32, #tpu.memory_space<vmem>> -> memref<196x32xf32, #tpu.memory_space<vmem>>
      %dma_start3A_173 = arith.constant 0 : i32
      %dma_start3A_174 = tpu.memref_slice %arg9[%select_n3A_73, %dma_start3A_173] : memref<16x196xi32, #tpu.memory_space<vmem>> -> memref<1x196xi32, #tpu.memory_space<vmem>>
      %dma_start3A_175 = tpu.memref_squeeze %dma_start3A_174 : memref<1x196xi32, #tpu.memory_space<vmem>> -> memref<196xi32, #tpu.memory_space<vmem>>
      %dma_start3A_176 = arith.constant 0 : i32
      %dma_start3A_177 = arith.constant 0 : i32
      %dma_start3A_178 = tpu.memref_slice %arg10[%dma_start3A_176, %dma_start3A_177] : memref<3136x32xf32, #tpu.memory_space<vmem_shared>> -> memref<3136x32xf32, #tpu.memory_space<vmem_shared>>
      tpu.enqueue_indirect_dma source(%dma_start3A_172 : memref<196x32xf32, #tpu.memory_space<vmem>>) target(%dma_start3A_178 : memref<3136x32xf32, #tpu.memory_space<vmem_shared>>) offsets(%dma_start3A_175 : memref<196xi32, #tpu.memory_space<vmem>>) semaphore(%run_scoped3A : memref<!tpu.dma_semaphore, #tpu.memory_space<semaphore_mem>>) {add = true}
      %dma_wait3A = arith.constant 0 : i32
      %dma_wait3A_179 = tpu.memref_slice %arg6[%mul3A_75, %dma_wait3A] : memref<3136x32xf32, #tpu.memory_space<vmem>> -> memref<196x32xf32, #tpu.memory_space<vmem>>
      %dma_wait3A_180 = arith.constant 0 : i32
      %dma_wait3A_181 = tpu.memref_slice %arg9[%select_n3A_73, %dma_wait3A_180] : memref<16x196xi32, #tpu.memory_space<vmem>> -> memref<1x196xi32, #tpu.memory_space<vmem>>
      %dma_wait3A_182 = tpu.memref_squeeze %dma_wait3A_181 : memref<1x196xi32, #tpu.memory_space<vmem>> -> memref<196xi32, #tpu.memory_space<vmem>>
      %dma_wait3A_183 = arith.constant 0 : i32
      %dma_wait3A_184 = arith.constant 0 : i32
      %dma_wait3A_185 = tpu.memref_slice %arg10[%dma_wait3A_183, %dma_wait3A_184] : memref<3136x32xf32, #tpu.memory_space<vmem_shared>> -> memref<3136x32xf32, #tpu.memory_space<vmem_shared>>
      tpu.wait_indirect_dma semaphore(%run_scoped3A : memref<!tpu.dma_semaphore, #tpu.memory_space<semaphore_mem>>) src(%dma_wait3A_179 : memref<196x32xf32, #tpu.memory_space<vmem>>) dst(%dma_wait3A_185 : memref<3136x32xf32, #tpu.memory_space<vmem_shared>>)
      tpu.yield
    }) : () -> ()
    %add3A_76 = arith.constant 6 : i32
    %add3A_77 = arith.addi %arg1, %add3A_76 : i32
    %ge3A_78 = arith.constant 16 : i32
    %ge3A_79 = arith.cmpi sge, %add3A_77, %ge3A_78 : i32
    %sub3A_80 = arith.constant 16 : i32
    %sub3A_81 = arith.subi %add3A_77, %sub3A_80 : i32
    %select_n3A_82 = arith.select %ge3A_79, %sub3A_81, %add3A_77 : i32
    %mul3A_83 = arith.constant 196 : i32
    %mul3A_84 = arith.muli %select_n3A_82, %mul3A_83 : i32
    "tpu.region"() ({
      %run_scoped3A = tpu.sem_alloc : memref<!tpu.dma_semaphore, #tpu.memory_space<semaphore_mem>>
      %dma_start3A_171 = arith.constant 0 : i32
      %dma_start3A_172 = tpu.memref_slice %arg6[%mul3A_84, %dma_start3A_171] : memref<3136x32xf32, #tpu.memory_space<vmem>> -> memref<196x32xf32, #tpu.memory_space<vmem>>
      %dma_start3A_173 = arith.constant 0 : i32
      %dma_start3A_174 = tpu.memref_slice %arg9[%select_n3A_82, %dma_start3A_173] : memref<16x196xi32, #tpu.memory_space<vmem>> -> memref<1x196xi32, #tpu.memory_space<vmem>>
      %dma_start3A_175 = tpu.memref_squeeze %dma_start3A_174 : memref<1x196xi32, #tpu.memory_space<vmem>> -> memref<196xi32, #tpu.memory_space<vmem>>
      %dma_start3A_176 = arith.constant 0 : i32
      %dma_start3A_177 = arith.constant 0 : i32
      %dma_start3A_178 = tpu.memref_slice %arg10[%dma_start3A_176, %dma_start3A_177] : memref<3136x32xf32, #tpu.memory_space<vmem_shared>> -> memref<3136x32xf32, #tpu.memory_space<vmem_shared>>
      tpu.enqueue_indirect_dma source(%dma_start3A_172 : memref<196x32xf32, #tpu.memory_space<vmem>>) target(%dma_start3A_178 : memref<3136x32xf32, #tpu.memory_space<vmem_shared>>) offsets(%dma_start3A_175 : memref<196xi32, #tpu.memory_space<vmem>>) semaphore(%run_scoped3A : memref<!tpu.dma_semaphore, #tpu.memory_space<semaphore_mem>>) {add = true}
      %dma_wait3A = arith.constant 0 : i32
      %dma_wait3A_179 = tpu.memref_slice %arg6[%mul3A_84, %dma_wait3A] : memref<3136x32xf32, #tpu.memory_space<vmem>> -> memref<196x32xf32, #tpu.memory_space<vmem>>
      %dma_wait3A_180 = arith.constant 0 : i32
      %dma_wait3A_181 = tpu.memref_slice %arg9[%select_n3A_82, %dma_wait3A_180] : memref<16x196xi32, #tpu.memory_space<vmem>> -> memref<1x196xi32, #tpu.memory_space<vmem>>
      %dma_wait3A_182 = tpu.memref_squeeze %dma_wait3A_181 : memref<1x196xi32, #tpu.memory_space<vmem>> -> memref<196xi32, #tpu.memory_space<vmem>>
      %dma_wait3A_183 = arith.constant 0 : i32
      %dma_wait3A_184 = arith.constant 0 : i32
      %dma_wait3A_185 = tpu.memref_slice %arg10[%dma_wait3A_183, %dma_wait3A_184] : memref<3136x32xf32, #tpu.memory_space<vmem_shared>> -> memref<3136x32xf32, #tpu.memory_space<vmem_shared>>
      tpu.wait_indirect_dma semaphore(%run_scoped3A : memref<!tpu.dma_semaphore, #tpu.memory_space<semaphore_mem>>) src(%dma_wait3A_179 : memref<196x32xf32, #tpu.memory_space<vmem>>) dst(%dma_wait3A_185 : memref<3136x32xf32, #tpu.memory_space<vmem_shared>>)
      tpu.yield
    }) : () -> ()
    %add3A_85 = arith.constant 7 : i32
    %add3A_86 = arith.addi %arg1, %add3A_85 : i32
    %ge3A_87 = arith.constant 16 : i32
    %ge3A_88 = arith.cmpi sge, %add3A_86, %ge3A_87 : i32
    %sub3A_89 = arith.constant 16 : i32
    %sub3A_90 = arith.subi %add3A_86, %sub3A_89 : i32
    %select_n3A_91 = arith.select %ge3A_88, %sub3A_90, %add3A_86 : i32
    %mul3A_92 = arith.constant 196 : i32
    %mul3A_93 = arith.muli %select_n3A_91, %mul3A_92 : i32
    "tpu.region"() ({
      %run_scoped3A = tpu.sem_alloc : memref<!tpu.dma_semaphore, #tpu.memory_space<semaphore_mem>>
      %dma_start3A_171 = arith.constant 0 : i32
      %dma_start3A_172 = tpu.memref_slice %arg6[%mul3A_93, %dma_start3A_171] : memref<3136x32xf32, #tpu.memory_space<vmem>> -> memref<196x32xf32, #tpu.memory_space<vmem>>
      %dma_start3A_173 = arith.constant 0 : i32
      %dma_start3A_174 = tpu.memref_slice %arg9[%select_n3A_91, %dma_start3A_173] : memref<16x196xi32, #tpu.memory_space<vmem>> -> memref<1x196xi32, #tpu.memory_space<vmem>>
      %dma_start3A_175 = tpu.memref_squeeze %dma_start3A_174 : memref<1x196xi32, #tpu.memory_space<vmem>> -> memref<196xi32, #tpu.memory_space<vmem>>
      %dma_start3A_176 = arith.constant 0 : i32
      %dma_start3A_177 = arith.constant 0 : i32
      %dma_start3A_178 = tpu.memref_slice %arg10[%dma_start3A_176, %dma_start3A_177] : memref<3136x32xf32, #tpu.memory_space<vmem_shared>> -> memref<3136x32xf32, #tpu.memory_space<vmem_shared>>
      tpu.enqueue_indirect_dma source(%dma_start3A_172 : memref<196x32xf32, #tpu.memory_space<vmem>>) target(%dma_start3A_178 : memref<3136x32xf32, #tpu.memory_space<vmem_shared>>) offsets(%dma_start3A_175 : memref<196xi32, #tpu.memory_space<vmem>>) semaphore(%run_scoped3A : memref<!tpu.dma_semaphore, #tpu.memory_space<semaphore_mem>>) {add = true}
      %dma_wait3A = arith.constant 0 : i32
      %dma_wait3A_179 = tpu.memref_slice %arg6[%mul3A_93, %dma_wait3A] : memref<3136x32xf32, #tpu.memory_space<vmem>> -> memref<196x32xf32, #tpu.memory_space<vmem>>
      %dma_wait3A_180 = arith.constant 0 : i32
      %dma_wait3A_181 = tpu.memref_slice %arg9[%select_n3A_91, %dma_wait3A_180] : memref<16x196xi32, #tpu.memory_space<vmem>> -> memref<1x196xi32, #tpu.memory_space<vmem>>
      %dma_wait3A_182 = tpu.memref_squeeze %dma_wait3A_181 : memref<1x196xi32, #tpu.memory_space<vmem>> -> memref<196xi32, #tpu.memory_space<vmem>>
      %dma_wait3A_183 = arith.constant 0 : i32
      %dma_wait3A_184 = arith.constant 0 : i32
      %dma_wait3A_185 = tpu.memref_slice %arg10[%dma_wait3A_183, %dma_wait3A_184] : memref<3136x32xf32, #tpu.memory_space<vmem_shared>> -> memref<3136x32xf32, #tpu.memory_space<vmem_shared>>
      tpu.wait_indirect_dma semaphore(%run_scoped3A : memref<!tpu.dma_semaphore, #tpu.memory_space<semaphore_mem>>) src(%dma_wait3A_179 : memref<196x32xf32, #tpu.memory_space<vmem>>) dst(%dma_wait3A_185 : memref<3136x32xf32, #tpu.memory_space<vmem_shared>>)
      tpu.yield
    }) : () -> ()
    %add3A_94 = arith.constant 8 : i32
    %add3A_95 = arith.addi %arg1, %add3A_94 : i32
    %ge3A_96 = arith.constant 16 : i32
    %ge3A_97 = arith.cmpi sge, %add3A_95, %ge3A_96 : i32
    %sub3A_98 = arith.constant 16 : i32
    %sub3A_99 = arith.subi %add3A_95, %sub3A_98 : i32
    %select_n3A_100 = arith.select %ge3A_97, %sub3A_99, %add3A_95 : i32
    %mul3A_101 = arith.constant 196 : i32
    %mul3A_102 = arith.muli %select_n3A_100, %mul3A_101 : i32
    "tpu.region"() ({
      %run_scoped3A = tpu.sem_alloc : memref<!tpu.dma_semaphore, #tpu.memory_space<semaphore_mem>>
      %dma_start3A_171 = arith.constant 0 : i32
      %dma_start3A_172 = tpu.memref_slice %arg6[%mul3A_102, %dma_start3A_171] : memref<3136x32xf32, #tpu.memory_space<vmem>> -> memref<196x32xf32, #tpu.memory_space<vmem>>
      %dma_start3A_173 = arith.constant 0 : i32
      %dma_start3A_174 = tpu.memref_slice %arg9[%select_n3A_100, %dma_start3A_173] : memref<16x196xi32, #tpu.memory_space<vmem>> -> memref<1x196xi32, #tpu.memory_space<vmem>>
      %dma_start3A_175 = tpu.memref_squeeze %dma_start3A_174 : memref<1x196xi32, #tpu.memory_space<vmem>> -> memref<196xi32, #tpu.memory_space<vmem>>
      %dma_start3A_176 = arith.constant 0 : i32
      %dma_start3A_177 = arith.constant 0 : i32
      %dma_start3A_178 = tpu.memref_slice %arg10[%dma_start3A_176, %dma_start3A_177] : memref<3136x32xf32, #tpu.memory_space<vmem_shared>> -> memref<3136x32xf32, #tpu.memory_space<vmem_shared>>
      tpu.enqueue_indirect_dma source(%dma_start3A_172 : memref<196x32xf32, #tpu.memory_space<vmem>>) target(%dma_start3A_178 : memref<3136x32xf32, #tpu.memory_space<vmem_shared>>) offsets(%dma_start3A_175 : memref<196xi32, #tpu.memory_space<vmem>>) semaphore(%run_scoped3A : memref<!tpu.dma_semaphore, #tpu.memory_space<semaphore_mem>>) {add = true}
      %dma_wait3A = arith.constant 0 : i32
      %dma_wait3A_179 = tpu.memref_slice %arg6[%mul3A_102, %dma_wait3A] : memref<3136x32xf32, #tpu.memory_space<vmem>> -> memref<196x32xf32, #tpu.memory_space<vmem>>
      %dma_wait3A_180 = arith.constant 0 : i32
      %dma_wait3A_181 = tpu.memref_slice %arg9[%select_n3A_100, %dma_wait3A_180] : memref<16x196xi32, #tpu.memory_space<vmem>> -> memref<1x196xi32, #tpu.memory_space<vmem>>
      %dma_wait3A_182 = tpu.memref_squeeze %dma_wait3A_181 : memref<1x196xi32, #tpu.memory_space<vmem>> -> memref<196xi32, #tpu.memory_space<vmem>>
      %dma_wait3A_183 = arith.constant 0 : i32
      %dma_wait3A_184 = arith.constant 0 : i32
      %dma_wait3A_185 = tpu.memref_slice %arg10[%dma_wait3A_183, %dma_wait3A_184] : memref<3136x32xf32, #tpu.memory_space<vmem_shared>> -> memref<3136x32xf32, #tpu.memory_space<vmem_shared>>
      tpu.wait_indirect_dma semaphore(%run_scoped3A : memref<!tpu.dma_semaphore, #tpu.memory_space<semaphore_mem>>) src(%dma_wait3A_179 : memref<196x32xf32, #tpu.memory_space<vmem>>) dst(%dma_wait3A_185 : memref<3136x32xf32, #tpu.memory_space<vmem_shared>>)
      tpu.yield
    }) : () -> ()
    %add3A_103 = arith.constant 9 : i32
    %add3A_104 = arith.addi %arg1, %add3A_103 : i32
    %ge3A_105 = arith.constant 16 : i32
    %ge3A_106 = arith.cmpi sge, %add3A_104, %ge3A_105 : i32
    %sub3A_107 = arith.constant 16 : i32
    %sub3A_108 = arith.subi %add3A_104, %sub3A_107 : i32
    %select_n3A_109 = arith.select %ge3A_106, %sub3A_108, %add3A_104 : i32
    %mul3A_110 = arith.constant 196 : i32
    %mul3A_111 = arith.muli %select_n3A_109, %mul3A_110 : i32
    "tpu.region"() ({
      %run_scoped3A = tpu.sem_alloc : memref<!tpu.dma_semaphore, #tpu.memory_space<semaphore_mem>>
      %dma_start3A_171 = arith.constant 0 : i32
      %dma_start3A_172 = tpu.memref_slice %arg6[%mul3A_111, %dma_start3A_171] : memref<3136x32xf32, #tpu.memory_space<vmem>> -> memref<196x32xf32, #tpu.memory_space<vmem>>
      %dma_start3A_173 = arith.constant 0 : i32
      %dma_start3A_174 = tpu.memref_slice %arg9[%select_n3A_109, %dma_start3A_173] : memref<16x196xi32, #tpu.memory_space<vmem>> -> memref<1x196xi32, #tpu.memory_space<vmem>>
      %dma_start3A_175 = tpu.memref_squeeze %dma_start3A_174 : memref<1x196xi32, #tpu.memory_space<vmem>> -> memref<196xi32, #tpu.memory_space<vmem>>
      %dma_start3A_176 = arith.constant 0 : i32
      %dma_start3A_177 = arith.constant 0 : i32
      %dma_start3A_178 = tpu.memref_slice %arg10[%dma_start3A_176, %dma_start3A_177] : memref<3136x32xf32, #tpu.memory_space<vmem_shared>> -> memref<3136x32xf32, #tpu.memory_space<vmem_shared>>
      tpu.enqueue_indirect_dma source(%dma_start3A_172 : memref<196x32xf32, #tpu.memory_space<vmem>>) target(%dma_start3A_178 : memref<3136x32xf32, #tpu.memory_space<vmem_shared>>) offsets(%dma_start3A_175 : memref<196xi32, #tpu.memory_space<vmem>>) semaphore(%run_scoped3A : memref<!tpu.dma_semaphore, #tpu.memory_space<semaphore_mem>>) {add = true}
      %dma_wait3A = arith.constant 0 : i32
      %dma_wait3A_179 = tpu.memref_slice %arg6[%mul3A_111, %dma_wait3A] : memref<3136x32xf32, #tpu.memory_space<vmem>> -> memref<196x32xf32, #tpu.memory_space<vmem>>
      %dma_wait3A_180 = arith.constant 0 : i32
      %dma_wait3A_181 = tpu.memref_slice %arg9[%select_n3A_109, %dma_wait3A_180] : memref<16x196xi32, #tpu.memory_space<vmem>> -> memref<1x196xi32, #tpu.memory_space<vmem>>
      %dma_wait3A_182 = tpu.memref_squeeze %dma_wait3A_181 : memref<1x196xi32, #tpu.memory_space<vmem>> -> memref<196xi32, #tpu.memory_space<vmem>>
      %dma_wait3A_183 = arith.constant 0 : i32
      %dma_wait3A_184 = arith.constant 0 : i32
      %dma_wait3A_185 = tpu.memref_slice %arg10[%dma_wait3A_183, %dma_wait3A_184] : memref<3136x32xf32, #tpu.memory_space<vmem_shared>> -> memref<3136x32xf32, #tpu.memory_space<vmem_shared>>
      tpu.wait_indirect_dma semaphore(%run_scoped3A : memref<!tpu.dma_semaphore, #tpu.memory_space<semaphore_mem>>) src(%dma_wait3A_179 : memref<196x32xf32, #tpu.memory_space<vmem>>) dst(%dma_wait3A_185 : memref<3136x32xf32, #tpu.memory_space<vmem_shared>>)
      tpu.yield
    }) : () -> ()
    %add3A_112 = arith.constant 10 : i32
    %add3A_113 = arith.addi %arg1, %add3A_112 : i32
    %ge3A_114 = arith.constant 16 : i32
    %ge3A_115 = arith.cmpi sge, %add3A_113, %ge3A_114 : i32
    %sub3A_116 = arith.constant 16 : i32
    %sub3A_117 = arith.subi %add3A_113, %sub3A_116 : i32
    %select_n3A_118 = arith.select %ge3A_115, %sub3A_117, %add3A_113 : i32
    %mul3A_119 = arith.constant 196 : i32
    %mul3A_120 = arith.muli %select_n3A_118, %mul3A_119 : i32
    "tpu.region"() ({
      %run_scoped3A = tpu.sem_alloc : memref<!tpu.dma_semaphore, #tpu.memory_space<semaphore_mem>>
      %dma_start3A_171 = arith.constant 0 : i32
      %dma_start3A_172 = tpu.memref_slice %arg6[%mul3A_120, %dma_start3A_171] : memref<3136x32xf32, #tpu.memory_space<vmem>> -> memref<196x32xf32, #tpu.memory_space<vmem>>
      %dma_start3A_173 = arith.constant 0 : i32
      %dma_start3A_174 = tpu.memref_slice %arg9[%select_n3A_118, %dma_start3A_173] : memref<16x196xi32, #tpu.memory_space<vmem>> -> memref<1x196xi32, #tpu.memory_space<vmem>>
      %dma_start3A_175 = tpu.memref_squeeze %dma_start3A_174 : memref<1x196xi32, #tpu.memory_space<vmem>> -> memref<196xi32, #tpu.memory_space<vmem>>
      %dma_start3A_176 = arith.constant 0 : i32
      %dma_start3A_177 = arith.constant 0 : i32
      %dma_start3A_178 = tpu.memref_slice %arg10[%dma_start3A_176, %dma_start3A_177] : memref<3136x32xf32, #tpu.memory_space<vmem_shared>> -> memref<3136x32xf32, #tpu.memory_space<vmem_shared>>
      tpu.enqueue_indirect_dma source(%dma_start3A_172 : memref<196x32xf32, #tpu.memory_space<vmem>>) target(%dma_start3A_178 : memref<3136x32xf32, #tpu.memory_space<vmem_shared>>) offsets(%dma_start3A_175 : memref<196xi32, #tpu.memory_space<vmem>>) semaphore(%run_scoped3A : memref<!tpu.dma_semaphore, #tpu.memory_space<semaphore_mem>>) {add = true}
      %dma_wait3A = arith.constant 0 : i32
      %dma_wait3A_179 = tpu.memref_slice %arg6[%mul3A_120, %dma_wait3A] : memref<3136x32xf32, #tpu.memory_space<vmem>> -> memref<196x32xf32, #tpu.memory_space<vmem>>
      %dma_wait3A_180 = arith.constant 0 : i32
      %dma_wait3A_181 = tpu.memref_slice %arg9[%select_n3A_118, %dma_wait3A_180] : memref<16x196xi32, #tpu.memory_space<vmem>> -> memref<1x196xi32, #tpu.memory_space<vmem>>
      %dma_wait3A_182 = tpu.memref_squeeze %dma_wait3A_181 : memref<1x196xi32, #tpu.memory_space<vmem>> -> memref<196xi32, #tpu.memory_space<vmem>>
      %dma_wait3A_183 = arith.constant 0 : i32
      %dma_wait3A_184 = arith.constant 0 : i32
      %dma_wait3A_185 = tpu.memref_slice %arg10[%dma_wait3A_183, %dma_wait3A_184] : memref<3136x32xf32, #tpu.memory_space<vmem_shared>> -> memref<3136x32xf32, #tpu.memory_space<vmem_shared>>
      tpu.wait_indirect_dma semaphore(%run_scoped3A : memref<!tpu.dma_semaphore, #tpu.memory_space<semaphore_mem>>) src(%dma_wait3A_179 : memref<196x32xf32, #tpu.memory_space<vmem>>) dst(%dma_wait3A_185 : memref<3136x32xf32, #tpu.memory_space<vmem_shared>>)
      tpu.yield
    }) : () -> ()
    %add3A_121 = arith.constant 11 : i32
    %add3A_122 = arith.addi %arg1, %add3A_121 : i32
    %ge3A_123 = arith.constant 16 : i32
    %ge3A_124 = arith.cmpi sge, %add3A_122, %ge3A_123 : i32
    %sub3A_125 = arith.constant 16 : i32
    %sub3A_126 = arith.subi %add3A_122, %sub3A_125 : i32
    %select_n3A_127 = arith.select %ge3A_124, %sub3A_126, %add3A_122 : i32
    %mul3A_128 = arith.constant 196 : i32
    %mul3A_129 = arith.muli %select_n3A_127, %mul3A_128 : i32
    "tpu.region"() ({
      %run_scoped3A = tpu.sem_alloc : memref<!tpu.dma_semaphore, #tpu.memory_space<semaphore_mem>>
      %dma_start3A_171 = arith.constant 0 : i32
      %dma_start3A_172 = tpu.memref_slice %arg6[%mul3A_129, %dma_start3A_171] : memref<3136x32xf32, #tpu.memory_space<vmem>> -> memref<196x32xf32, #tpu.memory_space<vmem>>
      %dma_start3A_173 = arith.constant 0 : i32
      %dma_start3A_174 = tpu.memref_slice %arg9[%select_n3A_127, %dma_start3A_173] : memref<16x196xi32, #tpu.memory_space<vmem>> -> memref<1x196xi32, #tpu.memory_space<vmem>>
      %dma_start3A_175 = tpu.memref_squeeze %dma_start3A_174 : memref<1x196xi32, #tpu.memory_space<vmem>> -> memref<196xi32, #tpu.memory_space<vmem>>
      %dma_start3A_176 = arith.constant 0 : i32
      %dma_start3A_177 = arith.constant 0 : i32
      %dma_start3A_178 = tpu.memref_slice %arg10[%dma_start3A_176, %dma_start3A_177] : memref<3136x32xf32, #tpu.memory_space<vmem_shared>> -> memref<3136x32xf32, #tpu.memory_space<vmem_shared>>
      tpu.enqueue_indirect_dma source(%dma_start3A_172 : memref<196x32xf32, #tpu.memory_space<vmem>>) target(%dma_start3A_178 : memref<3136x32xf32, #tpu.memory_space<vmem_shared>>) offsets(%dma_start3A_175 : memref<196xi32, #tpu.memory_space<vmem>>) semaphore(%run_scoped3A : memref<!tpu.dma_semaphore, #tpu.memory_space<semaphore_mem>>) {add = true}
      %dma_wait3A = arith.constant 0 : i32
      %dma_wait3A_179 = tpu.memref_slice %arg6[%mul3A_129, %dma_wait3A] : memref<3136x32xf32, #tpu.memory_space<vmem>> -> memref<196x32xf32, #tpu.memory_space<vmem>>
      %dma_wait3A_180 = arith.constant 0 : i32
      %dma_wait3A_181 = tpu.memref_slice %arg9[%select_n3A_127, %dma_wait3A_180] : memref<16x196xi32, #tpu.memory_space<vmem>> -> memref<1x196xi32, #tpu.memory_space<vmem>>
      %dma_wait3A_182 = tpu.memref_squeeze %dma_wait3A_181 : memref<1x196xi32, #tpu.memory_space<vmem>> -> memref<196xi32, #tpu.memory_space<vmem>>
      %dma_wait3A_183 = arith.constant 0 : i32
      %dma_wait3A_184 = arith.constant 0 : i32
      %dma_wait3A_185 = tpu.memref_slice %arg10[%dma_wait3A_183, %dma_wait3A_184] : memref<3136x32xf32, #tpu.memory_space<vmem_shared>> -> memref<3136x32xf32, #tpu.memory_space<vmem_shared>>
      tpu.wait_indirect_dma semaphore(%run_scoped3A : memref<!tpu.dma_semaphore, #tpu.memory_space<semaphore_mem>>) src(%dma_wait3A_179 : memref<196x32xf32, #tpu.memory_space<vmem>>) dst(%dma_wait3A_185 : memref<3136x32xf32, #tpu.memory_space<vmem_shared>>)
      tpu.yield
    }) : () -> ()
    %add3A_130 = arith.constant 12 : i32
    %add3A_131 = arith.addi %arg1, %add3A_130 : i32
    %ge3A_132 = arith.constant 16 : i32
    %ge3A_133 = arith.cmpi sge, %add3A_131, %ge3A_132 : i32
    %sub3A_134 = arith.constant 16 : i32
    %sub3A_135 = arith.subi %add3A_131, %sub3A_134 : i32
    %select_n3A_136 = arith.select %ge3A_133, %sub3A_135, %add3A_131 : i32
    %mul3A_137 = arith.constant 196 : i32
    %mul3A_138 = arith.muli %select_n3A_136, %mul3A_137 : i32
    "tpu.region"() ({
      %run_scoped3A = tpu.sem_alloc : memref<!tpu.dma_semaphore, #tpu.memory_space<semaphore_mem>>
      %dma_start3A_171 = arith.constant 0 : i32
      %dma_start3A_172 = tpu.memref_slice %arg6[%mul3A_138, %dma_start3A_171] : memref<3136x32xf32, #tpu.memory_space<vmem>> -> memref<196x32xf32, #tpu.memory_space<vmem>>
      %dma_start3A_173 = arith.constant 0 : i32
      %dma_start3A_174 = tpu.memref_slice %arg9[%select_n3A_136, %dma_start3A_173] : memref<16x196xi32, #tpu.memory_space<vmem>> -> memref<1x196xi32, #tpu.memory_space<vmem>>
      %dma_start3A_175 = tpu.memref_squeeze %dma_start3A_174 : memref<1x196xi32, #tpu.memory_space<vmem>> -> memref<196xi32, #tpu.memory_space<vmem>>
      %dma_start3A_176 = arith.constant 0 : i32
      %dma_start3A_177 = arith.constant 0 : i32
      %dma_start3A_178 = tpu.memref_slice %arg10[%dma_start3A_176, %dma_start3A_177] : memref<3136x32xf32, #tpu.memory_space<vmem_shared>> -> memref<3136x32xf32, #tpu.memory_space<vmem_shared>>
      tpu.enqueue_indirect_dma source(%dma_start3A_172 : memref<196x32xf32, #tpu.memory_space<vmem>>) target(%dma_start3A_178 : memref<3136x32xf32, #tpu.memory_space<vmem_shared>>) offsets(%dma_start3A_175 : memref<196xi32, #tpu.memory_space<vmem>>) semaphore(%run_scoped3A : memref<!tpu.dma_semaphore, #tpu.memory_space<semaphore_mem>>) {add = true}
      %dma_wait3A = arith.constant 0 : i32
      %dma_wait3A_179 = tpu.memref_slice %arg6[%mul3A_138, %dma_wait3A] : memref<3136x32xf32, #tpu.memory_space<vmem>> -> memref<196x32xf32, #tpu.memory_space<vmem>>
      %dma_wait3A_180 = arith.constant 0 : i32
      %dma_wait3A_181 = tpu.memref_slice %arg9[%select_n3A_136, %dma_wait3A_180] : memref<16x196xi32, #tpu.memory_space<vmem>> -> memref<1x196xi32, #tpu.memory_space<vmem>>
      %dma_wait3A_182 = tpu.memref_squeeze %dma_wait3A_181 : memref<1x196xi32, #tpu.memory_space<vmem>> -> memref<196xi32, #tpu.memory_space<vmem>>
      %dma_wait3A_183 = arith.constant 0 : i32
      %dma_wait3A_184 = arith.constant 0 : i32
      %dma_wait3A_185 = tpu.memref_slice %arg10[%dma_wait3A_183, %dma_wait3A_184] : memref<3136x32xf32, #tpu.memory_space<vmem_shared>> -> memref<3136x32xf32, #tpu.memory_space<vmem_shared>>
      tpu.wait_indirect_dma semaphore(%run_scoped3A : memref<!tpu.dma_semaphore, #tpu.memory_space<semaphore_mem>>) src(%dma_wait3A_179 : memref<196x32xf32, #tpu.memory_space<vmem>>) dst(%dma_wait3A_185 : memref<3136x32xf32, #tpu.memory_space<vmem_shared>>)
      tpu.yield
    }) : () -> ()
    %add3A_139 = arith.constant 13 : i32
    %add3A_140 = arith.addi %arg1, %add3A_139 : i32
    %ge3A_141 = arith.constant 16 : i32
    %ge3A_142 = arith.cmpi sge, %add3A_140, %ge3A_141 : i32
    %sub3A_143 = arith.constant 16 : i32
    %sub3A_144 = arith.subi %add3A_140, %sub3A_143 : i32
    %select_n3A_145 = arith.select %ge3A_142, %sub3A_144, %add3A_140 : i32
    %mul3A_146 = arith.constant 196 : i32
    %mul3A_147 = arith.muli %select_n3A_145, %mul3A_146 : i32
    "tpu.region"() ({
      %run_scoped3A = tpu.sem_alloc : memref<!tpu.dma_semaphore, #tpu.memory_space<semaphore_mem>>
      %dma_start3A_171 = arith.constant 0 : i32
      %dma_start3A_172 = tpu.memref_slice %arg6[%mul3A_147, %dma_start3A_171] : memref<3136x32xf32, #tpu.memory_space<vmem>> -> memref<196x32xf32, #tpu.memory_space<vmem>>
      %dma_start3A_173 = arith.constant 0 : i32
      %dma_start3A_174 = tpu.memref_slice %arg9[%select_n3A_145, %dma_start3A_173] : memref<16x196xi32, #tpu.memory_space<vmem>> -> memref<1x196xi32, #tpu.memory_space<vmem>>
      %dma_start3A_175 = tpu.memref_squeeze %dma_start3A_174 : memref<1x196xi32, #tpu.memory_space<vmem>> -> memref<196xi32, #tpu.memory_space<vmem>>
      %dma_start3A_176 = arith.constant 0 : i32
      %dma_start3A_177 = arith.constant 0 : i32
      %dma_start3A_178 = tpu.memref_slice %arg10[%dma_start3A_176, %dma_start3A_177] : memref<3136x32xf32, #tpu.memory_space<vmem_shared>> -> memref<3136x32xf32, #tpu.memory_space<vmem_shared>>
      tpu.enqueue_indirect_dma source(%dma_start3A_172 : memref<196x32xf32, #tpu.memory_space<vmem>>) target(%dma_start3A_178 : memref<3136x32xf32, #tpu.memory_space<vmem_shared>>) offsets(%dma_start3A_175 : memref<196xi32, #tpu.memory_space<vmem>>) semaphore(%run_scoped3A : memref<!tpu.dma_semaphore, #tpu.memory_space<semaphore_mem>>) {add = true}
      %dma_wait3A = arith.constant 0 : i32
      %dma_wait3A_179 = tpu.memref_slice %arg6[%mul3A_147, %dma_wait3A] : memref<3136x32xf32, #tpu.memory_space<vmem>> -> memref<196x32xf32, #tpu.memory_space<vmem>>
      %dma_wait3A_180 = arith.constant 0 : i32
      %dma_wait3A_181 = tpu.memref_slice %arg9[%select_n3A_145, %dma_wait3A_180] : memref<16x196xi32, #tpu.memory_space<vmem>> -> memref<1x196xi32, #tpu.memory_space<vmem>>
      %dma_wait3A_182 = tpu.memref_squeeze %dma_wait3A_181 : memref<1x196xi32, #tpu.memory_space<vmem>> -> memref<196xi32, #tpu.memory_space<vmem>>
      %dma_wait3A_183 = arith.constant 0 : i32
      %dma_wait3A_184 = arith.constant 0 : i32
      %dma_wait3A_185 = tpu.memref_slice %arg10[%dma_wait3A_183, %dma_wait3A_184] : memref<3136x32xf32, #tpu.memory_space<vmem_shared>> -> memref<3136x32xf32, #tpu.memory_space<vmem_shared>>
      tpu.wait_indirect_dma semaphore(%run_scoped3A : memref<!tpu.dma_semaphore, #tpu.memory_space<semaphore_mem>>) src(%dma_wait3A_179 : memref<196x32xf32, #tpu.memory_space<vmem>>) dst(%dma_wait3A_185 : memref<3136x32xf32, #tpu.memory_space<vmem_shared>>)
      tpu.yield
    }) : () -> ()
    %add3A_148 = arith.constant 14 : i32
    %add3A_149 = arith.addi %arg1, %add3A_148 : i32
    %ge3A_150 = arith.constant 16 : i32
    %ge3A_151 = arith.cmpi sge, %add3A_149, %ge3A_150 : i32
    %sub3A_152 = arith.constant 16 : i32
    %sub3A_153 = arith.subi %add3A_149, %sub3A_152 : i32
    %select_n3A_154 = arith.select %ge3A_151, %sub3A_153, %add3A_149 : i32
    %mul3A_155 = arith.constant 196 : i32
    %mul3A_156 = arith.muli %select_n3A_154, %mul3A_155 : i32
    "tpu.region"() ({
      %run_scoped3A = tpu.sem_alloc : memref<!tpu.dma_semaphore, #tpu.memory_space<semaphore_mem>>
      %dma_start3A_171 = arith.constant 0 : i32
      %dma_start3A_172 = tpu.memref_slice %arg6[%mul3A_156, %dma_start3A_171] : memref<3136x32xf32, #tpu.memory_space<vmem>> -> memref<196x32xf32, #tpu.memory_space<vmem>>
      %dma_start3A_173 = arith.constant 0 : i32
      %dma_start3A_174 = tpu.memref_slice %arg9[%select_n3A_154, %dma_start3A_173] : memref<16x196xi32, #tpu.memory_space<vmem>> -> memref<1x196xi32, #tpu.memory_space<vmem>>
      %dma_start3A_175 = tpu.memref_squeeze %dma_start3A_174 : memref<1x196xi32, #tpu.memory_space<vmem>> -> memref<196xi32, #tpu.memory_space<vmem>>
      %dma_start3A_176 = arith.constant 0 : i32
      %dma_start3A_177 = arith.constant 0 : i32
      %dma_start3A_178 = tpu.memref_slice %arg10[%dma_start3A_176, %dma_start3A_177] : memref<3136x32xf32, #tpu.memory_space<vmem_shared>> -> memref<3136x32xf32, #tpu.memory_space<vmem_shared>>
      tpu.enqueue_indirect_dma source(%dma_start3A_172 : memref<196x32xf32, #tpu.memory_space<vmem>>) target(%dma_start3A_178 : memref<3136x32xf32, #tpu.memory_space<vmem_shared>>) offsets(%dma_start3A_175 : memref<196xi32, #tpu.memory_space<vmem>>) semaphore(%run_scoped3A : memref<!tpu.dma_semaphore, #tpu.memory_space<semaphore_mem>>) {add = true}
      %dma_wait3A = arith.constant 0 : i32
      %dma_wait3A_179 = tpu.memref_slice %arg6[%mul3A_156, %dma_wait3A] : memref<3136x32xf32, #tpu.memory_space<vmem>> -> memref<196x32xf32, #tpu.memory_space<vmem>>
      %dma_wait3A_180 = arith.constant 0 : i32
      %dma_wait3A_181 = tpu.memref_slice %arg9[%select_n3A_154, %dma_wait3A_180] : memref<16x196xi32, #tpu.memory_space<vmem>> -> memref<1x196xi32, #tpu.memory_space<vmem>>
      %dma_wait3A_182 = tpu.memref_squeeze %dma_wait3A_181 : memref<1x196xi32, #tpu.memory_space<vmem>> -> memref<196xi32, #tpu.memory_space<vmem>>
      %dma_wait3A_183 = arith.constant 0 : i32
      %dma_wait3A_184 = arith.constant 0 : i32
      %dma_wait3A_185 = tpu.memref_slice %arg10[%dma_wait3A_183, %dma_wait3A_184] : memref<3136x32xf32, #tpu.memory_space<vmem_shared>> -> memref<3136x32xf32, #tpu.memory_space<vmem_shared>>
      tpu.wait_indirect_dma semaphore(%run_scoped3A : memref<!tpu.dma_semaphore, #tpu.memory_space<semaphore_mem>>) src(%dma_wait3A_179 : memref<196x32xf32, #tpu.memory_space<vmem>>) dst(%dma_wait3A_185 : memref<3136x32xf32, #tpu.memory_space<vmem_shared>>)
      tpu.yield
    }) : () -> ()
    %add3A_157 = arith.constant 15 : i32
    %add3A_158 = arith.addi %arg1, %add3A_157 : i32
    %ge3A_159 = arith.constant 16 : i32
    %ge3A_160 = arith.cmpi sge, %add3A_158, %ge3A_159 : i32
    %sub3A_161 = arith.constant 16 : i32
    %sub3A_162 = arith.subi %add3A_158, %sub3A_161 : i32
    %select_n3A_163 = arith.select %ge3A_160, %sub3A_162, %add3A_158 : i32
    %mul3A_164 = arith.constant 196 : i32
    %mul3A_165 = arith.muli %select_n3A_163, %mul3A_164 : i32
    "tpu.region"() ({
      %run_scoped3A = tpu.sem_alloc : memref<!tpu.dma_semaphore, #tpu.memory_space<semaphore_mem>>
      %dma_start3A_171 = arith.constant 0 : i32
      %dma_start3A_172 = tpu.memref_slice %arg6[%mul3A_165, %dma_start3A_171] : memref<3136x32xf32, #tpu.memory_space<vmem>> -> memref<196x32xf32, #tpu.memory_space<vmem>>
      %dma_start3A_173 = arith.constant 0 : i32
      %dma_start3A_174 = tpu.memref_slice %arg9[%select_n3A_163, %dma_start3A_173] : memref<16x196xi32, #tpu.memory_space<vmem>> -> memref<1x196xi32, #tpu.memory_space<vmem>>
      %dma_start3A_175 = tpu.memref_squeeze %dma_start3A_174 : memref<1x196xi32, #tpu.memory_space<vmem>> -> memref<196xi32, #tpu.memory_space<vmem>>
      %dma_start3A_176 = arith.constant 0 : i32
      %dma_start3A_177 = arith.constant 0 : i32
      %dma_start3A_178 = tpu.memref_slice %arg10[%dma_start3A_176, %dma_start3A_177] : memref<3136x32xf32, #tpu.memory_space<vmem_shared>> -> memref<3136x32xf32, #tpu.memory_space<vmem_shared>>
      tpu.enqueue_indirect_dma source(%dma_start3A_172 : memref<196x32xf32, #tpu.memory_space<vmem>>) target(%dma_start3A_178 : memref<3136x32xf32, #tpu.memory_space<vmem_shared>>) offsets(%dma_start3A_175 : memref<196xi32, #tpu.memory_space<vmem>>) semaphore(%run_scoped3A : memref<!tpu.dma_semaphore, #tpu.memory_space<semaphore_mem>>) {add = true}
      %dma_wait3A = arith.constant 0 : i32
      %dma_wait3A_179 = tpu.memref_slice %arg6[%mul3A_165, %dma_wait3A] : memref<3136x32xf32, #tpu.memory_space<vmem>> -> memref<196x32xf32, #tpu.memory_space<vmem>>
      %dma_wait3A_180 = arith.constant 0 : i32
      %dma_wait3A_181 = tpu.memref_slice %arg9[%select_n3A_163, %dma_wait3A_180] : memref<16x196xi32, #tpu.memory_space<vmem>> -> memref<1x196xi32, #tpu.memory_space<vmem>>
      %dma_wait3A_182 = tpu.memref_squeeze %dma_wait3A_181 : memref<1x196xi32, #tpu.memory_space<vmem>> -> memref<196xi32, #tpu.memory_space<vmem>>
      %dma_wait3A_183 = arith.constant 0 : i32
      %dma_wait3A_184 = arith.constant 0 : i32
      %dma_wait3A_185 = tpu.memref_slice %arg10[%dma_wait3A_183, %dma_wait3A_184] : memref<3136x32xf32, #tpu.memory_space<vmem_shared>> -> memref<3136x32xf32, #tpu.memory_space<vmem_shared>>
      tpu.wait_indirect_dma semaphore(%run_scoped3A : memref<!tpu.dma_semaphore, #tpu.memory_space<semaphore_mem>>) src(%dma_wait3A_179 : memref<196x32xf32, #tpu.memory_space<vmem>>) dst(%dma_wait3A_185 : memref<3136x32xf32, #tpu.memory_space<vmem_shared>>)
      tpu.yield
    }) : () -> ()
    %barrier3A_166 = arith.constant 0 : index
    tpu.barrier barrier_id(%barrier3A_166)
    %mul3A_167 = arith.constant 196 : i32
    %mul3A_168 = arith.muli %arg1, %mul3A_167 : i32
    %mul3A_169 = arith.constant 196 : i32
    %mul3A_170 = arith.muli %arg1, %mul3A_169 : i32
    "tpu.region"() ({
      %run_scoped3A = tpu.sem_alloc : memref<!tpu.dma_semaphore, #tpu.memory_space<semaphore_mem>>
      %dma_start3A_171 = arith.constant 0 : i32
      %dma_start3A_172 = tpu.memref_slice %arg5[%arg0, %mul3A_170, %dma_start3A_171] : memref<2x3136x32xf32, #tpu.memory_space<hbm>> -> memref<1x196x32xf32, #tpu.memory_space<hbm>>
      %dma_start3A_173 = tpu.memref_squeeze %dma_start3A_172 : memref<1x196x32xf32, #tpu.memory_space<hbm>> -> memref<196x32xf32, #tpu.memory_space<hbm>>
      %dma_start3A_174 = arith.constant 0 : i32
      %dma_start3A_175 = tpu.memref_slice %arg10[%mul3A_168, %dma_start3A_174] : memref<3136x32xf32, #tpu.memory_space<vmem_shared>> -> memref<196x32xf32, #tpu.memory_space<vmem_shared>>
      tpu.enqueue_dma source(%dma_start3A_175 : memref<196x32xf32, #tpu.memory_space<vmem_shared>>) target(%dma_start3A_173 : memref<196x32xf32, #tpu.memory_space<hbm>>) target_semaphore(%run_scoped3A : memref<!tpu.dma_semaphore, #tpu.memory_space<semaphore_mem>>)
      %dma_wait3A = arith.constant 0 : i32
      %dma_wait3A_176 = tpu.memref_slice %arg5[%arg0, %mul3A_170, %dma_wait3A] : memref<2x3136x32xf32, #tpu.memory_space<hbm>> -> memref<1x196x32xf32, #tpu.memory_space<hbm>>
      %dma_wait3A_177 = tpu.memref_squeeze %dma_wait3A_176 : memref<1x196x32xf32, #tpu.memory_space<hbm>> -> memref<196x32xf32, #tpu.memory_space<hbm>>
      %dma_wait3A_178 = arith.constant 0 : i32
      %dma_wait3A_179 = tpu.memref_slice %arg10[%mul3A_168, %dma_wait3A_178] : memref<3136x32xf32, #tpu.memory_space<vmem_shared>> -> memref<196x32xf32, #tpu.memory_space<vmem_shared>>
      tpu.wait_dma2 semaphore(%run_scoped3A : memref<!tpu.dma_semaphore, #tpu.memory_space<semaphore_mem>>) src(%dma_wait3A_179 : memref<196x32xf32, #tpu.memory_space<vmem_shared>>) dst(%dma_wait3A_177 : memref<196x32xf32, #tpu.memory_space<hbm>>)
      tpu.yield
    }) : () -> ()
    return
  }
}

module attributes {stable_mosaic.version = 14 : i64} {
  func.func @_node_body(%arg0: i32, %arg1: memref<5x8x128xf32, #tpu.memory_space<vmem>>, %arg2: memref<2x8x128xf32, #tpu.memory_space<vmem>>, %arg3: memref<5x16xf32, #tpu.memory_space<smem>>, %arg4: memref<16xf32, #tpu.memory_space<smem>>, %arg5: memref<5x1xf32, #tpu.memory_space<smem>>, %arg6: memref<1xf32, #tpu.memory_space<smem>>, %arg7: memref<8x128xf32, #tpu.memory_space<vmem>>, %arg8: memref<8x128xf32, #tpu.memory_space<vmem>>, %arg9: memref<8x128xf32, #tpu.memory_space<vmem>>) attributes {dimension_semantics = [#tpu.dimension_semantics<arbitrary>], iteration_bounds = array<i64: 98>, scalar_prefetch = 0 : i64, scratch_operands = 0 : i64, tpu.core_type = #tpu.core_type<tc>, window_params = [{transform_indices = @transform_0, window_bounds = array<i64: 5, 8, 128>}, {transform_indices = @transform_1, window_bounds = array<i64: 2, 8, 128>}, {transform_indices = @transform_2, window_bounds = array<i64: 5, 16>}, {transform_indices = @transform_3, window_bounds = array<i64: 16>}, {transform_indices = @transform_4, window_bounds = array<i64: 5, 1>}, {transform_indices = @transform_5, window_bounds = array<i64: 1>}, {transform_indices = @transform_6, window_bounds = array<i64: 8, 128>}, {transform_indices = @transform_7, window_bounds = array<i64: 8, 128>}, {transform_indices = @transform_8, window_bounds = array<i64: 8, 128>}]} {
    %get3A = arith.constant 1 : index
    %get3A_0 = arith.constant 0 : index
    %get3A_1 = memref.load %arg5[%get3A, %get3A_0] : memref<5x1xf32, #tpu.memory_space<smem>>
    %get3A_2 = arith.constant 2 : index
    %get3A_3 = arith.constant 0 : index
    %get3A_4 = memref.load %arg5[%get3A_2, %get3A_3] : memref<5x1xf32, #tpu.memory_space<smem>>
    %get3A_5 = arith.constant 3 : index
    %get3A_6 = arith.constant 0 : index
    %get3A_7 = memref.load %arg5[%get3A_5, %get3A_6] : memref<5x1xf32, #tpu.memory_space<smem>>
    %get3A_8 = arith.constant 4 : index
    %get3A_9 = arith.constant 0 : index
    %get3A_10 = memref.load %arg5[%get3A_8, %get3A_9] : memref<5x1xf32, #tpu.memory_space<smem>>
    %get3A_11 = arith.constant 0 : index
    %get3A_12 = memref.load %arg6[%get3A_11] : memref<1xf32, #tpu.memory_space<smem>>
    %get3A_13 = arith.constant 0 : index
    %get3A_14 = arith.constant 0 : index
    %get3A_15 = memref.load %arg5[%get3A_13, %get3A_14] : memref<5x1xf32, #tpu.memory_space<smem>>
    %get3A_16 = arith.constant 0 : index
    %get3A_17 = arith.constant 0 : index
    %get3A_18 = arith.constant 0 : index
    %get3A_19 = vector.load %arg1[%get3A_16, %get3A_17, %get3A_18] : memref<5x8x128xf32, #tpu.memory_space<vmem>>, vector<1x8x128xf32>
    %get3A_20 = vector.shape_cast %get3A_19 : vector<1x8x128xf32> to vector<8x128xf32>
    %get3A_21 = arith.constant 1 : index
    %get3A_22 = arith.constant 0 : index
    %get3A_23 = arith.constant 0 : index
    %get3A_24 = vector.load %arg1[%get3A_21, %get3A_22, %get3A_23] : memref<5x8x128xf32, #tpu.memory_space<vmem>>, vector<1x8x128xf32>
    %get3A_25 = vector.shape_cast %get3A_24 : vector<1x8x128xf32> to vector<8x128xf32>
    %get3A_26 = arith.constant 2 : index
    %get3A_27 = arith.constant 0 : index
    %get3A_28 = arith.constant 0 : index
    %get3A_29 = vector.load %arg1[%get3A_26, %get3A_27, %get3A_28] : memref<5x8x128xf32, #tpu.memory_space<vmem>>, vector<1x8x128xf32>
    %get3A_30 = vector.shape_cast %get3A_29 : vector<1x8x128xf32> to vector<8x128xf32>
    %get3A_31 = arith.constant 3 : index
    %get3A_32 = arith.constant 0 : index
    %get3A_33 = arith.constant 0 : index
    %get3A_34 = vector.load %arg1[%get3A_31, %get3A_32, %get3A_33] : memref<5x8x128xf32, #tpu.memory_space<vmem>>, vector<1x8x128xf32>
    %get3A_35 = vector.shape_cast %get3A_34 : vector<1x8x128xf32> to vector<8x128xf32>
    %get3A_36 = arith.constant 4 : index
    %get3A_37 = arith.constant 0 : index
    %get3A_38 = arith.constant 0 : index
    %get3A_39 = vector.load %arg1[%get3A_36, %get3A_37, %get3A_38] : memref<5x8x128xf32, #tpu.memory_space<vmem>>, vector<1x8x128xf32>
    %get3A_40 = vector.shape_cast %get3A_39 : vector<1x8x128xf32> to vector<8x128xf32>
    %mul3A = vector.broadcast %get3A_15 : f32 to vector<8x128xf32>
    %mul3A_41 = arith.mulf %mul3A, %get3A_20 : vector<8x128xf32>
    %add3A = vector.broadcast %get3A_12 : f32 to vector<8x128xf32>
    %add3A_42 = arith.addf %add3A, %mul3A_41 : vector<8x128xf32>
    %get3A_43 = arith.constant 0 : index
    %get3A_44 = memref.load %arg4[%get3A_43] : memref<16xf32, #tpu.memory_space<smem>>
    %mul3A_45 = arith.mulf %get3A_1, %get3A_44 : f32
    %add3A_46 = arith.constant 0.000000e+00 : f32
    %add3A_47 = arith.addf %add3A_46, %mul3A_45 : f32
    %get3A_48 = arith.constant 4 : index
    %get3A_49 = memref.load %arg4[%get3A_48] : memref<16xf32, #tpu.memory_space<smem>>
    %mul3A_50 = arith.mulf %get3A_4, %get3A_49 : f32
    %add3A_51 = arith.addf %add3A_47, %mul3A_50 : f32
    %get3A_52 = arith.constant 8 : index
    %get3A_53 = memref.load %arg4[%get3A_52] : memref<16xf32, #tpu.memory_space<smem>>
    %mul3A_54 = arith.mulf %get3A_7, %get3A_53 : f32
    %add3A_55 = arith.addf %add3A_51, %mul3A_54 : f32
    %get3A_56 = arith.constant 12 : index
    %get3A_57 = memref.load %arg4[%get3A_56] : memref<16xf32, #tpu.memory_space<smem>>
    %mul3A_58 = arith.mulf %get3A_10, %get3A_57 : f32
    %add3A_59 = arith.addf %add3A_55, %mul3A_58 : f32
    %add3A_60 = arith.addf %get3A_1, %add3A_59 : f32
    %mul3A_61 = vector.broadcast %add3A_60 : f32 to vector<8x128xf32>
    %mul3A_62 = arith.mulf %mul3A_61, %get3A_25 : vector<8x128xf32>
    %get3A_63 = arith.constant 0 : index
    %get3A_64 = arith.constant 0 : index
    %get3A_65 = memref.load %arg3[%get3A_63, %get3A_64] : memref<5x16xf32, #tpu.memory_space<smem>>
    %mul3A_66 = arith.mulf %get3A_1, %get3A_65 : f32
    %add3A_67 = arith.constant 0.000000e+00 : f32
    %add3A_68 = arith.addf %add3A_67, %mul3A_66 : f32
    %get3A_69 = arith.constant 0 : index
    %get3A_70 = arith.constant 4 : index
    %get3A_71 = memref.load %arg3[%get3A_69, %get3A_70] : memref<5x16xf32, #tpu.memory_space<smem>>
    %mul3A_72 = arith.mulf %get3A_4, %get3A_71 : f32
    %add3A_73 = arith.addf %add3A_68, %mul3A_72 : f32
    %get3A_74 = arith.constant 0 : index
    %get3A_75 = arith.constant 8 : index
    %get3A_76 = memref.load %arg3[%get3A_74, %get3A_75] : memref<5x16xf32, #tpu.memory_space<smem>>
    %mul3A_77 = arith.mulf %get3A_7, %get3A_76 : f32
    %add3A_78 = arith.addf %add3A_73, %mul3A_77 : f32
    %get3A_79 = arith.constant 0 : index
    %get3A_80 = arith.constant 12 : index
    %get3A_81 = memref.load %arg3[%get3A_79, %get3A_80] : memref<5x16xf32, #tpu.memory_space<smem>>
    %mul3A_82 = arith.mulf %get3A_10, %get3A_81 : f32
    %add3A_83 = arith.addf %add3A_78, %mul3A_82 : f32
    %mul3A_84 = vector.broadcast %add3A_83 : f32 to vector<8x128xf32>
    %mul3A_85 = arith.mulf %mul3A_84, %get3A_20 : vector<8x128xf32>
    %mul3A_86 = arith.mulf %mul3A_85, %get3A_25 : vector<8x128xf32>
    %add3A_87 = arith.addf %mul3A_62, %mul3A_86 : vector<8x128xf32>
    %get3A_88 = arith.constant 1 : index
    %get3A_89 = arith.constant 0 : index
    %get3A_90 = memref.load %arg3[%get3A_88, %get3A_89] : memref<5x16xf32, #tpu.memory_space<smem>>
    %mul3A_91 = arith.mulf %get3A_1, %get3A_90 : f32
    %add3A_92 = arith.constant 0.000000e+00 : f32
    %add3A_93 = arith.addf %add3A_92, %mul3A_91 : f32
    %get3A_94 = arith.constant 1 : index
    %get3A_95 = arith.constant 4 : index
    %get3A_96 = memref.load %arg3[%get3A_94, %get3A_95] : memref<5x16xf32, #tpu.memory_space<smem>>
    %mul3A_97 = arith.mulf %get3A_4, %get3A_96 : f32
    %add3A_98 = arith.addf %add3A_93, %mul3A_97 : f32
    %get3A_99 = arith.constant 1 : index
    %get3A_100 = arith.constant 8 : index
    %get3A_101 = memref.load %arg3[%get3A_99, %get3A_100] : memref<5x16xf32, #tpu.memory_space<smem>>
    %mul3A_102 = arith.mulf %get3A_7, %get3A_101 : f32
    %add3A_103 = arith.addf %add3A_98, %mul3A_102 : f32
    %get3A_104 = arith.constant 1 : index
    %get3A_105 = arith.constant 12 : index
    %get3A_106 = memref.load %arg3[%get3A_104, %get3A_105] : memref<5x16xf32, #tpu.memory_space<smem>>
    %mul3A_107 = arith.mulf %get3A_10, %get3A_106 : f32
    %add3A_108 = arith.addf %add3A_103, %mul3A_107 : f32
    %mul3A_109 = vector.broadcast %add3A_108 : f32 to vector<8x128xf32>
    %mul3A_110 = arith.mulf %mul3A_109, %get3A_25 : vector<8x128xf32>
    %mul3A_111 = arith.mulf %mul3A_110, %get3A_25 : vector<8x128xf32>
    %add3A_112 = arith.addf %add3A_87, %mul3A_111 : vector<8x128xf32>
    %get3A_113 = arith.constant 2 : index
    %get3A_114 = arith.constant 0 : index
    %get3A_115 = memref.load %arg3[%get3A_113, %get3A_114] : memref<5x16xf32, #tpu.memory_space<smem>>
    %mul3A_116 = arith.mulf %get3A_1, %get3A_115 : f32
    %add3A_117 = arith.constant 0.000000e+00 : f32
    %add3A_118 = arith.addf %add3A_117, %mul3A_116 : f32
    %get3A_119 = arith.constant 2 : index
    %get3A_120 = arith.constant 4 : index
    %get3A_121 = memref.load %arg3[%get3A_119, %get3A_120] : memref<5x16xf32, #tpu.memory_space<smem>>
    %mul3A_122 = arith.mulf %get3A_4, %get3A_121 : f32
    %add3A_123 = arith.addf %add3A_118, %mul3A_122 : f32
    %get3A_124 = arith.constant 2 : index
    %get3A_125 = arith.constant 8 : index
    %get3A_126 = memref.load %arg3[%get3A_124, %get3A_125] : memref<5x16xf32, #tpu.memory_space<smem>>
    %mul3A_127 = arith.mulf %get3A_7, %get3A_126 : f32
    %add3A_128 = arith.addf %add3A_123, %mul3A_127 : f32
    %get3A_129 = arith.constant 2 : index
    %get3A_130 = arith.constant 12 : index
    %get3A_131 = memref.load %arg3[%get3A_129, %get3A_130] : memref<5x16xf32, #tpu.memory_space<smem>>
    %mul3A_132 = arith.mulf %get3A_10, %get3A_131 : f32
    %add3A_133 = arith.addf %add3A_128, %mul3A_132 : f32
    %mul3A_134 = vector.broadcast %add3A_133 : f32 to vector<8x128xf32>
    %mul3A_135 = arith.mulf %mul3A_134, %get3A_30 : vector<8x128xf32>
    %mul3A_136 = arith.mulf %mul3A_135, %get3A_25 : vector<8x128xf32>
    %add3A_137 = arith.addf %add3A_112, %mul3A_136 : vector<8x128xf32>
    %get3A_138 = arith.constant 3 : index
    %get3A_139 = arith.constant 0 : index
    %get3A_140 = memref.load %arg3[%get3A_138, %get3A_139] : memref<5x16xf32, #tpu.memory_space<smem>>
    %mul3A_141 = arith.mulf %get3A_1, %get3A_140 : f32
    %add3A_142 = arith.constant 0.000000e+00 : f32
    %add3A_143 = arith.addf %add3A_142, %mul3A_141 : f32
    %get3A_144 = arith.constant 3 : index
    %get3A_145 = arith.constant 4 : index
    %get3A_146 = memref.load %arg3[%get3A_144, %get3A_145] : memref<5x16xf32, #tpu.memory_space<smem>>
    %mul3A_147 = arith.mulf %get3A_4, %get3A_146 : f32
    %add3A_148 = arith.addf %add3A_143, %mul3A_147 : f32
    %get3A_149 = arith.constant 3 : index
    %get3A_150 = arith.constant 8 : index
    %get3A_151 = memref.load %arg3[%get3A_149, %get3A_150] : memref<5x16xf32, #tpu.memory_space<smem>>
    %mul3A_152 = arith.mulf %get3A_7, %get3A_151 : f32
    %add3A_153 = arith.addf %add3A_148, %mul3A_152 : f32
    %get3A_154 = arith.constant 3 : index
    %get3A_155 = arith.constant 12 : index
    %get3A_156 = memref.load %arg3[%get3A_154, %get3A_155] : memref<5x16xf32, #tpu.memory_space<smem>>
    %mul3A_157 = arith.mulf %get3A_10, %get3A_156 : f32
    %add3A_158 = arith.addf %add3A_153, %mul3A_157 : f32
    %mul3A_159 = vector.broadcast %add3A_158 : f32 to vector<8x128xf32>
    %mul3A_160 = arith.mulf %mul3A_159, %get3A_35 : vector<8x128xf32>
    %mul3A_161 = arith.mulf %mul3A_160, %get3A_25 : vector<8x128xf32>
    %add3A_162 = arith.addf %add3A_137, %mul3A_161 : vector<8x128xf32>
    %get3A_163 = arith.constant 4 : index
    %get3A_164 = arith.constant 0 : index
    %get3A_165 = memref.load %arg3[%get3A_163, %get3A_164] : memref<5x16xf32, #tpu.memory_space<smem>>
    %mul3A_166 = arith.mulf %get3A_1, %get3A_165 : f32
    %add3A_167 = arith.constant 0.000000e+00 : f32
    %add3A_168 = arith.addf %add3A_167, %mul3A_166 : f32
    %get3A_169 = arith.constant 4 : index
    %get3A_170 = arith.constant 4 : index
    %get3A_171 = memref.load %arg3[%get3A_169, %get3A_170] : memref<5x16xf32, #tpu.memory_space<smem>>
    %mul3A_172 = arith.mulf %get3A_4, %get3A_171 : f32
    %add3A_173 = arith.addf %add3A_168, %mul3A_172 : f32
    %get3A_174 = arith.constant 4 : index
    %get3A_175 = arith.constant 8 : index
    %get3A_176 = memref.load %arg3[%get3A_174, %get3A_175] : memref<5x16xf32, #tpu.memory_space<smem>>
    %mul3A_177 = arith.mulf %get3A_7, %get3A_176 : f32
    %add3A_178 = arith.addf %add3A_173, %mul3A_177 : f32
    %get3A_179 = arith.constant 4 : index
    %get3A_180 = arith.constant 12 : index
    %get3A_181 = memref.load %arg3[%get3A_179, %get3A_180] : memref<5x16xf32, #tpu.memory_space<smem>>
    %mul3A_182 = arith.mulf %get3A_10, %get3A_181 : f32
    %add3A_183 = arith.addf %add3A_178, %mul3A_182 : f32
    %mul3A_184 = vector.broadcast %add3A_183 : f32 to vector<8x128xf32>
    %mul3A_185 = arith.mulf %mul3A_184, %get3A_40 : vector<8x128xf32>
    %mul3A_186 = arith.mulf %mul3A_185, %get3A_25 : vector<8x128xf32>
    %add3A_187 = arith.addf %add3A_162, %mul3A_186 : vector<8x128xf32>
    %add3A_188 = arith.addf %add3A_42, %add3A_187 : vector<8x128xf32>
    %get3A_189 = arith.constant 1 : index
    %get3A_190 = memref.load %arg4[%get3A_189] : memref<16xf32, #tpu.memory_space<smem>>
    %mul3A_191 = arith.mulf %get3A_1, %get3A_190 : f32
    %add3A_192 = arith.constant 0.000000e+00 : f32
    %add3A_193 = arith.addf %add3A_192, %mul3A_191 : f32
    %get3A_194 = arith.constant 5 : index
    %get3A_195 = memref.load %arg4[%get3A_194] : memref<16xf32, #tpu.memory_space<smem>>
    %mul3A_196 = arith.mulf %get3A_4, %get3A_195 : f32
    %add3A_197 = arith.addf %add3A_193, %mul3A_196 : f32
    %get3A_198 = arith.constant 9 : index
    %get3A_199 = memref.load %arg4[%get3A_198] : memref<16xf32, #tpu.memory_space<smem>>
    %mul3A_200 = arith.mulf %get3A_7, %get3A_199 : f32
    %add3A_201 = arith.addf %add3A_197, %mul3A_200 : f32
    %get3A_202 = arith.constant 13 : index
    %get3A_203 = memref.load %arg4[%get3A_202] : memref<16xf32, #tpu.memory_space<smem>>
    %mul3A_204 = arith.mulf %get3A_10, %get3A_203 : f32
    %add3A_205 = arith.addf %add3A_201, %mul3A_204 : f32
    %add3A_206 = arith.addf %get3A_4, %add3A_205 : f32
    %mul3A_207 = vector.broadcast %add3A_206 : f32 to vector<8x128xf32>
    %mul3A_208 = arith.mulf %mul3A_207, %get3A_30 : vector<8x128xf32>
    %get3A_209 = arith.constant 0 : index
    %get3A_210 = arith.constant 1 : index
    %get3A_211 = memref.load %arg3[%get3A_209, %get3A_210] : memref<5x16xf32, #tpu.memory_space<smem>>
    %mul3A_212 = arith.mulf %get3A_1, %get3A_211 : f32
    %add3A_213 = arith.constant 0.000000e+00 : f32
    %add3A_214 = arith.addf %add3A_213, %mul3A_212 : f32
    %get3A_215 = arith.constant 0 : index
    %get3A_216 = arith.constant 5 : index
    %get3A_217 = memref.load %arg3[%get3A_215, %get3A_216] : memref<5x16xf32, #tpu.memory_space<smem>>
    %mul3A_218 = arith.mulf %get3A_4, %get3A_217 : f32
    %add3A_219 = arith.addf %add3A_214, %mul3A_218 : f32
    %get3A_220 = arith.constant 0 : index
    %get3A_221 = arith.constant 9 : index
    %get3A_222 = memref.load %arg3[%get3A_220, %get3A_221] : memref<5x16xf32, #tpu.memory_space<smem>>
    %mul3A_223 = arith.mulf %get3A_7, %get3A_222 : f32
    %add3A_224 = arith.addf %add3A_219, %mul3A_223 : f32
    %get3A_225 = arith.constant 0 : index
    %get3A_226 = arith.constant 13 : index
    %get3A_227 = memref.load %arg3[%get3A_225, %get3A_226] : memref<5x16xf32, #tpu.memory_space<smem>>
    %mul3A_228 = arith.mulf %get3A_10, %get3A_227 : f32
    %add3A_229 = arith.addf %add3A_224, %mul3A_228 : f32
    %mul3A_230 = vector.broadcast %add3A_229 : f32 to vector<8x128xf32>
    %mul3A_231 = arith.mulf %mul3A_230, %get3A_20 : vector<8x128xf32>
    %mul3A_232 = arith.mulf %mul3A_231, %get3A_30 : vector<8x128xf32>
    %add3A_233 = arith.addf %mul3A_208, %mul3A_232 : vector<8x128xf32>
    %get3A_234 = arith.constant 1 : index
    %get3A_235 = arith.constant 1 : index
    %get3A_236 = memref.load %arg3[%get3A_234, %get3A_235] : memref<5x16xf32, #tpu.memory_space<smem>>
    %mul3A_237 = arith.mulf %get3A_1, %get3A_236 : f32
    %add3A_238 = arith.constant 0.000000e+00 : f32
    %add3A_239 = arith.addf %add3A_238, %mul3A_237 : f32
    %get3A_240 = arith.constant 1 : index
    %get3A_241 = arith.constant 5 : index
    %get3A_242 = memref.load %arg3[%get3A_240, %get3A_241] : memref<5x16xf32, #tpu.memory_space<smem>>
    %mul3A_243 = arith.mulf %get3A_4, %get3A_242 : f32
    %add3A_244 = arith.addf %add3A_239, %mul3A_243 : f32
    %get3A_245 = arith.constant 1 : index
    %get3A_246 = arith.constant 9 : index
    %get3A_247 = memref.load %arg3[%get3A_245, %get3A_246] : memref<5x16xf32, #tpu.memory_space<smem>>
    %mul3A_248 = arith.mulf %get3A_7, %get3A_247 : f32
    %add3A_249 = arith.addf %add3A_244, %mul3A_248 : f32
    %get3A_250 = arith.constant 1 : index
    %get3A_251 = arith.constant 13 : index
    %get3A_252 = memref.load %arg3[%get3A_250, %get3A_251] : memref<5x16xf32, #tpu.memory_space<smem>>
    %mul3A_253 = arith.mulf %get3A_10, %get3A_252 : f32
    %add3A_254 = arith.addf %add3A_249, %mul3A_253 : f32
    %mul3A_255 = vector.broadcast %add3A_254 : f32 to vector<8x128xf32>
    %mul3A_256 = arith.mulf %mul3A_255, %get3A_25 : vector<8x128xf32>
    %mul3A_257 = arith.mulf %mul3A_256, %get3A_30 : vector<8x128xf32>
    %add3A_258 = arith.addf %add3A_233, %mul3A_257 : vector<8x128xf32>
    %get3A_259 = arith.constant 2 : index
    %get3A_260 = arith.constant 1 : index
    %get3A_261 = memref.load %arg3[%get3A_259, %get3A_260] : memref<5x16xf32, #tpu.memory_space<smem>>
    %mul3A_262 = arith.mulf %get3A_1, %get3A_261 : f32
    %add3A_263 = arith.constant 0.000000e+00 : f32
    %add3A_264 = arith.addf %add3A_263, %mul3A_262 : f32
    %get3A_265 = arith.constant 2 : index
    %get3A_266 = arith.constant 5 : index
    %get3A_267 = memref.load %arg3[%get3A_265, %get3A_266] : memref<5x16xf32, #tpu.memory_space<smem>>
    %mul3A_268 = arith.mulf %get3A_4, %get3A_267 : f32
    %add3A_269 = arith.addf %add3A_264, %mul3A_268 : f32
    %get3A_270 = arith.constant 2 : index
    %get3A_271 = arith.constant 9 : index
    %get3A_272 = memref.load %arg3[%get3A_270, %get3A_271] : memref<5x16xf32, #tpu.memory_space<smem>>
    %mul3A_273 = arith.mulf %get3A_7, %get3A_272 : f32
    %add3A_274 = arith.addf %add3A_269, %mul3A_273 : f32
    %get3A_275 = arith.constant 2 : index
    %get3A_276 = arith.constant 13 : index
    %get3A_277 = memref.load %arg3[%get3A_275, %get3A_276] : memref<5x16xf32, #tpu.memory_space<smem>>
    %mul3A_278 = arith.mulf %get3A_10, %get3A_277 : f32
    %add3A_279 = arith.addf %add3A_274, %mul3A_278 : f32
    %mul3A_280 = vector.broadcast %add3A_279 : f32 to vector<8x128xf32>
    %mul3A_281 = arith.mulf %mul3A_280, %get3A_30 : vector<8x128xf32>
    %mul3A_282 = arith.mulf %mul3A_281, %get3A_30 : vector<8x128xf32>
    %add3A_283 = arith.addf %add3A_258, %mul3A_282 : vector<8x128xf32>
    %get3A_284 = arith.constant 3 : index
    %get3A_285 = arith.constant 1 : index
    %get3A_286 = memref.load %arg3[%get3A_284, %get3A_285] : memref<5x16xf32, #tpu.memory_space<smem>>
    %mul3A_287 = arith.mulf %get3A_1, %get3A_286 : f32
    %add3A_288 = arith.constant 0.000000e+00 : f32
    %add3A_289 = arith.addf %add3A_288, %mul3A_287 : f32
    %get3A_290 = arith.constant 3 : index
    %get3A_291 = arith.constant 5 : index
    %get3A_292 = memref.load %arg3[%get3A_290, %get3A_291] : memref<5x16xf32, #tpu.memory_space<smem>>
    %mul3A_293 = arith.mulf %get3A_4, %get3A_292 : f32
    %add3A_294 = arith.addf %add3A_289, %mul3A_293 : f32
    %get3A_295 = arith.constant 3 : index
    %get3A_296 = arith.constant 9 : index
    %get3A_297 = memref.load %arg3[%get3A_295, %get3A_296] : memref<5x16xf32, #tpu.memory_space<smem>>
    %mul3A_298 = arith.mulf %get3A_7, %get3A_297 : f32
    %add3A_299 = arith.addf %add3A_294, %mul3A_298 : f32
    %get3A_300 = arith.constant 3 : index
    %get3A_301 = arith.constant 13 : index
    %get3A_302 = memref.load %arg3[%get3A_300, %get3A_301] : memref<5x16xf32, #tpu.memory_space<smem>>
    %mul3A_303 = arith.mulf %get3A_10, %get3A_302 : f32
    %add3A_304 = arith.addf %add3A_299, %mul3A_303 : f32
    %mul3A_305 = vector.broadcast %add3A_304 : f32 to vector<8x128xf32>
    %mul3A_306 = arith.mulf %mul3A_305, %get3A_35 : vector<8x128xf32>
    %mul3A_307 = arith.mulf %mul3A_306, %get3A_30 : vector<8x128xf32>
    %add3A_308 = arith.addf %add3A_283, %mul3A_307 : vector<8x128xf32>
    %get3A_309 = arith.constant 4 : index
    %get3A_310 = arith.constant 1 : index
    %get3A_311 = memref.load %arg3[%get3A_309, %get3A_310] : memref<5x16xf32, #tpu.memory_space<smem>>
    %mul3A_312 = arith.mulf %get3A_1, %get3A_311 : f32
    %add3A_313 = arith.constant 0.000000e+00 : f32
    %add3A_314 = arith.addf %add3A_313, %mul3A_312 : f32
    %get3A_315 = arith.constant 4 : index
    %get3A_316 = arith.constant 5 : index
    %get3A_317 = memref.load %arg3[%get3A_315, %get3A_316] : memref<5x16xf32, #tpu.memory_space<smem>>
    %mul3A_318 = arith.mulf %get3A_4, %get3A_317 : f32
    %add3A_319 = arith.addf %add3A_314, %mul3A_318 : f32
    %get3A_320 = arith.constant 4 : index
    %get3A_321 = arith.constant 9 : index
    %get3A_322 = memref.load %arg3[%get3A_320, %get3A_321] : memref<5x16xf32, #tpu.memory_space<smem>>
    %mul3A_323 = arith.mulf %get3A_7, %get3A_322 : f32
    %add3A_324 = arith.addf %add3A_319, %mul3A_323 : f32
    %get3A_325 = arith.constant 4 : index
    %get3A_326 = arith.constant 13 : index
    %get3A_327 = memref.load %arg3[%get3A_325, %get3A_326] : memref<5x16xf32, #tpu.memory_space<smem>>
    %mul3A_328 = arith.mulf %get3A_10, %get3A_327 : f32
    %add3A_329 = arith.addf %add3A_324, %mul3A_328 : f32
    %mul3A_330 = vector.broadcast %add3A_329 : f32 to vector<8x128xf32>
    %mul3A_331 = arith.mulf %mul3A_330, %get3A_40 : vector<8x128xf32>
    %mul3A_332 = arith.mulf %mul3A_331, %get3A_30 : vector<8x128xf32>
    %add3A_333 = arith.addf %add3A_308, %mul3A_332 : vector<8x128xf32>
    %add3A_334 = arith.addf %add3A_188, %add3A_333 : vector<8x128xf32>
    %get3A_335 = arith.constant 2 : index
    %get3A_336 = memref.load %arg4[%get3A_335] : memref<16xf32, #tpu.memory_space<smem>>
    %mul3A_337 = arith.mulf %get3A_1, %get3A_336 : f32
    %add3A_338 = arith.constant 0.000000e+00 : f32
    %add3A_339 = arith.addf %add3A_338, %mul3A_337 : f32
    %get3A_340 = arith.constant 6 : index
    %get3A_341 = memref.load %arg4[%get3A_340] : memref<16xf32, #tpu.memory_space<smem>>
    %mul3A_342 = arith.mulf %get3A_4, %get3A_341 : f32
    %add3A_343 = arith.addf %add3A_339, %mul3A_342 : f32
    %get3A_344 = arith.constant 10 : index
    %get3A_345 = memref.load %arg4[%get3A_344] : memref<16xf32, #tpu.memory_space<smem>>
    %mul3A_346 = arith.mulf %get3A_7, %get3A_345 : f32
    %add3A_347 = arith.addf %add3A_343, %mul3A_346 : f32
    %get3A_348 = arith.constant 14 : index
    %get3A_349 = memref.load %arg4[%get3A_348] : memref<16xf32, #tpu.memory_space<smem>>
    %mul3A_350 = arith.mulf %get3A_10, %get3A_349 : f32
    %add3A_351 = arith.addf %add3A_347, %mul3A_350 : f32
    %add3A_352 = arith.addf %get3A_7, %add3A_351 : f32
    %mul3A_353 = vector.broadcast %add3A_352 : f32 to vector<8x128xf32>
    %mul3A_354 = arith.mulf %mul3A_353, %get3A_35 : vector<8x128xf32>
    %get3A_355 = arith.constant 0 : index
    %get3A_356 = arith.constant 2 : index
    %get3A_357 = memref.load %arg3[%get3A_355, %get3A_356] : memref<5x16xf32, #tpu.memory_space<smem>>
    %mul3A_358 = arith.mulf %get3A_1, %get3A_357 : f32
    %add3A_359 = arith.constant 0.000000e+00 : f32
    %add3A_360 = arith.addf %add3A_359, %mul3A_358 : f32
    %get3A_361 = arith.constant 0 : index
    %get3A_362 = arith.constant 6 : index
    %get3A_363 = memref.load %arg3[%get3A_361, %get3A_362] : memref<5x16xf32, #tpu.memory_space<smem>>
    %mul3A_364 = arith.mulf %get3A_4, %get3A_363 : f32
    %add3A_365 = arith.addf %add3A_360, %mul3A_364 : f32
    %get3A_366 = arith.constant 0 : index
    %get3A_367 = arith.constant 10 : index
    %get3A_368 = memref.load %arg3[%get3A_366, %get3A_367] : memref<5x16xf32, #tpu.memory_space<smem>>
    %mul3A_369 = arith.mulf %get3A_7, %get3A_368 : f32
    %add3A_370 = arith.addf %add3A_365, %mul3A_369 : f32
    %get3A_371 = arith.constant 0 : index
    %get3A_372 = arith.constant 14 : index
    %get3A_373 = memref.load %arg3[%get3A_371, %get3A_372] : memref<5x16xf32, #tpu.memory_space<smem>>
    %mul3A_374 = arith.mulf %get3A_10, %get3A_373 : f32
    %add3A_375 = arith.addf %add3A_370, %mul3A_374 : f32
    %mul3A_376 = vector.broadcast %add3A_375 : f32 to vector<8x128xf32>
    %mul3A_377 = arith.mulf %mul3A_376, %get3A_20 : vector<8x128xf32>
    %mul3A_378 = arith.mulf %mul3A_377, %get3A_35 : vector<8x128xf32>
    %add3A_379 = arith.addf %mul3A_354, %mul3A_378 : vector<8x128xf32>
    %get3A_380 = arith.constant 1 : index
    %get3A_381 = arith.constant 2 : index
    %get3A_382 = memref.load %arg3[%get3A_380, %get3A_381] : memref<5x16xf32, #tpu.memory_space<smem>>
    %mul3A_383 = arith.mulf %get3A_1, %get3A_382 : f32
    %add3A_384 = arith.constant 0.000000e+00 : f32
    %add3A_385 = arith.addf %add3A_384, %mul3A_383 : f32
    %get3A_386 = arith.constant 1 : index
    %get3A_387 = arith.constant 6 : index
    %get3A_388 = memref.load %arg3[%get3A_386, %get3A_387] : memref<5x16xf32, #tpu.memory_space<smem>>
    %mul3A_389 = arith.mulf %get3A_4, %get3A_388 : f32
    %add3A_390 = arith.addf %add3A_385, %mul3A_389 : f32
    %get3A_391 = arith.constant 1 : index
    %get3A_392 = arith.constant 10 : index
    %get3A_393 = memref.load %arg3[%get3A_391, %get3A_392] : memref<5x16xf32, #tpu.memory_space<smem>>
    %mul3A_394 = arith.mulf %get3A_7, %get3A_393 : f32
    %add3A_395 = arith.addf %add3A_390, %mul3A_394 : f32
    %get3A_396 = arith.constant 1 : index
    %get3A_397 = arith.constant 14 : index
    %get3A_398 = memref.load %arg3[%get3A_396, %get3A_397] : memref<5x16xf32, #tpu.memory_space<smem>>
    %mul3A_399 = arith.mulf %get3A_10, %get3A_398 : f32
    %add3A_400 = arith.addf %add3A_395, %mul3A_399 : f32
    %mul3A_401 = vector.broadcast %add3A_400 : f32 to vector<8x128xf32>
    %mul3A_402 = arith.mulf %mul3A_401, %get3A_25 : vector<8x128xf32>
    %mul3A_403 = arith.mulf %mul3A_402, %get3A_35 : vector<8x128xf32>
    %add3A_404 = arith.addf %add3A_379, %mul3A_403 : vector<8x128xf32>
    %get3A_405 = arith.constant 2 : index
    %get3A_406 = arith.constant 2 : index
    %get3A_407 = memref.load %arg3[%get3A_405, %get3A_406] : memref<5x16xf32, #tpu.memory_space<smem>>
    %mul3A_408 = arith.mulf %get3A_1, %get3A_407 : f32
    %add3A_409 = arith.constant 0.000000e+00 : f32
    %add3A_410 = arith.addf %add3A_409, %mul3A_408 : f32
    %get3A_411 = arith.constant 2 : index
    %get3A_412 = arith.constant 6 : index
    %get3A_413 = memref.load %arg3[%get3A_411, %get3A_412] : memref<5x16xf32, #tpu.memory_space<smem>>
    %mul3A_414 = arith.mulf %get3A_4, %get3A_413 : f32
    %add3A_415 = arith.addf %add3A_410, %mul3A_414 : f32
    %get3A_416 = arith.constant 2 : index
    %get3A_417 = arith.constant 10 : index
    %get3A_418 = memref.load %arg3[%get3A_416, %get3A_417] : memref<5x16xf32, #tpu.memory_space<smem>>
    %mul3A_419 = arith.mulf %get3A_7, %get3A_418 : f32
    %add3A_420 = arith.addf %add3A_415, %mul3A_419 : f32
    %get3A_421 = arith.constant 2 : index
    %get3A_422 = arith.constant 14 : index
    %get3A_423 = memref.load %arg3[%get3A_421, %get3A_422] : memref<5x16xf32, #tpu.memory_space<smem>>
    %mul3A_424 = arith.mulf %get3A_10, %get3A_423 : f32
    %add3A_425 = arith.addf %add3A_420, %mul3A_424 : f32
    %mul3A_426 = vector.broadcast %add3A_425 : f32 to vector<8x128xf32>
    %mul3A_427 = arith.mulf %mul3A_426, %get3A_30 : vector<8x128xf32>
    %mul3A_428 = arith.mulf %mul3A_427, %get3A_35 : vector<8x128xf32>
    %add3A_429 = arith.addf %add3A_404, %mul3A_428 : vector<8x128xf32>
    %get3A_430 = arith.constant 3 : index
    %get3A_431 = arith.constant 2 : index
    %get3A_432 = memref.load %arg3[%get3A_430, %get3A_431] : memref<5x16xf32, #tpu.memory_space<smem>>
    %mul3A_433 = arith.mulf %get3A_1, %get3A_432 : f32
    %add3A_434 = arith.constant 0.000000e+00 : f32
    %add3A_435 = arith.addf %add3A_434, %mul3A_433 : f32
    %get3A_436 = arith.constant 3 : index
    %get3A_437 = arith.constant 6 : index
    %get3A_438 = memref.load %arg3[%get3A_436, %get3A_437] : memref<5x16xf32, #tpu.memory_space<smem>>
    %mul3A_439 = arith.mulf %get3A_4, %get3A_438 : f32
    %add3A_440 = arith.addf %add3A_435, %mul3A_439 : f32
    %get3A_441 = arith.constant 3 : index
    %get3A_442 = arith.constant 10 : index
    %get3A_443 = memref.load %arg3[%get3A_441, %get3A_442] : memref<5x16xf32, #tpu.memory_space<smem>>
    %mul3A_444 = arith.mulf %get3A_7, %get3A_443 : f32
    %add3A_445 = arith.addf %add3A_440, %mul3A_444 : f32
    %get3A_446 = arith.constant 3 : index
    %get3A_447 = arith.constant 14 : index
    %get3A_448 = memref.load %arg3[%get3A_446, %get3A_447] : memref<5x16xf32, #tpu.memory_space<smem>>
    %mul3A_449 = arith.mulf %get3A_10, %get3A_448 : f32
    %add3A_450 = arith.addf %add3A_445, %mul3A_449 : f32
    %mul3A_451 = vector.broadcast %add3A_450 : f32 to vector<8x128xf32>
    %mul3A_452 = arith.mulf %mul3A_451, %get3A_35 : vector<8x128xf32>
    %mul3A_453 = arith.mulf %mul3A_452, %get3A_35 : vector<8x128xf32>
    %add3A_454 = arith.addf %add3A_429, %mul3A_453 : vector<8x128xf32>
    %get3A_455 = arith.constant 4 : index
    %get3A_456 = arith.constant 2 : index
    %get3A_457 = memref.load %arg3[%get3A_455, %get3A_456] : memref<5x16xf32, #tpu.memory_space<smem>>
    %mul3A_458 = arith.mulf %get3A_1, %get3A_457 : f32
    %add3A_459 = arith.constant 0.000000e+00 : f32
    %add3A_460 = arith.addf %add3A_459, %mul3A_458 : f32
    %get3A_461 = arith.constant 4 : index
    %get3A_462 = arith.constant 6 : index
    %get3A_463 = memref.load %arg3[%get3A_461, %get3A_462] : memref<5x16xf32, #tpu.memory_space<smem>>
    %mul3A_464 = arith.mulf %get3A_4, %get3A_463 : f32
    %add3A_465 = arith.addf %add3A_460, %mul3A_464 : f32
    %get3A_466 = arith.constant 4 : index
    %get3A_467 = arith.constant 10 : index
    %get3A_468 = memref.load %arg3[%get3A_466, %get3A_467] : memref<5x16xf32, #tpu.memory_space<smem>>
    %mul3A_469 = arith.mulf %get3A_7, %get3A_468 : f32
    %add3A_470 = arith.addf %add3A_465, %mul3A_469 : f32
    %get3A_471 = arith.constant 4 : index
    %get3A_472 = arith.constant 14 : index
    %get3A_473 = memref.load %arg3[%get3A_471, %get3A_472] : memref<5x16xf32, #tpu.memory_space<smem>>
    %mul3A_474 = arith.mulf %get3A_10, %get3A_473 : f32
    %add3A_475 = arith.addf %add3A_470, %mul3A_474 : f32
    %mul3A_476 = vector.broadcast %add3A_475 : f32 to vector<8x128xf32>
    %mul3A_477 = arith.mulf %mul3A_476, %get3A_40 : vector<8x128xf32>
    %mul3A_478 = arith.mulf %mul3A_477, %get3A_35 : vector<8x128xf32>
    %add3A_479 = arith.addf %add3A_454, %mul3A_478 : vector<8x128xf32>
    %add3A_480 = arith.addf %add3A_334, %add3A_479 : vector<8x128xf32>
    %get3A_481 = arith.constant 3 : index
    %get3A_482 = memref.load %arg4[%get3A_481] : memref<16xf32, #tpu.memory_space<smem>>
    %mul3A_483 = arith.mulf %get3A_1, %get3A_482 : f32
    %add3A_484 = arith.constant 0.000000e+00 : f32
    %add3A_485 = arith.addf %add3A_484, %mul3A_483 : f32
    %get3A_486 = arith.constant 7 : index
    %get3A_487 = memref.load %arg4[%get3A_486] : memref<16xf32, #tpu.memory_space<smem>>
    %mul3A_488 = arith.mulf %get3A_4, %get3A_487 : f32
    %add3A_489 = arith.addf %add3A_485, %mul3A_488 : f32
    %get3A_490 = arith.constant 11 : index
    %get3A_491 = memref.load %arg4[%get3A_490] : memref<16xf32, #tpu.memory_space<smem>>
    %mul3A_492 = arith.mulf %get3A_7, %get3A_491 : f32
    %add3A_493 = arith.addf %add3A_489, %mul3A_492 : f32
    %get3A_494 = arith.constant 15 : index
    %get3A_495 = memref.load %arg4[%get3A_494] : memref<16xf32, #tpu.memory_space<smem>>
    %mul3A_496 = arith.mulf %get3A_10, %get3A_495 : f32
    %add3A_497 = arith.addf %add3A_493, %mul3A_496 : f32
    %add3A_498 = arith.addf %get3A_10, %add3A_497 : f32
    %mul3A_499 = vector.broadcast %add3A_498 : f32 to vector<8x128xf32>
    %mul3A_500 = arith.mulf %mul3A_499, %get3A_40 : vector<8x128xf32>
    %get3A_501 = arith.constant 0 : index
    %get3A_502 = arith.constant 3 : index
    %get3A_503 = memref.load %arg3[%get3A_501, %get3A_502] : memref<5x16xf32, #tpu.memory_space<smem>>
    %mul3A_504 = arith.mulf %get3A_1, %get3A_503 : f32
    %add3A_505 = arith.constant 0.000000e+00 : f32
    %add3A_506 = arith.addf %add3A_505, %mul3A_504 : f32
    %get3A_507 = arith.constant 0 : index
    %get3A_508 = arith.constant 7 : index
    %get3A_509 = memref.load %arg3[%get3A_507, %get3A_508] : memref<5x16xf32, #tpu.memory_space<smem>>
    %mul3A_510 = arith.mulf %get3A_4, %get3A_509 : f32
    %add3A_511 = arith.addf %add3A_506, %mul3A_510 : f32
    %get3A_512 = arith.constant 0 : index
    %get3A_513 = arith.constant 11 : index
    %get3A_514 = memref.load %arg3[%get3A_512, %get3A_513] : memref<5x16xf32, #tpu.memory_space<smem>>
    %mul3A_515 = arith.mulf %get3A_7, %get3A_514 : f32
    %add3A_516 = arith.addf %add3A_511, %mul3A_515 : f32
    %get3A_517 = arith.constant 0 : index
    %get3A_518 = arith.constant 15 : index
    %get3A_519 = memref.load %arg3[%get3A_517, %get3A_518] : memref<5x16xf32, #tpu.memory_space<smem>>
    %mul3A_520 = arith.mulf %get3A_10, %get3A_519 : f32
    %add3A_521 = arith.addf %add3A_516, %mul3A_520 : f32
    %mul3A_522 = vector.broadcast %add3A_521 : f32 to vector<8x128xf32>
    %mul3A_523 = arith.mulf %mul3A_522, %get3A_20 : vector<8x128xf32>
    %mul3A_524 = arith.mulf %mul3A_523, %get3A_40 : vector<8x128xf32>
    %add3A_525 = arith.addf %mul3A_500, %mul3A_524 : vector<8x128xf32>
    %get3A_526 = arith.constant 1 : index
    %get3A_527 = arith.constant 3 : index
    %get3A_528 = memref.load %arg3[%get3A_526, %get3A_527] : memref<5x16xf32, #tpu.memory_space<smem>>
    %mul3A_529 = arith.mulf %get3A_1, %get3A_528 : f32
    %add3A_530 = arith.constant 0.000000e+00 : f32
    %add3A_531 = arith.addf %add3A_530, %mul3A_529 : f32
    %get3A_532 = arith.constant 1 : index
    %get3A_533 = arith.constant 7 : index
    %get3A_534 = memref.load %arg3[%get3A_532, %get3A_533] : memref<5x16xf32, #tpu.memory_space<smem>>
    %mul3A_535 = arith.mulf %get3A_4, %get3A_534 : f32
    %add3A_536 = arith.addf %add3A_531, %mul3A_535 : f32
    %get3A_537 = arith.constant 1 : index
    %get3A_538 = arith.constant 11 : index
    %get3A_539 = memref.load %arg3[%get3A_537, %get3A_538] : memref<5x16xf32, #tpu.memory_space<smem>>
    %mul3A_540 = arith.mulf %get3A_7, %get3A_539 : f32
    %add3A_541 = arith.addf %add3A_536, %mul3A_540 : f32
    %get3A_542 = arith.constant 1 : index
    %get3A_543 = arith.constant 15 : index
    %get3A_544 = memref.load %arg3[%get3A_542, %get3A_543] : memref<5x16xf32, #tpu.memory_space<smem>>
    %mul3A_545 = arith.mulf %get3A_10, %get3A_544 : f32
    %add3A_546 = arith.addf %add3A_541, %mul3A_545 : f32
    %mul3A_547 = vector.broadcast %add3A_546 : f32 to vector<8x128xf32>
    %mul3A_548 = arith.mulf %mul3A_547, %get3A_25 : vector<8x128xf32>
    %mul3A_549 = arith.mulf %mul3A_548, %get3A_40 : vector<8x128xf32>
    %add3A_550 = arith.addf %add3A_525, %mul3A_549 : vector<8x128xf32>
    %get3A_551 = arith.constant 2 : index
    %get3A_552 = arith.constant 3 : index
    %get3A_553 = memref.load %arg3[%get3A_551, %get3A_552] : memref<5x16xf32, #tpu.memory_space<smem>>
    %mul3A_554 = arith.mulf %get3A_1, %get3A_553 : f32
    %add3A_555 = arith.constant 0.000000e+00 : f32
    %add3A_556 = arith.addf %add3A_555, %mul3A_554 : f32
    %get3A_557 = arith.constant 2 : index
    %get3A_558 = arith.constant 7 : index
    %get3A_559 = memref.load %arg3[%get3A_557, %get3A_558] : memref<5x16xf32, #tpu.memory_space<smem>>
    %mul3A_560 = arith.mulf %get3A_4, %get3A_559 : f32
    %add3A_561 = arith.addf %add3A_556, %mul3A_560 : f32
    %get3A_562 = arith.constant 2 : index
    %get3A_563 = arith.constant 11 : index
    %get3A_564 = memref.load %arg3[%get3A_562, %get3A_563] : memref<5x16xf32, #tpu.memory_space<smem>>
    %mul3A_565 = arith.mulf %get3A_7, %get3A_564 : f32
    %add3A_566 = arith.addf %add3A_561, %mul3A_565 : f32
    %get3A_567 = arith.constant 2 : index
    %get3A_568 = arith.constant 15 : index
    %get3A_569 = memref.load %arg3[%get3A_567, %get3A_568] : memref<5x16xf32, #tpu.memory_space<smem>>
    %mul3A_570 = arith.mulf %get3A_10, %get3A_569 : f32
    %add3A_571 = arith.addf %add3A_566, %mul3A_570 : f32
    %mul3A_572 = vector.broadcast %add3A_571 : f32 to vector<8x128xf32>
    %mul3A_573 = arith.mulf %mul3A_572, %get3A_30 : vector<8x128xf32>
    %mul3A_574 = arith.mulf %mul3A_573, %get3A_40 : vector<8x128xf32>
    %add3A_575 = arith.addf %add3A_550, %mul3A_574 : vector<8x128xf32>
    %get3A_576 = arith.constant 3 : index
    %get3A_577 = arith.constant 3 : index
    %get3A_578 = memref.load %arg3[%get3A_576, %get3A_577] : memref<5x16xf32, #tpu.memory_space<smem>>
    %mul3A_579 = arith.mulf %get3A_1, %get3A_578 : f32
    %add3A_580 = arith.constant 0.000000e+00 : f32
    %add3A_581 = arith.addf %add3A_580, %mul3A_579 : f32
    %get3A_582 = arith.constant 3 : index
    %get3A_583 = arith.constant 7 : index
    %get3A_584 = memref.load %arg3[%get3A_582, %get3A_583] : memref<5x16xf32, #tpu.memory_space<smem>>
    %mul3A_585 = arith.mulf %get3A_4, %get3A_584 : f32
    %add3A_586 = arith.addf %add3A_581, %mul3A_585 : f32
    %get3A_587 = arith.constant 3 : index
    %get3A_588 = arith.constant 11 : index
    %get3A_589 = memref.load %arg3[%get3A_587, %get3A_588] : memref<5x16xf32, #tpu.memory_space<smem>>
    %mul3A_590 = arith.mulf %get3A_7, %get3A_589 : f32
    %add3A_591 = arith.addf %add3A_586, %mul3A_590 : f32
    %get3A_592 = arith.constant 3 : index
    %get3A_593 = arith.constant 15 : index
    %get3A_594 = memref.load %arg3[%get3A_592, %get3A_593] : memref<5x16xf32, #tpu.memory_space<smem>>
    %mul3A_595 = arith.mulf %get3A_10, %get3A_594 : f32
    %add3A_596 = arith.addf %add3A_591, %mul3A_595 : f32
    %mul3A_597 = vector.broadcast %add3A_596 : f32 to vector<8x128xf32>
    %mul3A_598 = arith.mulf %mul3A_597, %get3A_35 : vector<8x128xf32>
    %mul3A_599 = arith.mulf %mul3A_598, %get3A_40 : vector<8x128xf32>
    %add3A_600 = arith.addf %add3A_575, %mul3A_599 : vector<8x128xf32>
    %get3A_601 = arith.constant 4 : index
    %get3A_602 = arith.constant 3 : index
    %get3A_603 = memref.load %arg3[%get3A_601, %get3A_602] : memref<5x16xf32, #tpu.memory_space<smem>>
    %mul3A_604 = arith.mulf %get3A_1, %get3A_603 : f32
    %add3A_605 = arith.constant 0.000000e+00 : f32
    %add3A_606 = arith.addf %add3A_605, %mul3A_604 : f32
    %get3A_607 = arith.constant 4 : index
    %get3A_608 = arith.constant 7 : index
    %get3A_609 = memref.load %arg3[%get3A_607, %get3A_608] : memref<5x16xf32, #tpu.memory_space<smem>>
    %mul3A_610 = arith.mulf %get3A_4, %get3A_609 : f32
    %add3A_611 = arith.addf %add3A_606, %mul3A_610 : f32
    %get3A_612 = arith.constant 4 : index
    %get3A_613 = arith.constant 11 : index
    %get3A_614 = memref.load %arg3[%get3A_612, %get3A_613] : memref<5x16xf32, #tpu.memory_space<smem>>
    %mul3A_615 = arith.mulf %get3A_7, %get3A_614 : f32
    %add3A_616 = arith.addf %add3A_611, %mul3A_615 : f32
    %get3A_617 = arith.constant 4 : index
    %get3A_618 = arith.constant 15 : index
    %get3A_619 = memref.load %arg3[%get3A_617, %get3A_618] : memref<5x16xf32, #tpu.memory_space<smem>>
    %mul3A_620 = arith.mulf %get3A_10, %get3A_619 : f32
    %add3A_621 = arith.addf %add3A_616, %mul3A_620 : f32
    %mul3A_622 = vector.broadcast %add3A_621 : f32 to vector<8x128xf32>
    %mul3A_623 = arith.mulf %mul3A_622, %get3A_40 : vector<8x128xf32>
    %mul3A_624 = arith.mulf %mul3A_623, %get3A_40 : vector<8x128xf32>
    %add3A_625 = arith.addf %add3A_600, %mul3A_624 : vector<8x128xf32>
    %add3A_626 = arith.addf %add3A_480, %add3A_625 : vector<8x128xf32>
    %get3A_627 = arith.constant 0 : index
    %get3A_628 = arith.constant 0 : index
    %get3A_629 = arith.constant 0 : index
    %get3A_630 = vector.load %arg2[%get3A_627, %get3A_628, %get3A_629] : memref<2x8x128xf32, #tpu.memory_space<vmem>>, vector<1x8x128xf32>
    %get3A_631 = vector.shape_cast %get3A_630 : vector<1x8x128xf32> to vector<8x128xf32>
    %get3A_632 = arith.constant 1 : index
    %get3A_633 = arith.constant 0 : index
    %get3A_634 = arith.constant 0 : index
    %get3A_635 = vector.load %arg2[%get3A_632, %get3A_633, %get3A_634] : memref<2x8x128xf32, #tpu.memory_space<vmem>>, vector<1x8x128xf32>
    %get3A_636 = vector.shape_cast %get3A_635 : vector<1x8x128xf32> to vector<8x128xf32>
    %add3A_637 = arith.addf %get3A_631, %get3A_636 : vector<8x128xf32>
    %add3A_638 = arith.constant 1.000000e+00 : f32
    %add3A_639 = vector.broadcast %add3A_638 : f32 to vector<8x128xf32>
    %add3A_640 = arith.addf %add3A_637, %add3A_639 : vector<8x128xf32>
    %rsqrt3A = math.rsqrt %add3A_640 : vector<8x128xf32>
    %mul3A_641 = arith.mulf %add3A_626, %rsqrt3A : vector<8x128xf32>
    %swap3A = arith.constant 0 : index
    %swap3A_642 = arith.constant 0 : index
    %swap3A_643 = vector.load %arg7[%swap3A, %swap3A_642] : memref<8x128xf32, #tpu.memory_space<vmem>>, vector<8x128xf32>
    tpu.vector_store %arg7[%swap3A, %swap3A_642], %mul3A_641 {strides = array<i32>} : memref<8x128xf32, #tpu.memory_space<vmem>>, vector<8x128xf32>,
    %swap3A_644 = arith.constant 0 : index
    %swap3A_645 = arith.constant 0 : index
    %swap3A_646 = vector.load %arg8[%swap3A_644, %swap3A_645] : memref<8x128xf32, #tpu.memory_space<vmem>>, vector<8x128xf32>
    tpu.vector_store %arg8[%swap3A_644, %swap3A_645], %rsqrt3A {strides = array<i32>} : memref<8x128xf32, #tpu.memory_space<vmem>>, vector<8x128xf32>,
    %mul3A_647 = arith.constant 5.000000e-01 : f32
    %mul3A_648 = vector.broadcast %mul3A_647 : f32 to vector<8x128xf32>
    %mul3A_649 = arith.mulf %mul3A_648, %mul3A_641 : vector<8x128xf32>
    %mul3A_650 = arith.mulf %mul3A_649, %rsqrt3A : vector<8x128xf32>
    %swap3A_651 = arith.constant 0 : index
    %swap3A_652 = arith.constant 0 : index
    %swap3A_653 = vector.load %arg9[%swap3A_651, %swap3A_652] : memref<8x128xf32, #tpu.memory_space<vmem>>, vector<8x128xf32>
    tpu.vector_store %arg9[%swap3A_651, %swap3A_652], %mul3A_650 {strides = array<i32>} : memref<8x128xf32, #tpu.memory_space<vmem>>, vector<8x128xf32>,
    return
  }
  func.func @transform_0(%arg0: i32) -> (i32, i32, i32) {
    %c0_i32 = arith.constant 0 : i32
    %c0_i32_0 = arith.constant 0 : i32
    %c0_i32_1 = arith.constant 0 : i32
    return %c0_i32, %arg0, %c0_i32_0 : i32, i32, i32
  }
  func.func @transform_1(%arg0: i32) -> (i32, i32, i32) {
    %c0_i32 = arith.constant 0 : i32
    %c0_i32_0 = arith.constant 0 : i32
    %c0_i32_1 = arith.constant 0 : i32
    return %c0_i32, %arg0, %c0_i32_0 : i32, i32, i32
  }
  func.func @transform_2(%arg0: i32) -> (i32, i32) {
    %c0_i32 = arith.constant 0 : i32
    %c0_i32_0 = arith.constant 0 : i32
    %c0_i32_1 = arith.constant 0 : i32
    return %c0_i32, %c0_i32_0 : i32, i32
  }
  func.func @transform_3(%arg0: i32) -> i32 {
    %c0_i32 = arith.constant 0 : i32
    %c0_i32_0 = arith.constant 0 : i32
    return %c0_i32 : i32
  }
  func.func @transform_4(%arg0: i32) -> (i32, i32) {
    %c0_i32 = arith.constant 0 : i32
    %c0_i32_0 = arith.constant 0 : i32
    %c0_i32_1 = arith.constant 0 : i32
    return %c0_i32, %c0_i32_0 : i32, i32
  }
  func.func @transform_5(%arg0: i32) -> i32 {
    %c0_i32 = arith.constant 0 : i32
    %c0_i32_0 = arith.constant 0 : i32
    return %c0_i32 : i32
  }
  func.func @transform_6(%arg0: i32) -> (i32, i32) {
    %c0_i32 = arith.constant 0 : i32
    %c0_i32_0 = arith.constant 0 : i32
    return %arg0, %c0_i32 : i32, i32
  }
  func.func @transform_7(%arg0: i32) -> (i32, i32) {
    %c0_i32 = arith.constant 0 : i32
    %c0_i32_0 = arith.constant 0 : i32
    return %arg0, %c0_i32 : i32, i32
  }
  func.func @transform_8(%arg0: i32) -> (i32, i32) {
    %c0_i32 = arith.constant 0 : i32
    %c0_i32_0 = arith.constant 0 : i32
    return %arg0, %c0_i32 : i32, i32
  }
}

module attributes {stable_mosaic.version = 14 : i64} {
  func.func @_combine_body(%arg0: memref<32x1024xf32, #tpu.memory_space<vmem>>, %arg1: memref<32x1024xf32, #tpu.memory_space<vmem>>, %arg2: memref<1x1024xf32, #tpu.memory_space<vmem>>) attributes {dimension_semantics = [], scalar_prefetch = 0 : i64, scratch_operands = 0 : i64, tpu.core_type = #tpu.core_type<tc>} {
    %get3A = arith.constant 0 : index
    %get3A_0 = arith.constant 0 : index
    %get3A_1 = vector.load %arg0[%get3A, %get3A_0] : memref<32x1024xf32, #tpu.memory_space<vmem>>, vector<32x1024xf32>
    %reduce_sum3A = arith.constant dense<0.000000e+00> : vector<1024xf32>
    %reduce_sum3A_2 = vector.multi_reduction <add>, %get3A_1, %reduce_sum3A [0] : vector<32x1024xf32> to vector<1024xf32>
    %broadcast_in_dim3A = vector.shape_cast %reduce_sum3A_2 : vector<1024xf32> to vector<1x1024xf32>
    %get3A_3 = arith.constant 0 : index
    %get3A_4 = arith.constant 0 : index
    %get3A_5 = vector.load %arg1[%get3A_3, %get3A_4] : memref<32x1024xf32, #tpu.memory_space<vmem>>, vector<32x1024xf32>
    %reduce_sum3A_6 = arith.constant dense<0.000000e+00> : vector<1024xf32>
    %reduce_sum3A_7 = vector.multi_reduction <add>, %get3A_5, %reduce_sum3A_6 [0] : vector<32x1024xf32> to vector<1024xf32>
    %broadcast_in_dim3A_8 = vector.shape_cast %reduce_sum3A_7 : vector<1024xf32> to vector<1x1024xf32>
    %div3A = arith.divf %broadcast_in_dim3A, %broadcast_in_dim3A_8 : vector<1x1024xf32>
    %swap3A = arith.constant 0 : index
    %swap3A_9 = arith.constant 0 : index
    %swap3A_10 = vector.load %arg2[%swap3A, %swap3A_9] : memref<1x1024xf32, #tpu.memory_space<vmem>>, vector<1x1024xf32>
    tpu.vector_store %arg2[%swap3A, %swap3A_9], %div3A {strides = array<i32>} : memref<1x1024xf32, #tpu.memory_space<vmem>>, vector<1x1024xf32>,
    return
  }
}

</mosaic_0001>

<sc_bundles>
// kernel: kernel.6.cloned.1.call-start
scs
__scs_entry_jumppad:
0x0: {  	(pc) =	sbr.rel $0x88, $3  }
0x1: {  	(tag) =	ssettag $0x0;
	lr =	simm.s32 $0x1  }
0x2: {  	[smem:$0x3F9A] =	sst lr;
	_ =	strace $0xD0000000  }
0x3: {  	_ = 	snop  }
0x4: {  	_ = 	snop  }
0x5: {  	_ = 	snop  }
0x6: {  	_ = 	snop  }
0x7: {  	_ = 	snop  }
__scs_overlays_trampoline_lowered:
0x8: {  	[smem:$0x3FA9] =	sst s0  }
0x9: {  	[smem:$0x3FAA] =	sst s1  }
0xa: {  	[smem:$0x3FAB] =	sst s2  }
0xb: {  	[smem:$0x3FAC] =	sst s3  }
0xc: {  	[smem:$0x3FAD] =	sst s4  }
0xd: {  	[smem:$0x3FAE] =	sst s5  }
0xe: {  	[smem:$0x3FAF] =	sst s6  }
0xf: {  	[smem:$0x3FB0] =	sst s7  }
0x10: {  	[smem:$0x3FB1] =	sst s8  }
0x11: {  	[smem:$0x3FB2] =	sst s9;
	s0 =	simm.s32 @!p0 $0x0  }
0x12: {  	s1 =	sld [smem:$0x3F98];
	s0 =	simm.s32 @p0 $0x1  }
0x13: {  	[smem:$0x3FB3] =	sst s0;
	s0 =	simm.s32 @!p1 $0x0  }
0x14: {  	s2 =	sld [smem:$0x3F97];
	s0 =	simm.s32 @p1 $0x1  }
0x15: {  	[smem:$0x3FB4] =	sst s0;
	s0 =	simm.s32 @!p2 $0x0  }
0x16: {  	s3 =	sld [smem:$0x3FDB];
	s0 =	simm.s32 @p2 $0x1  }
0x17: {  	s4 =	simm.s32 $0x1BF5;
	[smem:$0x3FB6] =	sst s0  }
0x18: {  	s0 =	sld [smem:$0x3F99];
	_ =	swait.ge [sflag:s4], $0x0  }
0x19: {  	s7 =	sld [smem:$0x3F9A]  }
0x1a: {  	s8 =	sadd.s32 $0xFFFFE003, lr  }
0x1b: {  	s9 =	sadd.s32 $0xFFFFFEF7, lr;
	s5 =	simm.s32 $0xFFFFFFFF;
	p2 =	slt.u32 s8, $0xFFFFF086  }
0x1c: {  	p1 =	slt.u32 s9, $0xF7A;
	s5 =	simm.s32 @!p2 $0x0  }
0x1d: {  	s5 =	simm.s32 @p1 $0x1;
	p0 =	seq.s32 s7, s2  }
0x1e: {  	s7 =	smul.u32 @!p0 $0xF7A, s2;
	p2 =	seq.s32 @!p0 s5, $0x0  }
0x1f: {  	s9 =	smul.u32 $0xF7A, s1;
	s8 =	simm.s32 @!p0 $0x1BF5;
	p2 =	por !p2, p0  }
0x20: {  	[sflag:s8] =	ssyncset.s32 @!p0 $0xFFFFF086;
	s6 =	sadd.s32 @!p0 s3, s7;
	s7 =	simm.s32 @!p0 $0x108  }
0x21: {  	s3 =	sadd.s32 s3, s9;
	s6 =	sadd.s32 @!p0 $0x88, s6;
	s7 =	simm.s32 @p2 $0x1082  }
0x22: {  	[simem:s7], [sflag:s8] =	dma.local @!p0 [hbm:s6], $0xF7A  }
0x23: {  	s9 =	sor.u32 $0xD0000000, s2;
	s6 =	simm.s32 $0x108;
	_ =	swait.ge @!p0 [sflag:s8], $0x0  }
0x24: {  	s3 =	sadd.s32 $0x88, s3;
	s6 =	simm.s32 @!p1 $0x1082;
	[sflag:s4] =	ssyncset.s32 $0xFFFFF086  }
0x25: {  	[simem:s6], [sflag:s4] =	dma.local [hbm:s3], $0xF7A  }
0x26: {  	[smem:$0x3F9A] =	sst s1;
	(tag) =	ssettag s2;
	_ =	strace s9  }
0x27: {  	s1 =	sld [smem:$0x3FAA]  }
0x28: {  	s2 =	sld [smem:$0x3FAB]  }
0x29: {  	s4 =	sld [smem:$0x3FAD]  }
0x2a: {  	p0 =	seq.s32 s5, $0x0;
	s5 =	sld [smem:$0x3FAE]  }
0x2b: {  	s6 =	sld [smem:$0x3FAF]  }
0x2c: {  	s7 =	sld [smem:$0x3FB0]  }
0x2d: {  	s3 =	simm.s32 $0x108;
	s8 =	sld [smem:$0x3FB1]  }
0x2e: {  	s3 =	simm.s32 @!p0 $0x1082;
	s9 =	sld [smem:$0x3FB2]  }
0x2f: {  	lr =	sadd.s32 s0, s3;
	s0 =	sld [smem:$0x3FA9]  }
0x30: {  	s3 =	sld [smem:$0x3FAC]  }
0x31: {  	[smem:$0x3FB5] =	sst s10  }
0x32: {  	s10 =	sld [smem:$0x3FB3];
	_ =	sdelay $0x3  }
0x33: {  	p0 =	seq.s32 s10, $0x1;
	s10 =	sld [smem:$0x3FB5];
	_ =	sdelay $0x3  }
0x34: {  	[smem:$0x3FB5] =	sst s10  }
0x35: {  	s10 =	sld [smem:$0x3FB4];
	_ =	sdelay $0x3  }
0x36: {  	p1 =	seq.s32 s10, $0x1;
	s10 =	sld [smem:$0x3FB5];
	_ =	sdelay $0x3  }
0x37: {  	[smem:$0x3FB5] =	sst s10  }
0x38: {  	s10 =	sld [smem:$0x3FB6]  }
0x39: {  	_ = 	snop;
	(pc) =	sbr.ind lr, $3  }
0x3a: {  	_ = 	snop  }
0x3b: {  	_ = 	snop  }
0x3c: {  	p2 =	seq.s32 s10, $0x1;
	s10 =	sld [smem:$0x3FB5]  }
0x3d: {  	_ =	shalt  }
0x3e: {  	_ =	shalt  }
0x3f: {  	_ =	shalt  }
0x40: {  	_ =	shalt  }
0x41: {  	_ =	shalt  }
0x42: {  	_ =	shalt  }
0x43: {  	_ =	shalt  }
0x44: {  	_ =	shalt  }
0x45: {  	_ =	shalt  }
0x46: {  	_ =	shalt  }
0x47: {  	_ =	shalt  }
0x48: {  	_ =	shalt  }
0x49: {  	_ =	shalt  }
0x4a: {  	_ =	shalt  }
0x4b: {  	_ =	shalt  }
0x4c: {  	_ =	shalt  }
0x4d: {  	_ =	shalt  }
0x4e: {  	_ =	shalt  }
0x4f: {  	_ =	shalt  }
0x50: {  	_ =	shalt  }
0x51: {  	_ =	shalt  }
0x52: {  	_ =	shalt  }
0x53: {  	_ =	shalt  }
0x54: {  	_ =	shalt  }
0x55: {  	_ =	shalt  }
0x56: {  	_ =	shalt  }
0x57: {  	_ =	shalt  }
0x58: {  	_ =	shalt  }
0x59: {  	_ =	shalt  }
0x5a: {  	_ =	shalt  }
0x5b: {  	_ =	shalt  }
0x5c: {  	_ =	shalt  }
0x5d: {  	_ =	shalt  }
0x5e: {  	_ =	shalt  }
0x5f: {  	_ =	shalt  }
0x60: {  	_ =	shalt  }
0x61: {  	_ =	shalt  }
0x62: {  	_ =	shalt  }
0x63: {  	_ =	shalt  }
0x64: {  	_ =	shalt  }
0x65: {  	_ =	shalt  }
0x66: {  	_ =	shalt  }
0x67: {  	_ =	shalt  }
0x68: {  	_ =	shalt  }
0x69: {  	_ =	shalt  }
0x6a: {  	_ =	shalt  }
0x6b: {  	_ =	shalt  }
0x6c: {  	_ =	shalt  }
0x6d: {  	_ =	shalt  }
0x6e: {  	_ =	shalt  }
0x6f: {  	_ =	shalt  }
0x70: {  	_ =	shalt  }
0x71: {  	_ =	shalt  }
0x72: {  	_ =	shalt  }
0x73: {  	_ =	shalt  }
0x74: {  	_ =	shalt  }
0x75: {  	_ =	shalt  }
0x76: {  	_ =	shalt  }
0x77: {  	_ =	shalt  }
0x78: {  	_ =	shalt  }
0x79: {  	_ =	shalt  }
0x7a: {  	_ =	shalt  }
0x7b: {  	_ =	shalt  }
0x7c: {  	_ =	shalt  }
0x7d: {  	_ =	shalt  }
0x7e: {  	_ =	shalt  }
0x7f: {  	_ =	shalt  }
0x80: {  	_ =	shalt  }
0x81: {  	_ =	shalt  }
0x82: {  	_ =	shalt  }
0x83: {  	_ =	shalt  }
0x84: {  	_ =	shalt  }
0x85: {  	_ =	shalt  }
0x86: {  	_ =	shalt  }
0x87: {  	_ =	shalt  }
.Lfunc_end0:
.L_simem_size_0:
called_computation_lowered:
.L_overlay_start_0:
0x88: {  	s2 =	sld [smem:$0x3FD9]  }
0x89: {  	s3 =	sld [smem:$0x3FFE];
	_ =	sdelay $0x1  }
0x8a: {  	s1 =	srdreg.scid  }
0x8b: {  	s0 =	sand.u32 $0x1, s1  }
0x8c: {  	s16 =	sshll.u32 s0, $0xA;
	s2 =	sadd.s32 s3, s2  }
0x8d: {  	s2 =	sadd.s32 s2, s16  }
0x8e: {  	[smem:$0x3FC1] =	sst s2  }
0x8f: {  	_ = 	snop  }
0x90: {  	(tm) =	ssettm $0x1  }
0x91: {  	s17 =	sld [smem:$0x3FFB];
	_ =	sdelay $0x3  }
0x92: {  	_ =	strace s17  }
0x93: {  	s2 =	sld [smem:$0x3FFC];
	_ =	sdelay $0x3  }
0x94: {  	_ =	strace s2  }
0x95: {  	s2 =	sld [smem:$0x3FFD];
	_ =	sdelay $0x3  }
0x96: {  	_ =	strace s2  }
0x97: {  	_ =	strace $0x8FFFFFFF  }
0x98: {  	s18 =	sld [smem:$0x3FDB];
	_ =	sdelay $0x1  }
0x99: {  	s19 =	simm.s32 $_scs_section_size  }
0x9a: {  	s4 =	simm.s32 $_size__tile_overlayer_lowered;
	s5 =	simm.s32 $_tile_overlayer_lowered  }
0x9b: {  	s22 =	simm.s32 $0x1BFF;
	s21 =	sshll.u32 s5, $0x1;
	s2 =	sadd.s32 s19, s18  }
0x9c: {  	s6 =	simm.s32 $0x0;
	s20 =	sshll.u32 s4, $0x1;
	s4 =	sadd.s32 s21, s2  }
0x9d: {  	[timem:s6], [sflag:s22] =	dma.local [hbm:s4], s20  }
0x9e: {  	_ =	swait.ge [sflag:s22], s20  }
0x9f: {  	s3 =	ssub.s32 $0x0, s20;
	[sflag:s22] =	ssyncset.done $0x0  }
0xa0: {  	[sflag:s22] =	ssyncadd.s32 s3;
	_ =	sdelay $0x1  }
0xa1: {  	s23 =	simm.s32 $0x1B8B  }
0xa2: {  	_ =	swait.ge [sflag:s23], $0x1  }
0xa3: {  	[sflag:s23] =	ssyncset.done $0x0  }
0xa4: {  	s25 =	simm.s32 $0x1B8E;
	s24 =	sld [smem:$0x3FFE];
	[sflag:s23] =	ssyncadd.s32 $0xFFFFFFFF  }
0xa5: {  	s26 =	simm.s32 $execute0_lowered;
	[smem:$0x3FD2] =	sst s25  }
0xa6: {  	s4 =	sshll.u32 s26, $0x1;
	_ =	strace $0x80000046;
	[dreg:$0x1] =	wrdreg $0xFFFFFFFF  }
0xa7: {  	s28 =	simm.s32 $_size_execute0_lowered;
	s2 =	sadd.s32 s2, s4;
	[dreg:$0x0] =	wrdreg $0x0  }
0xa8: {  	s4 =	sshll.u32 s28, $0x1;
	[dreg:$0x2] =	wrdreg s2  }
0xa9: {  	[dreg:$0x3] =	wrdreg s4  }
0xaa: {  	[dreg:$0x4] =	wrdreg $0xC0  }
0xab: {  	_ =	task [dreg:s6], $0x5FFFF  }
0xac: {  	[dreg:$0x1] =	wrdreg $0xFFFFFFFF  }
0xad: {  	[dreg:$0x0] =	wrdreg $0x60  }
0xae: {  	[dreg:$0x2] =	wrdreg s24  }
0xaf: {  	[dreg:$0x3] =	wrdreg $0x1E2A00  }
0xb0: {  	[dreg:$0x4] =	wrdreg $0x9  }
0xb1: {  	_ =	task.clear_ibuf [dreg:s6], $0x5FFFF;
	_ =	strace $0x90000046  }
0xb2: {  	s29 =	simm.s32 $0x9;
	_ =	strace $0x80000048  }
0xb3: {  	_ =	swait.ge [sflag:s29], $0x1  }
0xb4: {  	[sflag:s29] =	ssyncadd.s32 $0xFFFFFFFF  }
0xb5: {  	_ =	strace $0x90000048  }
0xb6: {  	_ =	sfence  }
0xb7: {  	s30 =	sld [smem:$0x0];
	_ =	sdelay $0x2  }
0xb8: {  	s31 =	sshll.u32 s1, $0xD;
	s1 =	sshrl.u32 s1, $0x2  }
0xb9: {  	s3 =	sand.u32 $0x4000, s31;
	s1 =	sadd.s32 s1, s30  }
0xba: {  	s0 =	sor.u32 s3, s0;
	s1 =	sshll.u32 s1, $0x11  }
0xbb: {  	s0 =	sor.u32 s1, s0  }
0xbc: {  	s0 =	sadd.s32 $0x8F2B, s0  }
0xbd: {  	[sflag:s0] =	ssyncadd.remote.s32 $0x1  }
0xbe: {  	_ =	sfence.sel $0xFFFF  }
0xbf: {  	[dreg:$0x0] =	wrdreg $0xFFFFFFFF;
	(pc) =	sbr.abs _section_cstart, $3  }
0xc0: {  	[dreg:$0x1] =	wrdreg $0xFFFFFFFF  }
0xc1: {  	_ =	task.clear_ibuf [dreg:s6], $0x2FFFF;
	_ =	strace $0x9FFFFFFF  }
0xc2: {  	(tm) =	ssettm $0x7FFFFFFF  }
0xc3: {  	_ =	shalt  }
tec
execute0_lowered:
.L_overlay_start_1:
0x0: {  	(tag) =	ssettag $0x1  }
0x1: {  	s0 =	rddreg [dreg:$0x0]  }
0x2: {  	s2 =	rddreg [dreg:$0x1]  }
0x3: {  	s1 =	srdreg.scid;
	s20 =	stileid.u32;
	s3 =	simm.s32 $0x0  }
0x4: {  	s1 =	sand.u32 $0x1, s1;
	s5 =	smul.u32 $0x1880, s20;
	[smem:$0x7FF] =	sst s3  }
0x5: {  	s4 =	sadd.s32 $0x2200, s0;
	s8 =	sadd.s32 $0x188E00, s0;
	s29 =	smul.u32 $0x320, s20  }
0x6: {  	s9 =	sadd.s32 $0x2000, s0;
	p0 =	seq.s32 s20, $0xF;
	s30 =	smul.u32 $0x6200, s20  }
0x7: {  	s6 =	smul.u32 $0x18800, s1;
	_ =	strace $0x80000047;
	[dreg:$0x4] =	wrdreg s9  }
0x8: {  	s7 =	sshll.u32 s1, $0x4;
	s1 =	ssub.s32 $0x2, s1;
	[dreg:$0x3] =	wrdreg s8  }
0x9: {  	s7 =	sor.u32 s20, s7;
	s25 =	sshrl.u32 s1, $0x1;
	s26 =	sshrl.u32 s5, $0x3  }
0xa: {  	s6 =	sadd.s32 s5, s6;
	s7 =	smul.u32 $0x30D40, s7;
	s19 =	ssub.s32 s1, s25  }
0xb: {  	s5 =	sadd.s32 s5, s2;
	s1 =	simm.s32 $0xFFFFFFF1;
	s6 =	sshrl.u32 s6, $0x3  }
0xc: {  	[dreg:$0x5] =	wrdreg s5;
	s1 =	simm.s32 @!p0 $0x1;
	p0 =	sgt.u32 s20, $0xD  }
0xd: {  	s5 =	sshrl.u32 s30, $0x2;
	s19 =	smax.u32 s19, $0x1;
	s18 =	sadd.s32 s6, s0  }
0xe: {  	s28 =	sshrl.u32 s7, $0x3;
	s0 =	sadd.s32 s8, s26;
	s10 =	sadd.s32 $0x4E20, s7  }
0xf: {  	s11 =	sadd.s32 $0x7530, s7;
	s1 =	sadd.s32 s20, s1;
	[dreg:$0x7] =	wrdreg s5  }
0x10: {  	s7 =	simm.s32 $0xFFFFFFF2;
	[dreg:$0x6] =	wrdreg s0;
	s21 =	sadd.s32 s4, s28  }
0x11: {  	s0 =	sshrl.u32 s29, $0x2;
	s31 =	smul.u32 $0x320, s1;
	s7 =	simm.s32 @!p0 $0x2  }
0x12: {  	s5 =	smul.u32 $0x6200, s1;
	p0 =	sgt.u32 s20, $0xC;
	s18 =	sadd.s32 $0x18C000, s18  }
0x13: {  	s0 =	sadd.s32 $0x1D620, s0;
	s8 =	sadd.s32 s20, s7;
	s7 =	simm.s32 $0xFFFFFFF3  }
0x14: {  	[dreg:$0x8] =	wrdreg s0;
	s6 =	sshra.s32 s31, $0x2;
	s9 =	smul.u32 $0x320, s8  }
0x15: {  	s0 =	sshra.s32 s5, $0x2;
	s7 =	simm.s32 @!p0 $0x3;
	s13 =	smul.u32 $0x6200, s8  }
0x16: {  	p0 =	sgt.u32 s20, $0xB;
	[dreg:$0x9] =	wrdreg s0;
	s12 =	sadd.s32 $0x1D620, s6  }
0x17: {  	s15 =	sadd.s32 s20, s7;
	s7 =	simm.s32 $0xFFFFFFF4;
	[dreg:$0xa] =	wrdreg s12  }
0x18: {  	s14 =	sshra.s32 s9, $0x2;
	s16 =	smul.u32 $0x320, s15;
	s0 =	sshra.s32 s13, $0x2  }
0x19: {  	s7 =	simm.s32 @!p0 $0x4;
	s22 =	smul.u32 $0x6200, s15;
	p0 =	sgt.u32 s20, $0xA  }
0x1a: {  	[dreg:$0xb] =	wrdreg s0;
	s17 =	sadd.s32 $0x1D620, s14;
	s24 =	sadd.s32 s20, s7  }
0x1b: {  	s7 =	simm.s32 $0xFFFFFFF5;
	[dreg:$0xc] =	wrdreg s17;
	s23 =	sshra.s32 s16, $0x2  }
0x1c: {  	s25 =	smul.u32 $0x320, s24;
	s0 =	sshra.s32 s22, $0x2;
	s7 =	simm.s32 @!p0 $0x5  }
0x1d: {  	s28 =	smul.u32 $0x6200, s24;
	p0 =	sgt.u32 s20, $0x9;
	[dreg:$0xd] =	wrdreg s0  }
0x1e: {  	s26 =	sadd.s32 $0x1D620, s23;
	s30 =	sadd.s32 s20, s7;
	s7 =	simm.s32 $0xFFFFFFF6  }
0x1f: {  	[dreg:$0xe] =	wrdreg s26;
	s29 =	sshra.s32 s25, $0x2;
	s31 =	smul.u32 $0x320, s30  }
0x20: {  	s0 =	sshra.s32 s28, $0x2;
	s7 =	simm.s32 @!p0 $0x6;
	s5 =	smul.u32 $0x6200, s30  }
0x21: {  	p0 =	sgt.u32 s20, $0x8;
	[dreg:$0xf] =	wrdreg s0;
	s1 =	sadd.s32 $0x1D620, s29  }
0x22: {  	s8 =	sadd.s32 s20, s7;
	s7 =	simm.s32 $0xFFFFFFF7;
	[dreg:$0x10] =	wrdreg s1  }
0x23: {  	s6 =	sshra.s32 s31, $0x2;
	s9 =	smul.u32 $0x320, s8;
	s0 =	sshra.s32 s5, $0x2  }
0x24: {  	s7 =	simm.s32 @!p0 $0x7;
	s13 =	smul.u32 $0x6200, s8;
	p0 =	slt.u32 s20, $0x8  }
0x25: {  	[dreg:$0x11] =	wrdreg s0;
	s12 =	sadd.s32 $0x1D620, s6;
	s15 =	sadd.s32 s20, s7  }
0x26: {  	s7 =	simm.s32 $0x8;
	s6 =	simm.s32 $0xFFFFFFFC;
	[dreg:$0x12] =	wrdreg s12  }
0x27: {  	s14 =	sshra.s32 s9, $0x2;
	s16 =	smul.u32 $0x320, s15;
	s0 =	sshra.s32 s13, $0x2  }
0x28: {  	s7 =	simm.s32 @!p0 $0xFFFFFFF8;
	s22 =	smul.u32 $0x6200, s15;
	p0 =	sgt.u32 s20, $0x6  }
0x29: {  	[dreg:$0x13] =	wrdreg s0;
	s17 =	sadd.s32 $0x1D620, s14;
	s24 =	sadd.s32 s20, s7  }
0x2a: {  	s7 =	simm.s32 $0xFFFFFFF9;
	[dreg:$0x14] =	wrdreg s17;
	s23 =	sshra.s32 s16, $0x2  }
0x2b: {  	s25 =	smul.u32 $0x320, s24;
	s0 =	sshra.s32 s22, $0x2;
	s7 =	simm.s32 @!p0 $0x9  }
0x2c: {  	s28 =	smul.u32 $0x6200, s24;
	p0 =	sgt.u32 s20, $0x5;
	[dreg:$0x15] =	wrdreg s0  }
0x2d: {  	s26 =	sadd.s32 $0x1D620, s23;
	s30 =	sadd.s32 s20, s7;
	s7 =	simm.s32 $0xFFFFFFFA  }
0x2e: {  	[dreg:$0x16] =	wrdreg s26;
	s29 =	sshra.s32 s25, $0x2;
	s31 =	smul.u32 $0x320, s30  }
0x2f: {  	s0 =	sshra.s32 s28, $0x2;
	s7 =	simm.s32 @!p0 $0xA;
	s9 =	smul.u32 $0x6200, s30  }
0x30: {  	p0 =	sgt.u32 s20, $0x4;
	[dreg:$0x17] =	wrdreg s0;
	s8 =	sadd.s32 $0x1D620, s29  }
0x31: {  	s13 =	sadd.s32 s20, s7;
	s7 =	simm.s32 $0xFFFFFFFB;
	[dreg:$0x18] =	wrdreg s8  }
0x32: {  	s12 =	sshra.s32 s31, $0x2;
	s14 =	smul.u32 $0x6200, s13;
	s0 =	sshra.s32 s9, $0x2  }
0x33: {  	s7 =	simm.s32 @!p0 $0xB;
	s17 =	smul.u32 $0x320, s13;
	p0 =	sgt.u32 s20, $0x3  }
0x34: {  	s13 =	simm.s32 $0xFFFFFFFE;
	[dreg:$0x19] =	wrdreg s0;
	s15 =	sadd.s32 $0x1D620, s12  }
0x35: {  	s22 =	sadd.s32 s20, s7;
	s6 =	simm.s32 @!p0 $0xC;
	p0 =	sgt.u32 s20, $0x2  }
0x36: {  	s12 =	simm.s32 $0xFFFFFFFD;
	[dreg:$0x1a] =	wrdreg s15;
	s7 =	smul.u32 $0x6200, s22  }
0x37: {  	s16 =	sshra.s32 s14, $0x2;
	s0 =	sshra.s32 s17, $0x2;
	s23 =	smul.u32 $0x320, s22  }
0x38: {  	s24 =	sadd.s32 s20, s6;
	s12 =	simm.s32 @!p0 $0xD;
	p0 =	sgt.u32 s20, $0x1  }
0x39: {  	s15 =	simm.s32 $0xF;
	s6 =	smov.u32 s21;
	s22 =	simm.s32 $0x1AF10  }
0x3a: {  	[dreg:$0x1b] =	wrdreg s16;
	s0 =	sadd.s32 $0x1D620, s0;
	s25 =	smul.u32 $0x6200, s24  }
0x3b: {  	s9 =	smul.u32 $0x320, s24;
	s26 =	sadd.s32 s20, s12;
	s13 =	simm.s32 @!p0 $0xE  }
0x3c: {  	p0 =	seq.s32 s20, $0x0;
	s24 =	simm.s32 $0x2;
	[dreg:$0x1c] =	wrdreg s0  }
0x3d: {  	s5 =	sshra.s32 s7, $0x2;
	s12 =	smul.u32 $0x6200, s26;
	s8 =	sshra.s32 s23, $0x2  }
0x3e: {  	s14 =	smul.u32 $0x320, s26;
	s13 =	sadd.s32 s20, s13;
	s15 =	simm.s32 @!p0 $0xFFFFFFFF  }
0x3f: {  	s23 =	simm.s32 $0x1;
	s26 =	simm.s32 $0x0;
	s16 =	smul.u32 $0x6200, s13  }
0x40: {  	s7 =	sadd.s32 $0x1D620, s8;
	s17 =	smul.u32 $0x320, s13;
	s28 =	sadd.s32 s20, s15  }
0x41: {  	s9 =	sshra.s32 s9, $0x2;
	s8 =	sshra.s32 s25, $0x2;
	s29 =	smul.u32 $0x6200, s28  }
.Ltmp0:
0x42: {  	s25 =	simm.s32 $0xC4;
	s9 =	sadd.s32 $0x1D620, s9;
	(pc) =	sbr.rel .LBB2_1-.Ltmp0, $4  }
0x43: {  	s12 =	sshra.s32 s12, $0x2;
	s14 =	sshra.s32 s14, $0x2;
	s20 =	smul.u32 $0x320, s28  }
0x44: {  	s13 =	sadd.s32 $0x1D620, s14;
	s14 =	sshra.s32 s16, $0x2;
	s30 =	sshra.s32 s17, $0x2  }
0x45: {  	s15 =	sadd.s32 $0x1D620, s30;
	s16 =	sshra.s32 s29, $0x2;
	s31 =	sshra.s32 s20, $0x2  }
0x46: {  	v0 =	vimm.f32 $1.000000000e+00;
	s20 =	sadd.s32 $0x4E2, s21;
	s21 =	simm.s32 $0x3;
	s17 =	sadd.s32 $0x1D620, s31  }
.LBB2_8:
0x47: {  	[bflag:$0x0] =	sbarrier.arrive $0xFFFF  }
0x48: {  	s0 =	rddreg [dreg:$0x7]  }
0x49: {  	s1 =	rddreg [dreg:$0x8]  }
0x4a: {  	[spmem:s2] =	stream.indirect.scatter.add.f32 [tilespmem:s0], [sflag:$0x3], $0x20, s1, s25, $0xb8;
	[tilespmem:$0x1FB20] =	vst v63  }
0x4b: {  	_ =	swait.ge [sflag:s21], $0x1880  }
0x4c: {  	[sflag:s21] =	ssyncset.done $0x0;
	s30 =	rddreg [dreg:$0x9]  }
0x4d: {  	s31 =	rddreg [dreg:$0xa];
	[sflag:s21] =	ssyncadd.s32 $0xFFFFE780  }
0x4e: {  	[spmem:s2] =	stream.indirect.scatter.add.f32 [tilespmem:s30], [sflag:$0x3], $0x20, s31, s25, $0xb8;
	[tilespmem:$0x1FB20] =	vst v63  }
0x4f: {  	_ =	swait.ge [sflag:s21], $0x1880  }
0x50: {  	[sflag:s21] =	ssyncset.done $0x0;
	s30 =	rddreg [dreg:$0xb]  }
0x51: {  	s31 =	rddreg [dreg:$0xc];
	[sflag:s21] =	ssyncadd.s32 $0xFFFFE780  }
0x52: {  	[spmem:s2] =	stream.indirect.scatter.add.f32 [tilespmem:s30], [sflag:$0x3], $0x20, s31, s25, $0xb8;
	[tilespmem:$0x1FB20] =	vst v63  }
0x53: {  	_ =	swait.ge [sflag:s21], $0x1880  }
0x54: {  	[sflag:s21] =	ssyncset.done $0x0;
	s30 =	rddreg [dreg:$0xd]  }
0x55: {  	s31 =	rddreg [dreg:$0xe];
	[sflag:s21] =	ssyncadd.s32 $0xFFFFE780  }
0x56: {  	[spmem:s2] =	stream.indirect.scatter.add.f32 [tilespmem:s30], [sflag:$0x3], $0x20, s31, s25, $0xb8;
	[tilespmem:$0x1FB20] =	vst v63  }
0x57: {  	_ =	swait.ge [sflag:s21], $0x1880  }
0x58: {  	[sflag:s21] =	ssyncset.done $0x0;
	s30 =	rddreg [dreg:$0xf]  }
0x59: {  	s31 =	rddreg [dreg:$0x10];
	[sflag:s21] =	ssyncadd.s32 $0xFFFFE780  }
0x5a: {  	[spmem:s2] =	stream.indirect.scatter.add.f32 [tilespmem:s30], [sflag:$0x3], $0x20, s31, s25, $0xb8;
	[tilespmem:$0x1FB20] =	vst v63  }
0x5b: {  	_ =	swait.ge [sflag:s21], $0x1880  }
0x5c: {  	[sflag:s21] =	ssyncset.done $0x0;
	s30 =	rddreg [dreg:$0x11]  }
0x5d: {  	s31 =	rddreg [dreg:$0x12];
	[sflag:s21] =	ssyncadd.s32 $0xFFFFE780  }
0x5e: {  	[spmem:s2] =	stream.indirect.scatter.add.f32 [tilespmem:s30], [sflag:$0x3], $0x20, s31, s25, $0xb8;
	[tilespmem:$0x1FB20] =	vst v63  }
0x5f: {  	_ =	swait.ge [sflag:s21], $0x1880  }
0x60: {  	[sflag:s21] =	ssyncset.done $0x0;
	s30 =	rddreg [dreg:$0x13]  }
0x61: {  	s31 =	rddreg [dreg:$0x14];
	[sflag:s21] =	ssyncadd.s32 $0xFFFFE780  }
0x62: {  	[spmem:s2] =	stream.indirect.scatter.add.f32 [tilespmem:s30], [sflag:$0x3], $0x20, s31, s25, $0xb8;
	[tilespmem:$0x1FB20] =	vst v63  }
0x63: {  	_ =	swait.ge [sflag:s21], $0x1880  }
0x64: {  	[sflag:s21] =	ssyncset.done $0x0;
	s30 =	rddreg [dreg:$0x15]  }
0x65: {  	s31 =	rddreg [dreg:$0x16];
	[sflag:s21] =	ssyncadd.s32 $0xFFFFE780  }
0x66: {  	[spmem:s2] =	stream.indirect.scatter.add.f32 [tilespmem:s30], [sflag:$0x3], $0x20, s31, s25, $0xb8;
	[tilespmem:$0x1FB20] =	vst v63  }
0x67: {  	_ =	swait.ge [sflag:s21], $0x1880  }
0x68: {  	[sflag:s21] =	ssyncset.done $0x0;
	s30 =	rddreg [dreg:$0x17]  }
0x69: {  	s31 =	rddreg [dreg:$0x18];
	[sflag:s21] =	ssyncadd.s32 $0xFFFFE780  }
0x6a: {  	[spmem:s2] =	stream.indirect.scatter.add.f32 [tilespmem:s30], [sflag:$0x3], $0x20, s31, s25, $0xb8;
	[tilespmem:$0x1FB20] =	vst v63  }
0x6b: {  	_ =	swait.ge [sflag:s21], $0x1880  }
0x6c: {  	[sflag:s21] =	ssyncset.done $0x0;
	s30 =	rddreg [dreg:$0x19]  }
0x6d: {  	s31 =	rddreg [dreg:$0x1a];
	[sflag:s21] =	ssyncadd.s32 $0xFFFFE780  }
0x6e: {  	[spmem:s2] =	stream.indirect.scatter.add.f32 [tilespmem:s30], [sflag:$0x3], $0x20, s31, s25, $0xb8;
	[tilespmem:$0x1FB20] =	vst v63  }
0x6f: {  	_ =	swait.ge [sflag:s21], $0x1880  }
0x70: {  	[sflag:s21] =	ssyncset.done $0x0;
	s30 =	rddreg [dreg:$0x1b]  }
0x71: {  	s31 =	rddreg [dreg:$0x1c];
	[sflag:s21] =	ssyncadd.s32 $0xFFFFE780  }
0x72: {  	[spmem:s2] =	stream.indirect.scatter.add.f32 [tilespmem:s30], [sflag:$0x3], $0x20, s31, s25, $0xb8;
	[tilespmem:$0x1FB20] =	vst v63  }
0x73: {  	_ =	swait.ge [sflag:s21], $0x1880  }
0x74: {  	[sflag:s21] =	ssyncset.done $0x0  }
0x75: {  	[sflag:s21] =	ssyncadd.s32 $0xFFFFE780  }
0x76: {  	[spmem:s2] =	stream.indirect.scatter.add.f32 [tilespmem:s5], [sflag:$0x3], $0x20, s7, s25, $0xb8;
	[tilespmem:$0x1FB20] =	vst v63  }
0x77: {  	_ =	swait.ge [sflag:s21], $0x1880  }
0x78: {  	[sflag:s21] =	ssyncset.done $0x0  }
0x79: {  	[sflag:s21] =	ssyncadd.s32 $0xFFFFE780  }
0x7a: {  	[spmem:s2] =	stream.indirect.scatter.add.f32 [tilespmem:s8], [sflag:$0x3], $0x20, s9, s25, $0xb8;
	[tilespmem:$0x1FB20] =	vst v63  }
0x7b: {  	_ =	swait.ge [sflag:s21], $0x1880  }
0x7c: {  	[sflag:s21] =	ssyncset.done $0x0  }
0x7d: {  	[sflag:s21] =	ssyncadd.s32 $0xFFFFE780  }
0x7e: {  	[spmem:s2] =	stream.indirect.scatter.add.f32 [tilespmem:s12], [sflag:$0x3], $0x20, s13, s25, $0xb8;
	[tilespmem:$0x1FB20] =	vst v63  }
0x7f: {  	_ =	swait.ge [sflag:s21], $0x1880  }
0x80: {  	[sflag:s21] =	ssyncset.done $0x0  }
0x81: {  	[sflag:s21] =	ssyncadd.s32 $0xFFFFE780  }
0x82: {  	[spmem:s2] =	stream.indirect.scatter.add.f32 [tilespmem:s14], [sflag:$0x3], $0x20, s15, s25, $0xb8;
	[tilespmem:$0x1FB20] =	vst v63  }
0x83: {  	_ =	swait.ge [sflag:s21], $0x1880  }
0x84: {  	[sflag:s21] =	ssyncset.done $0x0  }
0x85: {  	[sflag:s21] =	ssyncadd.s32 $0xFFFFE780  }
0x86: {  	[spmem:s2] =	stream.indirect.scatter.add.f32 [tilespmem:s16], [sflag:$0x3], $0x20, s17, s25, $0xb8;
	[tilespmem:$0x1FB20] =	vst v63  }
0x87: {  	_ =	swait.ge [sflag:s21], $0x1880  }
0x88: {  	s26 =	sadd.s32 $0x1, s26;
	[sflag:s21] =	ssyncset.done $0x0  }
0x89: {  	p0 =	sne.s32 s26, s19;
	[sflag:s21] =	ssyncadd.s32 $0xFFFFE780  }
.Ltmp1:
0x8a: {  	[bflag:$0x0] =	sbarrier.arrive $0xFFFF;
	(pc) =	sbr.rel @!p0 .LBB2_9-.Ltmp1, $4  }
0x8b: {  	[hbm:s18], [sflag:s28] =	dma.local [spmem:s29], $0x310  }
0x8c: {  	_ =	swait.ge [sflag:s21], $0x310  }
0x8d: {  	[sflag:s21] =	ssyncset.done $0x0  }
0x8e: {  	[sflag:s21] =	ssyncadd.s32 $0xFFFFFCF0  }
.LBB2_1:
0x8f: {  	s0 =	rddreg [dreg:$0x3]  }
0x90: {  	[tilespmem:s3], [sflag:$0x3] =	stream.linear.gather [hbm4b:s0+s3], $0x18800, $0x38;
	[tilespmem:$0x1FB20] =	vst v63  }
0x91: {  	_ =	swait.ge [sflag:s21], $0x18800  }
0x92: {  	[sflag:s21] =	ssyncset.done $0x0  }
0x93: {  	s1 =	simm.s32 $0x1D620;
	s31 =	rddreg [dreg:$0x4];
	[sflag:s21] =	ssyncadd.s32 $0xFFFE7800  }
0x94: {  	[tilespmem:s1], [sflag:$0x3] =	stream.linear.gather [hbm4b:s31+s3], $0xC80, $0x38;
	[tilespmem:$0x1FB20] =	vst v63  }
0x95: {  	s1 =	stileid.u32  }
0x96: {  	_ =	swait.ge [sflag:s21], $0xC80;
	s0 =	sshll.u32 s1, $0x6  }
0x97: {  	[sflag:s21] =	ssyncset.done $0x0;
	s28 =	sor.u32 $0x1C03, s0;
	s31 =	rddreg [dreg:$0x5]  }
0x98: {  	s1 =	rddreg [dreg:$0x6];
	[sflag:s21] =	ssyncadd.s32 $0xFFFFF380;
	s29 =	sshrl.u32 s31, $0x3  }
0x99: {  	[spmem:s29], [sflag:s28] =	dma.local [hbm:s1], $0x310  }
0x9a: {  	_ =	swait.ge [sflag:s21], $0x310  }
0x9b: {  	[sflag:s21] =	ssyncset.done $0x0  }
0x9c: {  	s31 =	simm.s32 $0x18800;
	[sflag:s21] =	ssyncadd.s32 $0xFFFFFCF0  }
0x9d: {  	[tilespmem:s31], [sflag:$0x1] =	stream.linear.gather [hbm4b:s6+s3], $0x2710, $0x38;
	[tilespmem:$0x1FB20] =	vst v63  }
0x9e: {  	s30 =	simm.s32 $0x0  }
0x9f: {  	[tilespmem:s22], [sflag:$0x2] =	stream.linear.gather [hbm4b:s20+s3], $0x2710, $0x38;
	[tilespmem:$0x1FB20] =	vst v63  }
.LBB2_2:
0xa0: {  	_ =	swait.ge [sflag:s23], $0x2710  }
0xa1: {  	[sflag:s23] =	ssyncset.done $0x0  }
0xa2: {  	s31 =	simm.s32 $0xFFFFFFF6;
	s0 =	simm.s32 $0x18850;
	[sflag:s23] =	ssyncadd.s32 $0xFFFFD8F0  }
.LBB2_3:
0xa3: {  	v1 =	vld [tilespmem:s0+$0xFFFFFFB0];
	_ =	sdelay $0x7  }
0xa4: {  	[tilespmem:v1+s3+$0x0] =	vst.idx.add.f32.msk $0xffff, v0  }
0xa5: {  	v1 =	vld [tilespmem:s0+$0xFFFFFFC0];
	_ =	sdelay $0x7  }
0xa6: {  	[tilespmem:v1+s3+$0x0] =	vst.idx.add.f32.msk $0xffff, v0  }
0xa7: {  	v1 =	vld [tilespmem:s0+$0xFFFFFFD0];
	_ =	sdelay $0x7  }
0xa8: {  	[tilespmem:v1+s3+$0x0] =	vst.idx.add.f32.msk $0xffff, v0  }
0xa9: {  	v1 =	vld [tilespmem:s0+$0xFFFFFFE0];
	_ =	sdelay $0x7  }
0xaa: {  	[tilespmem:v1+s3+$0x0] =	vst.idx.add.f32.msk $0xffff, v0  }
0xab: {  	v1 =	vld [tilespmem:s0+$0xFFFFFFF0];
	_ =	sdelay $0x7  }
0xac: {  	[tilespmem:v1+s3+$0x0] =	vst.idx.add.f32.msk $0xffff, v0  }
0xad: {  	v1 =	vld [tilespmem:s0+$0x0];
	_ =	sdelay $0x7  }
0xae: {  	[tilespmem:v1+s3+$0x0] =	vst.idx.add.f32.msk $0xffff, v0  }
0xaf: {  	v1 =	vld [tilespmem:s0+$0x10];
	_ =	sdelay $0x7  }
0xb0: {  	[tilespmem:v1+s3+$0x0] =	vst.idx.add.f32.msk $0xffff, v0  }
0xb1: {  	v1 =	vld [tilespmem:s0+$0x20];
	_ =	sdelay $0x7  }
0xb2: {  	[tilespmem:v1+s3+$0x0] =	vst.idx.add.f32.msk $0xffff, v0  }
0xb3: {  	v1 =	vld [tilespmem:s0+$0x30];
	_ =	sdelay $0x7  }
0xb4: {  	[tilespmem:v1+s3+$0x0] =	vst.idx.add.f32.msk $0xffff, v0  }
0xb5: {  	v1 =	vld [tilespmem:s0+$0x40];
	_ =	sdelay $0x1  }
0xb6: {  	s31 =	sadd.s32 $0xA, s31  }
0xb7: {  	p0 =	slt.u32 s31, $0x262  }
.Ltmp2:
0xb8: {  	_ = 	snop;
	(pc) =	sbr.rel @p0 .LBB2_3-.Ltmp2, $2  }
0xb9: {  	_ =	sdelay $0x2  }
0xba: {  	s0 =	sadd.s32 $0xA0, s0;
	[tilespmem:v1+s3+$0x0] =	vst.idx.add.f32.msk $0xffff, v0  }
0xbb: {  	v1 =	vld [tilespmem:$0x1AEC0];
	_ =	sdelay $0x7  }
0xbc: {  	[tilespmem:v1+s3+$0x0] =	vst.idx.add.f32.msk $0xffff, v0  }
0xbd: {  	v1 =	vld [tilespmem:$0x1AED0];
	_ =	sdelay $0x7  }
0xbe: {  	[tilespmem:v1+s3+$0x0] =	vst.idx.add.f32.msk $0xffff, v0  }
0xbf: {  	v1 =	vld [tilespmem:$0x1AEE0];
	_ =	sdelay $0x7  }
0xc0: {  	[tilespmem:v1+s3+$0x0] =	vst.idx.add.f32.msk $0xffff, v0  }
0xc1: {  	v1 =	vld [tilespmem:$0x1AEF0];
	_ =	sdelay $0x7  }
0xc2: {  	[tilespmem:v1+s3+$0x0] =	vst.idx.add.f32.msk $0xffff, v0  }
0xc3: {  	v1 =	vld [tilespmem:$0x1AF00];
	_ =	sdelay $0x2  }
0xc4: {  	p0 =	seq.s32 s30, $0x9  }
0xc5: {  	s0 =	smul.u32 @!p0 $0x4E20, s30;
	_ =	sdelay $0x1  }
0xc6: {  	s0 =	sadd.s32 @!p0 s0, s10  }
0xc7: {  	s0 =	sshrl.u32 @!p0 s0, $0x3  }
0xc8: {  	s31 =	simm.s32 @!p0 $0x0;
	s1 =	simm.s32 @!p0 $0x18800;
	s0 =	sadd.s32 @!p0 s4, s0;
	[tilespmem:v1+s3+$0x0] =	vst.idx.add.f32.msk $0xffff, v0  }
0xc9: {  	[tilespmem:s1], [sflag:$0x1] =	stream.linear.gather @!p0 [hbm4b:s0+s31], $0x2710, $0x38;
	[tilespmem:$0x1FB20] =	vst v63  }
0xca: {  	_ =	swait.ge [sflag:s24], $0x2710  }
0xcb: {  	[sflag:s24] =	ssyncset.done $0x0  }
0xcc: {  	s31 =	simm.s32 $0xFFFFFFF6;
	s0 =	simm.s32 $0x1AF60;
	[sflag:s24] =	ssyncadd.s32 $0xFFFFD8F0  }
.LBB2_5:
0xcd: {  	v1 =	vld [tilespmem:s0+$0xFFFFFFB0];
	_ =	sdelay $0x7  }
0xce: {  	[tilespmem:v1+s3+$0x0] =	vst.idx.add.f32.msk $0xffff, v0  }
0xcf: {  	v1 =	vld [tilespmem:s0+$0xFFFFFFC0];
	_ =	sdelay $0x7  }
0xd0: {  	[tilespmem:v1+s3+$0x0] =	vst.idx.add.f32.msk $0xffff, v0  }
0xd1: {  	v1 =	vld [tilespmem:s0+$0xFFFFFFD0];
	_ =	sdelay $0x7  }
0xd2: {  	[tilespmem:v1+s3+$0x0] =	vst.idx.add.f32.msk $0xffff, v0  }
0xd3: {  	v1 =	vld [tilespmem:s0+$0xFFFFFFE0];
	_ =	sdelay $0x7  }
0xd4: {  	[tilespmem:v1+s3+$0x0] =	vst.idx.add.f32.msk $0xffff, v0  }
0xd5: {  	v1 =	vld [tilespmem:s0+$0xFFFFFFF0];
	_ =	sdelay $0x7  }
0xd6: {  	[tilespmem:v1+s3+$0x0] =	vst.idx.add.f32.msk $0xffff, v0  }
0xd7: {  	v1 =	vld [tilespmem:s0+$0x0];
	_ =	sdelay $0x7  }
0xd8: {  	[tilespmem:v1+s3+$0x0] =	vst.idx.add.f32.msk $0xffff, v0  }
0xd9: {  	v1 =	vld [tilespmem:s0+$0x10];
	_ =	sdelay $0x7  }
0xda: {  	[tilespmem:v1+s3+$0x0] =	vst.idx.add.f32.msk $0xffff, v0  }
0xdb: {  	v1 =	vld [tilespmem:s0+$0x20];
	_ =	sdelay $0x7  }
0xdc: {  	[tilespmem:v1+s3+$0x0] =	vst.idx.add.f32.msk $0xffff, v0  }
0xdd: {  	v1 =	vld [tilespmem:s0+$0x30];
	_ =	sdelay $0x7  }
0xde: {  	[tilespmem:v1+s3+$0x0] =	vst.idx.add.f32.msk $0xffff, v0  }
0xdf: {  	v1 =	vld [tilespmem:s0+$0x40];
	_ =	sdelay $0x1  }
0xe0: {  	s31 =	sadd.s32 $0xA, s31  }
0xe1: {  	p1 =	slt.u32 s31, $0x262  }
.Ltmp3:
0xe2: {  	_ = 	snop;
	(pc) =	sbr.rel @p1 .LBB2_5-.Ltmp3, $2  }
0xe3: {  	_ =	sdelay $0x2  }
0xe4: {  	s0 =	sadd.s32 $0xA0, s0;
	[tilespmem:v1+s3+$0x0] =	vst.idx.add.f32.msk $0xffff, v0  }
0xe5: {  	v1 =	vld [tilespmem:$0x1D5D0];
	_ =	sdelay $0x7  }
0xe6: {  	[tilespmem:v1+s3+$0x0] =	vst.idx.add.f32.msk $0xffff, v0  }
0xe7: {  	v1 =	vld [tilespmem:$0x1D5E0];
	_ =	sdelay $0x7  }
0xe8: {  	[tilespmem:v1+s3+$0x0] =	vst.idx.add.f32.msk $0xffff, v0  }
0xe9: {  	v1 =	vld [tilespmem:$0x1D5F0];
	_ =	sdelay $0x7  }
0xea: {  	[tilespmem:v1+s3+$0x0] =	vst.idx.add.f32.msk $0xffff, v0  }
0xeb: {  	v1 =	vld [tilespmem:$0x1D600];
	_ =	sdelay $0x7  }
0xec: {  	[tilespmem:v1+s3+$0x0] =	vst.idx.add.f32.msk $0xffff, v0  }
0xed: {  	v1 =	vld [tilespmem:$0x1D610];
	_ =	sdelay $0x3  }
.Ltmp4:
0xee: {  	_ = 	snop;
	(pc) =	sbr.rel @p0 .LBB2_8-.Ltmp4, $2  }
0xef: {  	_ =	sdelay $0x2  }
0xf0: {  	[tilespmem:v1+s3+$0x0] =	vst.idx.add.f32.msk $0xffff, v0  }
0xf1: {  	s0 =	smul.u32 $0x4E20, s30  }
.Ltmp5:
0xf2: {  	_ = 	snop;
	(pc) =	sbr.rel .LBB2_2-.Ltmp5, $4  }
0xf3: {  	s0 =	sadd.s32 s0, s11  }
0xf4: {  	s0 =	sshrl.u32 s0, $0x3  }
0xf5: {  	s30 =	sadd.s32 $0x1, s30;
	s0 =	sadd.s32 s4, s0  }
0xf6: {  	[tilespmem:s22], [sflag:$0x2] =	stream.linear.gather [hbm4b:s0+s3], $0x2710, $0x38;
	[tilespmem:$0x1FB20] =	vst v63  }
.LBB2_9:
0xf7: {  	_ =	sfence.sel $0x180000  }
0xf8: {  	[bflag:$0x0] =	sbarrier.arrive $0xFFFF  }
0xf9: {  	_ =	strace $0x90000047  }
0xfa: {  	s0 =	stileid.u32;
	[bflag:$0x2] =	sbarrier.arrive $0xFFFF  }
0xfb: {  	p0 =	sne.s32 s0, $0x0;
	s0 =	rddreg [dreg:$0x2]  }
0xfc: {  	s0 =	sadd.s32 @!p0 $0x100000, s0  }
0xfd: {  	[sflag:s0] =	ssyncadd.tile.s32 @!p0 $0x1;
	_ =	shalt  }
.Lfunc_end2:
_tile_overlayer_lowered:
.L_overlay_start_2:
0xfe: {  	(tag) =	ssettag $0x2  }
0xff: {  	s0 =	rddreg [dreg:$0x0];
	s2 =	stileid.u32  }
0x100: {  	s1 =	rddreg [dreg:$0x1];
	p0 =	sne.s32 s2, $0x0  }
0x101: {  	s3 =	rddreg [dreg:$0x2];
	[bflag:$0x3] =	sbarrier.arrive $0xFFFF;
	s2 =	simm.s32 @!p0 $0x1C03  }
0x102: {  	[timem:s3], [sflag:s2] =	dma.local @!p0 [hbm:s0], s1  }
0x103: {  	s0 =	simm.s32 @!p0 $0x3  }
0x104: {  	_ =	swait.ge @!p0 [sflag:s0], s1  }
0x105: {  	s1 =	ssub.s32 @!p0 $0x0, s1;
	[sflag:s0] =	ssyncset.done @!p0 $0x0  }
0x106: {  	[sflag:s0] =	ssyncadd.s32 @!p0 s1  }
0x107: {  	[bflag:$0x3] =	sbarrier.arrive $0xFFFF  }
0x108: {  	_ =	shalt  }

// kernel: kernel.9.cloned.1.call-start
scs
__scs_entry_jumppad:
0x0: {  	(pc) =	sbr.rel $0x88, $3  }
0x1: {  	(tag) =	ssettag $0x0;
	lr =	simm.s32 $0x1  }
0x2: {  	[smem:$0x3F9A] =	sst lr;
	_ =	strace $0xD0000000  }
0x3: {  	_ = 	snop  }
0x4: {  	_ = 	snop  }
0x5: {  	_ = 	snop  }
0x6: {  	_ = 	snop  }
0x7: {  	_ = 	snop  }
__scs_overlays_trampoline_lowered:
0x8: {  	[smem:$0x3FA9] =	sst s0  }
0x9: {  	[smem:$0x3FAA] =	sst s1  }
0xa: {  	[smem:$0x3FAB] =	sst s2  }
0xb: {  	[smem:$0x3FAC] =	sst s3  }
0xc: {  	[smem:$0x3FAD] =	sst s4  }
0xd: {  	[smem:$0x3FAE] =	sst s5  }
0xe: {  	[smem:$0x3FAF] =	sst s6  }
0xf: {  	[smem:$0x3FB0] =	sst s7  }
0x10: {  	[smem:$0x3FB1] =	sst s8  }
0x11: {  	[smem:$0x3FB2] =	sst s9;
	s0 =	simm.s32 @!p0 $0x0  }
0x12: {  	s1 =	sld [smem:$0x3F98];
	s0 =	simm.s32 @p0 $0x1  }
0x13: {  	[smem:$0x3FB3] =	sst s0;
	s0 =	simm.s32 @!p1 $0x0  }
0x14: {  	s2 =	sld [smem:$0x3F97];
	s0 =	simm.s32 @p1 $0x1  }
0x15: {  	[smem:$0x3FB4] =	sst s0;
	s0 =	simm.s32 @!p2 $0x0  }
0x16: {  	s3 =	sld [smem:$0x3FDB];
	s0 =	simm.s32 @p2 $0x1  }
0x17: {  	s4 =	simm.s32 $0x1BF5;
	[smem:$0x3FB6] =	sst s0  }
0x18: {  	s0 =	sld [smem:$0x3F99];
	_ =	swait.ge [sflag:s4], $0x0  }
0x19: {  	s7 =	sld [smem:$0x3F9A]  }
0x1a: {  	s8 =	sadd.s32 $0xFFFFE003, lr  }
0x1b: {  	s9 =	sadd.s32 $0xFFFFFEF7, lr;
	s5 =	simm.s32 $0xFFFFFFFF;
	p2 =	slt.u32 s8, $0xFFFFF086  }
0x1c: {  	p1 =	slt.u32 s9, $0xF7A;
	s5 =	simm.s32 @!p2 $0x0  }
0x1d: {  	s5 =	simm.s32 @p1 $0x1;
	p0 =	seq.s32 s7, s2  }
0x1e: {  	s7 =	smul.u32 @!p0 $0xF7A, s2;
	p2 =	seq.s32 @!p0 s5, $0x0  }
0x1f: {  	s9 =	smul.u32 $0xF7A, s1;
	s8 =	simm.s32 @!p0 $0x1BF5;
	p2 =	por !p2, p0  }
0x20: {  	[sflag:s8] =	ssyncset.s32 @!p0 $0xFFFFF086;
	s6 =	sadd.s32 @!p0 s3, s7;
	s7 =	simm.s32 @!p0 $0x108  }
0x21: {  	s3 =	sadd.s32 s3, s9;
	s6 =	sadd.s32 @!p0 $0x88, s6;
	s7 =	simm.s32 @p2 $0x1082  }
0x22: {  	[simem:s7], [sflag:s8] =	dma.local @!p0 [hbm:s6], $0xF7A  }
0x23: {  	s9 =	sor.u32 $0xD0000000, s2;
	s6 =	simm.s32 $0x108;
	_ =	swait.ge @!p0 [sflag:s8], $0x0  }
0x24: {  	s3 =	sadd.s32 $0x88, s3;
	s6 =	simm.s32 @!p1 $0x1082;
	[sflag:s4] =	ssyncset.s32 $0xFFFFF086  }
0x25: {  	[simem:s6], [sflag:s4] =	dma.local [hbm:s3], $0xF7A  }
0x26: {  	[smem:$0x3F9A] =	sst s1;
	(tag) =	ssettag s2;
	_ =	strace s9  }
0x27: {  	s1 =	sld [smem:$0x3FAA]  }
0x28: {  	s2 =	sld [smem:$0x3FAB]  }
0x29: {  	s4 =	sld [smem:$0x3FAD]  }
0x2a: {  	p0 =	seq.s32 s5, $0x0;
	s5 =	sld [smem:$0x3FAE]  }
0x2b: {  	s6 =	sld [smem:$0x3FAF]  }
0x2c: {  	s7 =	sld [smem:$0x3FB0]  }
0x2d: {  	s3 =	simm.s32 $0x108;
	s8 =	sld [smem:$0x3FB1]  }
0x2e: {  	s3 =	simm.s32 @!p0 $0x1082;
	s9 =	sld [smem:$0x3FB2]  }
0x2f: {  	lr =	sadd.s32 s0, s3;
	s0 =	sld [smem:$0x3FA9]  }
0x30: {  	s3 =	sld [smem:$0x3FAC]  }
0x31: {  	[smem:$0x3FB5] =	sst s10  }
0x32: {  	s10 =	sld [smem:$0x3FB3];
	_ =	sdelay $0x3  }
0x33: {  	p0 =	seq.s32 s10, $0x1;
	s10 =	sld [smem:$0x3FB5];
	_ =	sdelay $0x3  }
0x34: {  	[smem:$0x3FB5] =	sst s10  }
0x35: {  	s10 =	sld [smem:$0x3FB4];
	_ =	sdelay $0x3  }
0x36: {  	p1 =	seq.s32 s10, $0x1;
	s10 =	sld [smem:$0x3FB5];
	_ =	sdelay $0x3  }
0x37: {  	[smem:$0x3FB5] =	sst s10  }
0x38: {  	s10 =	sld [smem:$0x3FB6]  }
0x39: {  	_ = 	snop;
	(pc) =	sbr.ind lr, $3  }
0x3a: {  	_ = 	snop  }
0x3b: {  	_ = 	snop  }
0x3c: {  	p2 =	seq.s32 s10, $0x1;
	s10 =	sld [smem:$0x3FB5]  }
0x3d: {  	_ =	shalt  }
0x3e: {  	_ =	shalt  }
0x3f: {  	_ =	shalt  }
0x40: {  	_ =	shalt  }
0x41: {  	_ =	shalt  }
0x42: {  	_ =	shalt  }
0x43: {  	_ =	shalt  }
0x44: {  	_ =	shalt  }
0x45: {  	_ =	shalt  }
0x46: {  	_ =	shalt  }
0x47: {  	_ =	shalt  }
0x48: {  	_ =	shalt  }
0x49: {  	_ =	shalt  }
0x4a: {  	_ =	shalt  }
0x4b: {  	_ =	shalt  }
0x4c: {  	_ =	shalt  }
0x4d: {  	_ =	shalt  }
0x4e: {  	_ =	shalt  }
0x4f: {  	_ =	shalt  }
0x50: {  	_ =	shalt  }
0x51: {  	_ =	shalt  }
0x52: {  	_ =	shalt  }
0x53: {  	_ =	shalt  }
0x54: {  	_ =	shalt  }
0x55: {  	_ =	shalt  }
0x56: {  	_ =	shalt  }
0x57: {  	_ =	shalt  }
0x58: {  	_ =	shalt  }
0x59: {  	_ =	shalt  }
0x5a: {  	_ =	shalt  }
0x5b: {  	_ =	shalt  }
0x5c: {  	_ =	shalt  }
0x5d: {  	_ =	shalt  }
0x5e: {  	_ =	shalt  }
0x5f: {  	_ =	shalt  }
0x60: {  	_ =	shalt  }
0x61: {  	_ =	shalt  }
0x62: {  	_ =	shalt  }
0x63: {  	_ =	shalt  }
0x64: {  	_ =	shalt  }
0x65: {  	_ =	shalt  }
0x66: {  	_ =	shalt  }
0x67: {  	_ =	shalt  }
0x68: {  	_ =	shalt  }
0x69: {  	_ =	shalt  }
0x6a: {  	_ =	shalt  }
0x6b: {  	_ =	shalt  }
0x6c: {  	_ =	shalt  }
0x6d: {  	_ =	shalt  }
0x6e: {  	_ =	shalt  }
0x6f: {  	_ =	shalt  }
0x70: {  	_ =	shalt  }
0x71: {  	_ =	shalt  }
0x72: {  	_ =	shalt  }
0x73: {  	_ =	shalt  }
0x74: {  	_ =	shalt  }
0x75: {  	_ =	shalt  }
0x76: {  	_ =	shalt  }
0x77: {  	_ =	shalt  }
0x78: {  	_ =	shalt  }
0x79: {  	_ =	shalt  }
0x7a: {  	_ =	shalt  }
0x7b: {  	_ =	shalt  }
0x7c: {  	_ =	shalt  }
0x7d: {  	_ =	shalt  }
0x7e: {  	_ =	shalt  }
0x7f: {  	_ =	shalt  }
0x80: {  	_ =	shalt  }
0x81: {  	_ =	shalt  }
0x82: {  	_ =	shalt  }
0x83: {  	_ =	shalt  }
0x84: {  	_ =	shalt  }
0x85: {  	_ =	shalt  }
0x86: {  	_ =	shalt  }
0x87: {  	_ =	shalt  }
.Lfunc_end0:
.L_simem_size_0:
called_computation.1_lowered:
.L_overlay_start_0:
0x88: {  	s2 =	sld [smem:$0x3FD9]  }
0x89: {  	s3 =	sld [smem:$0x3FFE];
	_ =	sdelay $0x1  }
0x8a: {  	s1 =	srdreg.scid  }
0x8b: {  	s0 =	sand.u32 $0x1, s1  }
0x8c: {  	s16 =	sshll.u32 s0, $0xA;
	s2 =	sadd.s32 s3, s2  }
0x8d: {  	s2 =	sadd.s32 s2, s16  }
0x8e: {  	[smem:$0x3FC1] =	sst s2  }
0x8f: {  	_ = 	snop  }
0x90: {  	(tm) =	ssettm $0x1  }
0x91: {  	s17 =	sld [smem:$0x3FFB];
	_ =	sdelay $0x3  }
0x92: {  	_ =	strace s17  }
0x93: {  	s2 =	sld [smem:$0x3FFC];
	_ =	sdelay $0x3  }
0x94: {  	_ =	strace s2  }
0x95: {  	s2 =	sld [smem:$0x3FFD];
	_ =	sdelay $0x3  }
0x96: {  	_ =	strace s2  }
0x97: {  	_ =	strace $0x8FFFFFFF  }
0x98: {  	s18 =	sld [smem:$0x3FDB];
	_ =	sdelay $0x1  }
0x99: {  	s19 =	simm.s32 $_scs_section_size  }
0x9a: {  	s4 =	simm.s32 $_size__tile_overlayer_lowered;
	s5 =	simm.s32 $_tile_overlayer_lowered  }
0x9b: {  	s22 =	simm.s32 $0x1BFF;
	s21 =	sshll.u32 s5, $0x1;
	s2 =	sadd.s32 s19, s18  }
0x9c: {  	s6 =	simm.s32 $0x0;
	s20 =	sshll.u32 s4, $0x1;
	s4 =	sadd.s32 s21, s2  }
0x9d: {  	[timem:s6], [sflag:s22] =	dma.local [hbm:s4], s20  }
0x9e: {  	_ =	swait.ge [sflag:s22], s20  }
0x9f: {  	s3 =	ssub.s32 $0x0, s20;
	[sflag:s22] =	ssyncset.done $0x0  }
0xa0: {  	[sflag:s22] =	ssyncadd.s32 s3;
	_ =	sdelay $0x1  }
0xa1: {  	s23 =	simm.s32 $0x1B8B  }
0xa2: {  	_ =	swait.ge [sflag:s23], $0x1  }
0xa3: {  	[sflag:s23] =	ssyncset.done $0x0  }
0xa4: {  	s25 =	simm.s32 $0x1B8E;
	s24 =	sld [smem:$0x3FFE];
	[sflag:s23] =	ssyncadd.s32 $0xFFFFFFFF  }
0xa5: {  	s26 =	simm.s32 $execute0_lowered;
	[smem:$0x3FD2] =	sst s25  }
0xa6: {  	s4 =	sshll.u32 s26, $0x1;
	_ =	strace $0x80000049;
	[dreg:$0x1] =	wrdreg $0xFFFFFFFF  }
0xa7: {  	s28 =	simm.s32 $_size_execute0_lowered;
	s2 =	sadd.s32 s2, s4;
	[dreg:$0x0] =	wrdreg $0x0  }
0xa8: {  	s4 =	sshll.u32 s28, $0x1;
	[dreg:$0x2] =	wrdreg s2  }
0xa9: {  	[dreg:$0x3] =	wrdreg s4  }
0xaa: {  	[dreg:$0x4] =	wrdreg $0xC0  }
0xab: {  	_ =	task [dreg:s6], $0x5FFFF  }
0xac: {  	[dreg:$0x1] =	wrdreg $0xFFFFFFFF  }
0xad: {  	[dreg:$0x0] =	wrdreg $0x60  }
0xae: {  	[dreg:$0x2] =	wrdreg s24  }
0xaf: {  	[dreg:$0x3] =	wrdreg $0x1C3600  }
0xb0: {  	[dreg:$0x4] =	wrdreg $0x1DBE00  }
0xb1: {  	[dreg:$0x5] =	wrdreg $0x9  }
0xb2: {  	_ =	task.clear_ibuf [dreg:s6], $0x6FFFF;
	_ =	strace $0x90000049  }
0xb3: {  	s29 =	simm.s32 $0x9;
	_ =	strace $0x8000004B  }
0xb4: {  	_ =	swait.ge [sflag:s29], $0x1  }
0xb5: {  	[sflag:s29] =	ssyncadd.s32 $0xFFFFFFFF  }
0xb6: {  	_ =	strace $0x9000004B  }
0xb7: {  	_ =	sfence  }
0xb8: {  	s30 =	sld [smem:$0x0];
	_ =	sdelay $0x2  }
0xb9: {  	s31 =	sshll.u32 s1, $0xD;
	s1 =	sshrl.u32 s1, $0x2  }
0xba: {  	s3 =	sand.u32 $0x4000, s31;
	s1 =	sadd.s32 s1, s30  }
0xbb: {  	s0 =	sor.u32 s3, s0;
	s1 =	sshll.u32 s1, $0x11  }
0xbc: {  	s0 =	sor.u32 s1, s0  }
0xbd: {  	s0 =	sadd.s32 $0x8F2B, s0  }
0xbe: {  	[sflag:s0] =	ssyncadd.remote.s32 $0x1  }
0xbf: {  	_ =	sfence.sel $0xFFFF  }
0xc0: {  	[dreg:$0x0] =	wrdreg $0xFFFFFFFF;
	(pc) =	sbr.abs _section_cstart, $3  }
0xc1: {  	[dreg:$0x1] =	wrdreg $0xFFFFFFFF  }
0xc2: {  	_ =	task.clear_ibuf [dreg:s6], $0x2FFFF;
	_ =	strace $0x9FFFFFFF  }
0xc3: {  	(tm) =	ssettm $0x7FFFFFFF  }
tec
execute0_lowered:
.L_overlay_start_1:
0x0: {  	(tag) =	ssettag $0x1  }
0x1: {  	s2 =	rddreg [dreg:$0x0]  }
0x2: {  	s1 =	rddreg [dreg:$0x1]  }
0x3: {  	s3 =	rddreg [dreg:$0x2];
	s4 =	simm.s32 $0x0;
	s18 =	stileid.u32  }
0x4: {  	s0 =	srdreg.scid;
	[smem:$0x7FF] =	sst s4  }
0x5: {  	s11 =	smul.u32 $0x1880, s18;
	s5 =	sadd.s32 $0xC5800, s2;
	s6 =	sadd.s32 $0x2200, s2  }
0x6: {  	s7 =	sand.u32 $0x1, s0;
	s14 =	sadd.s32 $0x188E00, s2;
	s9 =	sadd.s32 $0x2000, s2  }
0x7: {  	s16 =	sshll.u32 s18, $0x6;
	p0 =	seq.s32 s18, $0xF;
	s21 =	smul.u32 $0x320, s18  }
0x8: {  	s22 =	smul.u32 $0x6200, s18;
	_ =	strace $0x8000004A;
	[dreg:$0x5] =	wrdreg s9  }
0x9: {  	s8 =	sshll.u32 s7, $0x4;
	s7 =	ssub.s32 $0x2, s7;
	[dreg:$0x4] =	wrdreg s14  }
0xa: {  	s12 =	sshrl.u32 s11, $0x3;
	s8 =	sor.u32 s18, s8;
	s13 =	sshrl.u32 s7, $0x1  }
0xb: {  	s23 =	sshrl.u32 s21, $0x2;
	s0 =	sadd.s32 s12, s2;
	s10 =	sshll.u32 s8, $0x8  }
0xc: {  	s9 =	smul.u32 $0x30D40, s8;
	s7 =	ssub.s32 s7, s13;
	s8 =	sadd.s32 s11, s1  }
0xd: {  	s12 =	sadd.s32 s14, s12;
	s2 =	sadd.s32 s10, s2;
	s10 =	sor.u32 $0x1C07, s16  }
0xe: {  	[dreg:$0x6] =	wrdreg s12;
	s12 =	simm.s32 $0xFFFFFFF1;
	s16 =	simm.s32 $0xFFFFFFF2  }
0xf: {  	s11 =	sadd.s32 s11, s3;
	s29 =	sadd.s32 $0x198600, s0;
	s30 =	sadd.s32 $0x192200, s0  }
0x10: {  	s17 =	sshrl.u32 s9, $0x3;
	s12 =	simm.s32 @!p0 $0x1;
	p0 =	sgt.u32 s18, $0xD  }
0x11: {  	s31 =	sadd.s32 $0x18F200, s2;
	s2 =	sshrl.u32 s8, $0x3;
	s8 =	simm.s32 $0x7  }
0x12: {  	s19 =	sadd.s32 s5, s17;
	s20 =	sadd.s32 s6, s17;
	s13 =	sadd.s32 $0xFA, s17  }
0x13: {  	s12 =	sadd.s32 s18, s12;
	s16 =	simm.s32 @!p0 $0x2;
	[dreg:$0x7] =	wrdreg s19  }
0x14: {  	p0 =	sgt.u32 s18, $0xC;
	[dreg:$0x8] =	wrdreg s20;
	s15 =	sadd.s32 s6, s13  }
0x15: {  	s13 =	sadd.s32 s5, s13;
	s24 =	smul.u32 $0x6200, s12;
	[dreg:$0x9] =	wrdreg s15  }
0x16: {  	s12 =	smul.u32 $0x320, s12;
	[dreg:$0xa] =	wrdreg s13;
	s15 =	sshrl.u32 s22, $0x2  }
0x17: {  	s26 =	sadd.s32 s18, s16;
	s13 =	sadd.s32 $0x1B6E0, s23;
	[dreg:$0xb] =	wrdreg s15  }
0x18: {  	s28 =	smul.u32 $0x6200, s26;
	[dreg:$0xc] =	wrdreg s13;
	s25 =	sshra.s32 s24, $0x2  }
0x19: {  	s12 =	sshra.s32 s12, $0x2;
	s15 =	simm.s32 $0xFFFFFFF3;
	s13 =	smul.u32 $0x320, s26  }
0x1a: {  	[dreg:$0xd] =	wrdreg s25;
	s12 =	sadd.s32 $0x1B6E0, s12;
	s15 =	simm.s32 @!p0 $0x3  }
0x1b: {  	p0 =	sgt.u32 s18, $0xB;
	s14 =	sshra.s32 s28, $0x2;
	[dreg:$0xe] =	wrdreg s12  }
0x1c: {  	s16 =	sadd.s32 s18, s15;
	s15 =	simm.s32 $0xFFFFFFF4;
	[dreg:$0xf] =	wrdreg s14  }
0x1d: {  	s12 =	sshra.s32 s13, $0x2;
	s15 =	simm.s32 @!p0 $0x4;
	s17 =	smul.u32 $0x320, s16  }
0x1e: {  	s13 =	smul.u32 $0x6200, s16;
	s12 =	sadd.s32 $0x1B6E0, s12;
	p0 =	sgt.u32 s18, $0xA  }
0x1f: {  	s16 =	simm.s32 $0xFFFFFFF5;
	s15 =	sadd.s32 s18, s15;
	[dreg:$0x10] =	wrdreg s12  }
0x20: {  	s16 =	simm.s32 @!p0 $0x5;
	p0 =	sgt.u32 s18, $0x9;
	s20 =	smul.u32 $0x6200, s15  }
0x21: {  	s19 =	sshra.s32 s17, $0x2;
	s15 =	smul.u32 $0x320, s15;
	s23 =	sadd.s32 s18, s16  }
0x22: {  	s13 =	sshra.s32 s13, $0x2;
	s16 =	simm.s32 $0x8;
	s24 =	smul.u32 $0x6200, s23  }
0x23: {  	[dreg:$0x11] =	wrdreg s13;
	s12 =	sadd.s32 $0x1B6E0, s19;
	s25 =	smul.u32 $0x320, s23  }
0x24: {  	[dreg:$0x12] =	wrdreg s12;
	s21 =	sshra.s32 s20, $0x2;
	s22 =	sshra.s32 s15, $0x2  }
0x25: {  	s15 =	simm.s32 $0xFFFFFFF6;
	[dreg:$0x13] =	wrdreg s21;
	s12 =	sadd.s32 $0x1B6E0, s22  }
0x26: {  	s15 =	simm.s32 @!p0 $0x6;
	p0 =	sgt.u32 s18, $0x8;
	s14 =	sshra.s32 s24, $0x2  }
0x27: {  	[dreg:$0x14] =	wrdreg s12;
	s26 =	sadd.s32 s18, s15;
	s15 =	simm.s32 $0xFFFFFFF7  }
0x28: {  	[dreg:$0x15] =	wrdreg s14;
	s12 =	sshra.s32 s25, $0x2;
	s28 =	smul.u32 $0x320, s26  }
0x29: {  	s15 =	simm.s32 @!p0 $0x7;
	s13 =	smul.u32 $0x6200, s26;
	s12 =	sadd.s32 $0x1B6E0, s12  }
0x2a: {  	p0 =	slt.u32 s18, $0x8;
	s15 =	sadd.s32 s18, s15;
	[dreg:$0x16] =	wrdreg s12  }
0x2b: {  	s16 =	simm.s32 @!p0 $0xFFFFFFF8;
	p0 =	sgt.u32 s18, $0x6;
	s17 =	smul.u32 $0x6200, s15  }
0x2c: {  	s14 =	sshra.s32 s28, $0x2;
	s15 =	smul.u32 $0x320, s15;
	s21 =	sadd.s32 s18, s16  }
0x2d: {  	s13 =	sshra.s32 s13, $0x2;
	s16 =	simm.s32 $0xFFFFFFFB;
	s22 =	smul.u32 $0x6200, s21  }
0x2e: {  	[dreg:$0x17] =	wrdreg s13;
	s12 =	sadd.s32 $0x1B6E0, s14;
	s23 =	smul.u32 $0x320, s21  }
0x2f: {  	[dreg:$0x18] =	wrdreg s12;
	s19 =	sshra.s32 s17, $0x2;
	s20 =	sshra.s32 s15, $0x2  }
0x30: {  	s15 =	simm.s32 $0xFFFFFFF9;
	[dreg:$0x19] =	wrdreg s19;
	s12 =	sadd.s32 $0x1B6E0, s20  }
0x31: {  	s15 =	simm.s32 @!p0 $0x9;
	p0 =	sgt.u32 s18, $0x5;
	s14 =	sshra.s32 s22, $0x2  }
0x32: {  	[dreg:$0x1a] =	wrdreg s12;
	s24 =	sadd.s32 s18, s15;
	s15 =	simm.s32 $0xFFFFFFFA  }
0x33: {  	[dreg:$0x1b] =	wrdreg s14;
	s12 =	sshra.s32 s23, $0x2;
	s25 =	smul.u32 $0x320, s24  }
0x34: {  	s15 =	simm.s32 @!p0 $0xA;
	s13 =	smul.u32 $0x6200, s24;
	s12 =	sadd.s32 $0x1B6E0, s12  }
0x35: {  	p0 =	sgt.u32 s18, $0x4;
	s15 =	sadd.s32 s18, s15;
	[dreg:$0x1c] =	wrdreg s12  }
0x36: {  	s16 =	simm.s32 @!p0 $0xB;
	s26 =	sshra.s32 s25, $0x2;
	s28 =	smul.u32 $0x6200, s15  }
0x37: {  	s15 =	smul.u32 $0x320, s15;
	s13 =	sshra.s32 s13, $0x2;
	s20 =	sadd.s32 s18, s16  }
0x38: {  	[dreg:$0x1d] =	wrdreg s13;
	s12 =	sadd.s32 $0x1B6E0, s26;
	s21 =	smul.u32 $0x6200, s20  }
0x39: {  	p0 =	sgt.u32 s18, $0x3;
	s22 =	smul.u32 $0x320, s20;
	[dreg:$0x1e] =	wrdreg s12  }
0x3a: {  	s17 =	sshra.s32 s28, $0x2;
	s19 =	sshra.s32 s15, $0x2;
	s15 =	simm.s32 $0xFFFFFFFC  }
0x3b: {  	[dreg:$0x1f] =	wrdreg s17;
	s12 =	sadd.s32 $0x1B6E0, s19;
	s15 =	simm.s32 @!p0 $0xC  }
0x3c: {  	p0 =	sgt.u32 s18, $0x2;
	s14 =	sshra.s32 s21, $0x2;
	s17 =	simm.s32 $0xFFFFFFFE  }
0x3d: {  	[smem:$0x7F1] =	sst s12;
	s23 =	sadd.s32 s18, s15;
	s15 =	simm.s32 $0xFFFFFFFD  }
0x3e: {  	[smem:$0x7F2] =	sst s14;
	s12 =	sshra.s32 s22, $0x2;
	s24 =	smul.u32 $0x6200, s23  }
0x3f: {  	s15 =	simm.s32 @!p0 $0xD;
	s13 =	smul.u32 $0x320, s23;
	s12 =	sadd.s32 $0x1B6E0, s12  }
0x40: {  	p0 =	sgt.u32 s18, $0x1;
	s15 =	sadd.s32 s18, s15;
	[smem:$0x7F3] =	sst s12  }
0x41: {  	s17 =	simm.s32 @!p0 $0xE;
	p0 =	seq.s32 s18, $0x0;
	s25 =	smul.u32 $0x6200, s15  }
0x42: {  	s26 =	smul.u32 $0x320, s15;
	s28 =	sadd.s32 s18, s17;
	s17 =	simm.s32 $0xF  }
0x43: {  	s14 =	sshra.s32 s24, $0x2;
	s13 =	sshra.s32 s13, $0x2;
	s19 =	smul.u32 $0x6200, s28  }
0x44: {  	[smem:$0x7F4] =	sst s14;
	s17 =	simm.s32 @!p0 $0xFFFFFFFF;
	s15 =	smul.u32 $0x320, s28  }
0x45: {  	s13 =	sadd.s32 $0x1B6E0, s13;
	s28 =	sadd.s32 $0x195400, s0;
	s14 =	simm.s32 $0x1  }
0x46: {  	s17 =	sadd.s32 s18, s17;
	[smem:$0x7F5] =	sst s13;
	s12 =	sshra.s32 s26, $0x2  }
0x47: {  	s16 =	sshra.s32 s25, $0x2;
	s25 =	sadd.s32 $0x18C000, s0;
	[smem:$0x7FD] =	sst s28  }
0x48: {  	s0 =	smax.u32 s7, $0x1;
	s7 =	simm.s32 $0x7D0;
	s18 =	simm.s32 $0x1AF10  }
0x49: {  	s20 =	smul.u32 $0x320, s17;
	[smem:$0x7F6] =	sst s16;
	s12 =	sadd.s32 $0x1B6E0, s12  }
0x4a: {  	s21 =	sshra.s32 s19, $0x2;
	s22 =	sshra.s32 s15, $0x2;
	s23 =	smul.u32 $0x6200, s17  }
0x4b: {  	[smem:$0x7FB] =	sst s25;
	s15 =	simm.s32 $0x18FD0;
	s16 =	simm.s32 $0x5  }
0x4c: {  	s17 =	simm.s32 $0x2;
	s19 =	simm.s32 $0x3;
	[smem:$0x7F7] =	sst s12  }
0x4d: {  	[smem:$0x7F8] =	sst s21;
	s12 =	sadd.s32 $0x1B6E0, s22;
	s21 =	simm.s32 $0xC4  }
0x4e: {  	s13 =	sshra.s32 s20, $0x2;
	[smem:$0x7F9] =	sst s12;
	s26 =	sshra.s32 s23, $0x2  }
0x4f: {  	s22 =	simm.s32 $0x0;
	s24 =	sadd.s32 $0x1B6E0, s13;
	[smem:$0x7FC] =	sst s26  }
0x50: {  	v0 =	vimm.f32 $0.0e+00;
	v1 =	vimm.f32 $5.000000000e-01;
	s20 =	simm.s32 $0x4;
	s13 =	simm.s32 $0x19F70;
	[smem:$0x7FA] =	sst s24  }
.LBB2_1:
0x51: {  	s12 =	sld [smem:$0x7FB];
	_ =	sdelay $0x2  }
0x52: {  	[spmem:s2], [sflag:s10] =	dma.local [hbm:s12], $0x310  }
0x53: {  	_ =	swait.ge [sflag:s8], $0x310  }
0x54: {  	[sflag:s8] =	ssyncset.done $0x0  }
0x55: {  	s26 =	rddreg [dreg:$0x4];
	[sflag:s8] =	ssyncadd.s32 $0xFFFFFCF0  }
0x56: {  	[tilespmem:s4], [sflag:$0x7] =	stream.linear.gather [hbm4b:s26+s4], $0x18800, $0x38;
	[tilespmem:$0x1F460] =	vst v63  }
0x57: {  	_ =	swait.ge [sflag:s8], $0x18800  }
0x58: {  	[sflag:s8] =	ssyncset.done $0x0  }
0x59: {  	s23 =	simm.s32 $0x1B6E0;
	s28 =	rddreg [dreg:$0x5];
	[sflag:s8] =	ssyncadd.s32 $0xFFFE7800  }
0x5a: {  	[tilespmem:s23], [sflag:$0x7] =	stream.linear.gather [hbm4b:s28+s4], $0xC80, $0x38;
	[tilespmem:$0x1F460] =	vst v63  }
0x5b: {  	_ =	swait.ge [sflag:s8], $0xC80  }
0x5c: {  	[sflag:s8] =	ssyncset.done $0x0  }
0x5d: {  	s24 =	sshrl.u32 s11, $0x3;
	s25 =	rddreg [dreg:$0x6];
	[sflag:s8] =	ssyncadd.s32 $0xFFFFF380  }
0x5e: {  	[spmem:s24], [sflag:s10] =	dma.local [hbm:s25], $0x310  }
0x5f: {  	_ =	swait.ge [sflag:s8], $0x310  }
0x60: {  	[sflag:s8] =	ssyncset.done $0x0  }
0x61: {  	[sflag:s8] =	ssyncadd.s32 $0xFFFFFCF0  }
0x62: {  	[bflag:$0x0] =	sbarrier.arrive $0xFFFF  }
0x63: {  	s23 =	simm.s32 $0x18800;
	s26 =	rddreg [dreg:$0x7]  }
0x64: {  	[tilespmem:s23], [sflag:$0x1] =	stream.linear.gather [hbm4b:s26+s4], $0x7D0, $0x38;
	[tilespmem:$0x1F460] =	vst v63  }
0x65: {  	s24 =	simm.s32 $0x197A0;
	s28 =	rddreg [dreg:$0x8]  }
0x66: {  	[tilespmem:s24], [sflag:$0x3] =	stream.linear.gather [hbm4b:s28+s4], $0x7D0, $0x38;
	[tilespmem:$0x1F460] =	vst v63  }
0x67: {  	s25 =	rddreg [dreg:$0x9]  }
0x68: {  	[tilespmem:s13], [sflag:$0x4] =	stream.linear.gather [hbm4b:s25+s4], $0x7D0, $0x38;
	[tilespmem:$0x1F460] =	vst v63  }
0x69: {  	_ =	swait.ge [sflag:s14], $0x7D0  }
0x6a: {  	[sflag:s14] =	ssyncset.done $0x0  }
0x6b: {  	s26 =	simm.s32 $0x1A740;
	[sflag:s14] =	ssyncadd.s32 $0xFFFFF830  }
0x6c: {  	[tilespmem:s26], [sflag:$0x5] =	stream.indirect.gather [spmem:s1], $0x1, s23, s7, $0xb8;
	[tilespmem:$0x1F460] =	vst v63  }
0x6d: {  	s28 =	rddreg [dreg:$0xa];
	s23 =	simm.s32 $0x0  }
0x6e: {  	[tilespmem:s15], [sflag:$0x2] =	stream.linear.gather [hbm4b:s28+s4], $0x7D0, $0x38;
	[tilespmem:$0x1F460] =	vst v63  }
.LBB2_2:
0x6f: {  	_ =	swait.ge [sflag:s16], $0x7D0;
	s12 =	sshll.u32 s23, $0x1  }
0x70: {  	p0 =	seq.s32 s23, $0x31;
	[sflag:s16] =	ssyncset.done $0x0;
	s24 =	sadd.s32 $0x2, s12  }
0x71: {  	[sflag:s16] =	ssyncadd.s32 $0xFFFFF830;
	s12 =	smul.u32 @!p0 $0x7D0, s24  }
0x72: {  	_ =	swait.ge [sflag:s17], $0x7D0  }
0x73: {  	[sflag:s17] =	ssyncset.done $0x0;
	s12 =	sadd.s32 @!p0 s9, s12  }
0x74: {  	[sflag:s17] =	ssyncadd.s32 $0xFFFFF830;
	s12 =	sshrl.u32 @!p0 s12, $0x3  }
0x75: {  	[tilespmem:s18], [sflag:$0x6] =	stream.indirect.gather [spmem:s1], $0x1, s15, s7, $0xb8;
	[tilespmem:$0x1F460] =	vst v63  }
0x76: {  	s25 =	simm.s32 @!p0 $0x0;
	s26 =	simm.s32 @!p0 $0x18800;
	s12 =	sadd.s32 @!p0 s5, s12  }
0x77: {  	[tilespmem:s26], [sflag:$0x1] =	stream.linear.gather @!p0 [hbm4b:s12+s25], $0x7D0, $0x38;
	[tilespmem:$0x1F460] =	vst v63  }
0x78: {  	_ =	swait.ge [sflag:s19], $0x7D0  }
0x79: {  	s25 =	simm.s32 $0xFFFFFFF6;
	[sflag:s19] =	ssyncset.done $0x0  }
0x7a: {  	s26 =	simm.s32 $0x197F0;
	s12 =	simm.s32 $0x1A790;
	[sflag:s19] =	ssyncadd.s32 $0xFFFFF830  }
.LBB2_3:
0x7b: {  	v2 =	vld [tilespmem:s26+$0xFFFFFFB0];
	_ =	sdelay $0x2  }
0x7c: {  	v3 =	vld [tilespmem:s12+$0xFFFFFFB0];
	_ =	sdelay $0x4  }
0x7d: {  	[tilespmem:v2+s4+$0x0] =	vst.idx.add.f32.msk $0xffff, v3  }
0x7e: {  	v2 =	vld [tilespmem:s26+$0xFFFFFFC0];
	_ =	sdelay $0x2  }
0x7f: {  	v3 =	vld [tilespmem:s12+$0xFFFFFFC0];
	_ =	sdelay $0x4  }
0x80: {  	[tilespmem:v2+s4+$0x0] =	vst.idx.add.f32.msk $0xffff, v3  }
0x81: {  	v2 =	vld [tilespmem:s26+$0xFFFFFFD0];
	_ =	sdelay $0x2  }
0x82: {  	v3 =	vld [tilespmem:s12+$0xFFFFFFD0];
	_ =	sdelay $0x4  }
0x83: {  	[tilespmem:v2+s4+$0x0] =	vst.idx.add.f32.msk $0xffff, v3  }
0x84: {  	v2 =	vld [tilespmem:s26+$0xFFFFFFE0];
	_ =	sdelay $0x2  }
0x85: {  	v3 =	vld [tilespmem:s12+$0xFFFFFFE0];
	_ =	sdelay $0x4  }
0x86: {  	[tilespmem:v2+s4+$0x0] =	vst.idx.add.f32.msk $0xffff, v3  }
0x87: {  	v2 =	vld [tilespmem:s26+$0xFFFFFFF0];
	_ =	sdelay $0x2  }
0x88: {  	v3 =	vld [tilespmem:s12+$0xFFFFFFF0];
	_ =	sdelay $0x4  }
0x89: {  	[tilespmem:v2+s4+$0x0] =	vst.idx.add.f32.msk $0xffff, v3  }
0x8a: {  	v2 =	vld [tilespmem:s26+$0x0];
	_ =	sdelay $0x2  }
0x8b: {  	v3 =	vld [tilespmem:s12+$0x0];
	_ =	sdelay $0x4  }
0x8c: {  	[tilespmem:v2+s4+$0x0] =	vst.idx.add.f32.msk $0xffff, v3  }
0x8d: {  	v2 =	vld [tilespmem:s26+$0x10];
	_ =	sdelay $0x2  }
0x8e: {  	v3 =	vld [tilespmem:s12+$0x10];
	_ =	sdelay $0x4  }
0x8f: {  	[tilespmem:v2+s4+$0x0] =	vst.idx.add.f32.msk $0xffff, v3  }
0x90: {  	v2 =	vld [tilespmem:s26+$0x20];
	_ =	sdelay $0x2  }
0x91: {  	v3 =	vld [tilespmem:s12+$0x20];
	_ =	sdelay $0x4  }
0x92: {  	[tilespmem:v2+s4+$0x0] =	vst.idx.add.f32.msk $0xffff, v3  }
0x93: {  	v2 =	vld [tilespmem:s26+$0x30];
	_ =	sdelay $0x2  }
0x94: {  	v3 =	vld [tilespmem:s12+$0x30];
	_ =	sdelay $0x4  }
0x95: {  	[tilespmem:v2+s4+$0x0] =	vst.idx.add.f32.msk $0xffff, v3  }
0x96: {  	v2 =	vld [tilespmem:s26+$0x40];
	_ =	sdelay $0x1  }
0x97: {  	s25 =	sadd.s32 $0xA, s25  }
0x98: {  	p1 =	slt.u32 s25, $0x6E;
	v3 =	vld [tilespmem:s12+$0x40]  }
.Ltmp0:
0x99: {  	_ = 	snop;
	(pc) =	sbr.rel @p1 .LBB2_3-.Ltmp0, $2  }
0x9a: {  	_ =	sdelay $0x2  }
0x9b: {  	s26 =	sadd.s32 $0xA0, s26;
	s12 =	sadd.s32 $0xA0, s12;
	[tilespmem:v2+s4+$0x0] =	vst.idx.add.f32.msk $0xffff, v3  }
0x9c: {  	v2 =	vld [tilespmem:$0x19F20];
	_ =	sdelay $0x2  }
0x9d: {  	v3 =	vld [tilespmem:$0x1AEC0];
	_ =	sdelay $0x4  }
0x9e: {  	[tilespmem:v2+s4+$0x0] =	vst.idx.add.f32.msk $0xffff, v3  }
0x9f: {  	v2 =	vld [tilespmem:$0x19F30];
	_ =	sdelay $0x2  }
0xa0: {  	v3 =	vld [tilespmem:$0x1AED0];
	_ =	sdelay $0x4  }
0xa1: {  	[tilespmem:v2+s4+$0x0] =	vst.idx.add.f32.msk $0xffff, v3  }
0xa2: {  	v2 =	vld [tilespmem:$0x19F40];
	_ =	sdelay $0x2  }
0xa3: {  	v3 =	vld [tilespmem:$0x1AEE0];
	_ =	sdelay $0x4  }
0xa4: {  	[tilespmem:v2+s4+$0x0] =	vst.idx.add.f32.msk $0xffff, v3  }
0xa5: {  	v2 =	vld [tilespmem:$0x19F50];
	_ =	sdelay $0x2  }
0xa6: {  	v3 =	vld [tilespmem:$0x1AEF0];
	_ =	sdelay $0x4  }
0xa7: {  	[tilespmem:v2+s4+$0x0] =	vst.idx.add.f32.msk $0xffff, v3  }
0xa8: {  	v2 =	vld [tilespmem:$0x19F60];
	_ =	sdelay $0x2  }
0xa9: {  	p1 =	sne.s32 s23, $0x31;
	v3 =	vld [tilespmem:$0x1AF00]  }
0xaa: {  	s12 =	smul.u32 @p1 $0x7D0, s24;
	_ =	sdelay $0x1  }
0xab: {  	s12 =	sadd.s32 @p1 s9, s12  }
0xac: {  	s12 =	sshrl.u32 @p1 s12, $0x3  }
0xad: {  	s25 =	simm.s32 @p1 $0x0;
	s24 =	simm.s32 @p1 $0x197A0;
	s12 =	sadd.s32 @p1 s6, s12;
	[tilespmem:v2+s4+$0x0] =	vst.idx.add.f32.msk $0xffff, v3  }
0xae: {  	[tilespmem:s24], [sflag:$0x3] =	stream.linear.gather @p1 [hbm4b:s12+s25], $0x7D0, $0x38;
	[tilespmem:$0x1F460] =	vst v63  }
0xaf: {  	s12 =	simm.s32 @p1 $0x6  }
0xb0: {  	_ =	swait.ge @p1 [sflag:s12], $0x7D0  }
0xb1: {  	[sflag:s12] =	ssyncset.done @p1 $0x0  }
0xb2: {  	[sflag:s12] =	ssyncadd.s32 @p1 $0xFFFFF830;
	s12 =	simm.s32 @p1 $0x1  }
0xb3: {  	_ =	swait.ge @p1 [sflag:s12], $0x7D0  }
0xb4: {  	s26 =	simm.s32 @p1 $0x1A740;
	s28 =	smul.u32 @p1 $0xFA0, s23;
	[sflag:s12] =	ssyncset.done @p1 $0x0  }
0xb5: {  	s24 =	simm.s32 @p1 $0x18800;
	[sflag:s12] =	ssyncadd.s32 @p1 $0xFFFFF830;
	s12 =	simm.s32 @p1 $0x7D0  }
0xb6: {  	[tilespmem:s26], [sflag:$0x5] =	stream.indirect.gather @p1 [spmem:s1], $0x1, s24, s12, $0xb8;
	[tilespmem:$0x1F460] =	vst v63  }
0xb7: {  	s24 =	sadd.s32 @p1 $0x1770, s28  }
0xb8: {  	s12 =	sadd.s32 @p1 s9, s24  }
0xb9: {  	s12 =	sshrl.u32 @p1 s12, $0x3  }
0xba: {  	s26 =	simm.s32 @p1 $0x18FD0;
	s12 =	sadd.s32 @p1 s5, s12  }
0xbb: {  	[tilespmem:s26], [sflag:$0x2] =	stream.linear.gather @p1 [hbm4b:s12+s25], $0x7D0, $0x38;
	[tilespmem:$0x1F460] =	vst v63  }
0xbc: {  	s12 =	simm.s32 @!p1 $0x6  }
0xbd: {  	_ =	swait.ge @!p1 [sflag:s12], $0x7D0  }
0xbe: {  	[sflag:s12] =	ssyncset.done @!p1 $0x0  }
0xbf: {  	[sflag:s12] =	ssyncadd.s32 @!p1 $0xFFFFF830  }
0xc0: {  	_ =	swait.ge [sflag:s20], $0x7D0  }
0xc1: {  	s24 =	simm.s32 @!p1 $0x31510;
	s25 =	simm.s32 $0xFFFFFFF6;
	[sflag:s20] =	ssyncset.done $0x0  }
0xc2: {  	s26 =	simm.s32 $0x19FC0;
	s12 =	simm.s32 $0x1AF60;
	[sflag:s20] =	ssyncadd.s32 $0xFFFFF830  }
.LBB2_5:
0xc3: {  	v2 =	vld [tilespmem:s26+$0xFFFFFFB0];
	_ =	sdelay $0x2  }
0xc4: {  	v3 =	vld [tilespmem:s12+$0xFFFFFFB0];
	_ =	sdelay $0x4  }
0xc5: {  	[tilespmem:v2+s4+$0x0] =	vst.idx.add.f32.msk $0xffff, v3  }
0xc6: {  	v2 =	vld [tilespmem:s26+$0xFFFFFFC0];
	_ =	sdelay $0x2  }
0xc7: {  	v3 =	vld [tilespmem:s12+$0xFFFFFFC0];
	_ =	sdelay $0x4  }
0xc8: {  	[tilespmem:v2+s4+$0x0] =	vst.idx.add.f32.msk $0xffff, v3  }
0xc9: {  	v2 =	vld [tilespmem:s26+$0xFFFFFFD0];
	_ =	sdelay $0x2  }
0xca: {  	v3 =	vld [tilespmem:s12+$0xFFFFFFD0];
	_ =	sdelay $0x4  }
0xcb: {  	[tilespmem:v2+s4+$0x0] =	vst.idx.add.f32.msk $0xffff, v3  }
0xcc: {  	v2 =	vld [tilespmem:s26+$0xFFFFFFE0];
	_ =	sdelay $0x2  }
0xcd: {  	v3 =	vld [tilespmem:s12+$0xFFFFFFE0];
	_ =	sdelay $0x4  }
0xce: {  	[tilespmem:v2+s4+$0x0] =	vst.idx.add.f32.msk $0xffff, v3  }
0xcf: {  	v2 =	vld [tilespmem:s26+$0xFFFFFFF0];
	_ =	sdelay $0x2  }
0xd0: {  	v3 =	vld [tilespmem:s12+$0xFFFFFFF0];
	_ =	sdelay $0x4  }
0xd1: {  	[tilespmem:v2+s4+$0x0] =	vst.idx.add.f32.msk $0xffff, v3  }
0xd2: {  	v2 =	vld [tilespmem:s26+$0x0];
	_ =	sdelay $0x2  }
0xd3: {  	v3 =	vld [tilespmem:s12+$0x0];
	_ =	sdelay $0x4  }
0xd4: {  	[tilespmem:v2+s4+$0x0] =	vst.idx.add.f32.msk $0xffff, v3  }
0xd5: {  	v2 =	vld [tilespmem:s26+$0x10];
	_ =	sdelay $0x2  }
0xd6: {  	v3 =	vld [tilespmem:s12+$0x10];
	_ =	sdelay $0x4  }
0xd7: {  	[tilespmem:v2+s4+$0x0] =	vst.idx.add.f32.msk $0xffff, v3  }
0xd8: {  	v2 =	vld [tilespmem:s26+$0x20];
	_ =	sdelay $0x2  }
0xd9: {  	v3 =	vld [tilespmem:s12+$0x20];
	_ =	sdelay $0x4  }
0xda: {  	[tilespmem:v2+s4+$0x0] =	vst.idx.add.f32.msk $0xffff, v3  }
0xdb: {  	v2 =	vld [tilespmem:s26+$0x30];
	_ =	sdelay $0x2  }
0xdc: {  	v3 =	vld [tilespmem:s12+$0x30];
	_ =	sdelay $0x4  }
0xdd: {  	[tilespmem:v2+s4+$0x0] =	vst.idx.add.f32.msk $0xffff, v3  }
0xde: {  	v2 =	vld [tilespmem:s26+$0x40];
	_ =	sdelay $0x1  }
0xdf: {  	s25 =	sadd.s32 $0xA, s25  }
0xe0: {  	p1 =	slt.u32 s25, $0x6E;
	v3 =	vld [tilespmem:s12+$0x40]  }
.Ltmp1:
0xe1: {  	_ = 	snop;
	(pc) =	sbr.rel @p1 .LBB2_5-.Ltmp1, $2  }
0xe2: {  	_ =	sdelay $0x2  }
0xe3: {  	s26 =	sadd.s32 $0xA0, s26;
	s12 =	sadd.s32 $0xA0, s12;
	[tilespmem:v2+s4+$0x0] =	vst.idx.add.f32.msk $0xffff, v3  }
0xe4: {  	v2 =	vld [tilespmem:$0x1A6F0];
	_ =	sdelay $0x2  }
0xe5: {  	v3 =	vld [tilespmem:$0x1B690];
	_ =	sdelay $0x4  }
0xe6: {  	[tilespmem:v2+s4+$0x0] =	vst.idx.add.f32.msk $0xffff, v3  }
0xe7: {  	v2 =	vld [tilespmem:$0x1A700];
	_ =	sdelay $0x2  }
0xe8: {  	v3 =	vld [tilespmem:$0x1B6A0];
	_ =	sdelay $0x4  }
0xe9: {  	[tilespmem:v2+s4+$0x0] =	vst.idx.add.f32.msk $0xffff, v3  }
0xea: {  	v2 =	vld [tilespmem:$0x1A710];
	_ =	sdelay $0x2  }
0xeb: {  	v3 =	vld [tilespmem:$0x1B6B0];
	_ =	sdelay $0x4  }
0xec: {  	[tilespmem:v2+s4+$0x0] =	vst.idx.add.f32.msk $0xffff, v3  }
0xed: {  	v2 =	vld [tilespmem:$0x1A720];
	_ =	sdelay $0x2  }
0xee: {  	v3 =	vld [tilespmem:$0x1B6C0];
	_ =	sdelay $0x4  }
0xef: {  	[tilespmem:v2+s4+$0x0] =	vst.idx.add.f32.msk $0xffff, v3  }
0xf0: {  	v2 =	vld [tilespmem:$0x1A730];
	_ =	sdelay $0x2  }
0xf1: {  	v3 =	vld [tilespmem:$0x1B6D0]  }
.Ltmp2:
0xf2: {  	_ = 	snop;
	(pc) =	sbr.rel @p0 .LBB2_8-.Ltmp2, $2  }
0xf3: {  	_ =	sdelay $0x2  }
0xf4: {  	[tilespmem:v2+s4+$0x0] =	vst.idx.add.f32.msk $0xffff, v3  }
.Ltmp3:
0xf5: {  	(pc) =	sbr.rel .LBB2_2-.Ltmp3, $4  }
0xf6: {  	s12 =	sadd.s32 s9, s24  }
0xf7: {  	s12 =	sshrl.u32 s12, $0x3  }
0xf8: {  	s23 =	sadd.s32 $0x1, s23;
	s12 =	sadd.s32 s6, s12  }
0xf9: {  	[tilespmem:s13], [sflag:$0x4] =	stream.linear.gather [hbm4b:s12+s4], $0x7D0, $0x38;
	[tilespmem:$0x1F460] =	vst v63  }
.LBB2_8:
0xfa: {  	[bflag:$0x0] =	sbarrier.arrive $0xFFFF  }
0xfb: {  	s12 =	rddreg [dreg:$0xb]  }
0xfc: {  	s23 =	rddreg [dreg:$0xc]  }
0xfd: {  	[spmem:s3] =	stream.indirect.scatter.add.f32 [tilespmem:s12], [sflag:$0x7], $0x20, s23, s21, $0xb8;
	[tilespmem:$0x1F460] =	vst v63  }
0xfe: {  	_ =	swait.ge [sflag:s8], $0x1880  }
0xff: {  	[sflag:s8] =	ssyncset.done $0x0;
	s24 =	rddreg [dreg:$0xd]  }
0x100: {  	s25 =	rddreg [dreg:$0xe];
	[sflag:s8] =	ssyncadd.s32 $0xFFFFE780  }
0x101: {  	[spmem:s3] =	stream.indirect.scatter.add.f32 [tilespmem:s24], [sflag:$0x7], $0x20, s25, s21, $0xb8;
	[tilespmem:$0x1F460] =	vst v63  }
0x102: {  	_ =	swait.ge [sflag:s8], $0x1880  }
0x103: {  	[sflag:s8] =	ssyncset.done $0x0;
	s26 =	rddreg [dreg:$0xf]  }
0x104: {  	s28 =	rddreg [dreg:$0x10];
	[sflag:s8] =	ssyncadd.s32 $0xFFFFE780  }
0x105: {  	[spmem:s3] =	stream.indirect.scatter.add.f32 [tilespmem:s26], [sflag:$0x7], $0x20, s28, s21, $0xb8;
	[tilespmem:$0x1F460] =	vst v63  }
0x106: {  	_ =	swait.ge [sflag:s8], $0x1880  }
0x107: {  	[sflag:s8] =	ssyncset.done $0x0;
	s24 =	rddreg [dreg:$0x11]  }
0x108: {  	s25 =	rddreg [dreg:$0x12];
	[sflag:s8] =	ssyncadd.s32 $0xFFFFE780  }
0x109: {  	[spmem:s3] =	stream.indirect.scatter.add.f32 [tilespmem:s24], [sflag:$0x7], $0x20, s25, s21, $0xb8;
	[tilespmem:$0x1F460] =	vst v63  }
0x10a: {  	_ =	swait.ge [sflag:s8], $0x1880  }
0x10b: {  	[sflag:s8] =	ssyncset.done $0x0;
	s26 =	rddreg [dreg:$0x13]  }
0x10c: {  	s28 =	rddreg [dreg:$0x14];
	[sflag:s8] =	ssyncadd.s32 $0xFFFFE780  }
0x10d: {  	[spmem:s3] =	stream.indirect.scatter.add.f32 [tilespmem:s26], [sflag:$0x7], $0x20, s28, s21, $0xb8;
	[tilespmem:$0x1F460] =	vst v63  }
0x10e: {  	_ =	swait.ge [sflag:s8], $0x1880  }
0x10f: {  	[sflag:s8] =	ssyncset.done $0x0;
	s24 =	rddreg [dreg:$0x15]  }
0x110: {  	s25 =	rddreg [dreg:$0x16];
	[sflag:s8] =	ssyncadd.s32 $0xFFFFE780  }
0x111: {  	[spmem:s3] =	stream.indirect.scatter.add.f32 [tilespmem:s24], [sflag:$0x7], $0x20, s25, s21, $0xb8;
	[tilespmem:$0x1F460] =	vst v63  }
0x112: {  	_ =	swait.ge [sflag:s8], $0x1880  }
0x113: {  	[sflag:s8] =	ssyncset.done $0x0;
	s26 =	rddreg [dreg:$0x17]  }
0x114: {  	s28 =	rddreg [dreg:$0x18];
	[sflag:s8] =	ssyncadd.s32 $0xFFFFE780  }
0x115: {  	[spmem:s3] =	stream.indirect.scatter.add.f32 [tilespmem:s26], [sflag:$0x7], $0x20, s28, s21, $0xb8;
	[tilespmem:$0x1F460] =	vst v63  }
0x116: {  	_ =	swait.ge [sflag:s8], $0x1880  }
0x117: {  	[sflag:s8] =	ssyncset.done $0x0;
	s24 =	rddreg [dreg:$0x19]  }
0x118: {  	s25 =	rddreg [dreg:$0x1a];
	[sflag:s8] =	ssyncadd.s32 $0xFFFFE780  }
0x119: {  	[spmem:s3] =	stream.indirect.scatter.add.f32 [tilespmem:s24], [sflag:$0x7], $0x20, s25, s21, $0xb8;
	[tilespmem:$0x1F460] =	vst v63  }
0x11a: {  	_ =	swait.ge [sflag:s8], $0x1880  }
0x11b: {  	[sflag:s8] =	ssyncset.done $0x0;
	s26 =	rddreg [dreg:$0x1b]  }
0x11c: {  	s28 =	rddreg [dreg:$0x1c];
	[sflag:s8] =	ssyncadd.s32 $0xFFFFE780  }
0x11d: {  	[spmem:s3] =	stream.indirect.scatter.add.f32 [tilespmem:s26], [sflag:$0x7], $0x20, s28, s21, $0xb8;
	[tilespmem:$0x1F460] =	vst v63  }
0x11e: {  	_ =	swait.ge [sflag:s8], $0x1880  }
0x11f: {  	[sflag:s8] =	ssyncset.done $0x0;
	s24 =	rddreg [dreg:$0x1d]  }
0x120: {  	s25 =	rddreg [dreg:$0x1e];
	[sflag:s8] =	ssyncadd.s32 $0xFFFFE780  }
0x121: {  	[spmem:s3] =	stream.indirect.scatter.add.f32 [tilespmem:s24], [sflag:$0x7], $0x20, s25, s21, $0xb8;
	[tilespmem:$0x1F460] =	vst v63  }
0x122: {  	_ =	swait.ge [sflag:s8], $0x1880  }
0x123: {  	s28 =	sld [smem:$0x7F1]  }
0x124: {  	[sflag:s8] =	ssyncset.done $0x0  }
0x125: {  	s26 =	rddreg [dreg:$0x1f];
	[sflag:s8] =	ssyncadd.s32 $0xFFFFE780  }
0x126: {  	[spmem:s3] =	stream.indirect.scatter.add.f32 [tilespmem:s26], [sflag:$0x7], $0x20, s28, s21, $0xb8;
	[tilespmem:$0x1F460] =	vst v63  }
0x127: {  	_ =	swait.ge [sflag:s8], $0x1880  }
0x128: {  	s24 =	sld [smem:$0x7F2]  }
0x129: {  	s25 =	sld [smem:$0x7F3]  }
0x12a: {  	[sflag:s8] =	ssyncset.done $0x0  }
0x12b: {  	[sflag:s8] =	ssyncadd.s32 $0xFFFFE780  }
0x12c: {  	[spmem:s3] =	stream.indirect.scatter.add.f32 [tilespmem:s24], [sflag:$0x7], $0x20, s25, s21, $0xb8;
	[tilespmem:$0x1F460] =	vst v63  }
0x12d: {  	_ =	swait.ge [sflag:s8], $0x1880  }
0x12e: {  	s26 =	sld [smem:$0x7F4]  }
0x12f: {  	s28 =	sld [smem:$0x7F5]  }
0x130: {  	[sflag:s8] =	ssyncset.done $0x0  }
0x131: {  	[sflag:s8] =	ssyncadd.s32 $0xFFFFE780  }
0x132: {  	[spmem:s3] =	stream.indirect.scatter.add.f32 [tilespmem:s26], [sflag:$0x7], $0x20, s28, s21, $0xb8;
	[tilespmem:$0x1F460] =	vst v63  }
0x133: {  	_ =	swait.ge [sflag:s8], $0x1880  }
0x134: {  	s24 =	sld [smem:$0x7F6]  }
0x135: {  	s25 =	sld [smem:$0x7F7]  }
0x136: {  	[sflag:s8] =	ssyncset.done $0x0  }
0x137: {  	[sflag:s8] =	ssyncadd.s32 $0xFFFFE780  }
0x138: {  	[spmem:s3] =	stream.indirect.scatter.add.f32 [tilespmem:s24], [sflag:$0x7], $0x20, s25, s21, $0xb8;
	[tilespmem:$0x1F460] =	vst v63  }
0x139: {  	_ =	swait.ge [sflag:s8], $0x1880  }
0x13a: {  	s26 =	sld [smem:$0x7F8]  }
0x13b: {  	s28 =	sld [smem:$0x7F9]  }
0x13c: {  	[sflag:s8] =	ssyncset.done $0x0  }
0x13d: {  	[sflag:s8] =	ssyncadd.s32 $0xFFFFE780  }
0x13e: {  	[spmem:s3] =	stream.indirect.scatter.add.f32 [tilespmem:s26], [sflag:$0x7], $0x20, s28, s21, $0xb8;
	[tilespmem:$0x1F460] =	vst v63  }
0x13f: {  	_ =	swait.ge [sflag:s8], $0x1880  }
0x140: {  	s24 =	sld [smem:$0x7FA]  }
0x141: {  	s25 =	sld [smem:$0x7FC]  }
0x142: {  	[sflag:s8] =	ssyncset.done $0x0  }
0x143: {  	[sflag:s8] =	ssyncadd.s32 $0xFFFFE780  }
0x144: {  	[spmem:s3] =	stream.indirect.scatter.add.f32 [tilespmem:s25], [sflag:$0x7], $0x20, s24, s21, $0xb8;
	[tilespmem:$0x1F460] =	vst v63  }
0x145: {  	_ =	swait.ge [sflag:s8], $0x1880  }
0x146: {  	[sflag:s8] =	ssyncset.done $0x0  }
0x147: {  	[sflag:s8] =	ssyncadd.s32 $0xFFFFE780  }
0x148: {  	[bflag:$0x0] =	sbarrier.arrive $0xFFFF  }
0x149: {  	[tilespmem:$0x0] =	vst v0  }
0x14a: {  	[tilespmem:$0x10] =	vst v0  }
0x14b: {  	[tilespmem:$0x20] =	vst v0  }
0x14c: {  	[tilespmem:$0x30] =	vst v0  }
0x14d: {  	[tilespmem:$0x40] =	vst v0  }
0x14e: {  	[tilespmem:$0x50] =	vst v0  }
0x14f: {  	[tilespmem:$0x60] =	vst v0  }
0x150: {  	[tilespmem:$0x70] =	vst v0  }
0x151: {  	[tilespmem:$0x80] =	vst v0  }
0x152: {  	[tilespmem:$0x90] =	vst v0  }
0x153: {  	[tilespmem:$0xA0] =	vst v0  }
0x154: {  	[tilespmem:$0xB0] =	vst v0  }
0x155: {  	[tilespmem:$0xC0] =	vst v0  }
0x156: {  	[tilespmem:$0xD0] =	vst v0  }
0x157: {  	[tilespmem:$0xE0] =	vst v0  }
0x158: {  	[tilespmem:$0xF0] =	vst v0  }
0x159: {  	[tilespmem:$0x100] =	vst v0  }
0x15a: {  	[tilespmem:$0x110] =	vst v0  }
0x15b: {  	[tilespmem:$0x120] =	vst v0  }
0x15c: {  	[tilespmem:$0x130] =	vst v0  }
0x15d: {  	[tilespmem:$0x140] =	vst v0  }
0x15e: {  	[tilespmem:$0x150] =	vst v0  }
0x15f: {  	[tilespmem:$0x160] =	vst v0  }
0x160: {  	[tilespmem:$0x170] =	vst v0  }
0x161: {  	[tilespmem:$0x180] =	vst v0  }
0x162: {  	[tilespmem:$0x190] =	vst v0  }
0x163: {  	[tilespmem:$0x1A0] =	vst v0  }
0x164: {  	[tilespmem:$0x1B0] =	vst v0  }
0x165: {  	[tilespmem:$0x1C0] =	vst v0  }
0x166: {  	[tilespmem:$0x1D0] =	vst v0  }
0x167: {  	[tilespmem:$0x1E0] =	vst v0  }
0x168: {  	[tilespmem:$0x1F0] =	vst v0  }
0x169: {  	[tilespmem:$0x200] =	vst v0  }
0x16a: {  	[tilespmem:$0x210] =	vst v0  }
0x16b: {  	[tilespmem:$0x220] =	vst v0  }
0x16c: {  	[tilespmem:$0x230] =	vst v0  }
0x16d: {  	[tilespmem:$0x240] =	vst v0  }
0x16e: {  	[tilespmem:$0x250] =	vst v0  }
0x16f: {  	[tilespmem:$0x260] =	vst v0  }
0x170: {  	[tilespmem:$0x270] =	vst v0  }
0x171: {  	[tilespmem:$0x280] =	vst v0  }
0x172: {  	[tilespmem:$0x290] =	vst v0  }
0x173: {  	[tilespmem:$0x2A0] =	vst v0  }
0x174: {  	[tilespmem:$0x2B0] =	vst v0  }
0x175: {  	[tilespmem:$0x2C0] =	vst v0  }
0x176: {  	[tilespmem:$0x2D0] =	vst v0  }
0x177: {  	[tilespmem:$0x2E0] =	vst v0  }
0x178: {  	[tilespmem:$0x2F0] =	vst v0  }
0x179: {  	[tilespmem:$0x300] =	vst v0  }
0x17a: {  	[tilespmem:$0x310] =	vst v0  }
0x17b: {  	[tilespmem:$0x320] =	vst v0  }
0x17c: {  	[tilespmem:$0x330] =	vst v0  }
0x17d: {  	[tilespmem:$0x340] =	vst v0  }
0x17e: {  	[tilespmem:$0x350] =	vst v0  }
0x17f: {  	[tilespmem:$0x360] =	vst v0  }
0x180: {  	[tilespmem:$0x370] =	vst v0  }
0x181: {  	[tilespmem:$0x380] =	vst v0  }
0x182: {  	[tilespmem:$0x390] =	vst v0  }
0x183: {  	[tilespmem:$0x3A0] =	vst v0  }
0x184: {  	[tilespmem:$0x3B0] =	vst v0  }
0x185: {  	[tilespmem:$0x3C0] =	vst v0  }
0x186: {  	[tilespmem:$0x3D0] =	vst v0  }
0x187: {  	[tilespmem:$0x3E0] =	vst v0  }
0x188: {  	[tilespmem:$0x3F0] =	vst v0  }
0x189: {  	[tilespmem:$0x400] =	vst v0  }
0x18a: {  	[tilespmem:$0x410] =	vst v0  }
0x18b: {  	[tilespmem:$0x420] =	vst v0  }
0x18c: {  	[tilespmem:$0x430] =	vst v0  }
0x18d: {  	[tilespmem:$0x440] =	vst v0  }
0x18e: {  	[tilespmem:$0x450] =	vst v0  }
0x18f: {  	[tilespmem:$0x460] =	vst v0  }
0x190: {  	[tilespmem:$0x470] =	vst v0  }
0x191: {  	[tilespmem:$0x480] =	vst v0  }
0x192: {  	[tilespmem:$0x490] =	vst v0  }
0x193: {  	[tilespmem:$0x4A0] =	vst v0  }
0x194: {  	[tilespmem:$0x4B0] =	vst v0  }
0x195: {  	[tilespmem:$0x4C0] =	vst v0  }
0x196: {  	[tilespmem:$0x4D0] =	vst v0  }
0x197: {  	[tilespmem:$0x4E0] =	vst v0  }
0x198: {  	[tilespmem:$0x4F0] =	vst v0  }
0x199: {  	[tilespmem:$0x500] =	vst v0  }
0x19a: {  	[tilespmem:$0x510] =	vst v0  }
0x19b: {  	[tilespmem:$0x520] =	vst v0  }
0x19c: {  	[tilespmem:$0x530] =	vst v0  }
0x19d: {  	[tilespmem:$0x540] =	vst v0  }
0x19e: {  	[tilespmem:$0x550] =	vst v0  }
0x19f: {  	[tilespmem:$0x560] =	vst v0  }
0x1a0: {  	[tilespmem:$0x570] =	vst v0  }
0x1a1: {  	[tilespmem:$0x580] =	vst v0  }
0x1a2: {  	[tilespmem:$0x590] =	vst v0  }
0x1a3: {  	[tilespmem:$0x5A0] =	vst v0  }
0x1a4: {  	[tilespmem:$0x5B0] =	vst v0  }
0x1a5: {  	[tilespmem:$0x5C0] =	vst v0  }
0x1a6: {  	[tilespmem:$0x5D0] =	vst v0  }
0x1a7: {  	[tilespmem:$0x5E0] =	vst v0  }
0x1a8: {  	[tilespmem:$0x5F0] =	vst v0  }
0x1a9: {  	[tilespmem:$0x600] =	vst v0  }
0x1aa: {  	[tilespmem:$0x610] =	vst v0  }
0x1ab: {  	[tilespmem:$0x620] =	vst v0  }
0x1ac: {  	[tilespmem:$0x630] =	vst v0  }
0x1ad: {  	[tilespmem:$0x640] =	vst v0  }
0x1ae: {  	[tilespmem:$0x650] =	vst v0  }
0x1af: {  	[tilespmem:$0x660] =	vst v0  }
0x1b0: {  	[tilespmem:$0x670] =	vst v0  }
0x1b1: {  	[tilespmem:$0x680] =	vst v0  }
0x1b2: {  	[tilespmem:$0x690] =	vst v0  }
0x1b3: {  	[tilespmem:$0x6A0] =	vst v0  }
0x1b4: {  	[tilespmem:$0x6B0] =	vst v0  }
0x1b5: {  	[tilespmem:$0x6C0] =	vst v0  }
0x1b6: {  	[tilespmem:$0x6D0] =	vst v0  }
0x1b7: {  	[tilespmem:$0x6E0] =	vst v0  }
0x1b8: {  	[tilespmem:$0x6F0] =	vst v0  }
0x1b9: {  	[tilespmem:$0x700] =	vst v0  }
0x1ba: {  	[tilespmem:$0x710] =	vst v0  }
0x1bb: {  	[tilespmem:$0x720] =	vst v0  }
0x1bc: {  	[tilespmem:$0x730] =	vst v0  }
0x1bd: {  	[tilespmem:$0x740] =	vst v0  }
0x1be: {  	[tilespmem:$0x750] =	vst v0  }
0x1bf: {  	[tilespmem:$0x760] =	vst v0  }
0x1c0: {  	[tilespmem:$0x770] =	vst v0  }
0x1c1: {  	[tilespmem:$0x780] =	vst v0  }
0x1c2: {  	[tilespmem:$0x790] =	vst v0  }
0x1c3: {  	[tilespmem:$0x7A0] =	vst v0  }
0x1c4: {  	[tilespmem:$0x7B0] =	vst v0  }
0x1c5: {  	[tilespmem:$0x7C0] =	vst v0  }
0x1c6: {  	[tilespmem:$0x7D0] =	vst v0  }
0x1c7: {  	[tilespmem:$0x7E0] =	vst v0  }
0x1c8: {  	s26 =	simm.s32 $0x800;
	[tilespmem:$0x7F0] =	vst v0  }
0x1c9: {  	[tilespmem:s26], [sflag:$0x7] =	stream.linear.gather [spmem:s11], $0x1880, $0x38;
	[tilespmem:$0x1F460] =	vst v63  }
0x1ca: {  	_ =	swait.ge [sflag:s8], $0x1880  }
0x1cb: {  	s28 =	sld [smem:$0x7FD]  }
0x1cc: {  	[sflag:s8] =	ssyncset.done $0x0  }
0x1cd: {  	s12 =	simm.s32 $0x0;
	s24 =	simm.s32 $0x2080;
	[sflag:s8] =	ssyncadd.s32 $0xFFFFE780  }
0x1ce: {  	[tilespmem:s24], [sflag:$0x7] =	stream.linear.gather [hbm4b:s28+s12], $0x1880, $0x38;
	[tilespmem:$0x1F460] =	vst v63  }
0x1cf: {  	_ =	swait.ge [sflag:s8], $0x1880  }
0x1d0: {  	[sflag:s8] =	ssyncset.done $0x0  }
0x1d1: {  	s25 =	simm.s32 $0x3900;
	[sflag:s8] =	ssyncadd.s32 $0xFFFFE780  }
0x1d2: {  	[tilespmem:s25], [sflag:$0x7] =	stream.linear.gather [hbm4b:s29+s12], $0x1880, $0x38;
	[tilespmem:$0x1F460] =	vst v63  }
0x1d3: {  	_ =	swait.ge [sflag:s8], $0x1880  }
0x1d4: {  	[sflag:s8] =	ssyncset.done $0x0  }
0x1d5: {  	s26 =	simm.s32 $0x5180;
	[sflag:s8] =	ssyncadd.s32 $0xFFFFE780  }
0x1d6: {  	[tilespmem:s26], [sflag:$0x7] =	stream.linear.gather [hbm4b:s30+s12], $0x1880, $0x38;
	[tilespmem:$0x1F460] =	vst v63  }
0x1d7: {  	_ =	swait.ge [sflag:s8], $0x1880  }
0x1d8: {  	[sflag:s8] =	ssyncset.done $0x0  }
0x1d9: {  	s28 =	simm.s32 $0x0;
	[sflag:s8] =	ssyncadd.s32 $0xFFFFE780  }
0x1da: {  	v2 =	vld [tilespmem:s28+$0x5180]  }
0x1db: {  	v3 =	vld [tilespmem:s28+$0x800]  }
0x1dc: {  	v4 =	vld [tilespmem:s28+$0x2080];
	_ =	sdelay $0x1  }
0x1dd: {  	v5 =	vld [tilespmem:s28+$0x3900];
	_ =	sdelay $0x2  }
0x1de: {  	v3 =	vmul.f32 v4, v3;
	v4 =	vadd.s32 $0x400, v2;
	_ =	sdelay $0x1  }
0x1df: {  	v3 =	vadd.f32 v5, v3;
	_ =	sdelay $0x1  }
0x1e0: {  	[tilespmem:v2+s4+$0x0] =	vst.idx.add.f32.msk $0xffff, v3  }
0x1e1: {  	[tilespmem:v4+s4+$0x0] =	vst.idx.add.f32.msk $0xffff, v1  }
0x1e2: {  	v5 =	vld [tilespmem:s28+$0x810]  }
0x1e3: {  	v2 =	vld [tilespmem:s28+$0x5190]  }
0x1e4: {  	v6 =	vld [tilespmem:s28+$0x2090];
	_ =	sdelay $0x1  }
0x1e5: {  	v4 =	vld [tilespmem:s28+$0x3910];
	_ =	sdelay $0x2  }
0x1e6: {  	s23 =	simm.s32 $0x80;
	v3 =	vadd.s32 $0x400, v2;
	v5 =	vmul.f32 v6, v5  }
.LBB2_9:
0x1e7: {  	p0 =	sne.s32 s23, $0x6180;
	s12 =	smov.u32 s23;
	s23 =	sadd.s32 $0x80, s23  }
0x1e8: {  	v4 =	vadd.f32 v4, v5;
	_ =	sdelay $0x1  }
0x1e9: {  	[tilespmem:v2+s4+$0x0] =	vst.idx.add.f32.msk $0xffff, v4  }
0x1ea: {  	s12 =	sshra.s32 s12, $0x2;
	[tilespmem:v3+s4+$0x0] =	vst.idx.add.f32.msk $0xffff, v1  }
0x1eb: {  	v2 =	vld [tilespmem:s12+$0x5180]  }
0x1ec: {  	v3 =	vld [tilespmem:s12+$0x800]  }
0x1ed: {  	v4 =	vld [tilespmem:s12+$0x2080];
	_ =	sdelay $0x1  }
0x1ee: {  	v5 =	vld [tilespmem:s12+$0x3900];
	_ =	sdelay $0x2  }
0x1ef: {  	v3 =	vmul.f32 v4, v3;
	v4 =	vadd.s32 $0x400, v2;
	_ =	sdelay $0x1  }
0x1f0: {  	v3 =	vadd.f32 v5, v3;
	_ =	sdelay $0x1  }
0x1f1: {  	[tilespmem:v2+s4+$0x0] =	vst.idx.add.f32.msk $0xffff, v3  }
0x1f2: {  	[tilespmem:v4+s4+$0x0] =	vst.idx.add.f32.msk $0xffff, v1  }
0x1f3: {  	v5 =	vld [tilespmem:s12+$0x810]  }
0x1f4: {  	v2 =	vld [tilespmem:s12+$0x5190]  }
0x1f5: {  	v6 =	vld [tilespmem:s12+$0x2090]  }
.Ltmp4:
0x1f6: {  	v4 =	vld [tilespmem:s12+$0x3910];
	(pc) =	sbr.rel @p0 .LBB2_9-.Ltmp4, $3  }
0x1f7: {  	_ =	sdelay $0x1  }
0x1f8: {  	v3 =	vadd.s32 $0x400, v2  }
0x1f9: {  	v5 =	vmul.f32 v6, v5  }
0x1fa: {  	_ =	sdelay $0x1  }
0x1fb: {  	v4 =	vadd.f32 v4, v5  }
0x1fc: {  	s22 =	sadd.s32 $0x1, s22  }
0x1fd: {  	p0 =	sne.s32 s22, s0;
	[tilespmem:v2+s4+$0x0] =	vst.idx.add.f32.msk $0xffff, v4  }
.Ltmp5:
0x1fe: {  	[tilespmem:v3+s4+$0x0] =	vst.idx.add.f32.msk $0xffff, v1;
	(pc) =	sbr.rel @p0 .LBB2_1-.Ltmp5, $4  }
0x1ff: {  	[hbm4b:s31+s4] =	stream.linear.scatter [tilespmem:s4], [sflag:$0x7], $0x800, $0x38;
	[tilespmem:$0x1F460] =	vst v63  }
0x200: {  	_ =	swait.ge [sflag:s8], $0x800  }
0x201: {  	[sflag:s8] =	ssyncset.done $0x0  }
0x202: {  	[sflag:s8] =	ssyncadd.s32 $0xFFFFF800  }
0x203: {  	_ =	sfence.sel $0x180000  }
0x204: {  	[bflag:$0x0] =	sbarrier.arrive $0xFFFF  }
0x205: {  	_ =	strace $0x9000004A  }
0x206: {  	s0 =	stileid.u32;
	[bflag:$0x2] =	sbarrier.arrive $0xFFFF  }
0x207: {  	p0 =	sne.s32 s0, $0x0;
	s0 =	rddreg [dreg:$0x3]  }
0x208: {  	s0 =	sadd.s32 @!p0 $0x100000, s0  }
0x209: {  	[sflag:s0] =	ssyncadd.tile.s32 @!p0 $0x1;
	_ =	shalt  }
.Lfunc_end2:
_tile_overlayer_lowered:
.L_overlay_start_2:
0x20a: {  	(tag) =	ssettag $0x2  }
0x20b: {  	s0 =	rddreg [dreg:$0x0];
	s2 =	stileid.u32  }
0x20c: {  	s1 =	rddreg [dreg:$0x1];
	p0 =	sne.s32 s2, $0x0  }
0x20d: {  	s3 =	rddreg [dreg:$0x2];
	[bflag:$0x3] =	sbarrier.arrive $0xFFFF;
	s2 =	simm.s32 @!p0 $0x1C07  }
0x20e: {  	[timem:s3], [sflag:s2] =	dma.local @!p0 [hbm:s0], s1  }
0x20f: {  	s0 =	simm.s32 @!p0 $0x7  }
0x210: {  	_ =	swait.ge @!p0 [sflag:s0], s1  }
0x211: {  	s1 =	ssub.s32 @!p0 $0x0, s1;
	[sflag:s0] =	ssyncset.done @!p0 $0x0  }
0x212: {  	[sflag:s0] =	ssyncadd.s32 @!p0 s1  }
0x213: {  	[bflag:$0x3] =	sbarrier.arrive $0xFFFF  }
0x214: {  	_ =	shalt  }

</sc_bundles>
